<compile_context>
chip_gen: v7x
topology: tpu7x:2x2x1
jax: 0.10.2.dev20260603
libtpu: 0.0.44.dev20260713+nightly
codegen_flags: <defaults>
</compile_context>

<pallas_src>
import functools

import jax
import jax.numpy as jnp
from jax import lax
from jax.experimental import pallas as pl
from jax.experimental.pallas import tpu as pltpu
from jax.experimental.pallas import tpu_sc as plsc

NT = 16
NC = 2
SEG = 128
BN = 1024


def _make_sc_gather(npad, npt, qidx, kcnt, grp):
    nseg = npt // SEG
    mesh = plsc.VectorSubcoreMesh(core_axis_name="c", subcore_axis_name="s")

    khalf = kcnt // NC

    @functools.partial(
        pl.kernel,
        out_type=jax.ShapeDtypeStruct((kcnt, 8, npad), jnp.float32),
        mesh=mesh,
        scratch_types=[
            pltpu.VMEM((npad,), jnp.float32),
            pltpu.VMEM((npad,), jnp.float32),
            pltpu.VMEM((npad,), jnp.float32),
            pltpu.VMEM((grp, SEG), jnp.int32),
            pltpu.VMEM((khalf, 3, npt), jnp.float32),
        ],
        compiler_params=pltpu.CompilerParams(needs_layout_passes=False),
    )
    def sc_gather(pos8_hbm, idx_hbm, pnb_hbm, p0_v, p1_v, p2_v, idx_v, out_v):
        c = lax.axis_index("c")
        s = lax.axis_index("s")
        pltpu.sync_copy(pos8_hbm.at[0], p0_v)
        pltpu.sync_copy(pos8_hbm.at[1], p1_v)
        pltpu.sync_copy(pos8_hbm.at[2], p2_v)
        off = pl.multiple_of((qidx * NC + c) * grp, 8)
        pltpu.sync_copy(idx_hbm.at[s, pl.ds(off, grp)], idx_v)

        def kbody(kk, carry):
            for seg in range(nseg):
                for t in range(SEG // 16):
                    off = seg * SEG + t * 16
                    i16 = idx_v[kk * nseg + seg, pl.ds(t * 16, 16)]
                    out_v[kk, 0, pl.ds(off, 16)] = plsc.load_gather(p0_v, [i16])
                    out_v[kk, 1, pl.ds(off, 16)] = plsc.load_gather(p1_v, [i16])
                    out_v[kk, 2, pl.ds(off, 16)] = plsc.load_gather(p2_v, [i16])
            return carry

        lax.fori_loop(0, khalf, kbody, 0)
        pltpu.sync_copy(out_v,
                        pnb_hbm.at[pl.ds(c * khalf, khalf), pl.ds(0, 3),
                                   pl.ds(s * npt, npt)])

    return sc_gather


def _prep_body(f_ref, w_ref, pos_ref, h_ref):
    p = lax.dot_general(f_ref[...], w_ref[...], (((0,), (0,)), ((), ())),
                        preferred_element_type=jnp.float32)
    g = p[:, 384:512]
    for d in range(3):
        g = g - pos_ref[d, :][:, None] * p[:, d * 128:(d + 1) * 128]
    h_ref[0] = p[:, 0:128]
    h_ref[1] = p[:, 128:256]
    h_ref[2] = p[:, 256:384]
    h_ref[3] = g


def _msg_body(nk, h_ref, pnb_ref, msg_ref):
    t = jnp.transpose(pnb_ref[...].reshape(nk * 8, -1), (1, 0))
    for j in range(nk):
        pnb_t = t[:, 8 * j:8 * j + 8]
        acc = h_ref[3]
        for d in range(3):
            acc = acc + pnb_t[:, d:d + 1] * h_ref[d]
        msg_ref[j] = acc


def _make_sc_scatter(npad, npt, qidx, kcnt, grp):
    nseg = npt // SEG
    khalf = kcnt // NC
    nunit = khalf * nseg
    mesh = plsc.VectorSubcoreMesh(core_axis_name="c", subcore_axis_name="s")

    @functools.partial(
        pl.kernel,
        out_type=jax.ShapeDtypeStruct((NC, npad, 128), jnp.float32),
        mesh=mesh,
        scratch_types=[
            pltpu.VMEM((SEG, 128), jnp.float32),
            pltpu.VMEM((SEG, 128), jnp.float32),
            pltpu.VMEM((grp, SEG), jnp.int32),
            pltpu.VMEM_SHARED((npad, 128), jnp.float32),
            pltpu.SemaphoreType.DMA,
            pltpu.SemaphoreType.DMA,
        ],
    )
    def sc_scatter(msg_hbm, idx_hbm, z_hbm, s2_hbm, b0, b1, idx_v, shared,
                   sem0, sem1):
        c = lax.axis_index("c")
        s = lax.axis_index("s")
        base = s * npt
        off = pl.multiple_of((qidx * NC + c) * grp, 8)
        pltpu.sync_copy(idx_hbm.at[s, pl.ds(off, grp)], idx_v)
        pltpu.sync_copy(z_hbm, shared.at[pl.ds(base, npt)])
        plsc.subcore_barrier()

        def _src(u):
            kk = u // nseg
            seg = u - kk * nseg
            return msg_hbm.at[c * khalf + kk, pl.ds(base + seg * SEG, SEG)]

        pltpu.async_copy(_src(0), b0, sem0)

        def ubody(i, carry):
            u0 = 2 * i
            pltpu.async_copy(_src(u0 + 1), b1, sem1)
            pltpu.make_async_copy(_src(u0), b0, sem0).wait()
            pltpu.sync_copy(b0, shared.at[idx_v.at[u0]], add=True)

            @pl.when(i < nunit // 2 - 1)
            def _():
                pltpu.async_copy(_src(u0 + 2), b0, sem0)

            pltpu.make_async_copy(_src(u0 + 1), b1, sem1).wait()
            pltpu.sync_copy(b1, shared.at[idx_v.at[u0 + 1]], add=True)
            return carry

        lax.fori_loop(0, nunit // 2, ubody, 0)
        plsc.subcore_barrier()
        pltpu.sync_copy(shared.at[pl.ds(base, npt)],
                        s2_hbm.at[c, pl.ds(base, npt)])

    return sc_scatter


def _comb_body(*refs):
    s_refs, b_ref, o_ref = refs[:-2], refs[-2], refs[-1]
    acc = b_ref[0, :][None, :]
    for s_ref in s_refs:
        acc = acc + s_ref[0] + s_ref[1]
    o_ref[...] = acc.T


def kernel(features, weight_theta, weight_bias, bias, neighborhood, positions):
    b, din, n = features.shape
    k = neighborhood.shape[1]
    dout = weight_theta.shape[-1]
    npt = ((n + NT * SEG - 1) // (NT * SEG)) * SEG
    npad = npt * NT
    nseg = npt // SEG

    f_pad = jnp.pad(features[0], ((0, 0), (0, npad - n)))
    pos8 = jnp.pad(positions[0], ((0, 5), (0, npad - n)))
    wcat = jnp.concatenate(
        [weight_theta[0], weight_theta[1], weight_theta[2], weight_bias], axis=1)
    bias_pad = jnp.pad(bias[None, :], ((0, 7), (0, 0)))
    nb_pad = jnp.pad(neighborhood[0], ((0, 0), (0, npad - n)))
    idx = nb_pad.reshape(k, NT, nseg, SEG).transpose(1, 0, 2, 3).reshape(
        NT, k * nseg, SEG)
    nq = 2
    kh = k // nq
    grows = (kh // NC) * nseg
    grp = ((grows + 7) // 8) * 8
    idx = idx.reshape(NT, nq * NC, grows, SEG)
    idx = jnp.pad(idx, ((0, 0), (0, 0), (0, grp - grows), (0, 0)))
    idx = idx.reshape(NT, nq * NC * grp, SEG)
    z = jnp.zeros((npt, 128), jnp.float32)

    h4 = pl.pallas_call(
        _prep_body,
        grid=(npad // BN,),
        in_specs=[
            pl.BlockSpec((din, BN), lambda i: (0, i)),
            pl.BlockSpec((din, 4 * dout), lambda i: (0, 0)),
            pl.BlockSpec((8, BN), lambda i: (0, i)),
        ],
        out_specs=pl.BlockSpec((4, BN, dout), lambda i: (0, i, 0)),
        out_shape=jax.ShapeDtypeStruct((4, npad, dout), jnp.float32),
    )(f_pad, wcat, pos8)

    s2s = []
    for q in range(nq):
        posnb = _make_sc_gather(npad, npt, q, kh, grp)(pos8, idx)
        msg = pl.pallas_call(
            functools.partial(_msg_body, kh),
            grid=(npad // BN,),
            in_specs=[
                pl.BlockSpec((4, BN, dout), lambda i: (0, i, 0)),
                pl.BlockSpec((kh, 8, BN), lambda i: (0, 0, i)),
            ],
            out_specs=pl.BlockSpec((kh, BN, dout), lambda i: (0, i, 0)),
            out_shape=jax.ShapeDtypeStruct((kh, npad, dout), jnp.float32),
        )(h4, posnb)
        s2s.append(_make_sc_scatter(npad, npt, q, kh, grp)(msg, idx, z))

    o_t = pl.pallas_call(
        _comb_body,
        grid=(npad // BN,),
        in_specs=[pl.BlockSpec((NC, BN, dout), lambda i: (0, i, 0))] * nq
        + [pl.BlockSpec((8, dout), lambda i: (0, 0))],
        out_specs=pl.BlockSpec((dout, BN), lambda i: (0, i)),
        out_shape=jax.ShapeDtypeStruct((dout, npad), jnp.float32),
    )(*s2s, bias_pad)

    return o_t[None, :, :n]

# --- scband reference (transcript-rebuilt; emitter-appended) ---
"""Pipeline reference for scband-flex-convolution-transposed-33835752358494 (READ-ONLY COPY).

The authoritative reference and input builder live on the scoring server;
editing this copy changes nothing except your own understanding.
"""

import jax, jax.numpy as jnp
import numpy as np


def setup_inputs(seed: int = 0) -> dict:
    key = jax.random.key(seed)
    ks = jax.random.split(key, 6)
    B, N, K, Din, Dout = 1, 10000, 32, 128, 128
    features = jax.random.normal(ks[0], (B, Din, N), dtype=jnp.float32)
    neighborhood = jax.random.randint(ks[1], (B, K, N), 0, N, dtype=jnp.int32)
    positions = jax.random.normal(ks[2], (B, 3, N), dtype=jnp.float32)
    # kaiming_uniform-like init for weights
    bound_t = float(np.sqrt(6.0 / Din))
    weight_theta = jax.random.uniform(ks[3], (3, Din, Dout), minval=-bound_t, maxval=bound_t, dtype=jnp.float32)
    weight_bias = jax.random.uniform(ks[4], (Din, Dout), minval=-bound_t, maxval=bound_t, dtype=jnp.float32)
    bias = jnp.zeros((Dout,), dtype=jnp.float32)
    return {
        "features": features,
        "weight_theta": weight_theta,
        "weight_bias": weight_bias,
        "bias": bias,
        "neighborhood": neighborhood,
        "positions": positions,
    }


def reference(features, weight_theta, weight_bias, bias, neighborhood, positions):
    # flex_deconv_forward (transposed flex-convolution):
    # each point n scatters its transformed feature to its K neighbors with a
    # position-dependent linear weight w(l_i, l_n) = <theta, l_i - l_n> + w_bias.
    # Factorized to avoid materializing per-edge [Din, Dout] weights:
    #   msg[b, k, n, e] = sum_d delta[b, d, k, n] * (features^T theta[d])[b, n, e]
    #                     + (features^T w_bias)[b, n, e]
    B, Din, N = features.shape
    Dout = weight_theta.shape[-1]
    ft = jnp.einsum('bcn,dce->bdne', features, weight_theta)   # [B, 3, N, Dout]
    fb = jnp.einsum('bcn,ce->bne', features, weight_bias)      # [B, N, Dout]
    # gather neighbor positions: positions[b, d, neighborhood[b, k, n]]
    pos_nb = jnp.take_along_axis(positions[:, :, None, :], neighborhood[:, None, :, :], axis=3)  # [B, 3, K, N]
    delta = pos_nb - positions[:, :, None, :]                  # [B, 3, K, N]
    msg = jnp.einsum('bdkn,bdne->bkne', delta, ft) + fb[:, None, :, :]  # [B, K, N, Dout]
    out = jnp.zeros((B, N, Dout), dtype=features.dtype)
    b_idx = jnp.arange(B)[:, None, None]
    out = out.at[b_idx, neighborhood, :].add(msg)              # scatter-add to neighbors
    out = jnp.transpose(out, (0, 2, 1))                        # [B, Dout, N]
    out = out + bias[None, :, None]
    return out

if __name__ == "__main__":
    import jax
    _d = setup_inputs()
    print(jax.jit(kernel)(*tuple(_d.values())))

</pallas_src>

<mosaic_0001>
#map = affine_map<(d0, d1) -> (0, 0)>
#map1 = affine_map<(d0, d1) -> (0, 0, 0)>
module attributes {stable_mosaic.version = 14 : i64} {
  func.func @sc_gather(%arg0: i32, %arg1: i32, %arg2: memref<8x10240xf32, #tpu.memory_space<hbm>>, %arg3: memref<16x160x128xi32, #tpu.memory_space<hbm>>, %arg4: memref<16x8x10240xf32, #tpu.memory_space<hbm>>, %arg5: memref<10240xf32, #tpu.memory_space<vmem>>, %arg6: memref<10240xf32, #tpu.memory_space<vmem>>, %arg7: memref<10240xf32, #tpu.memory_space<vmem>>, %arg8: memref<40x128xi32, #tpu.memory_space<vmem>>, %arg9: memref<8x3x640xf32, #tpu.memory_space<vmem>>) attributes {dimension_semantics = [#tpu.dimension_semantics<core_parallel>, #tpu.dimension_semantics<subcore_parallel>], iteration_bounds = array<i64: 2, 16>, scalar_prefetch = 0 : i64, scratch_operands = 5 : i64, tpu.core_type = #tpu.core_type<sc_vector_subcore>, window_params = [{transform_indices = #map}, {transform_indices = #map1}, {transform_indices = #map1}]} {
    %run_scoped3A = arith.constant 0 : i32
    "tpu.region"() ({
      %run_scoped3A_13 = tpu.sem_alloc : memref<!tpu.dma_semaphore, #tpu.memory_space<semaphore_mem>>
      %dma_start3A = arith.constant 0 : i32
      %dma_start3A_14 = tpu.memref_slice %arg2[%run_scoped3A, %dma_start3A] : memref<8x10240xf32, #tpu.memory_space<hbm>> -> memref<1x10240xf32, #tpu.memory_space<hbm>>
      %dma_start3A_15 = tpu.memref_squeeze %dma_start3A_14 : memref<1x10240xf32, #tpu.memory_space<hbm>> -> memref<10240xf32, #tpu.memory_space<hbm>>
      %dma_start3A_16 = arith.constant 0 : i32
      %dma_start3A_17 = tpu.memref_slice %arg2[%run_scoped3A, %dma_start3A_16] : memref<8x10240xf32, #tpu.memory_space<hbm>> -> memref<1x10240xf32, #tpu.memory_space<hbm>>
      %dma_start3A_18 = tpu.memref_squeeze %dma_start3A_17 : memref<1x10240xf32, #tpu.memory_space<hbm>> -> memref<10240xf32, #tpu.memory_space<hbm>>
      tpu.enqueue_dma source(%dma_start3A_18 : memref<10240xf32, #tpu.memory_space<hbm>>) target(%arg5 : memref<10240xf32, #tpu.memory_space<vmem>>) target_semaphore(%run_scoped3A_13 : memref<!tpu.dma_semaphore, #tpu.memory_space<semaphore_mem>>)
      %dma_wait3A = arith.constant 0 : i32
      %dma_wait3A_19 = tpu.memref_slice %arg2[%run_scoped3A, %dma_wait3A] : memref<8x10240xf32, #tpu.memory_space<hbm>> -> memref<1x10240xf32, #tpu.memory_space<hbm>>
      %dma_wait3A_20 = tpu.memref_squeeze %dma_wait3A_19 : memref<1x10240xf32, #tpu.memory_space<hbm>> -> memref<10240xf32, #tpu.memory_space<hbm>>
      %dma_wait3A_21 = arith.constant 0 : i32
      %dma_wait3A_22 = tpu.memref_slice %arg2[%run_scoped3A, %dma_wait3A_21] : memref<8x10240xf32, #tpu.memory_space<hbm>> -> memref<1x10240xf32, #tpu.memory_space<hbm>>
      %dma_wait3A_23 = tpu.memref_squeeze %dma_wait3A_22 : memref<1x10240xf32, #tpu.memory_space<hbm>> -> memref<10240xf32, #tpu.memory_space<hbm>>
      tpu.wait_dma2 semaphore(%run_scoped3A_13 : memref<!tpu.dma_semaphore, #tpu.memory_space<semaphore_mem>>) src(%dma_wait3A_23 : memref<10240xf32, #tpu.memory_space<hbm>>) dst(%arg5 : memref<10240xf32, #tpu.memory_space<vmem>>)
      tpu.yield
    }) : () -> ()
    %run_scoped3A_0 = arith.constant 1 : i32
    "tpu.region"() ({
      %run_scoped3A_13 = tpu.sem_alloc : memref<!tpu.dma_semaphore, #tpu.memory_space<semaphore_mem>>
      %dma_start3A = arith.constant 0 : i32
      %dma_start3A_14 = tpu.memref_slice %arg2[%run_scoped3A_0, %dma_start3A] : memref<8x10240xf32, #tpu.memory_space<hbm>> -> memref<1x10240xf32, #tpu.memory_space<hbm>>
      %dma_start3A_15 = tpu.memref_squeeze %dma_start3A_14 : memref<1x10240xf32, #tpu.memory_space<hbm>> -> memref<10240xf32, #tpu.memory_space<hbm>>
      %dma_start3A_16 = arith.constant 0 : i32
      %dma_start3A_17 = tpu.memref_slice %arg2[%run_scoped3A_0, %dma_start3A_16] : memref<8x10240xf32, #tpu.memory_space<hbm>> -> memref<1x10240xf32, #tpu.memory_space<hbm>>
      %dma_start3A_18 = tpu.memref_squeeze %dma_start3A_17 : memref<1x10240xf32, #tpu.memory_space<hbm>> -> memref<10240xf32, #tpu.memory_space<hbm>>
      tpu.enqueue_dma source(%dma_start3A_18 : memref<10240xf32, #tpu.memory_space<hbm>>) target(%arg6 : memref<10240xf32, #tpu.memory_space<vmem>>) target_semaphore(%run_scoped3A_13 : memref<!tpu.dma_semaphore, #tpu.memory_space<semaphore_mem>>)
      %dma_wait3A = arith.constant 0 : i32
      %dma_wait3A_19 = tpu.memref_slice %arg2[%run_scoped3A_0, %dma_wait3A] : memref<8x10240xf32, #tpu.memory_space<hbm>> -> memref<1x10240xf32, #tpu.memory_space<hbm>>
      %dma_wait3A_20 = tpu.memref_squeeze %dma_wait3A_19 : memref<1x10240xf32, #tpu.memory_space<hbm>> -> memref<10240xf32, #tpu.memory_space<hbm>>
      %dma_wait3A_21 = arith.constant 0 : i32
      %dma_wait3A_22 = tpu.memref_slice %arg2[%run_scoped3A_0, %dma_wait3A_21] : memref<8x10240xf32, #tpu.memory_space<hbm>> -> memref<1x10240xf32, #tpu.memory_space<hbm>>
      %dma_wait3A_23 = tpu.memref_squeeze %dma_wait3A_22 : memref<1x10240xf32, #tpu.memory_space<hbm>> -> memref<10240xf32, #tpu.memory_space<hbm>>
      tpu.wait_dma2 semaphore(%run_scoped3A_13 : memref<!tpu.dma_semaphore, #tpu.memory_space<semaphore_mem>>) src(%dma_wait3A_23 : memref<10240xf32, #tpu.memory_space<hbm>>) dst(%arg6 : memref<10240xf32, #tpu.memory_space<vmem>>)
      tpu.yield
    }) : () -> ()
    %run_scoped3A_1 = arith.constant 2 : i32
    "tpu.region"() ({
      %run_scoped3A_13 = tpu.sem_alloc : memref<!tpu.dma_semaphore, #tpu.memory_space<semaphore_mem>>
      %dma_start3A = arith.constant 0 : i32
      %dma_start3A_14 = tpu.memref_slice %arg2[%run_scoped3A_1, %dma_start3A] : memref<8x10240xf32, #tpu.memory_space<hbm>> -> memref<1x10240xf32, #tpu.memory_space<hbm>>
      %dma_start3A_15 = tpu.memref_squeeze %dma_start3A_14 : memref<1x10240xf32, #tpu.memory_space<hbm>> -> memref<10240xf32, #tpu.memory_space<hbm>>
      %dma_start3A_16 = arith.constant 0 : i32
      %dma_start3A_17 = tpu.memref_slice %arg2[%run_scoped3A_1, %dma_start3A_16] : memref<8x10240xf32, #tpu.memory_space<hbm>> -> memref<1x10240xf32, #tpu.memory_space<hbm>>
      %dma_start3A_18 = tpu.memref_squeeze %dma_start3A_17 : memref<1x10240xf32, #tpu.memory_space<hbm>> -> memref<10240xf32, #tpu.memory_space<hbm>>
      tpu.enqueue_dma source(%dma_start3A_18 : memref<10240xf32, #tpu.memory_space<hbm>>) target(%arg7 : memref<10240xf32, #tpu.memory_space<vmem>>) target_semaphore(%run_scoped3A_13 : memref<!tpu.dma_semaphore, #tpu.memory_space<semaphore_mem>>)
      %dma_wait3A = arith.constant 0 : i32
      %dma_wait3A_19 = tpu.memref_slice %arg2[%run_scoped3A_1, %dma_wait3A] : memref<8x10240xf32, #tpu.memory_space<hbm>> -> memref<1x10240xf32, #tpu.memory_space<hbm>>
      %dma_wait3A_20 = tpu.memref_squeeze %dma_wait3A_19 : memref<1x10240xf32, #tpu.memory_space<hbm>> -> memref<10240xf32, #tpu.memory_space<hbm>>
      %dma_wait3A_21 = arith.constant 0 : i32
      %dma_wait3A_22 = tpu.memref_slice %arg2[%run_scoped3A_1, %dma_wait3A_21] : memref<8x10240xf32, #tpu.memory_space<hbm>> -> memref<1x10240xf32, #tpu.memory_space<hbm>>
      %dma_wait3A_23 = tpu.memref_squeeze %dma_wait3A_22 : memref<1x10240xf32, #tpu.memory_space<hbm>> -> memref<10240xf32, #tpu.memory_space<hbm>>
      tpu.wait_dma2 semaphore(%run_scoped3A_13 : memref<!tpu.dma_semaphore, #tpu.memory_space<semaphore_mem>>) src(%dma_wait3A_23 : memref<10240xf32, #tpu.memory_space<hbm>>) dst(%arg7 : memref<10240xf32, #tpu.memory_space<vmem>>)
      tpu.yield
    }) : () -> ()
    %add3A = arith.constant 2 : i32
    %add3A_2 = arith.addi %add3A, %arg0 : i32
    %mul3A = arith.constant 40 : i32
    %mul3A_3 = arith.muli %add3A_2, %mul3A : i32
    %multiple_of3A = tpu.assume_multiple %mul3A_3, 8 : i32
    "tpu.region"() ({
      %run_scoped3A_13 = tpu.sem_alloc : memref<!tpu.dma_semaphore, #tpu.memory_space<semaphore_mem>>
      %dma_start3A = arith.constant 0 : i32
      %dma_start3A_14 = tpu.memref_slice %arg3[%arg1, %multiple_of3A, %dma_start3A] : memref<16x160x128xi32, #tpu.memory_space<hbm>> -> memref<1x40x128xi32, #tpu.memory_space<hbm>>
      %dma_start3A_15 = tpu.memref_squeeze %dma_start3A_14 : memref<1x40x128xi32, #tpu.memory_space<hbm>> -> memref<40x128xi32, #tpu.memory_space<hbm>>
      %dma_start3A_16 = arith.constant 0 : i32
      %dma_start3A_17 = tpu.memref_slice %arg3[%arg1, %multiple_of3A, %dma_start3A_16] : memref<16x160x128xi32, #tpu.memory_space<hbm>> -> memref<1x40x128xi32, #tpu.memory_space<hbm>>
      %dma_start3A_18 = tpu.memref_squeeze %dma_start3A_17 : memref<1x40x128xi32, #tpu.memory_space<hbm>> -> memref<40x128xi32, #tpu.memory_space<hbm>>
      tpu.enqueue_dma source(%dma_start3A_18 : memref<40x128xi32, #tpu.memory_space<hbm>>) target(%arg8 : memref<40x128xi32, #tpu.memory_space<vmem>>) target_semaphore(%run_scoped3A_13 : memref<!tpu.dma_semaphore, #tpu.memory_space<semaphore_mem>>)
      %dma_wait3A = arith.constant 0 : i32
      %dma_wait3A_19 = tpu.memref_slice %arg3[%arg1, %multiple_of3A, %dma_wait3A] : memref<16x160x128xi32, #tpu.memory_space<hbm>> -> memref<1x40x128xi32, #tpu.memory_space<hbm>>
      %dma_wait3A_20 = tpu.memref_squeeze %dma_wait3A_19 : memref<1x40x128xi32, #tpu.memory_space<hbm>> -> memref<40x128xi32, #tpu.memory_space<hbm>>
      %dma_wait3A_21 = arith.constant 0 : i32
      %dma_wait3A_22 = tpu.memref_slice %arg3[%arg1, %multiple_of3A, %dma_wait3A_21] : memref<16x160x128xi32, #tpu.memory_space<hbm>> -> memref<1x40x128xi32, #tpu.memory_space<hbm>>
      %dma_wait3A_23 = tpu.memref_squeeze %dma_wait3A_22 : memref<1x40x128xi32, #tpu.memory_space<hbm>> -> memref<40x128xi32, #tpu.memory_space<hbm>>
      tpu.wait_dma2 semaphore(%run_scoped3A_13 : memref<!tpu.dma_semaphore, #tpu.memory_space<semaphore_mem>>) src(%dma_wait3A_23 : memref<40x128xi32, #tpu.memory_space<hbm>>) dst(%arg8 : memref<40x128xi32, #tpu.memory_space<vmem>>)
      tpu.yield
    }) : () -> ()
    %scan3A = arith.constant 0 : i32
    %scan3A_4 = arith.constant 0 : i32
    %scan3A_5 = arith.constant 8 : i32
    %scan3A_6 = arith.addi %scan3A_4, %scan3A_5 : i32
    %scan3A_7 = arith.constant 1 : i32
    scf.for %scan3A_13 = %scan3A_4 to %scan3A_6 step %scan3A_7  : i32 {
      %mul3A_14 = arith.constant 5 : i32
      %mul3A_15 = arith.muli %scan3A_13, %mul3A_14 : i32
      %add3A_16 = arith.constant 0 : i32
      %add3A_17 = arith.addi %mul3A_15, %add3A_16 : i32
      %get3A = arith.index_cast %add3A_17 : i32 to index
      %get3A_18 = arith.constant 0 : index
      %get3A_19 = tpu.vector_load %arg8[%get3A, %get3A_18] {strides = array<i32>} : memref<40x128xi32, #tpu.memory_space<vmem>>, vector<16xi32>,
      %gather3A = tpu.vector_load_idx %arg5[%get3A_19] : memref<10240xf32, #tpu.memory_space<vmem>>[vector<16xi32>], vector<16xf32>,
      %swap3A = arith.constant 0 : i32
      %swap3A_20 = arith.index_cast %scan3A_13 : i32 to index
      %swap3A_21 = arith.index_cast %swap3A : i32 to index
      %swap3A_22 = arith.constant 0 : index
      %swap3A_23 = tpu.vector_load %arg9[%swap3A_20, %swap3A_21, %swap3A_22] {strides = array<i32>} : memref<8x3x640xf32, #tpu.memory_space<vmem>>, vector<16xf32>,
      tpu.vector_store %arg9[%swap3A_20, %swap3A_21, %swap3A_22], %gather3A {strides = array<i32>} : memref<8x3x640xf32, #tpu.memory_space<vmem>>, vector<16xf32>,
      %gather3A_24 = tpu.vector_load_idx %arg6[%get3A_19] : memref<10240xf32, #tpu.memory_space<vmem>>[vector<16xi32>], vector<16xf32>,
      %swap3A_25 = arith.constant 1 : i32
      %swap3A_26 = arith.index_cast %scan3A_13 : i32 to index
      %swap3A_27 = arith.index_cast %swap3A_25 : i32 to index
      %swap3A_28 = arith.constant 0 : index
      %swap3A_29 = tpu.vector_load %arg9[%swap3A_26, %swap3A_27, %swap3A_28] {strides = array<i32>} : memref<8x3x640xf32, #tpu.memory_space<vmem>>, vector<16xf32>,
      tpu.vector_store %arg9[%swap3A_26, %swap3A_27, %swap3A_28], %gather3A_24 {strides = array<i32>} : memref<8x3x640xf32, #tpu.memory_space<vmem>>, vector<16xf32>,
      %gather3A_30 = tpu.vector_load_idx %arg7[%get3A_19] : memref<10240xf32, #tpu.memory_space<vmem>>[vector<16xi32>], vector<16xf32>,
      %swap3A_31 = arith.constant 2 : i32
      %swap3A_32 = arith.index_cast %scan3A_13 : i32 to index
      %swap3A_33 = arith.index_cast %swap3A_31 : i32 to index
      %swap3A_34 = arith.constant 0 : index
      %swap3A_35 = tpu.vector_load %arg9[%swap3A_32, %swap3A_33, %swap3A_34] {strides = array<i32>} : memref<8x3x640xf32, #tpu.memory_space<vmem>>, vector<16xf32>,
      tpu.vector_store %arg9[%swap3A_32, %swap3A_33, %swap3A_34], %gather3A_30 {strides = array<i32>} : memref<8x3x640xf32, #tpu.memory_space<vmem>>, vector<16xf32>,
      %mul3A_36 = arith.constant 5 : i32
      %mul3A_37 = arith.muli %scan3A_13, %mul3A_36 : i32
      %add3A_38 = arith.constant 0 : i32
      %add3A_39 = arith.addi %mul3A_37, %add3A_38 : i32
      %get3A_40 = arith.index_cast %add3A_39 : i32 to index
      %get3A_41 = arith.constant 16 : index
      %get3A_42 = tpu.vector_load %arg8[%get3A_40, %get3A_41] {strides = array<i32>} : memref<40x128xi32, #tpu.memory_space<vmem>>, vector<16xi32>,
      %gather3A_43 = tpu.vector_load_idx %arg5[%get3A_42] : memref<10240xf32, #tpu.memory_space<vmem>>[vector<16xi32>], vector<16xf32>,
      %swap3A_44 = arith.constant 0 : i32
      %swap3A_45 = arith.index_cast %scan3A_13 : i32 to index
      %swap3A_46 = arith.index_cast %swap3A_44 : i32 to index
      %swap3A_47 = arith.constant 16 : index
      %swap3A_48 = tpu.vector_load %arg9[%swap3A_45, %swap3A_46, %swap3A_47] {strides = array<i32>} : memref<8x3x640xf32, #tpu.memory_space<vmem>>, vector<16xf32>,
      tpu.vector_store %arg9[%swap3A_45, %swap3A_46, %swap3A_47], %gather3A_43 {strides = array<i32>} : memref<8x3x640xf32, #tpu.memory_space<vmem>>, vector<16xf32>,
      %gather3A_49 = tpu.vector_load_idx %arg6[%get3A_42] : memref<10240xf32, #tpu.memory_space<vmem>>[vector<16xi32>], vector<16xf32>,
      %swap3A_50 = arith.constant 1 : i32
      %swap3A_51 = arith.index_cast %scan3A_13 : i32 to index
      %swap3A_52 = arith.index_cast %swap3A_50 : i32 to index
      %swap3A_53 = arith.constant 16 : index
      %swap3A_54 = tpu.vector_load %arg9[%swap3A_51, %swap3A_52, %swap3A_53] {strides = array<i32>} : memref<8x3x640xf32, #tpu.memory_space<vmem>>, vector<16xf32>,
      tpu.vector_store %arg9[%swap3A_51, %swap3A_52, %swap3A_53], %gather3A_49 {strides = array<i32>} : memref<8x3x640xf32, #tpu.memory_space<vmem>>, vector<16xf32>,
      %gather3A_55 = tpu.vector_load_idx %arg7[%get3A_42] : memref<10240xf32, #tpu.memory_space<vmem>>[vector<16xi32>], vector<16xf32>,
      %swap3A_56 = arith.constant 2 : i32
      %swap3A_57 = arith.index_cast %scan3A_13 : i32 to index
      %swap3A_58 = arith.index_cast %swap3A_56 : i32 to index
      %swap3A_59 = arith.constant 16 : index
      %swap3A_60 = tpu.vector_load %arg9[%swap3A_57, %swap3A_58, %swap3A_59] {strides = array<i32>} : memref<8x3x640xf32, #tpu.memory_space<vmem>>, vector<16xf32>,
      tpu.vector_store %arg9[%swap3A_57, %swap3A_58, %swap3A_59], %gather3A_55 {strides = array<i32>} : memref<8x3x640xf32, #tpu.memory_space<vmem>>, vector<16xf32>,
      %mul3A_61 = arith.constant 5 : i32
      %mul3A_62 = arith.muli %scan3A_13, %mul3A_61 : i32
      %add3A_63 = arith.constant 0 : i32
      %add3A_64 = arith.addi %mul3A_62, %add3A_63 : i32
      %get3A_65 = arith.index_cast %add3A_64 : i32 to index
      %get3A_66 = arith.constant 32 : index
      %get3A_67 = tpu.vector_load %arg8[%get3A_65, %get3A_66] {strides = array<i32>} : memref<40x128xi32, #tpu.memory_space<vmem>>, vector<16xi32>,
      %gather3A_68 = tpu.vector_load_idx %arg5[%get3A_67] : memref<10240xf32, #tpu.memory_space<vmem>>[vector<16xi32>], vector<16xf32>,
      %swap3A_69 = arith.constant 0 : i32
      %swap3A_70 = arith.index_cast %scan3A_13 : i32 to index
      %swap3A_71 = arith.index_cast %swap3A_69 : i32 to index
      %swap3A_72 = arith.constant 32 : index
      %swap3A_73 = tpu.vector_load %arg9[%swap3A_70, %swap3A_71, %swap3A_72] {strides = array<i32>} : memref<8x3x640xf32, #tpu.memory_space<vmem>>, vector<16xf32>,
      tpu.vector_store %arg9[%swap3A_70, %swap3A_71, %swap3A_72], %gather3A_68 {strides = array<i32>} : memref<8x3x640xf32, #tpu.memory_space<vmem>>, vector<16xf32>,
      %gather3A_74 = tpu.vector_load_idx %arg6[%get3A_67] : memref<10240xf32, #tpu.memory_space<vmem>>[vector<16xi32>], vector<16xf32>,
      %swap3A_75 = arith.constant 1 : i32
      %swap3A_76 = arith.index_cast %scan3A_13 : i32 to index
      %swap3A_77 = arith.index_cast %swap3A_75 : i32 to index
      %swap3A_78 = arith.constant 32 : index
      %swap3A_79 = tpu.vector_load %arg9[%swap3A_76, %swap3A_77, %swap3A_78] {strides = array<i32>} : memref<8x3x640xf32, #tpu.memory_space<vmem>>, vector<16xf32>,
      tpu.vector_store %arg9[%swap3A_76, %swap3A_77, %swap3A_78], %gather3A_74 {strides = array<i32>} : memref<8x3x640xf32, #tpu.memory_space<vmem>>, vector<16xf32>,
      %gather3A_80 = tpu.vector_load_idx %arg7[%get3A_67] : memref<10240xf32, #tpu.memory_space<vmem>>[vector<16xi32>], vector<16xf32>,
      %swap3A_81 = arith.constant 2 : i32
      %swap3A_82 = arith.index_cast %scan3A_13 : i32 to index
      %swap3A_83 = arith.index_cast %swap3A_81 : i32 to index
      %swap3A_84 = arith.constant 32 : index
      %swap3A_85 = tpu.vector_load %arg9[%swap3A_82, %swap3A_83, %swap3A_84] {strides = array<i32>} : memref<8x3x640xf32, #tpu.memory_space<vmem>>, vector<16xf32>,
      tpu.vector_store %arg9[%swap3A_82, %swap3A_83, %swap3A_84], %gather3A_80 {strides = array<i32>} : memref<8x3x640xf32, #tpu.memory_space<vmem>>, vector<16xf32>,
      %mul3A_86 = arith.constant 5 : i32
      %mul3A_87 = arith.muli %scan3A_13, %mul3A_86 : i32
      %add3A_88 = arith.constant 0 : i32
      %add3A_89 = arith.addi %mul3A_87, %add3A_88 : i32
      %get3A_90 = arith.index_cast %add3A_89 : i32 to index
      %get3A_91 = arith.constant 48 : index
      %get3A_92 = tpu.vector_load %arg8[%get3A_90, %get3A_91] {strides = array<i32>} : memref<40x128xi32, #tpu.memory_space<vmem>>, vector<16xi32>,
      %gather3A_93 = tpu.vector_load_idx %arg5[%get3A_92] : memref<10240xf32, #tpu.memory_space<vmem>>[vector<16xi32>], vector<16xf32>,
      %swap3A_94 = arith.constant 0 : i32
      %swap3A_95 = arith.index_cast %scan3A_13 : i32 to index
      %swap3A_96 = arith.index_cast %swap3A_94 : i32 to index
      %swap3A_97 = arith.constant 48 : index
      %swap3A_98 = tpu.vector_load %arg9[%swap3A_95, %swap3A_96, %swap3A_97] {strides = array<i32>} : memref<8x3x640xf32, #tpu.memory_space<vmem>>, vector<16xf32>,
      tpu.vector_store %arg9[%swap3A_95, %swap3A_96, %swap3A_97], %gather3A_93 {strides = array<i32>} : memref<8x3x640xf32, #tpu.memory_space<vmem>>, vector<16xf32>,
      %gather3A_99 = tpu.vector_load_idx %arg6[%get3A_92] : memref<10240xf32, #tpu.memory_space<vmem>>[vector<16xi32>], vector<16xf32>,
      %swap3A_100 = arith.constant 1 : i32
      %swap3A_101 = arith.index_cast %scan3A_13 : i32 to index
      %swap3A_102 = arith.index_cast %swap3A_100 : i32 to index
      %swap3A_103 = arith.constant 48 : index
      %swap3A_104 = tpu.vector_load %arg9[%swap3A_101, %swap3A_102, %swap3A_103] {strides = array<i32>} : memref<8x3x640xf32, #tpu.memory_space<vmem>>, vector<16xf32>,
      tpu.vector_store %arg9[%swap3A_101, %swap3A_102, %swap3A_103], %gather3A_99 {strides = array<i32>} : memref<8x3x640xf32, #tpu.memory_space<vmem>>, vector<16xf32>,
      %gather3A_105 = tpu.vector_load_idx %arg7[%get3A_92] : memref<10240xf32, #tpu.memory_space<vmem>>[vector<16xi32>], vector<16xf32>,
      %swap3A_106 = arith.constant 2 : i32
      %swap3A_107 = arith.index_cast %scan3A_13 : i32 to index
      %swap3A_108 = arith.index_cast %swap3A_106 : i32 to index
      %swap3A_109 = arith.constant 48 : index
      %swap3A_110 = tpu.vector_load %arg9[%swap3A_107, %swap3A_108, %swap3A_109] {strides = array<i32>} : memref<8x3x640xf32, #tpu.memory_space<vmem>>, vector<16xf32>,
      tpu.vector_store %arg9[%swap3A_107, %swap3A_108, %swap3A_109], %gather3A_105 {strides = array<i32>} : memref<8x3x640xf32, #tpu.memory_space<vmem>>, vector<16xf32>,
      %mul3A_111 = arith.constant 5 : i32
      %mul3A_112 = arith.muli %scan3A_13, %mul3A_111 : i32
      %add3A_113 = arith.constant 0 : i32
      %add3A_114 = arith.addi %mul3A_112, %add3A_113 : i32
      %get3A_115 = arith.index_cast %add3A_114 : i32 to index
      %get3A_116 = arith.constant 64 : index
      %get3A_117 = tpu.vector_load %arg8[%get3A_115, %get3A_116] {strides = array<i32>} : memref<40x128xi32, #tpu.memory_space<vmem>>, vector<16xi32>,
      %gather3A_118 = tpu.vector_load_idx %arg5[%get3A_117] : memref<10240xf32, #tpu.memory_space<vmem>>[vector<16xi32>], vector<16xf32>,
      %swap3A_119 = arith.constant 0 : i32
      %swap3A_120 = arith.index_cast %scan3A_13 : i32 to index
      %swap3A_121 = arith.index_cast %swap3A_119 : i32 to index
      %swap3A_122 = arith.constant 64 : index
      %swap3A_123 = tpu.vector_load %arg9[%swap3A_120, %swap3A_121, %swap3A_122] {strides = array<i32>} : memref<8x3x640xf32, #tpu.memory_space<vmem>>, vector<16xf32>,
      tpu.vector_store %arg9[%swap3A_120, %swap3A_121, %swap3A_122], %gather3A_118 {strides = array<i32>} : memref<8x3x640xf32, #tpu.memory_space<vmem>>, vector<16xf32>,
      %gather3A_124 = tpu.vector_load_idx %arg6[%get3A_117] : memref<10240xf32, #tpu.memory_space<vmem>>[vector<16xi32>], vector<16xf32>,
      %swap3A_125 = arith.constant 1 : i32
      %swap3A_126 = arith.index_cast %scan3A_13 : i32 to index
      %swap3A_127 = arith.index_cast %swap3A_125 : i32 to index
      %swap3A_128 = arith.constant 64 : index
      %swap3A_129 = tpu.vector_load %arg9[%swap3A_126, %swap3A_127, %swap3A_128] {strides = array<i32>} : memref<8x3x640xf32, #tpu.memory_space<vmem>>, vector<16xf32>,
      tpu.vector_store %arg9[%swap3A_126, %swap3A_127, %swap3A_128], %gather3A_124 {strides = array<i32>} : memref<8x3x640xf32, #tpu.memory_space<vmem>>, vector<16xf32>,
      %gather3A_130 = tpu.vector_load_idx %arg7[%get3A_117] : memref<10240xf32, #tpu.memory_space<vmem>>[vector<16xi32>], vector<16xf32>,
      %swap3A_131 = arith.constant 2 : i32
      %swap3A_132 = arith.index_cast %scan3A_13 : i32 to index
      %swap3A_133 = arith.index_cast %swap3A_131 : i32 to index
      %swap3A_134 = arith.constant 64 : index
      %swap3A_135 = tpu.vector_load %arg9[%swap3A_132, %swap3A_133, %swap3A_134] {strides = array<i32>} : memref<8x3x640xf32, #tpu.memory_space<vmem>>, vector<16xf32>,
      tpu.vector_store %arg9[%swap3A_132, %swap3A_133, %swap3A_134], %gather3A_130 {strides = array<i32>} : memref<8x3x640xf32, #tpu.memory_space<vmem>>, vector<16xf32>,
      %mul3A_136 = arith.constant 5 : i32
      %mul3A_137 = arith.muli %scan3A_13, %mul3A_136 : i32
      %add3A_138 = arith.constant 0 : i32
      %add3A_139 = arith.addi %mul3A_137, %add3A_138 : i32
      %get3A_140 = arith.index_cast %add3A_139 : i32 to index
      %get3A_141 = arith.constant 80 : index
      %get3A_142 = tpu.vector_load %arg8[%get3A_140, %get3A_141] {strides = array<i32>} : memref<40x128xi32, #tpu.memory_space<vmem>>, vector<16xi32>,
      %gather3A_143 = tpu.vector_load_idx %arg5[%get3A_142] : memref<10240xf32, #tpu.memory_space<vmem>>[vector<16xi32>], vector<16xf32>,
      %swap3A_144 = arith.constant 0 : i32
      %swap3A_145 = arith.index_cast %scan3A_13 : i32 to index
      %swap3A_146 = arith.index_cast %swap3A_144 : i32 to index
      %swap3A_147 = arith.constant 80 : index
      %swap3A_148 = tpu.vector_load %arg9[%swap3A_145, %swap3A_146, %swap3A_147] {strides = array<i32>} : memref<8x3x640xf32, #tpu.memory_space<vmem>>, vector<16xf32>,
      tpu.vector_store %arg9[%swap3A_145, %swap3A_146, %swap3A_147], %gather3A_143 {strides = array<i32>} : memref<8x3x640xf32, #tpu.memory_space<vmem>>, vector<16xf32>,
      %gather3A_149 = tpu.vector_load_idx %arg6[%get3A_142] : memref<10240xf32, #tpu.memory_space<vmem>>[vector<16xi32>], vector<16xf32>,
      %swap3A_150 = arith.constant 1 : i32
      %swap3A_151 = arith.index_cast %scan3A_13 : i32 to index
      %swap3A_152 = arith.index_cast %swap3A_150 : i32 to index
      %swap3A_153 = arith.constant 80 : index
      %swap3A_154 = tpu.vector_load %arg9[%swap3A_151, %swap3A_152, %swap3A_153] {strides = array<i32>} : memref<8x3x640xf32, #tpu.memory_space<vmem>>, vector<16xf32>,
      tpu.vector_store %arg9[%swap3A_151, %swap3A_152, %swap3A_153], %gather3A_149 {strides = array<i32>} : memref<8x3x640xf32, #tpu.memory_space<vmem>>, vector<16xf32>,
      %gather3A_155 = tpu.vector_load_idx %arg7[%get3A_142] : memref<10240xf32, #tpu.memory_space<vmem>>[vector<16xi32>], vector<16xf32>,
      %swap3A_156 = arith.constant 2 : i32
      %swap3A_157 = arith.index_cast %scan3A_13 : i32 to index
      %swap3A_158 = arith.index_cast %swap3A_156 : i32 to index
      %swap3A_159 = arith.constant 80 : index
      %swap3A_160 = tpu.vector_load %arg9[%swap3A_157, %swap3A_158, %swap3A_159] {strides = array<i32>} : memref<8x3x640xf32, #tpu.memory_space<vmem>>, vector<16xf32>,
      tpu.vector_store %arg9[%swap3A_157, %swap3A_158, %swap3A_159], %gather3A_155 {strides = array<i32>} : memref<8x3x640xf32, #tpu.memory_space<vmem>>, vector<16xf32>,
      %mul3A_161 = arith.constant 5 : i32
      %mul3A_162 = arith.muli %scan3A_13, %mul3A_161 : i32
      %add3A_163 = arith.constant 0 : i32
      %add3A_164 = arith.addi %mul3A_162, %add3A_163 : i32
      %get3A_165 = arith.index_cast %add3A_164 : i32 to index
      %get3A_166 = arith.constant 96 : index
      %get3A_167 = tpu.vector_load %arg8[%get3A_165, %get3A_166] {strides = array<i32>} : memref<40x128xi32, #tpu.memory_space<vmem>>, vector<16xi32>,
      %gather3A_168 = tpu.vector_load_idx %arg5[%get3A_167] : memref<10240xf32, #tpu.memory_space<vmem>>[vector<16xi32>], vector<16xf32>,
      %swap3A_169 = arith.constant 0 : i32
      %swap3A_170 = arith.index_cast %scan3A_13 : i32 to index
      %swap3A_171 = arith.index_cast %swap3A_169 : i32 to index
      %swap3A_172 = arith.constant 96 : index
      %swap3A_173 = tpu.vector_load %arg9[%swap3A_170, %swap3A_171, %swap3A_172] {strides = array<i32>} : memref<8x3x640xf32, #tpu.memory_space<vmem>>, vector<16xf32>,
      tpu.vector_store %arg9[%swap3A_170, %swap3A_171, %swap3A_172], %gather3A_168 {strides = array<i32>} : memref<8x3x640xf32, #tpu.memory_space<vmem>>, vector<16xf32>,
      %gather3A_174 = tpu.vector_load_idx %arg6[%get3A_167] : memref<10240xf32, #tpu.memory_space<vmem>>[vector<16xi32>], vector<16xf32>,
      %swap3A_175 = arith.constant 1 : i32
      %swap3A_176 = arith.index_cast %scan3A_13 : i32 to index
      %swap3A_177 = arith.index_cast %swap3A_175 : i32 to index
      %swap3A_178 = arith.constant 96 : index
      %swap3A_179 = tpu.vector_load %arg9[%swap3A_176, %swap3A_177, %swap3A_178] {strides = array<i32>} : memref<8x3x640xf32, #tpu.memory_space<vmem>>, vector<16xf32>,
      tpu.vector_store %arg9[%swap3A_176, %swap3A_177, %swap3A_178], %gather3A_174 {strides = array<i32>} : memref<8x3x640xf32, #tpu.memory_space<vmem>>, vector<16xf32>,
      %gather3A_180 = tpu.vector_load_idx %arg7[%get3A_167] : memref<10240xf32, #tpu.memory_space<vmem>>[vector<16xi32>], vector<16xf32>,
      %swap3A_181 = arith.constant 2 : i32
      %swap3A_182 = arith.index_cast %scan3A_13 : i32 to index
      %swap3A_183 = arith.index_cast %swap3A_181 : i32 to index
      %swap3A_184 = arith.constant 96 : index
      %swap3A_185 = tpu.vector_load %arg9[%swap3A_182, %swap3A_183, %swap3A_184] {strides = array<i32>} : memref<8x3x640xf32, #tpu.memory_space<vmem>>, vector<16xf32>,
      tpu.vector_store %arg9[%swap3A_182, %swap3A_183, %swap3A_184], %gather3A_180 {strides = array<i32>} : memref<8x3x640xf32, #tpu.memory_space<vmem>>, vector<16xf32>,
      %mul3A_186 = arith.constant 5 : i32
      %mul3A_187 = arith.muli %scan3A_13, %mul3A_186 : i32
      %add3A_188 = arith.constant 0 : i32
      %add3A_189 = arith.addi %mul3A_187, %add3A_188 : i32
      %get3A_190 = arith.index_cast %add3A_189 : i32 to index
      %get3A_191 = arith.constant 112 : index
      %get3A_192 = tpu.vector_load %arg8[%get3A_190, %get3A_191] {strides = array<i32>} : memref<40x128xi32, #tpu.memory_space<vmem>>, vector<16xi32>,
      %gather3A_193 = tpu.vector_load_idx %arg5[%get3A_192] : memref<10240xf32, #tpu.memory_space<vmem>>[vector<16xi32>], vector<16xf32>,
      %swap3A_194 = arith.constant 0 : i32
      %swap3A_195 = arith.index_cast %scan3A_13 : i32 to index
      %swap3A_196 = arith.index_cast %swap3A_194 : i32 to index
      %swap3A_197 = arith.constant 112 : index
      %swap3A_198 = tpu.vector_load %arg9[%swap3A_195, %swap3A_196, %swap3A_197] {strides = array<i32>} : memref<8x3x640xf32, #tpu.memory_space<vmem>>, vector<16xf32>,
      tpu.vector_store %arg9[%swap3A_195, %swap3A_196, %swap3A_197], %gather3A_193 {strides = array<i32>} : memref<8x3x640xf32, #tpu.memory_space<vmem>>, vector<16xf32>,
      %gather3A_199 = tpu.vector_load_idx %arg6[%get3A_192] : memref<10240xf32, #tpu.memory_space<vmem>>[vector<16xi32>], vector<16xf32>,
      %swap3A_200 = arith.constant 1 : i32
      %swap3A_201 = arith.index_cast %scan3A_13 : i32 to index
      %swap3A_202 = arith.index_cast %swap3A_200 : i32 to index
      %swap3A_203 = arith.constant 112 : index
      %swap3A_204 = tpu.vector_load %arg9[%swap3A_201, %swap3A_202, %swap3A_203] {strides = array<i32>} : memref<8x3x640xf32, #tpu.memory_space<vmem>>, vector<16xf32>,
      tpu.vector_store %arg9[%swap3A_201, %swap3A_202, %swap3A_203], %gather3A_199 {strides = array<i32>} : memref<8x3x640xf32, #tpu.memory_space<vmem>>, vector<16xf32>,
      %gather3A_205 = tpu.vector_load_idx %arg7[%get3A_192] : memref<10240xf32, #tpu.memory_space<vmem>>[vector<16xi32>], vector<16xf32>,
      %swap3A_206 = arith.constant 2 : i32
      %swap3A_207 = arith.index_cast %scan3A_13 : i32 to index
      %swap3A_208 = arith.index_cast %swap3A_206 : i32 to index
      %swap3A_209 = arith.constant 112 : index
      %swap3A_210 = tpu.vector_load %arg9[%swap3A_207, %swap3A_208, %swap3A_209] {strides = array<i32>} : memref<8x3x640xf32, #tpu.memory_space<vmem>>, vector<16xf32>,
      tpu.vector_store %arg9[%swap3A_207, %swap3A_208, %swap3A_209], %gather3A_205 {strides = array<i32>} : memref<8x3x640xf32, #tpu.memory_space<vmem>>, vector<16xf32>,
      %mul3A_211 = arith.constant 5 : i32
      %mul3A_212 = arith.muli %scan3A_13, %mul3A_211 : i32
      %add3A_213 = arith.constant 1 : i32
      %add3A_214 = arith.addi %mul3A_212, %add3A_213 : i32
      %get3A_215 = arith.index_cast %add3A_214 : i32 to index
      %get3A_216 = arith.constant 0 : index
      %get3A_217 = tpu.vector_load %arg8[%get3A_215, %get3A_216] {strides = array<i32>} : memref<40x128xi32, #tpu.memory_space<vmem>>, vector<16xi32>,
      %gather3A_218 = tpu.vector_load_idx %arg5[%get3A_217] : memref<10240xf32, #tpu.memory_space<vmem>>[vector<16xi32>], vector<16xf32>,
      %swap3A_219 = arith.constant 0 : i32
      %swap3A_220 = arith.index_cast %scan3A_13 : i32 to index
      %swap3A_221 = arith.index_cast %swap3A_219 : i32 to index
      %swap3A_222 = arith.constant 128 : index
      %swap3A_223 = tpu.vector_load %arg9[%swap3A_220, %swap3A_221, %swap3A_222] {strides = array<i32>} : memref<8x3x640xf32, #tpu.memory_space<vmem>>, vector<16xf32>,
      tpu.vector_store %arg9[%swap3A_220, %swap3A_221, %swap3A_222], %gather3A_218 {strides = array<i32>} : memref<8x3x640xf32, #tpu.memory_space<vmem>>, vector<16xf32>,
      %gather3A_224 = tpu.vector_load_idx %arg6[%get3A_217] : memref<10240xf32, #tpu.memory_space<vmem>>[vector<16xi32>], vector<16xf32>,
      %swap3A_225 = arith.constant 1 : i32
      %swap3A_226 = arith.index_cast %scan3A_13 : i32 to index
      %swap3A_227 = arith.index_cast %swap3A_225 : i32 to index
      %swap3A_228 = arith.constant 128 : index
      %swap3A_229 = tpu.vector_load %arg9[%swap3A_226, %swap3A_227, %swap3A_228] {strides = array<i32>} : memref<8x3x640xf32, #tpu.memory_space<vmem>>, vector<16xf32>,
      tpu.vector_store %arg9[%swap3A_226, %swap3A_227, %swap3A_228], %gather3A_224 {strides = array<i32>} : memref<8x3x640xf32, #tpu.memory_space<vmem>>, vector<16xf32>,
      %gather3A_230 = tpu.vector_load_idx %arg7[%get3A_217] : memref<10240xf32, #tpu.memory_space<vmem>>[vector<16xi32>], vector<16xf32>,
      %swap3A_231 = arith.constant 2 : i32
      %swap3A_232 = arith.index_cast %scan3A_13 : i32 to index
      %swap3A_233 = arith.index_cast %swap3A_231 : i32 to index
      %swap3A_234 = arith.constant 128 : index
      %swap3A_235 = tpu.vector_load %arg9[%swap3A_232, %swap3A_233, %swap3A_234] {strides = array<i32>} : memref<8x3x640xf32, #tpu.memory_space<vmem>>, vector<16xf32>,
      tpu.vector_store %arg9[%swap3A_232, %swap3A_233, %swap3A_234], %gather3A_230 {strides = array<i32>} : memref<8x3x640xf32, #tpu.memory_space<vmem>>, vector<16xf32>,
      %mul3A_236 = arith.constant 5 : i32
      %mul3A_237 = arith.muli %scan3A_13, %mul3A_236 : i32
      %add3A_238 = arith.constant 1 : i32
      %add3A_239 = arith.addi %mul3A_237, %add3A_238 : i32
      %get3A_240 = arith.index_cast %add3A_239 : i32 to index
      %get3A_241 = arith.constant 16 : index
      %get3A_242 = tpu.vector_load %arg8[%get3A_240, %get3A_241] {strides = array<i32>} : memref<40x128xi32, #tpu.memory_space<vmem>>, vector<16xi32>,
      %gather3A_243 = tpu.vector_load_idx %arg5[%get3A_242] : memref<10240xf32, #tpu.memory_space<vmem>>[vector<16xi32>], vector<16xf32>,
      %swap3A_244 = arith.constant 0 : i32
      %swap3A_245 = arith.index_cast %scan3A_13 : i32 to index
      %swap3A_246 = arith.index_cast %swap3A_244 : i32 to index
      %swap3A_247 = arith.constant 144 : index
      %swap3A_248 = tpu.vector_load %arg9[%swap3A_245, %swap3A_246, %swap3A_247] {strides = array<i32>} : memref<8x3x640xf32, #tpu.memory_space<vmem>>, vector<16xf32>,
      tpu.vector_store %arg9[%swap3A_245, %swap3A_246, %swap3A_247], %gather3A_243 {strides = array<i32>} : memref<8x3x640xf32, #tpu.memory_space<vmem>>, vector<16xf32>,
      %gather3A_249 = tpu.vector_load_idx %arg6[%get3A_242] : memref<10240xf32, #tpu.memory_space<vmem>>[vector<16xi32>], vector<16xf32>,
      %swap3A_250 = arith.constant 1 : i32
      %swap3A_251 = arith.index_cast %scan3A_13 : i32 to index
      %swap3A_252 = arith.index_cast %swap3A_250 : i32 to index
      %swap3A_253 = arith.constant 144 : index
      %swap3A_254 = tpu.vector_load %arg9[%swap3A_251, %swap3A_252, %swap3A_253] {strides = array<i32>} : memref<8x3x640xf32, #tpu.memory_space<vmem>>, vector<16xf32>,
      tpu.vector_store %arg9[%swap3A_251, %swap3A_252, %swap3A_253], %gather3A_249 {strides = array<i32>} : memref<8x3x640xf32, #tpu.memory_space<vmem>>, vector<16xf32>,
      %gather3A_255 = tpu.vector_load_idx %arg7[%get3A_242] : memref<10240xf32, #tpu.memory_space<vmem>>[vector<16xi32>], vector<16xf32>,
      %swap3A_256 = arith.constant 2 : i32
      %swap3A_257 = arith.index_cast %scan3A_13 : i32 to index
      %swap3A_258 = arith.index_cast %swap3A_256 : i32 to index
      %swap3A_259 = arith.constant 144 : index
      %swap3A_260 = tpu.vector_load %arg9[%swap3A_257, %swap3A_258, %swap3A_259] {strides = array<i32>} : memref<8x3x640xf32, #tpu.memory_space<vmem>>, vector<16xf32>,
      tpu.vector_store %arg9[%swap3A_257, %swap3A_258, %swap3A_259], %gather3A_255 {strides = array<i32>} : memref<8x3x640xf32, #tpu.memory_space<vmem>>, vector<16xf32>,
      %mul3A_261 = arith.constant 5 : i32
      %mul3A_262 = arith.muli %scan3A_13, %mul3A_261 : i32
      %add3A_263 = arith.constant 1 : i32
      %add3A_264 = arith.addi %mul3A_262, %add3A_263 : i32
      %get3A_265 = arith.index_cast %add3A_264 : i32 to index
      %get3A_266 = arith.constant 32 : index
      %get3A_267 = tpu.vector_load %arg8[%get3A_265, %get3A_266] {strides = array<i32>} : memref<40x128xi32, #tpu.memory_space<vmem>>, vector<16xi32>,
      %gather3A_268 = tpu.vector_load_idx %arg5[%get3A_267] : memref<10240xf32, #tpu.memory_space<vmem>>[vector<16xi32>], vector<16xf32>,
      %swap3A_269 = arith.constant 0 : i32
      %swap3A_270 = arith.index_cast %scan3A_13 : i32 to index
      %swap3A_271 = arith.index_cast %swap3A_269 : i32 to index
      %swap3A_272 = arith.constant 160 : index
      %swap3A_273 = tpu.vector_load %arg9[%swap3A_270, %swap3A_271, %swap3A_272] {strides = array<i32>} : memref<8x3x640xf32, #tpu.memory_space<vmem>>, vector<16xf32>,
      tpu.vector_store %arg9[%swap3A_270, %swap3A_271, %swap3A_272], %gather3A_268 {strides = array<i32>} : memref<8x3x640xf32, #tpu.memory_space<vmem>>, vector<16xf32>,
      %gather3A_274 = tpu.vector_load_idx %arg6[%get3A_267] : memref<10240xf32, #tpu.memory_space<vmem>>[vector<16xi32>], vector<16xf32>,
      %swap3A_275 = arith.constant 1 : i32
      %swap3A_276 = arith.index_cast %scan3A_13 : i32 to index
      %swap3A_277 = arith.index_cast %swap3A_275 : i32 to index
      %swap3A_278 = arith.constant 160 : index
      %swap3A_279 = tpu.vector_load %arg9[%swap3A_276, %swap3A_277, %swap3A_278] {strides = array<i32>} : memref<8x3x640xf32, #tpu.memory_space<vmem>>, vector<16xf32>,
      tpu.vector_store %arg9[%swap3A_276, %swap3A_277, %swap3A_278], %gather3A_274 {strides = array<i32>} : memref<8x3x640xf32, #tpu.memory_space<vmem>>, vector<16xf32>,
      %gather3A_280 = tpu.vector_load_idx %arg7[%get3A_267] : memref<10240xf32, #tpu.memory_space<vmem>>[vector<16xi32>], vector<16xf32>,
      %swap3A_281 = arith.constant 2 : i32
      %swap3A_282 = arith.index_cast %scan3A_13 : i32 to index
      %swap3A_283 = arith.index_cast %swap3A_281 : i32 to index
      %swap3A_284 = arith.constant 160 : index
      %swap3A_285 = tpu.vector_load %arg9[%swap3A_282, %swap3A_283, %swap3A_284] {strides = array<i32>} : memref<8x3x640xf32, #tpu.memory_space<vmem>>, vector<16xf32>,
      tpu.vector_store %arg9[%swap3A_282, %swap3A_283, %swap3A_284], %gather3A_280 {strides = array<i32>} : memref<8x3x640xf32, #tpu.memory_space<vmem>>, vector<16xf32>,
      %mul3A_286 = arith.constant 5 : i32
      %mul3A_287 = arith.muli %scan3A_13, %mul3A_286 : i32
      %add3A_288 = arith.constant 1 : i32
      %add3A_289 = arith.addi %mul3A_287, %add3A_288 : i32
      %get3A_290 = arith.index_cast %add3A_289 : i32 to index
      %get3A_291 = arith.constant 48 : index
      %get3A_292 = tpu.vector_load %arg8[%get3A_290, %get3A_291] {strides = array<i32>} : memref<40x128xi32, #tpu.memory_space<vmem>>, vector<16xi32>,
      %gather3A_293 = tpu.vector_load_idx %arg5[%get3A_292] : memref<10240xf32, #tpu.memory_space<vmem>>[vector<16xi32>], vector<16xf32>,
      %swap3A_294 = arith.constant 0 : i32
      %swap3A_295 = arith.index_cast %scan3A_13 : i32 to index
      %swap3A_296 = arith.index_cast %swap3A_294 : i32 to index
      %swap3A_297 = arith.constant 176 : index
      %swap3A_298 = tpu.vector_load %arg9[%swap3A_295, %swap3A_296, %swap3A_297] {strides = array<i32>} : memref<8x3x640xf32, #tpu.memory_space<vmem>>, vector<16xf32>,
      tpu.vector_store %arg9[%swap3A_295, %swap3A_296, %swap3A_297], %gather3A_293 {strides = array<i32>} : memref<8x3x640xf32, #tpu.memory_space<vmem>>, vector<16xf32>,
      %gather3A_299 = tpu.vector_load_idx %arg6[%get3A_292] : memref<10240xf32, #tpu.memory_space<vmem>>[vector<16xi32>], vector<16xf32>,
      %swap3A_300 = arith.constant 1 : i32
      %swap3A_301 = arith.index_cast %scan3A_13 : i32 to index
      %swap3A_302 = arith.index_cast %swap3A_300 : i32 to index
      %swap3A_303 = arith.constant 176 : index
      %swap3A_304 = tpu.vector_load %arg9[%swap3A_301, %swap3A_302, %swap3A_303] {strides = array<i32>} : memref<8x3x640xf32, #tpu.memory_space<vmem>>, vector<16xf32>,
      tpu.vector_store %arg9[%swap3A_301, %swap3A_302, %swap3A_303], %gather3A_299 {strides = array<i32>} : memref<8x3x640xf32, #tpu.memory_space<vmem>>, vector<16xf32>,
      %gather3A_305 = tpu.vector_load_idx %arg7[%get3A_292] : memref<10240xf32, #tpu.memory_space<vmem>>[vector<16xi32>], vector<16xf32>,
      %swap3A_306 = arith.constant 2 : i32
      %swap3A_307 = arith.index_cast %scan3A_13 : i32 to index
      %swap3A_308 = arith.index_cast %swap3A_306 : i32 to index
      %swap3A_309 = arith.constant 176 : index
      %swap3A_310 = tpu.vector_load %arg9[%swap3A_307, %swap3A_308, %swap3A_309] {strides = array<i32>} : memref<8x3x640xf32, #tpu.memory_space<vmem>>, vector<16xf32>,
      tpu.vector_store %arg9[%swap3A_307, %swap3A_308, %swap3A_309], %gather3A_305 {strides = array<i32>} : memref<8x3x640xf32, #tpu.memory_space<vmem>>, vector<16xf32>,
      %mul3A_311 = arith.constant 5 : i32
      %mul3A_312 = arith.muli %scan3A_13, %mul3A_311 : i32
      %add3A_313 = arith.constant 1 : i32
      %add3A_314 = arith.addi %mul3A_312, %add3A_313 : i32
      %get3A_315 = arith.index_cast %add3A_314 : i32 to index
      %get3A_316 = arith.constant 64 : index
      %get3A_317 = tpu.vector_load %arg8[%get3A_315, %get3A_316] {strides = array<i32>} : memref<40x128xi32, #tpu.memory_space<vmem>>, vector<16xi32>,
      %gather3A_318 = tpu.vector_load_idx %arg5[%get3A_317] : memref<10240xf32, #tpu.memory_space<vmem>>[vector<16xi32>], vector<16xf32>,
      %swap3A_319 = arith.constant 0 : i32
      %swap3A_320 = arith.index_cast %scan3A_13 : i32 to index
      %swap3A_321 = arith.index_cast %swap3A_319 : i32 to index
      %swap3A_322 = arith.constant 192 : index
      %swap3A_323 = tpu.vector_load %arg9[%swap3A_320, %swap3A_321, %swap3A_322] {strides = array<i32>} : memref<8x3x640xf32, #tpu.memory_space<vmem>>, vector<16xf32>,
      tpu.vector_store %arg9[%swap3A_320, %swap3A_321, %swap3A_322], %gather3A_318 {strides = array<i32>} : memref<8x3x640xf32, #tpu.memory_space<vmem>>, vector<16xf32>,
      %gather3A_324 = tpu.vector_load_idx %arg6[%get3A_317] : memref<10240xf32, #tpu.memory_space<vmem>>[vector<16xi32>], vector<16xf32>,
      %swap3A_325 = arith.constant 1 : i32
      %swap3A_326 = arith.index_cast %scan3A_13 : i32 to index
      %swap3A_327 = arith.index_cast %swap3A_325 : i32 to index
      %swap3A_328 = arith.constant 192 : index
      %swap3A_329 = tpu.vector_load %arg9[%swap3A_326, %swap3A_327, %swap3A_328] {strides = array<i32>} : memref<8x3x640xf32, #tpu.memory_space<vmem>>, vector<16xf32>,
      tpu.vector_store %arg9[%swap3A_326, %swap3A_327, %swap3A_328], %gather3A_324 {strides = array<i32>} : memref<8x3x640xf32, #tpu.memory_space<vmem>>, vector<16xf32>,
      %gather3A_330 = tpu.vector_load_idx %arg7[%get3A_317] : memref<10240xf32, #tpu.memory_space<vmem>>[vector<16xi32>], vector<16xf32>,
      %swap3A_331 = arith.constant 2 : i32
      %swap3A_332 = arith.index_cast %scan3A_13 : i32 to index
      %swap3A_333 = arith.index_cast %swap3A_331 : i32 to index
      %swap3A_334 = arith.constant 192 : index
      %swap3A_335 = tpu.vector_load %arg9[%swap3A_332, %swap3A_333, %swap3A_334] {strides = array<i32>} : memref<8x3x640xf32, #tpu.memory_space<vmem>>, vector<16xf32>,
      tpu.vector_store %arg9[%swap3A_332, %swap3A_333, %swap3A_334], %gather3A_330 {strides = array<i32>} : memref<8x3x640xf32, #tpu.memory_space<vmem>>, vector<16xf32>,
      %mul3A_336 = arith.constant 5 : i32
      %mul3A_337 = arith.muli %scan3A_13, %mul3A_336 : i32
      %add3A_338 = arith.constant 1 : i32
      %add3A_339 = arith.addi %mul3A_337, %add3A_338 : i32
      %get3A_340 = arith.index_cast %add3A_339 : i32 to index
      %get3A_341 = arith.constant 80 : index
      %get3A_342 = tpu.vector_load %arg8[%get3A_340, %get3A_341] {strides = array<i32>} : memref<40x128xi32, #tpu.memory_space<vmem>>, vector<16xi32>,
      %gather3A_343 = tpu.vector_load_idx %arg5[%get3A_342] : memref<10240xf32, #tpu.memory_space<vmem>>[vector<16xi32>], vector<16xf32>,
      %swap3A_344 = arith.constant 0 : i32
      %swap3A_345 = arith.index_cast %scan3A_13 : i32 to index
      %swap3A_346 = arith.index_cast %swap3A_344 : i32 to index
      %swap3A_347 = arith.constant 208 : index
      %swap3A_348 = tpu.vector_load %arg9[%swap3A_345, %swap3A_346, %swap3A_347] {strides = array<i32>} : memref<8x3x640xf32, #tpu.memory_space<vmem>>, vector<16xf32>,
      tpu.vector_store %arg9[%swap3A_345, %swap3A_346, %swap3A_347], %gather3A_343 {strides = array<i32>} : memref<8x3x640xf32, #tpu.memory_space<vmem>>, vector<16xf32>,
      %gather3A_349 = tpu.vector_load_idx %arg6[%get3A_342] : memref<10240xf32, #tpu.memory_space<vmem>>[vector<16xi32>], vector<16xf32>,
      %swap3A_350 = arith.constant 1 : i32
      %swap3A_351 = arith.index_cast %scan3A_13 : i32 to index
      %swap3A_352 = arith.index_cast %swap3A_350 : i32 to index
      %swap3A_353 = arith.constant 208 : index
      %swap3A_354 = tpu.vector_load %arg9[%swap3A_351, %swap3A_352, %swap3A_353] {strides = array<i32>} : memref<8x3x640xf32, #tpu.memory_space<vmem>>, vector<16xf32>,
      tpu.vector_store %arg9[%swap3A_351, %swap3A_352, %swap3A_353], %gather3A_349 {strides = array<i32>} : memref<8x3x640xf32, #tpu.memory_space<vmem>>, vector<16xf32>,
      %gather3A_355 = tpu.vector_load_idx %arg7[%get3A_342] : memref<10240xf32, #tpu.memory_space<vmem>>[vector<16xi32>], vector<16xf32>,
      %swap3A_356 = arith.constant 2 : i32
      %swap3A_357 = arith.index_cast %scan3A_13 : i32 to index
      %swap3A_358 = arith.index_cast %swap3A_356 : i32 to index
      %swap3A_359 = arith.constant 208 : index
      %swap3A_360 = tpu.vector_load %arg9[%swap3A_357, %swap3A_358, %swap3A_359] {strides = array<i32>} : memref<8x3x640xf32, #tpu.memory_space<vmem>>, vector<16xf32>,
      tpu.vector_store %arg9[%swap3A_357, %swap3A_358, %swap3A_359], %gather3A_355 {strides = array<i32>} : memref<8x3x640xf32, #tpu.memory_space<vmem>>, vector<16xf32>,
      %mul3A_361 = arith.constant 5 : i32
      %mul3A_362 = arith.muli %scan3A_13, %mul3A_361 : i32
      %add3A_363 = arith.constant 1 : i32
      %add3A_364 = arith.addi %mul3A_362, %add3A_363 : i32
      %get3A_365 = arith.index_cast %add3A_364 : i32 to index
      %get3A_366 = arith.constant 96 : index
      %get3A_367 = tpu.vector_load %arg8[%get3A_365, %get3A_366] {strides = array<i32>} : memref<40x128xi32, #tpu.memory_space<vmem>>, vector<16xi32>,
      %gather3A_368 = tpu.vector_load_idx %arg5[%get3A_367] : memref<10240xf32, #tpu.memory_space<vmem>>[vector<16xi32>], vector<16xf32>,
      %swap3A_369 = arith.constant 0 : i32
      %swap3A_370 = arith.index_cast %scan3A_13 : i32 to index
      %swap3A_371 = arith.index_cast %swap3A_369 : i32 to index
      %swap3A_372 = arith.constant 224 : index
      %swap3A_373 = tpu.vector_load %arg9[%swap3A_370, %swap3A_371, %swap3A_372] {strides = array<i32>} : memref<8x3x640xf32, #tpu.memory_space<vmem>>, vector<16xf32>,
      tpu.vector_store %arg9[%swap3A_370, %swap3A_371, %swap3A_372], %gather3A_368 {strides = array<i32>} : memref<8x3x640xf32, #tpu.memory_space<vmem>>, vector<16xf32>,
      %gather3A_374 = tpu.vector_load_idx %arg6[%get3A_367] : memref<10240xf32, #tpu.memory_space<vmem>>[vector<16xi32>], vector<16xf32>,
      %swap3A_375 = arith.constant 1 : i32
      %swap3A_376 = arith.index_cast %scan3A_13 : i32 to index
      %swap3A_377 = arith.index_cast %swap3A_375 : i32 to index
      %swap3A_378 = arith.constant 224 : index
      %swap3A_379 = tpu.vector_load %arg9[%swap3A_376, %swap3A_377, %swap3A_378] {strides = array<i32>} : memref<8x3x640xf32, #tpu.memory_space<vmem>>, vector<16xf32>,
      tpu.vector_store %arg9[%swap3A_376, %swap3A_377, %swap3A_378], %gather3A_374 {strides = array<i32>} : memref<8x3x640xf32, #tpu.memory_space<vmem>>, vector<16xf32>,
      %gather3A_380 = tpu.vector_load_idx %arg7[%get3A_367] : memref<10240xf32, #tpu.memory_space<vmem>>[vector<16xi32>], vector<16xf32>,
      %swap3A_381 = arith.constant 2 : i32
      %swap3A_382 = arith.index_cast %scan3A_13 : i32 to index
      %swap3A_383 = arith.index_cast %swap3A_381 : i32 to index
      %swap3A_384 = arith.constant 224 : index
      %swap3A_385 = tpu.vector_load %arg9[%swap3A_382, %swap3A_383, %swap3A_384] {strides = array<i32>} : memref<8x3x640xf32, #tpu.memory_space<vmem>>, vector<16xf32>,
      tpu.vector_store %arg9[%swap3A_382, %swap3A_383, %swap3A_384], %gather3A_380 {strides = array<i32>} : memref<8x3x640xf32, #tpu.memory_space<vmem>>, vector<16xf32>,
      %mul3A_386 = arith.constant 5 : i32
      %mul3A_387 = arith.muli %scan3A_13, %mul3A_386 : i32
      %add3A_388 = arith.constant 1 : i32
      %add3A_389 = arith.addi %mul3A_387, %add3A_388 : i32
      %get3A_390 = arith.index_cast %add3A_389 : i32 to index
      %get3A_391 = arith.constant 112 : index
      %get3A_392 = tpu.vector_load %arg8[%get3A_390, %get3A_391] {strides = array<i32>} : memref<40x128xi32, #tpu.memory_space<vmem>>, vector<16xi32>,
      %gather3A_393 = tpu.vector_load_idx %arg5[%get3A_392] : memref<10240xf32, #tpu.memory_space<vmem>>[vector<16xi32>], vector<16xf32>,
      %swap3A_394 = arith.constant 0 : i32
      %swap3A_395 = arith.index_cast %scan3A_13 : i32 to index
      %swap3A_396 = arith.index_cast %swap3A_394 : i32 to index
      %swap3A_397 = arith.constant 240 : index
      %swap3A_398 = tpu.vector_load %arg9[%swap3A_395, %swap3A_396, %swap3A_397] {strides = array<i32>} : memref<8x3x640xf32, #tpu.memory_space<vmem>>, vector<16xf32>,
      tpu.vector_store %arg9[%swap3A_395, %swap3A_396, %swap3A_397], %gather3A_393 {strides = array<i32>} : memref<8x3x640xf32, #tpu.memory_space<vmem>>, vector<16xf32>,
      %gather3A_399 = tpu.vector_load_idx %arg6[%get3A_392] : memref<10240xf32, #tpu.memory_space<vmem>>[vector<16xi32>], vector<16xf32>,
      %swap3A_400 = arith.constant 1 : i32
      %swap3A_401 = arith.index_cast %scan3A_13 : i32 to index
      %swap3A_402 = arith.index_cast %swap3A_400 : i32 to index
      %swap3A_403 = arith.constant 240 : index
      %swap3A_404 = tpu.vector_load %arg9[%swap3A_401, %swap3A_402, %swap3A_403] {strides = array<i32>} : memref<8x3x640xf32, #tpu.memory_space<vmem>>, vector<16xf32>,
      tpu.vector_store %arg9[%swap3A_401, %swap3A_402, %swap3A_403], %gather3A_399 {strides = array<i32>} : memref<8x3x640xf32, #tpu.memory_space<vmem>>, vector<16xf32>,
      %gather3A_405 = tpu.vector_load_idx %arg7[%get3A_392] : memref<10240xf32, #tpu.memory_space<vmem>>[vector<16xi32>], vector<16xf32>,
      %swap3A_406 = arith.constant 2 : i32
      %swap3A_407 = arith.index_cast %scan3A_13 : i32 to index
      %swap3A_408 = arith.index_cast %swap3A_406 : i32 to index
      %swap3A_409 = arith.constant 240 : index
      %swap3A_410 = tpu.vector_load %arg9[%swap3A_407, %swap3A_408, %swap3A_409] {strides = array<i32>} : memref<8x3x640xf32, #tpu.memory_space<vmem>>, vector<16xf32>,
      tpu.vector_store %arg9[%swap3A_407, %swap3A_408, %swap3A_409], %gather3A_405 {strides = array<i32>} : memref<8x3x640xf32, #tpu.memory_space<vmem>>, vector<16xf32>,
      %mul3A_411 = arith.constant 5 : i32
      %mul3A_412 = arith.muli %scan3A_13, %mul3A_411 : i32
      %add3A_413 = arith.constant 2 : i32
      %add3A_414 = arith.addi %mul3A_412, %add3A_413 : i32
      %get3A_415 = arith.index_cast %add3A_414 : i32 to index
      %get3A_416 = arith.constant 0 : index
      %get3A_417 = tpu.vector_load %arg8[%get3A_415, %get3A_416] {strides = array<i32>} : memref<40x128xi32, #tpu.memory_space<vmem>>, vector<16xi32>,
      %gather3A_418 = tpu.vector_load_idx %arg5[%get3A_417] : memref<10240xf32, #tpu.memory_space<vmem>>[vector<16xi32>], vector<16xf32>,
      %swap3A_419 = arith.constant 0 : i32
      %swap3A_420 = arith.index_cast %scan3A_13 : i32 to index
      %swap3A_421 = arith.index_cast %swap3A_419 : i32 to index
      %swap3A_422 = arith.constant 256 : index
      %swap3A_423 = tpu.vector_load %arg9[%swap3A_420, %swap3A_421, %swap3A_422] {strides = array<i32>} : memref<8x3x640xf32, #tpu.memory_space<vmem>>, vector<16xf32>,
      tpu.vector_store %arg9[%swap3A_420, %swap3A_421, %swap3A_422], %gather3A_418 {strides = array<i32>} : memref<8x3x640xf32, #tpu.memory_space<vmem>>, vector<16xf32>,
      %gather3A_424 = tpu.vector_load_idx %arg6[%get3A_417] : memref<10240xf32, #tpu.memory_space<vmem>>[vector<16xi32>], vector<16xf32>,
      %swap3A_425 = arith.constant 1 : i32
      %swap3A_426 = arith.index_cast %scan3A_13 : i32 to index
      %swap3A_427 = arith.index_cast %swap3A_425 : i32 to index
      %swap3A_428 = arith.constant 256 : index
      %swap3A_429 = tpu.vector_load %arg9[%swap3A_426, %swap3A_427, %swap3A_428] {strides = array<i32>} : memref<8x3x640xf32, #tpu.memory_space<vmem>>, vector<16xf32>,
      tpu.vector_store %arg9[%swap3A_426, %swap3A_427, %swap3A_428], %gather3A_424 {strides = array<i32>} : memref<8x3x640xf32, #tpu.memory_space<vmem>>, vector<16xf32>,
      %gather3A_430 = tpu.vector_load_idx %arg7[%get3A_417] : memref<10240xf32, #tpu.memory_space<vmem>>[vector<16xi32>], vector<16xf32>,
      %swap3A_431 = arith.constant 2 : i32
      %swap3A_432 = arith.index_cast %scan3A_13 : i32 to index
      %swap3A_433 = arith.index_cast %swap3A_431 : i32 to index
      %swap3A_434 = arith.constant 256 : index
      %swap3A_435 = tpu.vector_load %arg9[%swap3A_432, %swap3A_433, %swap3A_434] {strides = array<i32>} : memref<8x3x640xf32, #tpu.memory_space<vmem>>, vector<16xf32>,
      tpu.vector_store %arg9[%swap3A_432, %swap3A_433, %swap3A_434], %gather3A_430 {strides = array<i32>} : memref<8x3x640xf32, #tpu.memory_space<vmem>>, vector<16xf32>,
      %mul3A_436 = arith.constant 5 : i32
      %mul3A_437 = arith.muli %scan3A_13, %mul3A_436 : i32
      %add3A_438 = arith.constant 2 : i32
      %add3A_439 = arith.addi %mul3A_437, %add3A_438 : i32
      %get3A_440 = arith.index_cast %add3A_439 : i32 to index
      %get3A_441 = arith.constant 16 : index
      %get3A_442 = tpu.vector_load %arg8[%get3A_440, %get3A_441] {strides = array<i32>} : memref<40x128xi32, #tpu.memory_space<vmem>>, vector<16xi32>,
      %gather3A_443 = tpu.vector_load_idx %arg5[%get3A_442] : memref<10240xf32, #tpu.memory_space<vmem>>[vector<16xi32>], vector<16xf32>,
      %swap3A_444 = arith.constant 0 : i32
      %swap3A_445 = arith.index_cast %scan3A_13 : i32 to index
      %swap3A_446 = arith.index_cast %swap3A_444 : i32 to index
      %swap3A_447 = arith.constant 272 : index
      %swap3A_448 = tpu.vector_load %arg9[%swap3A_445, %swap3A_446, %swap3A_447] {strides = array<i32>} : memref<8x3x640xf32, #tpu.memory_space<vmem>>, vector<16xf32>,
      tpu.vector_store %arg9[%swap3A_445, %swap3A_446, %swap3A_447], %gather3A_443 {strides = array<i32>} : memref<8x3x640xf32, #tpu.memory_space<vmem>>, vector<16xf32>,
      %gather3A_449 = tpu.vector_load_idx %arg6[%get3A_442] : memref<10240xf32, #tpu.memory_space<vmem>>[vector<16xi32>], vector<16xf32>,
      %swap3A_450 = arith.constant 1 : i32
      %swap3A_451 = arith.index_cast %scan3A_13 : i32 to index
      %swap3A_452 = arith.index_cast %swap3A_450 : i32 to index
      %swap3A_453 = arith.constant 272 : index
      %swap3A_454 = tpu.vector_load %arg9[%swap3A_451, %swap3A_452, %swap3A_453] {strides = array<i32>} : memref<8x3x640xf32, #tpu.memory_space<vmem>>, vector<16xf32>,
      tpu.vector_store %arg9[%swap3A_451, %swap3A_452, %swap3A_453], %gather3A_449 {strides = array<i32>} : memref<8x3x640xf32, #tpu.memory_space<vmem>>, vector<16xf32>,
      %gather3A_455 = tpu.vector_load_idx %arg7[%get3A_442] : memref<10240xf32, #tpu.memory_space<vmem>>[vector<16xi32>], vector<16xf32>,
      %swap3A_456 = arith.constant 2 : i32
      %swap3A_457 = arith.index_cast %scan3A_13 : i32 to index
      %swap3A_458 = arith.index_cast %swap3A_456 : i32 to index
      %swap3A_459 = arith.constant 272 : index
      %swap3A_460 = tpu.vector_load %arg9[%swap3A_457, %swap3A_458, %swap3A_459] {strides = array<i32>} : memref<8x3x640xf32, #tpu.memory_space<vmem>>, vector<16xf32>,
      tpu.vector_store %arg9[%swap3A_457, %swap3A_458, %swap3A_459], %gather3A_455 {strides = array<i32>} : memref<8x3x640xf32, #tpu.memory_space<vmem>>, vector<16xf32>,
      %mul3A_461 = arith.constant 5 : i32
      %mul3A_462 = arith.muli %scan3A_13, %mul3A_461 : i32
      %add3A_463 = arith.constant 2 : i32
      %add3A_464 = arith.addi %mul3A_462, %add3A_463 : i32
      %get3A_465 = arith.index_cast %add3A_464 : i32 to index
      %get3A_466 = arith.constant 32 : index
      %get3A_467 = tpu.vector_load %arg8[%get3A_465, %get3A_466] {strides = array<i32>} : memref<40x128xi32, #tpu.memory_space<vmem>>, vector<16xi32>,
      %gather3A_468 = tpu.vector_load_idx %arg5[%get3A_467] : memref<10240xf32, #tpu.memory_space<vmem>>[vector<16xi32>], vector<16xf32>,
      %swap3A_469 = arith.constant 0 : i32
      %swap3A_470 = arith.index_cast %scan3A_13 : i32 to index
      %swap3A_471 = arith.index_cast %swap3A_469 : i32 to index
      %swap3A_472 = arith.constant 288 : index
      %swap3A_473 = tpu.vector_load %arg9[%swap3A_470, %swap3A_471, %swap3A_472] {strides = array<i32>} : memref<8x3x640xf32, #tpu.memory_space<vmem>>, vector<16xf32>,
      tpu.vector_store %arg9[%swap3A_470, %swap3A_471, %swap3A_472], %gather3A_468 {strides = array<i32>} : memref<8x3x640xf32, #tpu.memory_space<vmem>>, vector<16xf32>,
      %gather3A_474 = tpu.vector_load_idx %arg6[%get3A_467] : memref<10240xf32, #tpu.memory_space<vmem>>[vector<16xi32>], vector<16xf32>,
      %swap3A_475 = arith.constant 1 : i32
      %swap3A_476 = arith.index_cast %scan3A_13 : i32 to index
      %swap3A_477 = arith.index_cast %swap3A_475 : i32 to index
      %swap3A_478 = arith.constant 288 : index
      %swap3A_479 = tpu.vector_load %arg9[%swap3A_476, %swap3A_477, %swap3A_478] {strides = array<i32>} : memref<8x3x640xf32, #tpu.memory_space<vmem>>, vector<16xf32>,
      tpu.vector_store %arg9[%swap3A_476, %swap3A_477, %swap3A_478], %gather3A_474 {strides = array<i32>} : memref<8x3x640xf32, #tpu.memory_space<vmem>>, vector<16xf32>,
      %gather3A_480 = tpu.vector_load_idx %arg7[%get3A_467] : memref<10240xf32, #tpu.memory_space<vmem>>[vector<16xi32>], vector<16xf32>,
      %swap3A_481 = arith.constant 2 : i32
      %swap3A_482 = arith.index_cast %scan3A_13 : i32 to index
      %swap3A_483 = arith.index_cast %swap3A_481 : i32 to index
      %swap3A_484 = arith.constant 288 : index
      %swap3A_485 = tpu.vector_load %arg9[%swap3A_482, %swap3A_483, %swap3A_484] {strides = array<i32>} : memref<8x3x640xf32, #tpu.memory_space<vmem>>, vector<16xf32>,
      tpu.vector_store %arg9[%swap3A_482, %swap3A_483, %swap3A_484], %gather3A_480 {strides = array<i32>} : memref<8x3x640xf32, #tpu.memory_space<vmem>>, vector<16xf32>,
      %mul3A_486 = arith.constant 5 : i32
      %mul3A_487 = arith.muli %scan3A_13, %mul3A_486 : i32
      %add3A_488 = arith.constant 2 : i32
      %add3A_489 = arith.addi %mul3A_487, %add3A_488 : i32
      %get3A_490 = arith.index_cast %add3A_489 : i32 to index
      %get3A_491 = arith.constant 48 : index
      %get3A_492 = tpu.vector_load %arg8[%get3A_490, %get3A_491] {strides = array<i32>} : memref<40x128xi32, #tpu.memory_space<vmem>>, vector<16xi32>,
      %gather3A_493 = tpu.vector_load_idx %arg5[%get3A_492] : memref<10240xf32, #tpu.memory_space<vmem>>[vector<16xi32>], vector<16xf32>,
      %swap3A_494 = arith.constant 0 : i32
      %swap3A_495 = arith.index_cast %scan3A_13 : i32 to index
      %swap3A_496 = arith.index_cast %swap3A_494 : i32 to index
      %swap3A_497 = arith.constant 304 : index
      %swap3A_498 = tpu.vector_load %arg9[%swap3A_495, %swap3A_496, %swap3A_497] {strides = array<i32>} : memref<8x3x640xf32, #tpu.memory_space<vmem>>, vector<16xf32>,
      tpu.vector_store %arg9[%swap3A_495, %swap3A_496, %swap3A_497], %gather3A_493 {strides = array<i32>} : memref<8x3x640xf32, #tpu.memory_space<vmem>>, vector<16xf32>,
      %gather3A_499 = tpu.vector_load_idx %arg6[%get3A_492] : memref<10240xf32, #tpu.memory_space<vmem>>[vector<16xi32>], vector<16xf32>,
      %swap3A_500 = arith.constant 1 : i32
      %swap3A_501 = arith.index_cast %scan3A_13 : i32 to index
      %swap3A_502 = arith.index_cast %swap3A_500 : i32 to index
      %swap3A_503 = arith.constant 304 : index
      %swap3A_504 = tpu.vector_load %arg9[%swap3A_501, %swap3A_502, %swap3A_503] {strides = array<i32>} : memref<8x3x640xf32, #tpu.memory_space<vmem>>, vector<16xf32>,
      tpu.vector_store %arg9[%swap3A_501, %swap3A_502, %swap3A_503], %gather3A_499 {strides = array<i32>} : memref<8x3x640xf32, #tpu.memory_space<vmem>>, vector<16xf32>,
      %gather3A_505 = tpu.vector_load_idx %arg7[%get3A_492] : memref<10240xf32, #tpu.memory_space<vmem>>[vector<16xi32>], vector<16xf32>,
      %swap3A_506 = arith.constant 2 : i32
      %swap3A_507 = arith.index_cast %scan3A_13 : i32 to index
      %swap3A_508 = arith.index_cast %swap3A_506 : i32 to index
      %swap3A_509 = arith.constant 304 : index
      %swap3A_510 = tpu.vector_load %arg9[%swap3A_507, %swap3A_508, %swap3A_509] {strides = array<i32>} : memref<8x3x640xf32, #tpu.memory_space<vmem>>, vector<16xf32>,
      tpu.vector_store %arg9[%swap3A_507, %swap3A_508, %swap3A_509], %gather3A_505 {strides = array<i32>} : memref<8x3x640xf32, #tpu.memory_space<vmem>>, vector<16xf32>,
      %mul3A_511 = arith.constant 5 : i32
      %mul3A_512 = arith.muli %scan3A_13, %mul3A_511 : i32
      %add3A_513 = arith.constant 2 : i32
      %add3A_514 = arith.addi %mul3A_512, %add3A_513 : i32
      %get3A_515 = arith.index_cast %add3A_514 : i32 to index
      %get3A_516 = arith.constant 64 : index
      %get3A_517 = tpu.vector_load %arg8[%get3A_515, %get3A_516] {strides = array<i32>} : memref<40x128xi32, #tpu.memory_space<vmem>>, vector<16xi32>,
      %gather3A_518 = tpu.vector_load_idx %arg5[%get3A_517] : memref<10240xf32, #tpu.memory_space<vmem>>[vector<16xi32>], vector<16xf32>,
      %swap3A_519 = arith.constant 0 : i32
      %swap3A_520 = arith.index_cast %scan3A_13 : i32 to index
      %swap3A_521 = arith.index_cast %swap3A_519 : i32 to index
      %swap3A_522 = arith.constant 320 : index
      %swap3A_523 = tpu.vector_load %arg9[%swap3A_520, %swap3A_521, %swap3A_522] {strides = array<i32>} : memref<8x3x640xf32, #tpu.memory_space<vmem>>, vector<16xf32>,
      tpu.vector_store %arg9[%swap3A_520, %swap3A_521, %swap3A_522], %gather3A_518 {strides = array<i32>} : memref<8x3x640xf32, #tpu.memory_space<vmem>>, vector<16xf32>,
      %gather3A_524 = tpu.vector_load_idx %arg6[%get3A_517] : memref<10240xf32, #tpu.memory_space<vmem>>[vector<16xi32>], vector<16xf32>,
      %swap3A_525 = arith.constant 1 : i32
      %swap3A_526 = arith.index_cast %scan3A_13 : i32 to index
      %swap3A_527 = arith.index_cast %swap3A_525 : i32 to index
      %swap3A_528 = arith.constant 320 : index
      %swap3A_529 = tpu.vector_load %arg9[%swap3A_526, %swap3A_527, %swap3A_528] {strides = array<i32>} : memref<8x3x640xf32, #tpu.memory_space<vmem>>, vector<16xf32>,
      tpu.vector_store %arg9[%swap3A_526, %swap3A_527, %swap3A_528], %gather3A_524 {strides = array<i32>} : memref<8x3x640xf32, #tpu.memory_space<vmem>>, vector<16xf32>,
      %gather3A_530 = tpu.vector_load_idx %arg7[%get3A_517] : memref<10240xf32, #tpu.memory_space<vmem>>[vector<16xi32>], vector<16xf32>,
      %swap3A_531 = arith.constant 2 : i32
      %swap3A_532 = arith.index_cast %scan3A_13 : i32 to index
      %swap3A_533 = arith.index_cast %swap3A_531 : i32 to index
      %swap3A_534 = arith.constant 320 : index
      %swap3A_535 = tpu.vector_load %arg9[%swap3A_532, %swap3A_533, %swap3A_534] {strides = array<i32>} : memref<8x3x640xf32, #tpu.memory_space<vmem>>, vector<16xf32>,
      tpu.vector_store %arg9[%swap3A_532, %swap3A_533, %swap3A_534], %gather3A_530 {strides = array<i32>} : memref<8x3x640xf32, #tpu.memory_space<vmem>>, vector<16xf32>,
      %mul3A_536 = arith.constant 5 : i32
      %mul3A_537 = arith.muli %scan3A_13, %mul3A_536 : i32
      %add3A_538 = arith.constant 2 : i32
      %add3A_539 = arith.addi %mul3A_537, %add3A_538 : i32
      %get3A_540 = arith.index_cast %add3A_539 : i32 to index
      %get3A_541 = arith.constant 80 : index
      %get3A_542 = tpu.vector_load %arg8[%get3A_540, %get3A_541] {strides = array<i32>} : memref<40x128xi32, #tpu.memory_space<vmem>>, vector<16xi32>,
      %gather3A_543 = tpu.vector_load_idx %arg5[%get3A_542] : memref<10240xf32, #tpu.memory_space<vmem>>[vector<16xi32>], vector<16xf32>,
      %swap3A_544 = arith.constant 0 : i32
      %swap3A_545 = arith.index_cast %scan3A_13 : i32 to index
      %swap3A_546 = arith.index_cast %swap3A_544 : i32 to index
      %swap3A_547 = arith.constant 336 : index
      %swap3A_548 = tpu.vector_load %arg9[%swap3A_545, %swap3A_546, %swap3A_547] {strides = array<i32>} : memref<8x3x640xf32, #tpu.memory_space<vmem>>, vector<16xf32>,
      tpu.vector_store %arg9[%swap3A_545, %swap3A_546, %swap3A_547], %gather3A_543 {strides = array<i32>} : memref<8x3x640xf32, #tpu.memory_space<vmem>>, vector<16xf32>,
      %gather3A_549 = tpu.vector_load_idx %arg6[%get3A_542] : memref<10240xf32, #tpu.memory_space<vmem>>[vector<16xi32>], vector<16xf32>,
      %swap3A_550 = arith.constant 1 : i32
      %swap3A_551 = arith.index_cast %scan3A_13 : i32 to index
      %swap3A_552 = arith.index_cast %swap3A_550 : i32 to index
      %swap3A_553 = arith.constant 336 : index
      %swap3A_554 = tpu.vector_load %arg9[%swap3A_551, %swap3A_552, %swap3A_553] {strides = array<i32>} : memref<8x3x640xf32, #tpu.memory_space<vmem>>, vector<16xf32>,
      tpu.vector_store %arg9[%swap3A_551, %swap3A_552, %swap3A_553], %gather3A_549 {strides = array<i32>} : memref<8x3x640xf32, #tpu.memory_space<vmem>>, vector<16xf32>,
      %gather3A_555 = tpu.vector_load_idx %arg7[%get3A_542] : memref<10240xf32, #tpu.memory_space<vmem>>[vector<16xi32>], vector<16xf32>,
      %swap3A_556 = arith.constant 2 : i32
      %swap3A_557 = arith.index_cast %scan3A_13 : i32 to index
      %swap3A_558 = arith.index_cast %swap3A_556 : i32 to index
      %swap3A_559 = arith.constant 336 : index
      %swap3A_560 = tpu.vector_load %arg9[%swap3A_557, %swap3A_558, %swap3A_559] {strides = array<i32>} : memref<8x3x640xf32, #tpu.memory_space<vmem>>, vector<16xf32>,
      tpu.vector_store %arg9[%swap3A_557, %swap3A_558, %swap3A_559], %gather3A_555 {strides = array<i32>} : memref<8x3x640xf32, #tpu.memory_space<vmem>>, vector<16xf32>,
      %mul3A_561 = arith.constant 5 : i32
      %mul3A_562 = arith.muli %scan3A_13, %mul3A_561 : i32
      %add3A_563 = arith.constant 2 : i32
      %add3A_564 = arith.addi %mul3A_562, %add3A_563 : i32
      %get3A_565 = arith.index_cast %add3A_564 : i32 to index
      %get3A_566 = arith.constant 96 : index
      %get3A_567 = tpu.vector_load %arg8[%get3A_565, %get3A_566] {strides = array<i32>} : memref<40x128xi32, #tpu.memory_space<vmem>>, vector<16xi32>,
      %gather3A_568 = tpu.vector_load_idx %arg5[%get3A_567] : memref<10240xf32, #tpu.memory_space<vmem>>[vector<16xi32>], vector<16xf32>,
      %swap3A_569 = arith.constant 0 : i32
      %swap3A_570 = arith.index_cast %scan3A_13 : i32 to index
      %swap3A_571 = arith.index_cast %swap3A_569 : i32 to index
      %swap3A_572 = arith.constant 352 : index
      %swap3A_573 = tpu.vector_load %arg9[%swap3A_570, %swap3A_571, %swap3A_572] {strides = array<i32>} : memref<8x3x640xf32, #tpu.memory_space<vmem>>, vector<16xf32>,
      tpu.vector_store %arg9[%swap3A_570, %swap3A_571, %swap3A_572], %gather3A_568 {strides = array<i32>} : memref<8x3x640xf32, #tpu.memory_space<vmem>>, vector<16xf32>,
      %gather3A_574 = tpu.vector_load_idx %arg6[%get3A_567] : memref<10240xf32, #tpu.memory_space<vmem>>[vector<16xi32>], vector<16xf32>,
      %swap3A_575 = arith.constant 1 : i32
      %swap3A_576 = arith.index_cast %scan3A_13 : i32 to index
      %swap3A_577 = arith.index_cast %swap3A_575 : i32 to index
      %swap3A_578 = arith.constant 352 : index
      %swap3A_579 = tpu.vector_load %arg9[%swap3A_576, %swap3A_577, %swap3A_578] {strides = array<i32>} : memref<8x3x640xf32, #tpu.memory_space<vmem>>, vector<16xf32>,
      tpu.vector_store %arg9[%swap3A_576, %swap3A_577, %swap3A_578], %gather3A_574 {strides = array<i32>} : memref<8x3x640xf32, #tpu.memory_space<vmem>>, vector<16xf32>,
      %gather3A_580 = tpu.vector_load_idx %arg7[%get3A_567] : memref<10240xf32, #tpu.memory_space<vmem>>[vector<16xi32>], vector<16xf32>,
      %swap3A_581 = arith.constant 2 : i32
      %swap3A_582 = arith.index_cast %scan3A_13 : i32 to index
      %swap3A_583 = arith.index_cast %swap3A_581 : i32 to index
      %swap3A_584 = arith.constant 352 : index
      %swap3A_585 = tpu.vector_load %arg9[%swap3A_582, %swap3A_583, %swap3A_584] {strides = array<i32>} : memref<8x3x640xf32, #tpu.memory_space<vmem>>, vector<16xf32>,
      tpu.vector_store %arg9[%swap3A_582, %swap3A_583, %swap3A_584], %gather3A_580 {strides = array<i32>} : memref<8x3x640xf32, #tpu.memory_space<vmem>>, vector<16xf32>,
      %mul3A_586 = arith.constant 5 : i32
      %mul3A_587 = arith.muli %scan3A_13, %mul3A_586 : i32
      %add3A_588 = arith.constant 2 : i32
      %add3A_589 = arith.addi %mul3A_587, %add3A_588 : i32
      %get3A_590 = arith.index_cast %add3A_589 : i32 to index
      %get3A_591 = arith.constant 112 : index
      %get3A_592 = tpu.vector_load %arg8[%get3A_590, %get3A_591] {strides = array<i32>} : memref<40x128xi32, #tpu.memory_space<vmem>>, vector<16xi32>,
      %gather3A_593 = tpu.vector_load_idx %arg5[%get3A_592] : memref<10240xf32, #tpu.memory_space<vmem>>[vector<16xi32>], vector<16xf32>,
      %swap3A_594 = arith.constant 0 : i32
      %swap3A_595 = arith.index_cast %scan3A_13 : i32 to index
      %swap3A_596 = arith.index_cast %swap3A_594 : i32 to index
      %swap3A_597 = arith.constant 368 : index
      %swap3A_598 = tpu.vector_load %arg9[%swap3A_595, %swap3A_596, %swap3A_597] {strides = array<i32>} : memref<8x3x640xf32, #tpu.memory_space<vmem>>, vector<16xf32>,
      tpu.vector_store %arg9[%swap3A_595, %swap3A_596, %swap3A_597], %gather3A_593 {strides = array<i32>} : memref<8x3x640xf32, #tpu.memory_space<vmem>>, vector<16xf32>,
      %gather3A_599 = tpu.vector_load_idx %arg6[%get3A_592] : memref<10240xf32, #tpu.memory_space<vmem>>[vector<16xi32>], vector<16xf32>,
      %swap3A_600 = arith.constant 1 : i32
      %swap3A_601 = arith.index_cast %scan3A_13 : i32 to index
      %swap3A_602 = arith.index_cast %swap3A_600 : i32 to index
      %swap3A_603 = arith.constant 368 : index
      %swap3A_604 = tpu.vector_load %arg9[%swap3A_601, %swap3A_602, %swap3A_603] {strides = array<i32>} : memref<8x3x640xf32, #tpu.memory_space<vmem>>, vector<16xf32>,
      tpu.vector_store %arg9[%swap3A_601, %swap3A_602, %swap3A_603], %gather3A_599 {strides = array<i32>} : memref<8x3x640xf32, #tpu.memory_space<vmem>>, vector<16xf32>,
      %gather3A_605 = tpu.vector_load_idx %arg7[%get3A_592] : memref<10240xf32, #tpu.memory_space<vmem>>[vector<16xi32>], vector<16xf32>,
      %swap3A_606 = arith.constant 2 : i32
      %swap3A_607 = arith.index_cast %scan3A_13 : i32 to index
      %swap3A_608 = arith.index_cast %swap3A_606 : i32 to index
      %swap3A_609 = arith.constant 368 : index
      %swap3A_610 = tpu.vector_load %arg9[%swap3A_607, %swap3A_608, %swap3A_609] {strides = array<i32>} : memref<8x3x640xf32, #tpu.memory_space<vmem>>, vector<16xf32>,
      tpu.vector_store %arg9[%swap3A_607, %swap3A_608, %swap3A_609], %gather3A_605 {strides = array<i32>} : memref<8x3x640xf32, #tpu.memory_space<vmem>>, vector<16xf32>,
      %mul3A_611 = arith.constant 5 : i32
      %mul3A_612 = arith.muli %scan3A_13, %mul3A_611 : i32
      %add3A_613 = arith.constant 3 : i32
      %add3A_614 = arith.addi %mul3A_612, %add3A_613 : i32
      %get3A_615 = arith.index_cast %add3A_614 : i32 to index
      %get3A_616 = arith.constant 0 : index
      %get3A_617 = tpu.vector_load %arg8[%get3A_615, %get3A_616] {strides = array<i32>} : memref<40x128xi32, #tpu.memory_space<vmem>>, vector<16xi32>,
      %gather3A_618 = tpu.vector_load_idx %arg5[%get3A_617] : memref<10240xf32, #tpu.memory_space<vmem>>[vector<16xi32>], vector<16xf32>,
      %swap3A_619 = arith.constant 0 : i32
      %swap3A_620 = arith.index_cast %scan3A_13 : i32 to index
      %swap3A_621 = arith.index_cast %swap3A_619 : i32 to index
      %swap3A_622 = arith.constant 384 : index
      %swap3A_623 = tpu.vector_load %arg9[%swap3A_620, %swap3A_621, %swap3A_622] {strides = array<i32>} : memref<8x3x640xf32, #tpu.memory_space<vmem>>, vector<16xf32>,
      tpu.vector_store %arg9[%swap3A_620, %swap3A_621, %swap3A_622], %gather3A_618 {strides = array<i32>} : memref<8x3x640xf32, #tpu.memory_space<vmem>>, vector<16xf32>,
      %gather3A_624 = tpu.vector_load_idx %arg6[%get3A_617] : memref<10240xf32, #tpu.memory_space<vmem>>[vector<16xi32>], vector<16xf32>,
      %swap3A_625 = arith.constant 1 : i32
      %swap3A_626 = arith.index_cast %scan3A_13 : i32 to index
      %swap3A_627 = arith.index_cast %swap3A_625 : i32 to index
      %swap3A_628 = arith.constant 384 : index
      %swap3A_629 = tpu.vector_load %arg9[%swap3A_626, %swap3A_627, %swap3A_628] {strides = array<i32>} : memref<8x3x640xf32, #tpu.memory_space<vmem>>, vector<16xf32>,
      tpu.vector_store %arg9[%swap3A_626, %swap3A_627, %swap3A_628], %gather3A_624 {strides = array<i32>} : memref<8x3x640xf32, #tpu.memory_space<vmem>>, vector<16xf32>,
      %gather3A_630 = tpu.vector_load_idx %arg7[%get3A_617] : memref<10240xf32, #tpu.memory_space<vmem>>[vector<16xi32>], vector<16xf32>,
      %swap3A_631 = arith.constant 2 : i32
      %swap3A_632 = arith.index_cast %scan3A_13 : i32 to index
      %swap3A_633 = arith.index_cast %swap3A_631 : i32 to index
      %swap3A_634 = arith.constant 384 : index
      %swap3A_635 = tpu.vector_load %arg9[%swap3A_632, %swap3A_633, %swap3A_634] {strides = array<i32>} : memref<8x3x640xf32, #tpu.memory_space<vmem>>, vector<16xf32>,
      tpu.vector_store %arg9[%swap3A_632, %swap3A_633, %swap3A_634], %gather3A_630 {strides = array<i32>} : memref<8x3x640xf32, #tpu.memory_space<vmem>>, vector<16xf32>,
      %mul3A_636 = arith.constant 5 : i32
      %mul3A_637 = arith.muli %scan3A_13, %mul3A_636 : i32
      %add3A_638 = arith.constant 3 : i32
      %add3A_639 = arith.addi %mul3A_637, %add3A_638 : i32
      %get3A_640 = arith.index_cast %add3A_639 : i32 to index
      %get3A_641 = arith.constant 16 : index
      %get3A_642 = tpu.vector_load %arg8[%get3A_640, %get3A_641] {strides = array<i32>} : memref<40x128xi32, #tpu.memory_space<vmem>>, vector<16xi32>,
      %gather3A_643 = tpu.vector_load_idx %arg5[%get3A_642] : memref<10240xf32, #tpu.memory_space<vmem>>[vector<16xi32>], vector<16xf32>,
      %swap3A_644 = arith.constant 0 : i32
      %swap3A_645 = arith.index_cast %scan3A_13 : i32 to index
      %swap3A_646 = arith.index_cast %swap3A_644 : i32 to index
      %swap3A_647 = arith.constant 400 : index
      %swap3A_648 = tpu.vector_load %arg9[%swap3A_645, %swap3A_646, %swap3A_647] {strides = array<i32>} : memref<8x3x640xf32, #tpu.memory_space<vmem>>, vector<16xf32>,
      tpu.vector_store %arg9[%swap3A_645, %swap3A_646, %swap3A_647], %gather3A_643 {strides = array<i32>} : memref<8x3x640xf32, #tpu.memory_space<vmem>>, vector<16xf32>,
      %gather3A_649 = tpu.vector_load_idx %arg6[%get3A_642] : memref<10240xf32, #tpu.memory_space<vmem>>[vector<16xi32>], vector<16xf32>,
      %swap3A_650 = arith.constant 1 : i32
      %swap3A_651 = arith.index_cast %scan3A_13 : i32 to index
      %swap3A_652 = arith.index_cast %swap3A_650 : i32 to index
      %swap3A_653 = arith.constant 400 : index
      %swap3A_654 = tpu.vector_load %arg9[%swap3A_651, %swap3A_652, %swap3A_653] {strides = array<i32>} : memref<8x3x640xf32, #tpu.memory_space<vmem>>, vector<16xf32>,
      tpu.vector_store %arg9[%swap3A_651, %swap3A_652, %swap3A_653], %gather3A_649 {strides = array<i32>} : memref<8x3x640xf32, #tpu.memory_space<vmem>>, vector<16xf32>,
      %gather3A_655 = tpu.vector_load_idx %arg7[%get3A_642] : memref<10240xf32, #tpu.memory_space<vmem>>[vector<16xi32>], vector<16xf32>,
      %swap3A_656 = arith.constant 2 : i32
      %swap3A_657 = arith.index_cast %scan3A_13 : i32 to index
      %swap3A_658 = arith.index_cast %swap3A_656 : i32 to index
      %swap3A_659 = arith.constant 400 : index
      %swap3A_660 = tpu.vector_load %arg9[%swap3A_657, %swap3A_658, %swap3A_659] {strides = array<i32>} : memref<8x3x640xf32, #tpu.memory_space<vmem>>, vector<16xf32>,
      tpu.vector_store %arg9[%swap3A_657, %swap3A_658, %swap3A_659], %gather3A_655 {strides = array<i32>} : memref<8x3x640xf32, #tpu.memory_space<vmem>>, vector<16xf32>,
      %mul3A_661 = arith.constant 5 : i32
      %mul3A_662 = arith.muli %scan3A_13, %mul3A_661 : i32
      %add3A_663 = arith.constant 3 : i32
      %add3A_664 = arith.addi %mul3A_662, %add3A_663 : i32
      %get3A_665 = arith.index_cast %add3A_664 : i32 to index
      %get3A_666 = arith.constant 32 : index
      %get3A_667 = tpu.vector_load %arg8[%get3A_665, %get3A_666] {strides = array<i32>} : memref<40x128xi32, #tpu.memory_space<vmem>>, vector<16xi32>,
      %gather3A_668 = tpu.vector_load_idx %arg5[%get3A_667] : memref<10240xf32, #tpu.memory_space<vmem>>[vector<16xi32>], vector<16xf32>,
      %swap3A_669 = arith.constant 0 : i32
      %swap3A_670 = arith.index_cast %scan3A_13 : i32 to index
      %swap3A_671 = arith.index_cast %swap3A_669 : i32 to index
      %swap3A_672 = arith.constant 416 : index
      %swap3A_673 = tpu.vector_load %arg9[%swap3A_670, %swap3A_671, %swap3A_672] {strides = array<i32>} : memref<8x3x640xf32, #tpu.memory_space<vmem>>, vector<16xf32>,
      tpu.vector_store %arg9[%swap3A_670, %swap3A_671, %swap3A_672], %gather3A_668 {strides = array<i32>} : memref<8x3x640xf32, #tpu.memory_space<vmem>>, vector<16xf32>,
      %gather3A_674 = tpu.vector_load_idx %arg6[%get3A_667] : memref<10240xf32, #tpu.memory_space<vmem>>[vector<16xi32>], vector<16xf32>,
      %swap3A_675 = arith.constant 1 : i32
      %swap3A_676 = arith.index_cast %scan3A_13 : i32 to index
      %swap3A_677 = arith.index_cast %swap3A_675 : i32 to index
      %swap3A_678 = arith.constant 416 : index
      %swap3A_679 = tpu.vector_load %arg9[%swap3A_676, %swap3A_677, %swap3A_678] {strides = array<i32>} : memref<8x3x640xf32, #tpu.memory_space<vmem>>, vector<16xf32>,
      tpu.vector_store %arg9[%swap3A_676, %swap3A_677, %swap3A_678], %gather3A_674 {strides = array<i32>} : memref<8x3x640xf32, #tpu.memory_space<vmem>>, vector<16xf32>,
      %gather3A_680 = tpu.vector_load_idx %arg7[%get3A_667] : memref<10240xf32, #tpu.memory_space<vmem>>[vector<16xi32>], vector<16xf32>,
      %swap3A_681 = arith.constant 2 : i32
      %swap3A_682 = arith.index_cast %scan3A_13 : i32 to index
      %swap3A_683 = arith.index_cast %swap3A_681 : i32 to index
      %swap3A_684 = arith.constant 416 : index
      %swap3A_685 = tpu.vector_load %arg9[%swap3A_682, %swap3A_683, %swap3A_684] {strides = array<i32>} : memref<8x3x640xf32, #tpu.memory_space<vmem>>, vector<16xf32>,
      tpu.vector_store %arg9[%swap3A_682, %swap3A_683, %swap3A_684], %gather3A_680 {strides = array<i32>} : memref<8x3x640xf32, #tpu.memory_space<vmem>>, vector<16xf32>,
      %mul3A_686 = arith.constant 5 : i32
      %mul3A_687 = arith.muli %scan3A_13, %mul3A_686 : i32
      %add3A_688 = arith.constant 3 : i32
      %add3A_689 = arith.addi %mul3A_687, %add3A_688 : i32
      %get3A_690 = arith.index_cast %add3A_689 : i32 to index
      %get3A_691 = arith.constant 48 : index
      %get3A_692 = tpu.vector_load %arg8[%get3A_690, %get3A_691] {strides = array<i32>} : memref<40x128xi32, #tpu.memory_space<vmem>>, vector<16xi32>,
      %gather3A_693 = tpu.vector_load_idx %arg5[%get3A_692] : memref<10240xf32, #tpu.memory_space<vmem>>[vector<16xi32>], vector<16xf32>,
      %swap3A_694 = arith.constant 0 : i32
      %swap3A_695 = arith.index_cast %scan3A_13 : i32 to index
      %swap3A_696 = arith.index_cast %swap3A_694 : i32 to index
      %swap3A_697 = arith.constant 432 : index
      %swap3A_698 = tpu.vector_load %arg9[%swap3A_695, %swap3A_696, %swap3A_697] {strides = array<i32>} : memref<8x3x640xf32, #tpu.memory_space<vmem>>, vector<16xf32>,
      tpu.vector_store %arg9[%swap3A_695, %swap3A_696, %swap3A_697], %gather3A_693 {strides = array<i32>} : memref<8x3x640xf32, #tpu.memory_space<vmem>>, vector<16xf32>,
      %gather3A_699 = tpu.vector_load_idx %arg6[%get3A_692] : memref<10240xf32, #tpu.memory_space<vmem>>[vector<16xi32>], vector<16xf32>,
      %swap3A_700 = arith.constant 1 : i32
      %swap3A_701 = arith.index_cast %scan3A_13 : i32 to index
      %swap3A_702 = arith.index_cast %swap3A_700 : i32 to index
      %swap3A_703 = arith.constant 432 : index
      %swap3A_704 = tpu.vector_load %arg9[%swap3A_701, %swap3A_702, %swap3A_703] {strides = array<i32>} : memref<8x3x640xf32, #tpu.memory_space<vmem>>, vector<16xf32>,
      tpu.vector_store %arg9[%swap3A_701, %swap3A_702, %swap3A_703], %gather3A_699 {strides = array<i32>} : memref<8x3x640xf32, #tpu.memory_space<vmem>>, vector<16xf32>,
      %gather3A_705 = tpu.vector_load_idx %arg7[%get3A_692] : memref<10240xf32, #tpu.memory_space<vmem>>[vector<16xi32>], vector<16xf32>,
      %swap3A_706 = arith.constant 2 : i32
      %swap3A_707 = arith.index_cast %scan3A_13 : i32 to index
      %swap3A_708 = arith.index_cast %swap3A_706 : i32 to index
      %swap3A_709 = arith.constant 432 : index
      %swap3A_710 = tpu.vector_load %arg9[%swap3A_707, %swap3A_708, %swap3A_709] {strides = array<i32>} : memref<8x3x640xf32, #tpu.memory_space<vmem>>, vector<16xf32>,
      tpu.vector_store %arg9[%swap3A_707, %swap3A_708, %swap3A_709], %gather3A_705 {strides = array<i32>} : memref<8x3x640xf32, #tpu.memory_space<vmem>>, vector<16xf32>,
      %mul3A_711 = arith.constant 5 : i32
      %mul3A_712 = arith.muli %scan3A_13, %mul3A_711 : i32
      %add3A_713 = arith.constant 3 : i32
      %add3A_714 = arith.addi %mul3A_712, %add3A_713 : i32
      %get3A_715 = arith.index_cast %add3A_714 : i32 to index
      %get3A_716 = arith.constant 64 : index
      %get3A_717 = tpu.vector_load %arg8[%get3A_715, %get3A_716] {strides = array<i32>} : memref<40x128xi32, #tpu.memory_space<vmem>>, vector<16xi32>,
      %gather3A_718 = tpu.vector_load_idx %arg5[%get3A_717] : memref<10240xf32, #tpu.memory_space<vmem>>[vector<16xi32>], vector<16xf32>,
      %swap3A_719 = arith.constant 0 : i32
      %swap3A_720 = arith.index_cast %scan3A_13 : i32 to index
      %swap3A_721 = arith.index_cast %swap3A_719 : i32 to index
      %swap3A_722 = arith.constant 448 : index
      %swap3A_723 = tpu.vector_load %arg9[%swap3A_720, %swap3A_721, %swap3A_722] {strides = array<i32>} : memref<8x3x640xf32, #tpu.memory_space<vmem>>, vector<16xf32>,
      tpu.vector_store %arg9[%swap3A_720, %swap3A_721, %swap3A_722], %gather3A_718 {strides = array<i32>} : memref<8x3x640xf32, #tpu.memory_space<vmem>>, vector<16xf32>,
      %gather3A_724 = tpu.vector_load_idx %arg6[%get3A_717] : memref<10240xf32, #tpu.memory_space<vmem>>[vector<16xi32>], vector<16xf32>,
      %swap3A_725 = arith.constant 1 : i32
      %swap3A_726 = arith.index_cast %scan3A_13 : i32 to index
      %swap3A_727 = arith.index_cast %swap3A_725 : i32 to index
      %swap3A_728 = arith.constant 448 : index
      %swap3A_729 = tpu.vector_load %arg9[%swap3A_726, %swap3A_727, %swap3A_728] {strides = array<i32>} : memref<8x3x640xf32, #tpu.memory_space<vmem>>, vector<16xf32>,
      tpu.vector_store %arg9[%swap3A_726, %swap3A_727, %swap3A_728], %gather3A_724 {strides = array<i32>} : memref<8x3x640xf32, #tpu.memory_space<vmem>>, vector<16xf32>,
      %gather3A_730 = tpu.vector_load_idx %arg7[%get3A_717] : memref<10240xf32, #tpu.memory_space<vmem>>[vector<16xi32>], vector<16xf32>,
      %swap3A_731 = arith.constant 2 : i32
      %swap3A_732 = arith.index_cast %scan3A_13 : i32 to index
      %swap3A_733 = arith.index_cast %swap3A_731 : i32 to index
      %swap3A_734 = arith.constant 448 : index
      %swap3A_735 = tpu.vector_load %arg9[%swap3A_732, %swap3A_733, %swap3A_734] {strides = array<i32>} : memref<8x3x640xf32, #tpu.memory_space<vmem>>, vector<16xf32>,
      tpu.vector_store %arg9[%swap3A_732, %swap3A_733, %swap3A_734], %gather3A_730 {strides = array<i32>} : memref<8x3x640xf32, #tpu.memory_space<vmem>>, vector<16xf32>,
      %mul3A_736 = arith.constant 5 : i32
      %mul3A_737 = arith.muli %scan3A_13, %mul3A_736 : i32
      %add3A_738 = arith.constant 3 : i32
      %add3A_739 = arith.addi %mul3A_737, %add3A_738 : i32
      %get3A_740 = arith.index_cast %add3A_739 : i32 to index
      %get3A_741 = arith.constant 80 : index
      %get3A_742 = tpu.vector_load %arg8[%get3A_740, %get3A_741] {strides = array<i32>} : memref<40x128xi32, #tpu.memory_space<vmem>>, vector<16xi32>,
      %gather3A_743 = tpu.vector_load_idx %arg5[%get3A_742] : memref<10240xf32, #tpu.memory_space<vmem>>[vector<16xi32>], vector<16xf32>,
      %swap3A_744 = arith.constant 0 : i32
      %swap3A_745 = arith.index_cast %scan3A_13 : i32 to index
      %swap3A_746 = arith.index_cast %swap3A_744 : i32 to index
      %swap3A_747 = arith.constant 464 : index
      %swap3A_748 = tpu.vector_load %arg9[%swap3A_745, %swap3A_746, %swap3A_747] {strides = array<i32>} : memref<8x3x640xf32, #tpu.memory_space<vmem>>, vector<16xf32>,
      tpu.vector_store %arg9[%swap3A_745, %swap3A_746, %swap3A_747], %gather3A_743 {strides = array<i32>} : memref<8x3x640xf32, #tpu.memory_space<vmem>>, vector<16xf32>,
      %gather3A_749 = tpu.vector_load_idx %arg6[%get3A_742] : memref<10240xf32, #tpu.memory_space<vmem>>[vector<16xi32>], vector<16xf32>,
      %swap3A_750 = arith.constant 1 : i32
      %swap3A_751 = arith.index_cast %scan3A_13 : i32 to index
      %swap3A_752 = arith.index_cast %swap3A_750 : i32 to index
      %swap3A_753 = arith.constant 464 : index
      %swap3A_754 = tpu.vector_load %arg9[%swap3A_751, %swap3A_752, %swap3A_753] {strides = array<i32>} : memref<8x3x640xf32, #tpu.memory_space<vmem>>, vector<16xf32>,
      tpu.vector_store %arg9[%swap3A_751, %swap3A_752, %swap3A_753], %gather3A_749 {strides = array<i32>} : memref<8x3x640xf32, #tpu.memory_space<vmem>>, vector<16xf32>,
      %gather3A_755 = tpu.vector_load_idx %arg7[%get3A_742] : memref<10240xf32, #tpu.memory_space<vmem>>[vector<16xi32>], vector<16xf32>,
      %swap3A_756 = arith.constant 2 : i32
      %swap3A_757 = arith.index_cast %scan3A_13 : i32 to index
      %swap3A_758 = arith.index_cast %swap3A_756 : i32 to index
      %swap3A_759 = arith.constant 464 : index
      %swap3A_760 = tpu.vector_load %arg9[%swap3A_757, %swap3A_758, %swap3A_759] {strides = array<i32>} : memref<8x3x640xf32, #tpu.memory_space<vmem>>, vector<16xf32>,
      tpu.vector_store %arg9[%swap3A_757, %swap3A_758, %swap3A_759], %gather3A_755 {strides = array<i32>} : memref<8x3x640xf32, #tpu.memory_space<vmem>>, vector<16xf32>,
      %mul3A_761 = arith.constant 5 : i32
      %mul3A_762 = arith.muli %scan3A_13, %mul3A_761 : i32
      %add3A_763 = arith.constant 3 : i32
      %add3A_764 = arith.addi %mul3A_762, %add3A_763 : i32
      %get3A_765 = arith.index_cast %add3A_764 : i32 to index
      %get3A_766 = arith.constant 96 : index
      %get3A_767 = tpu.vector_load %arg8[%get3A_765, %get3A_766] {strides = array<i32>} : memref<40x128xi32, #tpu.memory_space<vmem>>, vector<16xi32>,
      %gather3A_768 = tpu.vector_load_idx %arg5[%get3A_767] : memref<10240xf32, #tpu.memory_space<vmem>>[vector<16xi32>], vector<16xf32>,
      %swap3A_769 = arith.constant 0 : i32
      %swap3A_770 = arith.index_cast %scan3A_13 : i32 to index
      %swap3A_771 = arith.index_cast %swap3A_769 : i32 to index
      %swap3A_772 = arith.constant 480 : index
      %swap3A_773 = tpu.vector_load %arg9[%swap3A_770, %swap3A_771, %swap3A_772] {strides = array<i32>} : memref<8x3x640xf32, #tpu.memory_space<vmem>>, vector<16xf32>,
      tpu.vector_store %arg9[%swap3A_770, %swap3A_771, %swap3A_772], %gather3A_768 {strides = array<i32>} : memref<8x3x640xf32, #tpu.memory_space<vmem>>, vector<16xf32>,
      %gather3A_774 = tpu.vector_load_idx %arg6[%get3A_767] : memref<10240xf32, #tpu.memory_space<vmem>>[vector<16xi32>], vector<16xf32>,
      %swap3A_775 = arith.constant 1 : i32
      %swap3A_776 = arith.index_cast %scan3A_13 : i32 to index
      %swap3A_777 = arith.index_cast %swap3A_775 : i32 to index
      %swap3A_778 = arith.constant 480 : index
      %swap3A_779 = tpu.vector_load %arg9[%swap3A_776, %swap3A_777, %swap3A_778] {strides = array<i32>} : memref<8x3x640xf32, #tpu.memory_space<vmem>>, vector<16xf32>,
      tpu.vector_store %arg9[%swap3A_776, %swap3A_777, %swap3A_778], %gather3A_774 {strides = array<i32>} : memref<8x3x640xf32, #tpu.memory_space<vmem>>, vector<16xf32>,
      %gather3A_780 = tpu.vector_load_idx %arg7[%get3A_767] : memref<10240xf32, #tpu.memory_space<vmem>>[vector<16xi32>], vector<16xf32>,
      %swap3A_781 = arith.constant 2 : i32
      %swap3A_782 = arith.index_cast %scan3A_13 : i32 to index
      %swap3A_783 = arith.index_cast %swap3A_781 : i32 to index
      %swap3A_784 = arith.constant 480 : index
      %swap3A_785 = tpu.vector_load %arg9[%swap3A_782, %swap3A_783, %swap3A_784] {strides = array<i32>} : memref<8x3x640xf32, #tpu.memory_space<vmem>>, vector<16xf32>,
      tpu.vector_store %arg9[%swap3A_782, %swap3A_783, %swap3A_784], %gather3A_780 {strides = array<i32>} : memref<8x3x640xf32, #tpu.memory_space<vmem>>, vector<16xf32>,
      %mul3A_786 = arith.constant 5 : i32
      %mul3A_787 = arith.muli %scan3A_13, %mul3A_786 : i32
      %add3A_788 = arith.constant 3 : i32
      %add3A_789 = arith.addi %mul3A_787, %add3A_788 : i32
      %get3A_790 = arith.index_cast %add3A_789 : i32 to index
      %get3A_791 = arith.constant 112 : index
      %get3A_792 = tpu.vector_load %arg8[%get3A_790, %get3A_791] {strides = array<i32>} : memref<40x128xi32, #tpu.memory_space<vmem>>, vector<16xi32>,
      %gather3A_793 = tpu.vector_load_idx %arg5[%get3A_792] : memref<10240xf32, #tpu.memory_space<vmem>>[vector<16xi32>], vector<16xf32>,
      %swap3A_794 = arith.constant 0 : i32
      %swap3A_795 = arith.index_cast %scan3A_13 : i32 to index
      %swap3A_796 = arith.index_cast %swap3A_794 : i32 to index
      %swap3A_797 = arith.constant 496 : index
      %swap3A_798 = tpu.vector_load %arg9[%swap3A_795, %swap3A_796, %swap3A_797] {strides = array<i32>} : memref<8x3x640xf32, #tpu.memory_space<vmem>>, vector<16xf32>,
      tpu.vector_store %arg9[%swap3A_795, %swap3A_796, %swap3A_797], %gather3A_793 {strides = array<i32>} : memref<8x3x640xf32, #tpu.memory_space<vmem>>, vector<16xf32>,
      %gather3A_799 = tpu.vector_load_idx %arg6[%get3A_792] : memref<10240xf32, #tpu.memory_space<vmem>>[vector<16xi32>], vector<16xf32>,
      %swap3A_800 = arith.constant 1 : i32
      %swap3A_801 = arith.index_cast %scan3A_13 : i32 to index
      %swap3A_802 = arith.index_cast %swap3A_800 : i32 to index
      %swap3A_803 = arith.constant 496 : index
      %swap3A_804 = tpu.vector_load %arg9[%swap3A_801, %swap3A_802, %swap3A_803] {strides = array<i32>} : memref<8x3x640xf32, #tpu.memory_space<vmem>>, vector<16xf32>,
      tpu.vector_store %arg9[%swap3A_801, %swap3A_802, %swap3A_803], %gather3A_799 {strides = array<i32>} : memref<8x3x640xf32, #tpu.memory_space<vmem>>, vector<16xf32>,
      %gather3A_805 = tpu.vector_load_idx %arg7[%get3A_792] : memref<10240xf32, #tpu.memory_space<vmem>>[vector<16xi32>], vector<16xf32>,
      %swap3A_806 = arith.constant 2 : i32
      %swap3A_807 = arith.index_cast %scan3A_13 : i32 to index
      %swap3A_808 = arith.index_cast %swap3A_806 : i32 to index
      %swap3A_809 = arith.constant 496 : index
      %swap3A_810 = tpu.vector_load %arg9[%swap3A_807, %swap3A_808, %swap3A_809] {strides = array<i32>} : memref<8x3x640xf32, #tpu.memory_space<vmem>>, vector<16xf32>,
      tpu.vector_store %arg9[%swap3A_807, %swap3A_808, %swap3A_809], %gather3A_805 {strides = array<i32>} : memref<8x3x640xf32, #tpu.memory_space<vmem>>, vector<16xf32>,
      %mul3A_811 = arith.constant 5 : i32
      %mul3A_812 = arith.muli %scan3A_13, %mul3A_811 : i32
      %add3A_813 = arith.constant 4 : i32
      %add3A_814 = arith.addi %mul3A_812, %add3A_813 : i32
      %get3A_815 = arith.index_cast %add3A_814 : i32 to index
      %get3A_816 = arith.constant 0 : index
      %get3A_817 = tpu.vector_load %arg8[%get3A_815, %get3A_816] {strides = array<i32>} : memref<40x128xi32, #tpu.memory_space<vmem>>, vector<16xi32>,
      %gather3A_818 = tpu.vector_load_idx %arg5[%get3A_817] : memref<10240xf32, #tpu.memory_space<vmem>>[vector<16xi32>], vector<16xf32>,
      %swap3A_819 = arith.constant 0 : i32
      %swap3A_820 = arith.index_cast %scan3A_13 : i32 to index
      %swap3A_821 = arith.index_cast %swap3A_819 : i32 to index
      %swap3A_822 = arith.constant 512 : index
      %swap3A_823 = tpu.vector_load %arg9[%swap3A_820, %swap3A_821, %swap3A_822] {strides = array<i32>} : memref<8x3x640xf32, #tpu.memory_space<vmem>>, vector<16xf32>,
      tpu.vector_store %arg9[%swap3A_820, %swap3A_821, %swap3A_822], %gather3A_818 {strides = array<i32>} : memref<8x3x640xf32, #tpu.memory_space<vmem>>, vector<16xf32>,
      %gather3A_824 = tpu.vector_load_idx %arg6[%get3A_817] : memref<10240xf32, #tpu.memory_space<vmem>>[vector<16xi32>], vector<16xf32>,
      %swap3A_825 = arith.constant 1 : i32
      %swap3A_826 = arith.index_cast %scan3A_13 : i32 to index
      %swap3A_827 = arith.index_cast %swap3A_825 : i32 to index
      %swap3A_828 = arith.constant 512 : index
      %swap3A_829 = tpu.vector_load %arg9[%swap3A_826, %swap3A_827, %swap3A_828] {strides = array<i32>} : memref<8x3x640xf32, #tpu.memory_space<vmem>>, vector<16xf32>,
      tpu.vector_store %arg9[%swap3A_826, %swap3A_827, %swap3A_828], %gather3A_824 {strides = array<i32>} : memref<8x3x640xf32, #tpu.memory_space<vmem>>, vector<16xf32>,
      %gather3A_830 = tpu.vector_load_idx %arg7[%get3A_817] : memref<10240xf32, #tpu.memory_space<vmem>>[vector<16xi32>], vector<16xf32>,
      %swap3A_831 = arith.constant 2 : i32
      %swap3A_832 = arith.index_cast %scan3A_13 : i32 to index
      %swap3A_833 = arith.index_cast %swap3A_831 : i32 to index
      %swap3A_834 = arith.constant 512 : index
      %swap3A_835 = tpu.vector_load %arg9[%swap3A_832, %swap3A_833, %swap3A_834] {strides = array<i32>} : memref<8x3x640xf32, #tpu.memory_space<vmem>>, vector<16xf32>,
      tpu.vector_store %arg9[%swap3A_832, %swap3A_833, %swap3A_834], %gather3A_830 {strides = array<i32>} : memref<8x3x640xf32, #tpu.memory_space<vmem>>, vector<16xf32>,
      %mul3A_836 = arith.constant 5 : i32
      %mul3A_837 = arith.muli %scan3A_13, %mul3A_836 : i32
      %add3A_838 = arith.constant 4 : i32
      %add3A_839 = arith.addi %mul3A_837, %add3A_838 : i32
      %get3A_840 = arith.index_cast %add3A_839 : i32 to index
      %get3A_841 = arith.constant 16 : index
      %get3A_842 = tpu.vector_load %arg8[%get3A_840, %get3A_841] {strides = array<i32>} : memref<40x128xi32, #tpu.memory_space<vmem>>, vector<16xi32>,
      %gather3A_843 = tpu.vector_load_idx %arg5[%get3A_842] : memref<10240xf32, #tpu.memory_space<vmem>>[vector<16xi32>], vector<16xf32>,
      %swap3A_844 = arith.constant 0 : i32
      %swap3A_845 = arith.index_cast %scan3A_13 : i32 to index
      %swap3A_846 = arith.index_cast %swap3A_844 : i32 to index
      %swap3A_847 = arith.constant 528 : index
      %swap3A_848 = tpu.vector_load %arg9[%swap3A_845, %swap3A_846, %swap3A_847] {strides = array<i32>} : memref<8x3x640xf32, #tpu.memory_space<vmem>>, vector<16xf32>,
      tpu.vector_store %arg9[%swap3A_845, %swap3A_846, %swap3A_847], %gather3A_843 {strides = array<i32>} : memref<8x3x640xf32, #tpu.memory_space<vmem>>, vector<16xf32>,
      %gather3A_849 = tpu.vector_load_idx %arg6[%get3A_842] : memref<10240xf32, #tpu.memory_space<vmem>>[vector<16xi32>], vector<16xf32>,
      %swap3A_850 = arith.constant 1 : i32
      %swap3A_851 = arith.index_cast %scan3A_13 : i32 to index
      %swap3A_852 = arith.index_cast %swap3A_850 : i32 to index
      %swap3A_853 = arith.constant 528 : index
      %swap3A_854 = tpu.vector_load %arg9[%swap3A_851, %swap3A_852, %swap3A_853] {strides = array<i32>} : memref<8x3x640xf32, #tpu.memory_space<vmem>>, vector<16xf32>,
      tpu.vector_store %arg9[%swap3A_851, %swap3A_852, %swap3A_853], %gather3A_849 {strides = array<i32>} : memref<8x3x640xf32, #tpu.memory_space<vmem>>, vector<16xf32>,
      %gather3A_855 = tpu.vector_load_idx %arg7[%get3A_842] : memref<10240xf32, #tpu.memory_space<vmem>>[vector<16xi32>], vector<16xf32>,
      %swap3A_856 = arith.constant 2 : i32
      %swap3A_857 = arith.index_cast %scan3A_13 : i32 to index
      %swap3A_858 = arith.index_cast %swap3A_856 : i32 to index
      %swap3A_859 = arith.constant 528 : index
      %swap3A_860 = tpu.vector_load %arg9[%swap3A_857, %swap3A_858, %swap3A_859] {strides = array<i32>} : memref<8x3x640xf32, #tpu.memory_space<vmem>>, vector<16xf32>,
      tpu.vector_store %arg9[%swap3A_857, %swap3A_858, %swap3A_859], %gather3A_855 {strides = array<i32>} : memref<8x3x640xf32, #tpu.memory_space<vmem>>, vector<16xf32>,
      %mul3A_861 = arith.constant 5 : i32
      %mul3A_862 = arith.muli %scan3A_13, %mul3A_861 : i32
      %add3A_863 = arith.constant 4 : i32
      %add3A_864 = arith.addi %mul3A_862, %add3A_863 : i32
      %get3A_865 = arith.index_cast %add3A_864 : i32 to index
      %get3A_866 = arith.constant 32 : index
      %get3A_867 = tpu.vector_load %arg8[%get3A_865, %get3A_866] {strides = array<i32>} : memref<40x128xi32, #tpu.memory_space<vmem>>, vector<16xi32>,
      %gather3A_868 = tpu.vector_load_idx %arg5[%get3A_867] : memref<10240xf32, #tpu.memory_space<vmem>>[vector<16xi32>], vector<16xf32>,
      %swap3A_869 = arith.constant 0 : i32
      %swap3A_870 = arith.index_cast %scan3A_13 : i32 to index
      %swap3A_871 = arith.index_cast %swap3A_869 : i32 to index
      %swap3A_872 = arith.constant 544 : index
      %swap3A_873 = tpu.vector_load %arg9[%swap3A_870, %swap3A_871, %swap3A_872] {strides = array<i32>} : memref<8x3x640xf32, #tpu.memory_space<vmem>>, vector<16xf32>,
      tpu.vector_store %arg9[%swap3A_870, %swap3A_871, %swap3A_872], %gather3A_868 {strides = array<i32>} : memref<8x3x640xf32, #tpu.memory_space<vmem>>, vector<16xf32>,
      %gather3A_874 = tpu.vector_load_idx %arg6[%get3A_867] : memref<10240xf32, #tpu.memory_space<vmem>>[vector<16xi32>], vector<16xf32>,
      %swap3A_875 = arith.constant 1 : i32
      %swap3A_876 = arith.index_cast %scan3A_13 : i32 to index
      %swap3A_877 = arith.index_cast %swap3A_875 : i32 to index
      %swap3A_878 = arith.constant 544 : index
      %swap3A_879 = tpu.vector_load %arg9[%swap3A_876, %swap3A_877, %swap3A_878] {strides = array<i32>} : memref<8x3x640xf32, #tpu.memory_space<vmem>>, vector<16xf32>,
      tpu.vector_store %arg9[%swap3A_876, %swap3A_877, %swap3A_878], %gather3A_874 {strides = array<i32>} : memref<8x3x640xf32, #tpu.memory_space<vmem>>, vector<16xf32>,
      %gather3A_880 = tpu.vector_load_idx %arg7[%get3A_867] : memref<10240xf32, #tpu.memory_space<vmem>>[vector<16xi32>], vector<16xf32>,
      %swap3A_881 = arith.constant 2 : i32
      %swap3A_882 = arith.index_cast %scan3A_13 : i32 to index
      %swap3A_883 = arith.index_cast %swap3A_881 : i32 to index
      %swap3A_884 = arith.constant 544 : index
      %swap3A_885 = tpu.vector_load %arg9[%swap3A_882, %swap3A_883, %swap3A_884] {strides = array<i32>} : memref<8x3x640xf32, #tpu.memory_space<vmem>>, vector<16xf32>,
      tpu.vector_store %arg9[%swap3A_882, %swap3A_883, %swap3A_884], %gather3A_880 {strides = array<i32>} : memref<8x3x640xf32, #tpu.memory_space<vmem>>, vector<16xf32>,
      %mul3A_886 = arith.constant 5 : i32
      %mul3A_887 = arith.muli %scan3A_13, %mul3A_886 : i32
      %add3A_888 = arith.constant 4 : i32
      %add3A_889 = arith.addi %mul3A_887, %add3A_888 : i32
      %get3A_890 = arith.index_cast %add3A_889 : i32 to index
      %get3A_891 = arith.constant 48 : index
      %get3A_892 = tpu.vector_load %arg8[%get3A_890, %get3A_891] {strides = array<i32>} : memref<40x128xi32, #tpu.memory_space<vmem>>, vector<16xi32>,
      %gather3A_893 = tpu.vector_load_idx %arg5[%get3A_892] : memref<10240xf32, #tpu.memory_space<vmem>>[vector<16xi32>], vector<16xf32>,
      %swap3A_894 = arith.constant 0 : i32
      %swap3A_895 = arith.index_cast %scan3A_13 : i32 to index
      %swap3A_896 = arith.index_cast %swap3A_894 : i32 to index
      %swap3A_897 = arith.constant 560 : index
      %swap3A_898 = tpu.vector_load %arg9[%swap3A_895, %swap3A_896, %swap3A_897] {strides = array<i32>} : memref<8x3x640xf32, #tpu.memory_space<vmem>>, vector<16xf32>,
      tpu.vector_store %arg9[%swap3A_895, %swap3A_896, %swap3A_897], %gather3A_893 {strides = array<i32>} : memref<8x3x640xf32, #tpu.memory_space<vmem>>, vector<16xf32>,
      %gather3A_899 = tpu.vector_load_idx %arg6[%get3A_892] : memref<10240xf32, #tpu.memory_space<vmem>>[vector<16xi32>], vector<16xf32>,
      %swap3A_900 = arith.constant 1 : i32
      %swap3A_901 = arith.index_cast %scan3A_13 : i32 to index
      %swap3A_902 = arith.index_cast %swap3A_900 : i32 to index
      %swap3A_903 = arith.constant 560 : index
      %swap3A_904 = tpu.vector_load %arg9[%swap3A_901, %swap3A_902, %swap3A_903] {strides = array<i32>} : memref<8x3x640xf32, #tpu.memory_space<vmem>>, vector<16xf32>,
      tpu.vector_store %arg9[%swap3A_901, %swap3A_902, %swap3A_903], %gather3A_899 {strides = array<i32>} : memref<8x3x640xf32, #tpu.memory_space<vmem>>, vector<16xf32>,
      %gather3A_905 = tpu.vector_load_idx %arg7[%get3A_892] : memref<10240xf32, #tpu.memory_space<vmem>>[vector<16xi32>], vector<16xf32>,
      %swap3A_906 = arith.constant 2 : i32
      %swap3A_907 = arith.index_cast %scan3A_13 : i32 to index
      %swap3A_908 = arith.index_cast %swap3A_906 : i32 to index
      %swap3A_909 = arith.constant 560 : index
      %swap3A_910 = tpu.vector_load %arg9[%swap3A_907, %swap3A_908, %swap3A_909] {strides = array<i32>} : memref<8x3x640xf32, #tpu.memory_space<vmem>>, vector<16xf32>,
      tpu.vector_store %arg9[%swap3A_907, %swap3A_908, %swap3A_909], %gather3A_905 {strides = array<i32>} : memref<8x3x640xf32, #tpu.memory_space<vmem>>, vector<16xf32>,
      %mul3A_911 = arith.constant 5 : i32
      %mul3A_912 = arith.muli %scan3A_13, %mul3A_911 : i32
      %add3A_913 = arith.constant 4 : i32
      %add3A_914 = arith.addi %mul3A_912, %add3A_913 : i32
      %get3A_915 = arith.index_cast %add3A_914 : i32 to index
      %get3A_916 = arith.constant 64 : index
      %get3A_917 = tpu.vector_load %arg8[%get3A_915, %get3A_916] {strides = array<i32>} : memref<40x128xi32, #tpu.memory_space<vmem>>, vector<16xi32>,
      %gather3A_918 = tpu.vector_load_idx %arg5[%get3A_917] : memref<10240xf32, #tpu.memory_space<vmem>>[vector<16xi32>], vector<16xf32>,
      %swap3A_919 = arith.constant 0 : i32
      %swap3A_920 = arith.index_cast %scan3A_13 : i32 to index
      %swap3A_921 = arith.index_cast %swap3A_919 : i32 to index
      %swap3A_922 = arith.constant 576 : index
      %swap3A_923 = tpu.vector_load %arg9[%swap3A_920, %swap3A_921, %swap3A_922] {strides = array<i32>} : memref<8x3x640xf32, #tpu.memory_space<vmem>>, vector<16xf32>,
      tpu.vector_store %arg9[%swap3A_920, %swap3A_921, %swap3A_922], %gather3A_918 {strides = array<i32>} : memref<8x3x640xf32, #tpu.memory_space<vmem>>, vector<16xf32>,
      %gather3A_924 = tpu.vector_load_idx %arg6[%get3A_917] : memref<10240xf32, #tpu.memory_space<vmem>>[vector<16xi32>], vector<16xf32>,
      %swap3A_925 = arith.constant 1 : i32
      %swap3A_926 = arith.index_cast %scan3A_13 : i32 to index
      %swap3A_927 = arith.index_cast %swap3A_925 : i32 to index
      %swap3A_928 = arith.constant 576 : index
      %swap3A_929 = tpu.vector_load %arg9[%swap3A_926, %swap3A_927, %swap3A_928] {strides = array<i32>} : memref<8x3x640xf32, #tpu.memory_space<vmem>>, vector<16xf32>,
      tpu.vector_store %arg9[%swap3A_926, %swap3A_927, %swap3A_928], %gather3A_924 {strides = array<i32>} : memref<8x3x640xf32, #tpu.memory_space<vmem>>, vector<16xf32>,
      %gather3A_930 = tpu.vector_load_idx %arg7[%get3A_917] : memref<10240xf32, #tpu.memory_space<vmem>>[vector<16xi32>], vector<16xf32>,
      %swap3A_931 = arith.constant 2 : i32
      %swap3A_932 = arith.index_cast %scan3A_13 : i32 to index
      %swap3A_933 = arith.index_cast %swap3A_931 : i32 to index
      %swap3A_934 = arith.constant 576 : index
      %swap3A_935 = tpu.vector_load %arg9[%swap3A_932, %swap3A_933, %swap3A_934] {strides = array<i32>} : memref<8x3x640xf32, #tpu.memory_space<vmem>>, vector<16xf32>,
      tpu.vector_store %arg9[%swap3A_932, %swap3A_933, %swap3A_934], %gather3A_930 {strides = array<i32>} : memref<8x3x640xf32, #tpu.memory_space<vmem>>, vector<16xf32>,
      %mul3A_936 = arith.constant 5 : i32
      %mul3A_937 = arith.muli %scan3A_13, %mul3A_936 : i32
      %add3A_938 = arith.constant 4 : i32
      %add3A_939 = arith.addi %mul3A_937, %add3A_938 : i32
      %get3A_940 = arith.index_cast %add3A_939 : i32 to index
      %get3A_941 = arith.constant 80 : index
      %get3A_942 = tpu.vector_load %arg8[%get3A_940, %get3A_941] {strides = array<i32>} : memref<40x128xi32, #tpu.memory_space<vmem>>, vector<16xi32>,
      %gather3A_943 = tpu.vector_load_idx %arg5[%get3A_942] : memref<10240xf32, #tpu.memory_space<vmem>>[vector<16xi32>], vector<16xf32>,
      %swap3A_944 = arith.constant 0 : i32
      %swap3A_945 = arith.index_cast %scan3A_13 : i32 to index
      %swap3A_946 = arith.index_cast %swap3A_944 : i32 to index
      %swap3A_947 = arith.constant 592 : index
      %swap3A_948 = tpu.vector_load %arg9[%swap3A_945, %swap3A_946, %swap3A_947] {strides = array<i32>} : memref<8x3x640xf32, #tpu.memory_space<vmem>>, vector<16xf32>,
      tpu.vector_store %arg9[%swap3A_945, %swap3A_946, %swap3A_947], %gather3A_943 {strides = array<i32>} : memref<8x3x640xf32, #tpu.memory_space<vmem>>, vector<16xf32>,
      %gather3A_949 = tpu.vector_load_idx %arg6[%get3A_942] : memref<10240xf32, #tpu.memory_space<vmem>>[vector<16xi32>], vector<16xf32>,
      %swap3A_950 = arith.constant 1 : i32
      %swap3A_951 = arith.index_cast %scan3A_13 : i32 to index
      %swap3A_952 = arith.index_cast %swap3A_950 : i32 to index
      %swap3A_953 = arith.constant 592 : index
      %swap3A_954 = tpu.vector_load %arg9[%swap3A_951, %swap3A_952, %swap3A_953] {strides = array<i32>} : memref<8x3x640xf32, #tpu.memory_space<vmem>>, vector<16xf32>,
      tpu.vector_store %arg9[%swap3A_951, %swap3A_952, %swap3A_953], %gather3A_949 {strides = array<i32>} : memref<8x3x640xf32, #tpu.memory_space<vmem>>, vector<16xf32>,
      %gather3A_955 = tpu.vector_load_idx %arg7[%get3A_942] : memref<10240xf32, #tpu.memory_space<vmem>>[vector<16xi32>], vector<16xf32>,
      %swap3A_956 = arith.constant 2 : i32
      %swap3A_957 = arith.index_cast %scan3A_13 : i32 to index
      %swap3A_958 = arith.index_cast %swap3A_956 : i32 to index
      %swap3A_959 = arith.constant 592 : index
      %swap3A_960 = tpu.vector_load %arg9[%swap3A_957, %swap3A_958, %swap3A_959] {strides = array<i32>} : memref<8x3x640xf32, #tpu.memory_space<vmem>>, vector<16xf32>,
      tpu.vector_store %arg9[%swap3A_957, %swap3A_958, %swap3A_959], %gather3A_955 {strides = array<i32>} : memref<8x3x640xf32, #tpu.memory_space<vmem>>, vector<16xf32>,
      %mul3A_961 = arith.constant 5 : i32
      %mul3A_962 = arith.muli %scan3A_13, %mul3A_961 : i32
      %add3A_963 = arith.constant 4 : i32
      %add3A_964 = arith.addi %mul3A_962, %add3A_963 : i32
      %get3A_965 = arith.index_cast %add3A_964 : i32 to index
      %get3A_966 = arith.constant 96 : index
      %get3A_967 = tpu.vector_load %arg8[%get3A_965, %get3A_966] {strides = array<i32>} : memref<40x128xi32, #tpu.memory_space<vmem>>, vector<16xi32>,
      %gather3A_968 = tpu.vector_load_idx %arg5[%get3A_967] : memref<10240xf32, #tpu.memory_space<vmem>>[vector<16xi32>], vector<16xf32>,
      %swap3A_969 = arith.constant 0 : i32
      %swap3A_970 = arith.index_cast %scan3A_13 : i32 to index
      %swap3A_971 = arith.index_cast %swap3A_969 : i32 to index
      %swap3A_972 = arith.constant 608 : index
      %swap3A_973 = tpu.vector_load %arg9[%swap3A_970, %swap3A_971, %swap3A_972] {strides = array<i32>} : memref<8x3x640xf32, #tpu.memory_space<vmem>>, vector<16xf32>,
      tpu.vector_store %arg9[%swap3A_970, %swap3A_971, %swap3A_972], %gather3A_968 {strides = array<i32>} : memref<8x3x640xf32, #tpu.memory_space<vmem>>, vector<16xf32>,
      %gather3A_974 = tpu.vector_load_idx %arg6[%get3A_967] : memref<10240xf32, #tpu.memory_space<vmem>>[vector<16xi32>], vector<16xf32>,
      %swap3A_975 = arith.constant 1 : i32
      %swap3A_976 = arith.index_cast %scan3A_13 : i32 to index
      %swap3A_977 = arith.index_cast %swap3A_975 : i32 to index
      %swap3A_978 = arith.constant 608 : index
      %swap3A_979 = tpu.vector_load %arg9[%swap3A_976, %swap3A_977, %swap3A_978] {strides = array<i32>} : memref<8x3x640xf32, #tpu.memory_space<vmem>>, vector<16xf32>,
      tpu.vector_store %arg9[%swap3A_976, %swap3A_977, %swap3A_978], %gather3A_974 {strides = array<i32>} : memref<8x3x640xf32, #tpu.memory_space<vmem>>, vector<16xf32>,
      %gather3A_980 = tpu.vector_load_idx %arg7[%get3A_967] : memref<10240xf32, #tpu.memory_space<vmem>>[vector<16xi32>], vector<16xf32>,
      %swap3A_981 = arith.constant 2 : i32
      %swap3A_982 = arith.index_cast %scan3A_13 : i32 to index
      %swap3A_983 = arith.index_cast %swap3A_981 : i32 to index
      %swap3A_984 = arith.constant 608 : index
      %swap3A_985 = tpu.vector_load %arg9[%swap3A_982, %swap3A_983, %swap3A_984] {strides = array<i32>} : memref<8x3x640xf32, #tpu.memory_space<vmem>>, vector<16xf32>,
      tpu.vector_store %arg9[%swap3A_982, %swap3A_983, %swap3A_984], %gather3A_980 {strides = array<i32>} : memref<8x3x640xf32, #tpu.memory_space<vmem>>, vector<16xf32>,
      %mul3A_986 = arith.constant 5 : i32
      %mul3A_987 = arith.muli %scan3A_13, %mul3A_986 : i32
      %add3A_988 = arith.constant 4 : i32
      %add3A_989 = arith.addi %mul3A_987, %add3A_988 : i32
      %get3A_990 = arith.index_cast %add3A_989 : i32 to index
      %get3A_991 = arith.constant 112 : index
      %get3A_992 = tpu.vector_load %arg8[%get3A_990, %get3A_991] {strides = array<i32>} : memref<40x128xi32, #tpu.memory_space<vmem>>, vector<16xi32>,
      %gather3A_993 = tpu.vector_load_idx %arg5[%get3A_992] : memref<10240xf32, #tpu.memory_space<vmem>>[vector<16xi32>], vector<16xf32>,
      %swap3A_994 = arith.constant 0 : i32
      %swap3A_995 = arith.index_cast %scan3A_13 : i32 to index
      %swap3A_996 = arith.index_cast %swap3A_994 : i32 to index
      %swap3A_997 = arith.constant 624 : index
      %swap3A_998 = tpu.vector_load %arg9[%swap3A_995, %swap3A_996, %swap3A_997] {strides = array<i32>} : memref<8x3x640xf32, #tpu.memory_space<vmem>>, vector<16xf32>,
      tpu.vector_store %arg9[%swap3A_995, %swap3A_996, %swap3A_997], %gather3A_993 {strides = array<i32>} : memref<8x3x640xf32, #tpu.memory_space<vmem>>, vector<16xf32>,
      %gather3A_999 = tpu.vector_load_idx %arg6[%get3A_992] : memref<10240xf32, #tpu.memory_space<vmem>>[vector<16xi32>], vector<16xf32>,
      %swap3A_1000 = arith.constant 1 : i32
      %swap3A_1001 = arith.index_cast %scan3A_13 : i32 to index
      %swap3A_1002 = arith.index_cast %swap3A_1000 : i32 to index
      %swap3A_1003 = arith.constant 624 : index
      %swap3A_1004 = tpu.vector_load %arg9[%swap3A_1001, %swap3A_1002, %swap3A_1003] {strides = array<i32>} : memref<8x3x640xf32, #tpu.memory_space<vmem>>, vector<16xf32>,
      tpu.vector_store %arg9[%swap3A_1001, %swap3A_1002, %swap3A_1003], %gather3A_999 {strides = array<i32>} : memref<8x3x640xf32, #tpu.memory_space<vmem>>, vector<16xf32>,
      %gather3A_1005 = tpu.vector_load_idx %arg7[%get3A_992] : memref<10240xf32, #tpu.memory_space<vmem>>[vector<16xi32>], vector<16xf32>,
      %swap3A_1006 = arith.constant 2 : i32
      %swap3A_1007 = arith.index_cast %scan3A_13 : i32 to index
      %swap3A_1008 = arith.index_cast %swap3A_1006 : i32 to index
      %swap3A_1009 = arith.constant 624 : index
      %swap3A_1010 = tpu.vector_load %arg9[%swap3A_1007, %swap3A_1008, %swap3A_1009] {strides = array<i32>} : memref<8x3x640xf32, #tpu.memory_space<vmem>>, vector<16xf32>,
      tpu.vector_store %arg9[%swap3A_1007, %swap3A_1008, %swap3A_1009], %gather3A_1005 {strides = array<i32>} : memref<8x3x640xf32, #tpu.memory_space<vmem>>, vector<16xf32>,
    }
    %scan3A_8 = arith.constant 8 : i32
    %mul3A_9 = arith.constant 8 : i32
    %mul3A_10 = arith.muli %arg0, %mul3A_9 : i32
    %mul3A_11 = arith.constant 640 : i32
    %mul3A_12 = arith.muli %arg1, %mul3A_11 : i32
    "tpu.region"() ({
      %run_scoped3A_13 = tpu.sem_alloc : memref<!tpu.dma_semaphore, #tpu.memory_space<semaphore_mem>>
      %dma_start3A = arith.constant 0 : i32
      %dma_start3A_14 = tpu.memref_slice %arg4[%mul3A_10, %dma_start3A, %mul3A_12] : memref<16x8x10240xf32, #tpu.memory_space<hbm>> -> memref<8x3x640xf32, #tpu.memory_space<hbm>>
      %dma_start3A_15 = arith.constant 0 : i32
      %dma_start3A_16 = tpu.memref_slice %arg4[%mul3A_10, %dma_start3A_15, %mul3A_12] : memref<16x8x10240xf32, #tpu.memory_space<hbm>> -> memref<8x3x640xf32, #tpu.memory_space<hbm>>
      tpu.enqueue_dma source(%arg9 : memref<8x3x640xf32, #tpu.memory_space<vmem>>) target(%dma_start3A_16 : memref<8x3x640xf32, #tpu.memory_space<hbm>>) target_semaphore(%run_scoped3A_13 : memref<!tpu.dma_semaphore, #tpu.memory_space<semaphore_mem>>)
      %dma_wait3A = arith.constant 0 : i32
      %dma_wait3A_17 = tpu.memref_slice %arg4[%mul3A_10, %dma_wait3A, %mul3A_12] : memref<16x8x10240xf32, #tpu.memory_space<hbm>> -> memref<8x3x640xf32, #tpu.memory_space<hbm>>
      %dma_wait3A_18 = arith.constant 0 : i32
      %dma_wait3A_19 = tpu.memref_slice %arg4[%mul3A_10, %dma_wait3A_18, %mul3A_12] : memref<16x8x10240xf32, #tpu.memory_space<hbm>> -> memref<8x3x640xf32, #tpu.memory_space<hbm>>
      tpu.wait_dma2 semaphore(%run_scoped3A_13 : memref<!tpu.dma_semaphore, #tpu.memory_space<semaphore_mem>>) src(%arg9 : memref<8x3x640xf32, #tpu.memory_space<vmem>>) dst(%dma_wait3A_19 : memref<8x3x640xf32, #tpu.memory_space<hbm>>)
      tpu.yield
    }) : () -> ()
    return
  }
}

#map = affine_map<(d0, d1) -> (0, 0)>
#map1 = affine_map<(d0, d1) -> (0, 0, 0)>
module attributes {stable_mosaic.version = 14 : i64} {
  func.func @sc_gather(%arg0: i32, %arg1: i32, %arg2: memref<8x10240xf32, #tpu.memory_space<hbm>>, %arg3: memref<16x160x128xi32, #tpu.memory_space<hbm>>, %arg4: memref<16x8x10240xf32, #tpu.memory_space<hbm>>, %arg5: memref<10240xf32, #tpu.memory_space<vmem>>, %arg6: memref<10240xf32, #tpu.memory_space<vmem>>, %arg7: memref<10240xf32, #tpu.memory_space<vmem>>, %arg8: memref<40x128xi32, #tpu.memory_space<vmem>>, %arg9: memref<8x3x640xf32, #tpu.memory_space<vmem>>) attributes {dimension_semantics = [#tpu.dimension_semantics<core_parallel>, #tpu.dimension_semantics<subcore_parallel>], iteration_bounds = array<i64: 2, 16>, scalar_prefetch = 0 : i64, scratch_operands = 5 : i64, tpu.core_type = #tpu.core_type<sc_vector_subcore>, window_params = [{transform_indices = #map}, {transform_indices = #map1}, {transform_indices = #map1}]} {
    %run_scoped3A = arith.constant 0 : i32
    "tpu.region"() ({
      %run_scoped3A_13 = tpu.sem_alloc : memref<!tpu.dma_semaphore, #tpu.memory_space<semaphore_mem>>
      %dma_start3A = arith.constant 0 : i32
      %dma_start3A_14 = tpu.memref_slice %arg2[%run_scoped3A, %dma_start3A] : memref<8x10240xf32, #tpu.memory_space<hbm>> -> memref<1x10240xf32, #tpu.memory_space<hbm>>
      %dma_start3A_15 = tpu.memref_squeeze %dma_start3A_14 : memref<1x10240xf32, #tpu.memory_space<hbm>> -> memref<10240xf32, #tpu.memory_space<hbm>>
      %dma_start3A_16 = arith.constant 0 : i32
      %dma_start3A_17 = tpu.memref_slice %arg2[%run_scoped3A, %dma_start3A_16] : memref<8x10240xf32, #tpu.memory_space<hbm>> -> memref<1x10240xf32, #tpu.memory_space<hbm>>
      %dma_start3A_18 = tpu.memref_squeeze %dma_start3A_17 : memref<1x10240xf32, #tpu.memory_space<hbm>> -> memref<10240xf32, #tpu.memory_space<hbm>>
      tpu.enqueue_dma source(%dma_start3A_18 : memref<10240xf32, #tpu.memory_space<hbm>>) target(%arg5 : memref<10240xf32, #tpu.memory_space<vmem>>) target_semaphore(%run_scoped3A_13 : memref<!tpu.dma_semaphore, #tpu.memory_space<semaphore_mem>>)
      %dma_wait3A = arith.constant 0 : i32
      %dma_wait3A_19 = tpu.memref_slice %arg2[%run_scoped3A, %dma_wait3A] : memref<8x10240xf32, #tpu.memory_space<hbm>> -> memref<1x10240xf32, #tpu.memory_space<hbm>>
      %dma_wait3A_20 = tpu.memref_squeeze %dma_wait3A_19 : memref<1x10240xf32, #tpu.memory_space<hbm>> -> memref<10240xf32, #tpu.memory_space<hbm>>
      %dma_wait3A_21 = arith.constant 0 : i32
      %dma_wait3A_22 = tpu.memref_slice %arg2[%run_scoped3A, %dma_wait3A_21] : memref<8x10240xf32, #tpu.memory_space<hbm>> -> memref<1x10240xf32, #tpu.memory_space<hbm>>
      %dma_wait3A_23 = tpu.memref_squeeze %dma_wait3A_22 : memref<1x10240xf32, #tpu.memory_space<hbm>> -> memref<10240xf32, #tpu.memory_space<hbm>>
      tpu.wait_dma2 semaphore(%run_scoped3A_13 : memref<!tpu.dma_semaphore, #tpu.memory_space<semaphore_mem>>) src(%dma_wait3A_23 : memref<10240xf32, #tpu.memory_space<hbm>>) dst(%arg5 : memref<10240xf32, #tpu.memory_space<vmem>>)
      tpu.yield
    }) : () -> ()
    %run_scoped3A_0 = arith.constant 1 : i32
    "tpu.region"() ({
      %run_scoped3A_13 = tpu.sem_alloc : memref<!tpu.dma_semaphore, #tpu.memory_space<semaphore_mem>>
      %dma_start3A = arith.constant 0 : i32
      %dma_start3A_14 = tpu.memref_slice %arg2[%run_scoped3A_0, %dma_start3A] : memref<8x10240xf32, #tpu.memory_space<hbm>> -> memref<1x10240xf32, #tpu.memory_space<hbm>>
      %dma_start3A_15 = tpu.memref_squeeze %dma_start3A_14 : memref<1x10240xf32, #tpu.memory_space<hbm>> -> memref<10240xf32, #tpu.memory_space<hbm>>
      %dma_start3A_16 = arith.constant 0 : i32
      %dma_start3A_17 = tpu.memref_slice %arg2[%run_scoped3A_0, %dma_start3A_16] : memref<8x10240xf32, #tpu.memory_space<hbm>> -> memref<1x10240xf32, #tpu.memory_space<hbm>>
      %dma_start3A_18 = tpu.memref_squeeze %dma_start3A_17 : memref<1x10240xf32, #tpu.memory_space<hbm>> -> memref<10240xf32, #tpu.memory_space<hbm>>
      tpu.enqueue_dma source(%dma_start3A_18 : memref<10240xf32, #tpu.memory_space<hbm>>) target(%arg6 : memref<10240xf32, #tpu.memory_space<vmem>>) target_semaphore(%run_scoped3A_13 : memref<!tpu.dma_semaphore, #tpu.memory_space<semaphore_mem>>)
      %dma_wait3A = arith.constant 0 : i32
      %dma_wait3A_19 = tpu.memref_slice %arg2[%run_scoped3A_0, %dma_wait3A] : memref<8x10240xf32, #tpu.memory_space<hbm>> -> memref<1x10240xf32, #tpu.memory_space<hbm>>
      %dma_wait3A_20 = tpu.memref_squeeze %dma_wait3A_19 : memref<1x10240xf32, #tpu.memory_space<hbm>> -> memref<10240xf32, #tpu.memory_space<hbm>>
      %dma_wait3A_21 = arith.constant 0 : i32
      %dma_wait3A_22 = tpu.memref_slice %arg2[%run_scoped3A_0, %dma_wait3A_21] : memref<8x10240xf32, #tpu.memory_space<hbm>> -> memref<1x10240xf32, #tpu.memory_space<hbm>>
      %dma_wait3A_23 = tpu.memref_squeeze %dma_wait3A_22 : memref<1x10240xf32, #tpu.memory_space<hbm>> -> memref<10240xf32, #tpu.memory_space<hbm>>
      tpu.wait_dma2 semaphore(%run_scoped3A_13 : memref<!tpu.dma_semaphore, #tpu.memory_space<semaphore_mem>>) src(%dma_wait3A_23 : memref<10240xf32, #tpu.memory_space<hbm>>) dst(%arg6 : memref<10240xf32, #tpu.memory_space<vmem>>)
      tpu.yield
    }) : () -> ()
    %run_scoped3A_1 = arith.constant 2 : i32
    "tpu.region"() ({
      %run_scoped3A_13 = tpu.sem_alloc : memref<!tpu.dma_semaphore, #tpu.memory_space<semaphore_mem>>
      %dma_start3A = arith.constant 0 : i32
      %dma_start3A_14 = tpu.memref_slice %arg2[%run_scoped3A_1, %dma_start3A] : memref<8x10240xf32, #tpu.memory_space<hbm>> -> memref<1x10240xf32, #tpu.memory_space<hbm>>
      %dma_start3A_15 = tpu.memref_squeeze %dma_start3A_14 : memref<1x10240xf32, #tpu.memory_space<hbm>> -> memref<10240xf32, #tpu.memory_space<hbm>>
      %dma_start3A_16 = arith.constant 0 : i32
      %dma_start3A_17 = tpu.memref_slice %arg2[%run_scoped3A_1, %dma_start3A_16] : memref<8x10240xf32, #tpu.memory_space<hbm>> -> memref<1x10240xf32, #tpu.memory_space<hbm>>
      %dma_start3A_18 = tpu.memref_squeeze %dma_start3A_17 : memref<1x10240xf32, #tpu.memory_space<hbm>> -> memref<10240xf32, #tpu.memory_space<hbm>>
      tpu.enqueue_dma source(%dma_start3A_18 : memref<10240xf32, #tpu.memory_space<hbm>>) target(%arg7 : memref<10240xf32, #tpu.memory_space<vmem>>) target_semaphore(%run_scoped3A_13 : memref<!tpu.dma_semaphore, #tpu.memory_space<semaphore_mem>>)
      %dma_wait3A = arith.constant 0 : i32
      %dma_wait3A_19 = tpu.memref_slice %arg2[%run_scoped3A_1, %dma_wait3A] : memref<8x10240xf32, #tpu.memory_space<hbm>> -> memref<1x10240xf32, #tpu.memory_space<hbm>>
      %dma_wait3A_20 = tpu.memref_squeeze %dma_wait3A_19 : memref<1x10240xf32, #tpu.memory_space<hbm>> -> memref<10240xf32, #tpu.memory_space<hbm>>
      %dma_wait3A_21 = arith.constant 0 : i32
      %dma_wait3A_22 = tpu.memref_slice %arg2[%run_scoped3A_1, %dma_wait3A_21] : memref<8x10240xf32, #tpu.memory_space<hbm>> -> memref<1x10240xf32, #tpu.memory_space<hbm>>
      %dma_wait3A_23 = tpu.memref_squeeze %dma_wait3A_22 : memref<1x10240xf32, #tpu.memory_space<hbm>> -> memref<10240xf32, #tpu.memory_space<hbm>>
      tpu.wait_dma2 semaphore(%run_scoped3A_13 : memref<!tpu.dma_semaphore, #tpu.memory_space<semaphore_mem>>) src(%dma_wait3A_23 : memref<10240xf32, #tpu.memory_space<hbm>>) dst(%arg7 : memref<10240xf32, #tpu.memory_space<vmem>>)
      tpu.yield
    }) : () -> ()
    %add3A = arith.constant 0 : i32
    %add3A_2 = arith.addi %add3A, %arg0 : i32
    %mul3A = arith.constant 40 : i32
    %mul3A_3 = arith.muli %add3A_2, %mul3A : i32
    %multiple_of3A = tpu.assume_multiple %mul3A_3, 8 : i32
    "tpu.region"() ({
      %run_scoped3A_13 = tpu.sem_alloc : memref<!tpu.dma_semaphore, #tpu.memory_space<semaphore_mem>>
      %dma_start3A = arith.constant 0 : i32
      %dma_start3A_14 = tpu.memref_slice %arg3[%arg1, %multiple_of3A, %dma_start3A] : memref<16x160x128xi32, #tpu.memory_space<hbm>> -> memref<1x40x128xi32, #tpu.memory_space<hbm>>
      %dma_start3A_15 = tpu.memref_squeeze %dma_start3A_14 : memref<1x40x128xi32, #tpu.memory_space<hbm>> -> memref<40x128xi32, #tpu.memory_space<hbm>>
      %dma_start3A_16 = arith.constant 0 : i32
      %dma_start3A_17 = tpu.memref_slice %arg3[%arg1, %multiple_of3A, %dma_start3A_16] : memref<16x160x128xi32, #tpu.memory_space<hbm>> -> memref<1x40x128xi32, #tpu.memory_space<hbm>>
      %dma_start3A_18 = tpu.memref_squeeze %dma_start3A_17 : memref<1x40x128xi32, #tpu.memory_space<hbm>> -> memref<40x128xi32, #tpu.memory_space<hbm>>
      tpu.enqueue_dma source(%dma_start3A_18 : memref<40x128xi32, #tpu.memory_space<hbm>>) target(%arg8 : memref<40x128xi32, #tpu.memory_space<vmem>>) target_semaphore(%run_scoped3A_13 : memref<!tpu.dma_semaphore, #tpu.memory_space<semaphore_mem>>)
      %dma_wait3A = arith.constant 0 : i32
      %dma_wait3A_19 = tpu.memref_slice %arg3[%arg1, %multiple_of3A, %dma_wait3A] : memref<16x160x128xi32, #tpu.memory_space<hbm>> -> memref<1x40x128xi32, #tpu.memory_space<hbm>>
      %dma_wait3A_20 = tpu.memref_squeeze %dma_wait3A_19 : memref<1x40x128xi32, #tpu.memory_space<hbm>> -> memref<40x128xi32, #tpu.memory_space<hbm>>
      %dma_wait3A_21 = arith.constant 0 : i32
      %dma_wait3A_22 = tpu.memref_slice %arg3[%arg1, %multiple_of3A, %dma_wait3A_21] : memref<16x160x128xi32, #tpu.memory_space<hbm>> -> memref<1x40x128xi32, #tpu.memory_space<hbm>>
      %dma_wait3A_23 = tpu.memref_squeeze %dma_wait3A_22 : memref<1x40x128xi32, #tpu.memory_space<hbm>> -> memref<40x128xi32, #tpu.memory_space<hbm>>
      tpu.wait_dma2 semaphore(%run_scoped3A_13 : memref<!tpu.dma_semaphore, #tpu.memory_space<semaphore_mem>>) src(%dma_wait3A_23 : memref<40x128xi32, #tpu.memory_space<hbm>>) dst(%arg8 : memref<40x128xi32, #tpu.memory_space<vmem>>)
      tpu.yield
    }) : () -> ()
    %scan3A = arith.constant 0 : i32
    %scan3A_4 = arith.constant 0 : i32
    %scan3A_5 = arith.constant 8 : i32
    %scan3A_6 = arith.addi %scan3A_4, %scan3A_5 : i32
    %scan3A_7 = arith.constant 1 : i32
    scf.for %scan3A_13 = %scan3A_4 to %scan3A_6 step %scan3A_7  : i32 {
      %mul3A_14 = arith.constant 5 : i32
      %mul3A_15 = arith.muli %scan3A_13, %mul3A_14 : i32
      %add3A_16 = arith.constant 0 : i32
      %add3A_17 = arith.addi %mul3A_15, %add3A_16 : i32
      %get3A = arith.index_cast %add3A_17 : i32 to index
      %get3A_18 = arith.constant 0 : index
      %get3A_19 = tpu.vector_load %arg8[%get3A, %get3A_18] {strides = array<i32>} : memref<40x128xi32, #tpu.memory_space<vmem>>, vector<16xi32>,
      %gather3A = tpu.vector_load_idx %arg5[%get3A_19] : memref<10240xf32, #tpu.memory_space<vmem>>[vector<16xi32>], vector<16xf32>,
      %swap3A = arith.constant 0 : i32
      %swap3A_20 = arith.index_cast %scan3A_13 : i32 to index
      %swap3A_21 = arith.index_cast %swap3A : i32 to index
      %swap3A_22 = arith.constant 0 : index
      %swap3A_23 = tpu.vector_load %arg9[%swap3A_20, %swap3A_21, %swap3A_22] {strides = array<i32>} : memref<8x3x640xf32, #tpu.memory_space<vmem>>, vector<16xf32>,
      tpu.vector_store %arg9[%swap3A_20, %swap3A_21, %swap3A_22], %gather3A {strides = array<i32>} : memref<8x3x640xf32, #tpu.memory_space<vmem>>, vector<16xf32>,
      %gather3A_24 = tpu.vector_load_idx %arg6[%get3A_19] : memref<10240xf32, #tpu.memory_space<vmem>>[vector<16xi32>], vector<16xf32>,
      %swap3A_25 = arith.constant 1 : i32
      %swap3A_26 = arith.index_cast %scan3A_13 : i32 to index
      %swap3A_27 = arith.index_cast %swap3A_25 : i32 to index
      %swap3A_28 = arith.constant 0 : index
      %swap3A_29 = tpu.vector_load %arg9[%swap3A_26, %swap3A_27, %swap3A_28] {strides = array<i32>} : memref<8x3x640xf32, #tpu.memory_space<vmem>>, vector<16xf32>,
      tpu.vector_store %arg9[%swap3A_26, %swap3A_27, %swap3A_28], %gather3A_24 {strides = array<i32>} : memref<8x3x640xf32, #tpu.memory_space<vmem>>, vector<16xf32>,
      %gather3A_30 = tpu.vector_load_idx %arg7[%get3A_19] : memref<10240xf32, #tpu.memory_space<vmem>>[vector<16xi32>], vector<16xf32>,
      %swap3A_31 = arith.constant 2 : i32
      %swap3A_32 = arith.index_cast %scan3A_13 : i32 to index
      %swap3A_33 = arith.index_cast %swap3A_31 : i32 to index
      %swap3A_34 = arith.constant 0 : index
      %swap3A_35 = tpu.vector_load %arg9[%swap3A_32, %swap3A_33, %swap3A_34] {strides = array<i32>} : memref<8x3x640xf32, #tpu.memory_space<vmem>>, vector<16xf32>,
      tpu.vector_store %arg9[%swap3A_32, %swap3A_33, %swap3A_34], %gather3A_30 {strides = array<i32>} : memref<8x3x640xf32, #tpu.memory_space<vmem>>, vector<16xf32>,
      %mul3A_36 = arith.constant 5 : i32
      %mul3A_37 = arith.muli %scan3A_13, %mul3A_36 : i32
      %add3A_38 = arith.constant 0 : i32
      %add3A_39 = arith.addi %mul3A_37, %add3A_38 : i32
      %get3A_40 = arith.index_cast %add3A_39 : i32 to index
      %get3A_41 = arith.constant 16 : index
      %get3A_42 = tpu.vector_load %arg8[%get3A_40, %get3A_41] {strides = array<i32>} : memref<40x128xi32, #tpu.memory_space<vmem>>, vector<16xi32>,
      %gather3A_43 = tpu.vector_load_idx %arg5[%get3A_42] : memref<10240xf32, #tpu.memory_space<vmem>>[vector<16xi32>], vector<16xf32>,
      %swap3A_44 = arith.constant 0 : i32
      %swap3A_45 = arith.index_cast %scan3A_13 : i32 to index
      %swap3A_46 = arith.index_cast %swap3A_44 : i32 to index
      %swap3A_47 = arith.constant 16 : index
      %swap3A_48 = tpu.vector_load %arg9[%swap3A_45, %swap3A_46, %swap3A_47] {strides = array<i32>} : memref<8x3x640xf32, #tpu.memory_space<vmem>>, vector<16xf32>,
      tpu.vector_store %arg9[%swap3A_45, %swap3A_46, %swap3A_47], %gather3A_43 {strides = array<i32>} : memref<8x3x640xf32, #tpu.memory_space<vmem>>, vector<16xf32>,
      %gather3A_49 = tpu.vector_load_idx %arg6[%get3A_42] : memref<10240xf32, #tpu.memory_space<vmem>>[vector<16xi32>], vector<16xf32>,
      %swap3A_50 = arith.constant 1 : i32
      %swap3A_51 = arith.index_cast %scan3A_13 : i32 to index
      %swap3A_52 = arith.index_cast %swap3A_50 : i32 to index
      %swap3A_53 = arith.constant 16 : index
      %swap3A_54 = tpu.vector_load %arg9[%swap3A_51, %swap3A_52, %swap3A_53] {strides = array<i32>} : memref<8x3x640xf32, #tpu.memory_space<vmem>>, vector<16xf32>,
      tpu.vector_store %arg9[%swap3A_51, %swap3A_52, %swap3A_53], %gather3A_49 {strides = array<i32>} : memref<8x3x640xf32, #tpu.memory_space<vmem>>, vector<16xf32>,
      %gather3A_55 = tpu.vector_load_idx %arg7[%get3A_42] : memref<10240xf32, #tpu.memory_space<vmem>>[vector<16xi32>], vector<16xf32>,
      %swap3A_56 = arith.constant 2 : i32
      %swap3A_57 = arith.index_cast %scan3A_13 : i32 to index
      %swap3A_58 = arith.index_cast %swap3A_56 : i32 to index
      %swap3A_59 = arith.constant 16 : index
      %swap3A_60 = tpu.vector_load %arg9[%swap3A_57, %swap3A_58, %swap3A_59] {strides = array<i32>} : memref<8x3x640xf32, #tpu.memory_space<vmem>>, vector<16xf32>,
      tpu.vector_store %arg9[%swap3A_57, %swap3A_58, %swap3A_59], %gather3A_55 {strides = array<i32>} : memref<8x3x640xf32, #tpu.memory_space<vmem>>, vector<16xf32>,
      %mul3A_61 = arith.constant 5 : i32
      %mul3A_62 = arith.muli %scan3A_13, %mul3A_61 : i32
      %add3A_63 = arith.constant 0 : i32
      %add3A_64 = arith.addi %mul3A_62, %add3A_63 : i32
      %get3A_65 = arith.index_cast %add3A_64 : i32 to index
      %get3A_66 = arith.constant 32 : index
      %get3A_67 = tpu.vector_load %arg8[%get3A_65, %get3A_66] {strides = array<i32>} : memref<40x128xi32, #tpu.memory_space<vmem>>, vector<16xi32>,
      %gather3A_68 = tpu.vector_load_idx %arg5[%get3A_67] : memref<10240xf32, #tpu.memory_space<vmem>>[vector<16xi32>], vector<16xf32>,
      %swap3A_69 = arith.constant 0 : i32
      %swap3A_70 = arith.index_cast %scan3A_13 : i32 to index
      %swap3A_71 = arith.index_cast %swap3A_69 : i32 to index
      %swap3A_72 = arith.constant 32 : index
      %swap3A_73 = tpu.vector_load %arg9[%swap3A_70, %swap3A_71, %swap3A_72] {strides = array<i32>} : memref<8x3x640xf32, #tpu.memory_space<vmem>>, vector<16xf32>,
      tpu.vector_store %arg9[%swap3A_70, %swap3A_71, %swap3A_72], %gather3A_68 {strides = array<i32>} : memref<8x3x640xf32, #tpu.memory_space<vmem>>, vector<16xf32>,
      %gather3A_74 = tpu.vector_load_idx %arg6[%get3A_67] : memref<10240xf32, #tpu.memory_space<vmem>>[vector<16xi32>], vector<16xf32>,
      %swap3A_75 = arith.constant 1 : i32
      %swap3A_76 = arith.index_cast %scan3A_13 : i32 to index
      %swap3A_77 = arith.index_cast %swap3A_75 : i32 to index
      %swap3A_78 = arith.constant 32 : index
      %swap3A_79 = tpu.vector_load %arg9[%swap3A_76, %swap3A_77, %swap3A_78] {strides = array<i32>} : memref<8x3x640xf32, #tpu.memory_space<vmem>>, vector<16xf32>,
      tpu.vector_store %arg9[%swap3A_76, %swap3A_77, %swap3A_78], %gather3A_74 {strides = array<i32>} : memref<8x3x640xf32, #tpu.memory_space<vmem>>, vector<16xf32>,
      %gather3A_80 = tpu.vector_load_idx %arg7[%get3A_67] : memref<10240xf32, #tpu.memory_space<vmem>>[vector<16xi32>], vector<16xf32>,
      %swap3A_81 = arith.constant 2 : i32
      %swap3A_82 = arith.index_cast %scan3A_13 : i32 to index
      %swap3A_83 = arith.index_cast %swap3A_81 : i32 to index
      %swap3A_84 = arith.constant 32 : index
      %swap3A_85 = tpu.vector_load %arg9[%swap3A_82, %swap3A_83, %swap3A_84] {strides = array<i32>} : memref<8x3x640xf32, #tpu.memory_space<vmem>>, vector<16xf32>,
      tpu.vector_store %arg9[%swap3A_82, %swap3A_83, %swap3A_84], %gather3A_80 {strides = array<i32>} : memref<8x3x640xf32, #tpu.memory_space<vmem>>, vector<16xf32>,
      %mul3A_86 = arith.constant 5 : i32
      %mul3A_87 = arith.muli %scan3A_13, %mul3A_86 : i32
      %add3A_88 = arith.constant 0 : i32
      %add3A_89 = arith.addi %mul3A_87, %add3A_88 : i32
      %get3A_90 = arith.index_cast %add3A_89 : i32 to index
      %get3A_91 = arith.constant 48 : index
      %get3A_92 = tpu.vector_load %arg8[%get3A_90, %get3A_91] {strides = array<i32>} : memref<40x128xi32, #tpu.memory_space<vmem>>, vector<16xi32>,
      %gather3A_93 = tpu.vector_load_idx %arg5[%get3A_92] : memref<10240xf32, #tpu.memory_space<vmem>>[vector<16xi32>], vector<16xf32>,
      %swap3A_94 = arith.constant 0 : i32
      %swap3A_95 = arith.index_cast %scan3A_13 : i32 to index
      %swap3A_96 = arith.index_cast %swap3A_94 : i32 to index
      %swap3A_97 = arith.constant 48 : index
      %swap3A_98 = tpu.vector_load %arg9[%swap3A_95, %swap3A_96, %swap3A_97] {strides = array<i32>} : memref<8x3x640xf32, #tpu.memory_space<vmem>>, vector<16xf32>,
      tpu.vector_store %arg9[%swap3A_95, %swap3A_96, %swap3A_97], %gather3A_93 {strides = array<i32>} : memref<8x3x640xf32, #tpu.memory_space<vmem>>, vector<16xf32>,
      %gather3A_99 = tpu.vector_load_idx %arg6[%get3A_92] : memref<10240xf32, #tpu.memory_space<vmem>>[vector<16xi32>], vector<16xf32>,
      %swap3A_100 = arith.constant 1 : i32
      %swap3A_101 = arith.index_cast %scan3A_13 : i32 to index
      %swap3A_102 = arith.index_cast %swap3A_100 : i32 to index
      %swap3A_103 = arith.constant 48 : index
      %swap3A_104 = tpu.vector_load %arg9[%swap3A_101, %swap3A_102, %swap3A_103] {strides = array<i32>} : memref<8x3x640xf32, #tpu.memory_space<vmem>>, vector<16xf32>,
      tpu.vector_store %arg9[%swap3A_101, %swap3A_102, %swap3A_103], %gather3A_99 {strides = array<i32>} : memref<8x3x640xf32, #tpu.memory_space<vmem>>, vector<16xf32>,
      %gather3A_105 = tpu.vector_load_idx %arg7[%get3A_92] : memref<10240xf32, #tpu.memory_space<vmem>>[vector<16xi32>], vector<16xf32>,
      %swap3A_106 = arith.constant 2 : i32
      %swap3A_107 = arith.index_cast %scan3A_13 : i32 to index
      %swap3A_108 = arith.index_cast %swap3A_106 : i32 to index
      %swap3A_109 = arith.constant 48 : index
      %swap3A_110 = tpu.vector_load %arg9[%swap3A_107, %swap3A_108, %swap3A_109] {strides = array<i32>} : memref<8x3x640xf32, #tpu.memory_space<vmem>>, vector<16xf32>,
      tpu.vector_store %arg9[%swap3A_107, %swap3A_108, %swap3A_109], %gather3A_105 {strides = array<i32>} : memref<8x3x640xf32, #tpu.memory_space<vmem>>, vector<16xf32>,
      %mul3A_111 = arith.constant 5 : i32
      %mul3A_112 = arith.muli %scan3A_13, %mul3A_111 : i32
      %add3A_113 = arith.constant 0 : i32
      %add3A_114 = arith.addi %mul3A_112, %add3A_113 : i32
      %get3A_115 = arith.index_cast %add3A_114 : i32 to index
      %get3A_116 = arith.constant 64 : index
      %get3A_117 = tpu.vector_load %arg8[%get3A_115, %get3A_116] {strides = array<i32>} : memref<40x128xi32, #tpu.memory_space<vmem>>, vector<16xi32>,
      %gather3A_118 = tpu.vector_load_idx %arg5[%get3A_117] : memref<10240xf32, #tpu.memory_space<vmem>>[vector<16xi32>], vector<16xf32>,
      %swap3A_119 = arith.constant 0 : i32
      %swap3A_120 = arith.index_cast %scan3A_13 : i32 to index
      %swap3A_121 = arith.index_cast %swap3A_119 : i32 to index
      %swap3A_122 = arith.constant 64 : index
      %swap3A_123 = tpu.vector_load %arg9[%swap3A_120, %swap3A_121, %swap3A_122] {strides = array<i32>} : memref<8x3x640xf32, #tpu.memory_space<vmem>>, vector<16xf32>,
      tpu.vector_store %arg9[%swap3A_120, %swap3A_121, %swap3A_122], %gather3A_118 {strides = array<i32>} : memref<8x3x640xf32, #tpu.memory_space<vmem>>, vector<16xf32>,
      %gather3A_124 = tpu.vector_load_idx %arg6[%get3A_117] : memref<10240xf32, #tpu.memory_space<vmem>>[vector<16xi32>], vector<16xf32>,
      %swap3A_125 = arith.constant 1 : i32
      %swap3A_126 = arith.index_cast %scan3A_13 : i32 to index
      %swap3A_127 = arith.index_cast %swap3A_125 : i32 to index
      %swap3A_128 = arith.constant 64 : index
      %swap3A_129 = tpu.vector_load %arg9[%swap3A_126, %swap3A_127, %swap3A_128] {strides = array<i32>} : memref<8x3x640xf32, #tpu.memory_space<vmem>>, vector<16xf32>,
      tpu.vector_store %arg9[%swap3A_126, %swap3A_127, %swap3A_128], %gather3A_124 {strides = array<i32>} : memref<8x3x640xf32, #tpu.memory_space<vmem>>, vector<16xf32>,
      %gather3A_130 = tpu.vector_load_idx %arg7[%get3A_117] : memref<10240xf32, #tpu.memory_space<vmem>>[vector<16xi32>], vector<16xf32>,
      %swap3A_131 = arith.constant 2 : i32
      %swap3A_132 = arith.index_cast %scan3A_13 : i32 to index
      %swap3A_133 = arith.index_cast %swap3A_131 : i32 to index
      %swap3A_134 = arith.constant 64 : index
      %swap3A_135 = tpu.vector_load %arg9[%swap3A_132, %swap3A_133, %swap3A_134] {strides = array<i32>} : memref<8x3x640xf32, #tpu.memory_space<vmem>>, vector<16xf32>,
      tpu.vector_store %arg9[%swap3A_132, %swap3A_133, %swap3A_134], %gather3A_130 {strides = array<i32>} : memref<8x3x640xf32, #tpu.memory_space<vmem>>, vector<16xf32>,
      %mul3A_136 = arith.constant 5 : i32
      %mul3A_137 = arith.muli %scan3A_13, %mul3A_136 : i32
      %add3A_138 = arith.constant 0 : i32
      %add3A_139 = arith.addi %mul3A_137, %add3A_138 : i32
      %get3A_140 = arith.index_cast %add3A_139 : i32 to index
      %get3A_141 = arith.constant 80 : index
      %get3A_142 = tpu.vector_load %arg8[%get3A_140, %get3A_141] {strides = array<i32>} : memref<40x128xi32, #tpu.memory_space<vmem>>, vector<16xi32>,
      %gather3A_143 = tpu.vector_load_idx %arg5[%get3A_142] : memref<10240xf32, #tpu.memory_space<vmem>>[vector<16xi32>], vector<16xf32>,
      %swap3A_144 = arith.constant 0 : i32
      %swap3A_145 = arith.index_cast %scan3A_13 : i32 to index
      %swap3A_146 = arith.index_cast %swap3A_144 : i32 to index
      %swap3A_147 = arith.constant 80 : index
      %swap3A_148 = tpu.vector_load %arg9[%swap3A_145, %swap3A_146, %swap3A_147] {strides = array<i32>} : memref<8x3x640xf32, #tpu.memory_space<vmem>>, vector<16xf32>,
      tpu.vector_store %arg9[%swap3A_145, %swap3A_146, %swap3A_147], %gather3A_143 {strides = array<i32>} : memref<8x3x640xf32, #tpu.memory_space<vmem>>, vector<16xf32>,
      %gather3A_149 = tpu.vector_load_idx %arg6[%get3A_142] : memref<10240xf32, #tpu.memory_space<vmem>>[vector<16xi32>], vector<16xf32>,
      %swap3A_150 = arith.constant 1 : i32
      %swap3A_151 = arith.index_cast %scan3A_13 : i32 to index
      %swap3A_152 = arith.index_cast %swap3A_150 : i32 to index
      %swap3A_153 = arith.constant 80 : index
      %swap3A_154 = tpu.vector_load %arg9[%swap3A_151, %swap3A_152, %swap3A_153] {strides = array<i32>} : memref<8x3x640xf32, #tpu.memory_space<vmem>>, vector<16xf32>,
      tpu.vector_store %arg9[%swap3A_151, %swap3A_152, %swap3A_153], %gather3A_149 {strides = array<i32>} : memref<8x3x640xf32, #tpu.memory_space<vmem>>, vector<16xf32>,
      %gather3A_155 = tpu.vector_load_idx %arg7[%get3A_142] : memref<10240xf32, #tpu.memory_space<vmem>>[vector<16xi32>], vector<16xf32>,
      %swap3A_156 = arith.constant 2 : i32
      %swap3A_157 = arith.index_cast %scan3A_13 : i32 to index
      %swap3A_158 = arith.index_cast %swap3A_156 : i32 to index
      %swap3A_159 = arith.constant 80 : index
      %swap3A_160 = tpu.vector_load %arg9[%swap3A_157, %swap3A_158, %swap3A_159] {strides = array<i32>} : memref<8x3x640xf32, #tpu.memory_space<vmem>>, vector<16xf32>,
      tpu.vector_store %arg9[%swap3A_157, %swap3A_158, %swap3A_159], %gather3A_155 {strides = array<i32>} : memref<8x3x640xf32, #tpu.memory_space<vmem>>, vector<16xf32>,
      %mul3A_161 = arith.constant 5 : i32
      %mul3A_162 = arith.muli %scan3A_13, %mul3A_161 : i32
      %add3A_163 = arith.constant 0 : i32
      %add3A_164 = arith.addi %mul3A_162, %add3A_163 : i32
      %get3A_165 = arith.index_cast %add3A_164 : i32 to index
      %get3A_166 = arith.constant 96 : index
      %get3A_167 = tpu.vector_load %arg8[%get3A_165, %get3A_166] {strides = array<i32>} : memref<40x128xi32, #tpu.memory_space<vmem>>, vector<16xi32>,
      %gather3A_168 = tpu.vector_load_idx %arg5[%get3A_167] : memref<10240xf32, #tpu.memory_space<vmem>>[vector<16xi32>], vector<16xf32>,
      %swap3A_169 = arith.constant 0 : i32
      %swap3A_170 = arith.index_cast %scan3A_13 : i32 to index
      %swap3A_171 = arith.index_cast %swap3A_169 : i32 to index
      %swap3A_172 = arith.constant 96 : index
      %swap3A_173 = tpu.vector_load %arg9[%swap3A_170, %swap3A_171, %swap3A_172] {strides = array<i32>} : memref<8x3x640xf32, #tpu.memory_space<vmem>>, vector<16xf32>,
      tpu.vector_store %arg9[%swap3A_170, %swap3A_171, %swap3A_172], %gather3A_168 {strides = array<i32>} : memref<8x3x640xf32, #tpu.memory_space<vmem>>, vector<16xf32>,
      %gather3A_174 = tpu.vector_load_idx %arg6[%get3A_167] : memref<10240xf32, #tpu.memory_space<vmem>>[vector<16xi32>], vector<16xf32>,
      %swap3A_175 = arith.constant 1 : i32
      %swap3A_176 = arith.index_cast %scan3A_13 : i32 to index
      %swap3A_177 = arith.index_cast %swap3A_175 : i32 to index
      %swap3A_178 = arith.constant 96 : index
      %swap3A_179 = tpu.vector_load %arg9[%swap3A_176, %swap3A_177, %swap3A_178] {strides = array<i32>} : memref<8x3x640xf32, #tpu.memory_space<vmem>>, vector<16xf32>,
      tpu.vector_store %arg9[%swap3A_176, %swap3A_177, %swap3A_178], %gather3A_174 {strides = array<i32>} : memref<8x3x640xf32, #tpu.memory_space<vmem>>, vector<16xf32>,
      %gather3A_180 = tpu.vector_load_idx %arg7[%get3A_167] : memref<10240xf32, #tpu.memory_space<vmem>>[vector<16xi32>], vector<16xf32>,
      %swap3A_181 = arith.constant 2 : i32
      %swap3A_182 = arith.index_cast %scan3A_13 : i32 to index
      %swap3A_183 = arith.index_cast %swap3A_181 : i32 to index
      %swap3A_184 = arith.constant 96 : index
      %swap3A_185 = tpu.vector_load %arg9[%swap3A_182, %swap3A_183, %swap3A_184] {strides = array<i32>} : memref<8x3x640xf32, #tpu.memory_space<vmem>>, vector<16xf32>,
      tpu.vector_store %arg9[%swap3A_182, %swap3A_183, %swap3A_184], %gather3A_180 {strides = array<i32>} : memref<8x3x640xf32, #tpu.memory_space<vmem>>, vector<16xf32>,
      %mul3A_186 = arith.constant 5 : i32
      %mul3A_187 = arith.muli %scan3A_13, %mul3A_186 : i32
      %add3A_188 = arith.constant 0 : i32
      %add3A_189 = arith.addi %mul3A_187, %add3A_188 : i32
      %get3A_190 = arith.index_cast %add3A_189 : i32 to index
      %get3A_191 = arith.constant 112 : index
      %get3A_192 = tpu.vector_load %arg8[%get3A_190, %get3A_191] {strides = array<i32>} : memref<40x128xi32, #tpu.memory_space<vmem>>, vector<16xi32>,
      %gather3A_193 = tpu.vector_load_idx %arg5[%get3A_192] : memref<10240xf32, #tpu.memory_space<vmem>>[vector<16xi32>], vector<16xf32>,
      %swap3A_194 = arith.constant 0 : i32
      %swap3A_195 = arith.index_cast %scan3A_13 : i32 to index
      %swap3A_196 = arith.index_cast %swap3A_194 : i32 to index
      %swap3A_197 = arith.constant 112 : index
      %swap3A_198 = tpu.vector_load %arg9[%swap3A_195, %swap3A_196, %swap3A_197] {strides = array<i32>} : memref<8x3x640xf32, #tpu.memory_space<vmem>>, vector<16xf32>,
      tpu.vector_store %arg9[%swap3A_195, %swap3A_196, %swap3A_197], %gather3A_193 {strides = array<i32>} : memref<8x3x640xf32, #tpu.memory_space<vmem>>, vector<16xf32>,
      %gather3A_199 = tpu.vector_load_idx %arg6[%get3A_192] : memref<10240xf32, #tpu.memory_space<vmem>>[vector<16xi32>], vector<16xf32>,
      %swap3A_200 = arith.constant 1 : i32
      %swap3A_201 = arith.index_cast %scan3A_13 : i32 to index
      %swap3A_202 = arith.index_cast %swap3A_200 : i32 to index
      %swap3A_203 = arith.constant 112 : index
      %swap3A_204 = tpu.vector_load %arg9[%swap3A_201, %swap3A_202, %swap3A_203] {strides = array<i32>} : memref<8x3x640xf32, #tpu.memory_space<vmem>>, vector<16xf32>,
      tpu.vector_store %arg9[%swap3A_201, %swap3A_202, %swap3A_203], %gather3A_199 {strides = array<i32>} : memref<8x3x640xf32, #tpu.memory_space<vmem>>, vector<16xf32>,
      %gather3A_205 = tpu.vector_load_idx %arg7[%get3A_192] : memref<10240xf32, #tpu.memory_space<vmem>>[vector<16xi32>], vector<16xf32>,
      %swap3A_206 = arith.constant 2 : i32
      %swap3A_207 = arith.index_cast %scan3A_13 : i32 to index
      %swap3A_208 = arith.index_cast %swap3A_206 : i32 to index
      %swap3A_209 = arith.constant 112 : index
      %swap3A_210 = tpu.vector_load %arg9[%swap3A_207, %swap3A_208, %swap3A_209] {strides = array<i32>} : memref<8x3x640xf32, #tpu.memory_space<vmem>>, vector<16xf32>,
      tpu.vector_store %arg9[%swap3A_207, %swap3A_208, %swap3A_209], %gather3A_205 {strides = array<i32>} : memref<8x3x640xf32, #tpu.memory_space<vmem>>, vector<16xf32>,
      %mul3A_211 = arith.constant 5 : i32
      %mul3A_212 = arith.muli %scan3A_13, %mul3A_211 : i32
      %add3A_213 = arith.constant 1 : i32
      %add3A_214 = arith.addi %mul3A_212, %add3A_213 : i32
      %get3A_215 = arith.index_cast %add3A_214 : i32 to index
      %get3A_216 = arith.constant 0 : index
      %get3A_217 = tpu.vector_load %arg8[%get3A_215, %get3A_216] {strides = array<i32>} : memref<40x128xi32, #tpu.memory_space<vmem>>, vector<16xi32>,
      %gather3A_218 = tpu.vector_load_idx %arg5[%get3A_217] : memref<10240xf32, #tpu.memory_space<vmem>>[vector<16xi32>], vector<16xf32>,
      %swap3A_219 = arith.constant 0 : i32
      %swap3A_220 = arith.index_cast %scan3A_13 : i32 to index
      %swap3A_221 = arith.index_cast %swap3A_219 : i32 to index
      %swap3A_222 = arith.constant 128 : index
      %swap3A_223 = tpu.vector_load %arg9[%swap3A_220, %swap3A_221, %swap3A_222] {strides = array<i32>} : memref<8x3x640xf32, #tpu.memory_space<vmem>>, vector<16xf32>,
      tpu.vector_store %arg9[%swap3A_220, %swap3A_221, %swap3A_222], %gather3A_218 {strides = array<i32>} : memref<8x3x640xf32, #tpu.memory_space<vmem>>, vector<16xf32>,
      %gather3A_224 = tpu.vector_load_idx %arg6[%get3A_217] : memref<10240xf32, #tpu.memory_space<vmem>>[vector<16xi32>], vector<16xf32>,
      %swap3A_225 = arith.constant 1 : i32
      %swap3A_226 = arith.index_cast %scan3A_13 : i32 to index
      %swap3A_227 = arith.index_cast %swap3A_225 : i32 to index
      %swap3A_228 = arith.constant 128 : index
      %swap3A_229 = tpu.vector_load %arg9[%swap3A_226, %swap3A_227, %swap3A_228] {strides = array<i32>} : memref<8x3x640xf32, #tpu.memory_space<vmem>>, vector<16xf32>,
      tpu.vector_store %arg9[%swap3A_226, %swap3A_227, %swap3A_228], %gather3A_224 {strides = array<i32>} : memref<8x3x640xf32, #tpu.memory_space<vmem>>, vector<16xf32>,
      %gather3A_230 = tpu.vector_load_idx %arg7[%get3A_217] : memref<10240xf32, #tpu.memory_space<vmem>>[vector<16xi32>], vector<16xf32>,
      %swap3A_231 = arith.constant 2 : i32
      %swap3A_232 = arith.index_cast %scan3A_13 : i32 to index
      %swap3A_233 = arith.index_cast %swap3A_231 : i32 to index
      %swap3A_234 = arith.constant 128 : index
      %swap3A_235 = tpu.vector_load %arg9[%swap3A_232, %swap3A_233, %swap3A_234] {strides = array<i32>} : memref<8x3x640xf32, #tpu.memory_space<vmem>>, vector<16xf32>,
      tpu.vector_store %arg9[%swap3A_232, %swap3A_233, %swap3A_234], %gather3A_230 {strides = array<i32>} : memref<8x3x640xf32, #tpu.memory_space<vmem>>, vector<16xf32>,
      %mul3A_236 = arith.constant 5 : i32
      %mul3A_237 = arith.muli %scan3A_13, %mul3A_236 : i32
      %add3A_238 = arith.constant 1 : i32
      %add3A_239 = arith.addi %mul3A_237, %add3A_238 : i32
      %get3A_240 = arith.index_cast %add3A_239 : i32 to index
      %get3A_241 = arith.constant 16 : index
      %get3A_242 = tpu.vector_load %arg8[%get3A_240, %get3A_241] {strides = array<i32>} : memref<40x128xi32, #tpu.memory_space<vmem>>, vector<16xi32>,
      %gather3A_243 = tpu.vector_load_idx %arg5[%get3A_242] : memref<10240xf32, #tpu.memory_space<vmem>>[vector<16xi32>], vector<16xf32>,
      %swap3A_244 = arith.constant 0 : i32
      %swap3A_245 = arith.index_cast %scan3A_13 : i32 to index
      %swap3A_246 = arith.index_cast %swap3A_244 : i32 to index
      %swap3A_247 = arith.constant 144 : index
      %swap3A_248 = tpu.vector_load %arg9[%swap3A_245, %swap3A_246, %swap3A_247] {strides = array<i32>} : memref<8x3x640xf32, #tpu.memory_space<vmem>>, vector<16xf32>,
      tpu.vector_store %arg9[%swap3A_245, %swap3A_246, %swap3A_247], %gather3A_243 {strides = array<i32>} : memref<8x3x640xf32, #tpu.memory_space<vmem>>, vector<16xf32>,
      %gather3A_249 = tpu.vector_load_idx %arg6[%get3A_242] : memref<10240xf32, #tpu.memory_space<vmem>>[vector<16xi32>], vector<16xf32>,
      %swap3A_250 = arith.constant 1 : i32
      %swap3A_251 = arith.index_cast %scan3A_13 : i32 to index
      %swap3A_252 = arith.index_cast %swap3A_250 : i32 to index
      %swap3A_253 = arith.constant 144 : index
      %swap3A_254 = tpu.vector_load %arg9[%swap3A_251, %swap3A_252, %swap3A_253] {strides = array<i32>} : memref<8x3x640xf32, #tpu.memory_space<vmem>>, vector<16xf32>,
      tpu.vector_store %arg9[%swap3A_251, %swap3A_252, %swap3A_253], %gather3A_249 {strides = array<i32>} : memref<8x3x640xf32, #tpu.memory_space<vmem>>, vector<16xf32>,
      %gather3A_255 = tpu.vector_load_idx %arg7[%get3A_242] : memref<10240xf32, #tpu.memory_space<vmem>>[vector<16xi32>], vector<16xf32>,
      %swap3A_256 = arith.constant 2 : i32
      %swap3A_257 = arith.index_cast %scan3A_13 : i32 to index
      %swap3A_258 = arith.index_cast %swap3A_256 : i32 to index
      %swap3A_259 = arith.constant 144 : index
      %swap3A_260 = tpu.vector_load %arg9[%swap3A_257, %swap3A_258, %swap3A_259] {strides = array<i32>} : memref<8x3x640xf32, #tpu.memory_space<vmem>>, vector<16xf32>,
      tpu.vector_store %arg9[%swap3A_257, %swap3A_258, %swap3A_259], %gather3A_255 {strides = array<i32>} : memref<8x3x640xf32, #tpu.memory_space<vmem>>, vector<16xf32>,
      %mul3A_261 = arith.constant 5 : i32
      %mul3A_262 = arith.muli %scan3A_13, %mul3A_261 : i32
      %add3A_263 = arith.constant 1 : i32
      %add3A_264 = arith.addi %mul3A_262, %add3A_263 : i32
      %get3A_265 = arith.index_cast %add3A_264 : i32 to index
      %get3A_266 = arith.constant 32 : index
      %get3A_267 = tpu.vector_load %arg8[%get3A_265, %get3A_266] {strides = array<i32>} : memref<40x128xi32, #tpu.memory_space<vmem>>, vector<16xi32>,
      %gather3A_268 = tpu.vector_load_idx %arg5[%get3A_267] : memref<10240xf32, #tpu.memory_space<vmem>>[vector<16xi32>], vector<16xf32>,
      %swap3A_269 = arith.constant 0 : i32
      %swap3A_270 = arith.index_cast %scan3A_13 : i32 to index
      %swap3A_271 = arith.index_cast %swap3A_269 : i32 to index
      %swap3A_272 = arith.constant 160 : index
      %swap3A_273 = tpu.vector_load %arg9[%swap3A_270, %swap3A_271, %swap3A_272] {strides = array<i32>} : memref<8x3x640xf32, #tpu.memory_space<vmem>>, vector<16xf32>,
      tpu.vector_store %arg9[%swap3A_270, %swap3A_271, %swap3A_272], %gather3A_268 {strides = array<i32>} : memref<8x3x640xf32, #tpu.memory_space<vmem>>, vector<16xf32>,
      %gather3A_274 = tpu.vector_load_idx %arg6[%get3A_267] : memref<10240xf32, #tpu.memory_space<vmem>>[vector<16xi32>], vector<16xf32>,
      %swap3A_275 = arith.constant 1 : i32
      %swap3A_276 = arith.index_cast %scan3A_13 : i32 to index
      %swap3A_277 = arith.index_cast %swap3A_275 : i32 to index
      %swap3A_278 = arith.constant 160 : index
      %swap3A_279 = tpu.vector_load %arg9[%swap3A_276, %swap3A_277, %swap3A_278] {strides = array<i32>} : memref<8x3x640xf32, #tpu.memory_space<vmem>>, vector<16xf32>,
      tpu.vector_store %arg9[%swap3A_276, %swap3A_277, %swap3A_278], %gather3A_274 {strides = array<i32>} : memref<8x3x640xf32, #tpu.memory_space<vmem>>, vector<16xf32>,
      %gather3A_280 = tpu.vector_load_idx %arg7[%get3A_267] : memref<10240xf32, #tpu.memory_space<vmem>>[vector<16xi32>], vector<16xf32>,
      %swap3A_281 = arith.constant 2 : i32
      %swap3A_282 = arith.index_cast %scan3A_13 : i32 to index
      %swap3A_283 = arith.index_cast %swap3A_281 : i32 to index
      %swap3A_284 = arith.constant 160 : index
      %swap3A_285 = tpu.vector_load %arg9[%swap3A_282, %swap3A_283, %swap3A_284] {strides = array<i32>} : memref<8x3x640xf32, #tpu.memory_space<vmem>>, vector<16xf32>,
      tpu.vector_store %arg9[%swap3A_282, %swap3A_283, %swap3A_284], %gather3A_280 {strides = array<i32>} : memref<8x3x640xf32, #tpu.memory_space<vmem>>, vector<16xf32>,
      %mul3A_286 = arith.constant 5 : i32
      %mul3A_287 = arith.muli %scan3A_13, %mul3A_286 : i32
      %add3A_288 = arith.constant 1 : i32
      %add3A_289 = arith.addi %mul3A_287, %add3A_288 : i32
      %get3A_290 = arith.index_cast %add3A_289 : i32 to index
      %get3A_291 = arith.constant 48 : index
      %get3A_292 = tpu.vector_load %arg8[%get3A_290, %get3A_291] {strides = array<i32>} : memref<40x128xi32, #tpu.memory_space<vmem>>, vector<16xi32>,
      %gather3A_293 = tpu.vector_load_idx %arg5[%get3A_292] : memref<10240xf32, #tpu.memory_space<vmem>>[vector<16xi32>], vector<16xf32>,
      %swap3A_294 = arith.constant 0 : i32
      %swap3A_295 = arith.index_cast %scan3A_13 : i32 to index
      %swap3A_296 = arith.index_cast %swap3A_294 : i32 to index
      %swap3A_297 = arith.constant 176 : index
      %swap3A_298 = tpu.vector_load %arg9[%swap3A_295, %swap3A_296, %swap3A_297] {strides = array<i32>} : memref<8x3x640xf32, #tpu.memory_space<vmem>>, vector<16xf32>,
      tpu.vector_store %arg9[%swap3A_295, %swap3A_296, %swap3A_297], %gather3A_293 {strides = array<i32>} : memref<8x3x640xf32, #tpu.memory_space<vmem>>, vector<16xf32>,
      %gather3A_299 = tpu.vector_load_idx %arg6[%get3A_292] : memref<10240xf32, #tpu.memory_space<vmem>>[vector<16xi32>], vector<16xf32>,
      %swap3A_300 = arith.constant 1 : i32
      %swap3A_301 = arith.index_cast %scan3A_13 : i32 to index
      %swap3A_302 = arith.index_cast %swap3A_300 : i32 to index
      %swap3A_303 = arith.constant 176 : index
      %swap3A_304 = tpu.vector_load %arg9[%swap3A_301, %swap3A_302, %swap3A_303] {strides = array<i32>} : memref<8x3x640xf32, #tpu.memory_space<vmem>>, vector<16xf32>,
      tpu.vector_store %arg9[%swap3A_301, %swap3A_302, %swap3A_303], %gather3A_299 {strides = array<i32>} : memref<8x3x640xf32, #tpu.memory_space<vmem>>, vector<16xf32>,
      %gather3A_305 = tpu.vector_load_idx %arg7[%get3A_292] : memref<10240xf32, #tpu.memory_space<vmem>>[vector<16xi32>], vector<16xf32>,
      %swap3A_306 = arith.constant 2 : i32
      %swap3A_307 = arith.index_cast %scan3A_13 : i32 to index
      %swap3A_308 = arith.index_cast %swap3A_306 : i32 to index
      %swap3A_309 = arith.constant 176 : index
      %swap3A_310 = tpu.vector_load %arg9[%swap3A_307, %swap3A_308, %swap3A_309] {strides = array<i32>} : memref<8x3x640xf32, #tpu.memory_space<vmem>>, vector<16xf32>,
      tpu.vector_store %arg9[%swap3A_307, %swap3A_308, %swap3A_309], %gather3A_305 {strides = array<i32>} : memref<8x3x640xf32, #tpu.memory_space<vmem>>, vector<16xf32>,
      %mul3A_311 = arith.constant 5 : i32
      %mul3A_312 = arith.muli %scan3A_13, %mul3A_311 : i32
      %add3A_313 = arith.constant 1 : i32
      %add3A_314 = arith.addi %mul3A_312, %add3A_313 : i32
      %get3A_315 = arith.index_cast %add3A_314 : i32 to index
      %get3A_316 = arith.constant 64 : index
      %get3A_317 = tpu.vector_load %arg8[%get3A_315, %get3A_316] {strides = array<i32>} : memref<40x128xi32, #tpu.memory_space<vmem>>, vector<16xi32>,
      %gather3A_318 = tpu.vector_load_idx %arg5[%get3A_317] : memref<10240xf32, #tpu.memory_space<vmem>>[vector<16xi32>], vector<16xf32>,
      %swap3A_319 = arith.constant 0 : i32
      %swap3A_320 = arith.index_cast %scan3A_13 : i32 to index
      %swap3A_321 = arith.index_cast %swap3A_319 : i32 to index
      %swap3A_322 = arith.constant 192 : index
      %swap3A_323 = tpu.vector_load %arg9[%swap3A_320, %swap3A_321, %swap3A_322] {strides = array<i32>} : memref<8x3x640xf32, #tpu.memory_space<vmem>>, vector<16xf32>,
      tpu.vector_store %arg9[%swap3A_320, %swap3A_321, %swap3A_322], %gather3A_318 {strides = array<i32>} : memref<8x3x640xf32, #tpu.memory_space<vmem>>, vector<16xf32>,
      %gather3A_324 = tpu.vector_load_idx %arg6[%get3A_317] : memref<10240xf32, #tpu.memory_space<vmem>>[vector<16xi32>], vector<16xf32>,
      %swap3A_325 = arith.constant 1 : i32
      %swap3A_326 = arith.index_cast %scan3A_13 : i32 to index
      %swap3A_327 = arith.index_cast %swap3A_325 : i32 to index
      %swap3A_328 = arith.constant 192 : index
      %swap3A_329 = tpu.vector_load %arg9[%swap3A_326, %swap3A_327, %swap3A_328] {strides = array<i32>} : memref<8x3x640xf32, #tpu.memory_space<vmem>>, vector<16xf32>,
      tpu.vector_store %arg9[%swap3A_326, %swap3A_327, %swap3A_328], %gather3A_324 {strides = array<i32>} : memref<8x3x640xf32, #tpu.memory_space<vmem>>, vector<16xf32>,
      %gather3A_330 = tpu.vector_load_idx %arg7[%get3A_317] : memref<10240xf32, #tpu.memory_space<vmem>>[vector<16xi32>], vector<16xf32>,
      %swap3A_331 = arith.constant 2 : i32
      %swap3A_332 = arith.index_cast %scan3A_13 : i32 to index
      %swap3A_333 = arith.index_cast %swap3A_331 : i32 to index
      %swap3A_334 = arith.constant 192 : index
      %swap3A_335 = tpu.vector_load %arg9[%swap3A_332, %swap3A_333, %swap3A_334] {strides = array<i32>} : memref<8x3x640xf32, #tpu.memory_space<vmem>>, vector<16xf32>,
      tpu.vector_store %arg9[%swap3A_332, %swap3A_333, %swap3A_334], %gather3A_330 {strides = array<i32>} : memref<8x3x640xf32, #tpu.memory_space<vmem>>, vector<16xf32>,
      %mul3A_336 = arith.constant 5 : i32
      %mul3A_337 = arith.muli %scan3A_13, %mul3A_336 : i32
      %add3A_338 = arith.constant 1 : i32
      %add3A_339 = arith.addi %mul3A_337, %add3A_338 : i32
      %get3A_340 = arith.index_cast %add3A_339 : i32 to index
      %get3A_341 = arith.constant 80 : index
      %get3A_342 = tpu.vector_load %arg8[%get3A_340, %get3A_341] {strides = array<i32>} : memref<40x128xi32, #tpu.memory_space<vmem>>, vector<16xi32>,
      %gather3A_343 = tpu.vector_load_idx %arg5[%get3A_342] : memref<10240xf32, #tpu.memory_space<vmem>>[vector<16xi32>], vector<16xf32>,
      %swap3A_344 = arith.constant 0 : i32
      %swap3A_345 = arith.index_cast %scan3A_13 : i32 to index
      %swap3A_346 = arith.index_cast %swap3A_344 : i32 to index
      %swap3A_347 = arith.constant 208 : index
      %swap3A_348 = tpu.vector_load %arg9[%swap3A_345, %swap3A_346, %swap3A_347] {strides = array<i32>} : memref<8x3x640xf32, #tpu.memory_space<vmem>>, vector<16xf32>,
      tpu.vector_store %arg9[%swap3A_345, %swap3A_346, %swap3A_347], %gather3A_343 {strides = array<i32>} : memref<8x3x640xf32, #tpu.memory_space<vmem>>, vector<16xf32>,
      %gather3A_349 = tpu.vector_load_idx %arg6[%get3A_342] : memref<10240xf32, #tpu.memory_space<vmem>>[vector<16xi32>], vector<16xf32>,
      %swap3A_350 = arith.constant 1 : i32
      %swap3A_351 = arith.index_cast %scan3A_13 : i32 to index
      %swap3A_352 = arith.index_cast %swap3A_350 : i32 to index
      %swap3A_353 = arith.constant 208 : index
      %swap3A_354 = tpu.vector_load %arg9[%swap3A_351, %swap3A_352, %swap3A_353] {strides = array<i32>} : memref<8x3x640xf32, #tpu.memory_space<vmem>>, vector<16xf32>,
      tpu.vector_store %arg9[%swap3A_351, %swap3A_352, %swap3A_353], %gather3A_349 {strides = array<i32>} : memref<8x3x640xf32, #tpu.memory_space<vmem>>, vector<16xf32>,
      %gather3A_355 = tpu.vector_load_idx %arg7[%get3A_342] : memref<10240xf32, #tpu.memory_space<vmem>>[vector<16xi32>], vector<16xf32>,
      %swap3A_356 = arith.constant 2 : i32
      %swap3A_357 = arith.index_cast %scan3A_13 : i32 to index
      %swap3A_358 = arith.index_cast %swap3A_356 : i32 to index
      %swap3A_359 = arith.constant 208 : index
      %swap3A_360 = tpu.vector_load %arg9[%swap3A_357, %swap3A_358, %swap3A_359] {strides = array<i32>} : memref<8x3x640xf32, #tpu.memory_space<vmem>>, vector<16xf32>,
      tpu.vector_store %arg9[%swap3A_357, %swap3A_358, %swap3A_359], %gather3A_355 {strides = array<i32>} : memref<8x3x640xf32, #tpu.memory_space<vmem>>, vector<16xf32>,
      %mul3A_361 = arith.constant 5 : i32
      %mul3A_362 = arith.muli %scan3A_13, %mul3A_361 : i32
      %add3A_363 = arith.constant 1 : i32
      %add3A_364 = arith.addi %mul3A_362, %add3A_363 : i32
      %get3A_365 = arith.index_cast %add3A_364 : i32 to index
      %get3A_366 = arith.constant 96 : index
      %get3A_367 = tpu.vector_load %arg8[%get3A_365, %get3A_366] {strides = array<i32>} : memref<40x128xi32, #tpu.memory_space<vmem>>, vector<16xi32>,
      %gather3A_368 = tpu.vector_load_idx %arg5[%get3A_367] : memref<10240xf32, #tpu.memory_space<vmem>>[vector<16xi32>], vector<16xf32>,
      %swap3A_369 = arith.constant 0 : i32
      %swap3A_370 = arith.index_cast %scan3A_13 : i32 to index
      %swap3A_371 = arith.index_cast %swap3A_369 : i32 to index
      %swap3A_372 = arith.constant 224 : index
      %swap3A_373 = tpu.vector_load %arg9[%swap3A_370, %swap3A_371, %swap3A_372] {strides = array<i32>} : memref<8x3x640xf32, #tpu.memory_space<vmem>>, vector<16xf32>,
      tpu.vector_store %arg9[%swap3A_370, %swap3A_371, %swap3A_372], %gather3A_368 {strides = array<i32>} : memref<8x3x640xf32, #tpu.memory_space<vmem>>, vector<16xf32>,
      %gather3A_374 = tpu.vector_load_idx %arg6[%get3A_367] : memref<10240xf32, #tpu.memory_space<vmem>>[vector<16xi32>], vector<16xf32>,
      %swap3A_375 = arith.constant 1 : i32
      %swap3A_376 = arith.index_cast %scan3A_13 : i32 to index
      %swap3A_377 = arith.index_cast %swap3A_375 : i32 to index
      %swap3A_378 = arith.constant 224 : index
      %swap3A_379 = tpu.vector_load %arg9[%swap3A_376, %swap3A_377, %swap3A_378] {strides = array<i32>} : memref<8x3x640xf32, #tpu.memory_space<vmem>>, vector<16xf32>,
      tpu.vector_store %arg9[%swap3A_376, %swap3A_377, %swap3A_378], %gather3A_374 {strides = array<i32>} : memref<8x3x640xf32, #tpu.memory_space<vmem>>, vector<16xf32>,
      %gather3A_380 = tpu.vector_load_idx %arg7[%get3A_367] : memref<10240xf32, #tpu.memory_space<vmem>>[vector<16xi32>], vector<16xf32>,
      %swap3A_381 = arith.constant 2 : i32
      %swap3A_382 = arith.index_cast %scan3A_13 : i32 to index
      %swap3A_383 = arith.index_cast %swap3A_381 : i32 to index
      %swap3A_384 = arith.constant 224 : index
      %swap3A_385 = tpu.vector_load %arg9[%swap3A_382, %swap3A_383, %swap3A_384] {strides = array<i32>} : memref<8x3x640xf32, #tpu.memory_space<vmem>>, vector<16xf32>,
      tpu.vector_store %arg9[%swap3A_382, %swap3A_383, %swap3A_384], %gather3A_380 {strides = array<i32>} : memref<8x3x640xf32, #tpu.memory_space<vmem>>, vector<16xf32>,
      %mul3A_386 = arith.constant 5 : i32
      %mul3A_387 = arith.muli %scan3A_13, %mul3A_386 : i32
      %add3A_388 = arith.constant 1 : i32
      %add3A_389 = arith.addi %mul3A_387, %add3A_388 : i32
      %get3A_390 = arith.index_cast %add3A_389 : i32 to index
      %get3A_391 = arith.constant 112 : index
      %get3A_392 = tpu.vector_load %arg8[%get3A_390, %get3A_391] {strides = array<i32>} : memref<40x128xi32, #tpu.memory_space<vmem>>, vector<16xi32>,
      %gather3A_393 = tpu.vector_load_idx %arg5[%get3A_392] : memref<10240xf32, #tpu.memory_space<vmem>>[vector<16xi32>], vector<16xf32>,
      %swap3A_394 = arith.constant 0 : i32
      %swap3A_395 = arith.index_cast %scan3A_13 : i32 to index
      %swap3A_396 = arith.index_cast %swap3A_394 : i32 to index
      %swap3A_397 = arith.constant 240 : index
      %swap3A_398 = tpu.vector_load %arg9[%swap3A_395, %swap3A_396, %swap3A_397] {strides = array<i32>} : memref<8x3x640xf32, #tpu.memory_space<vmem>>, vector<16xf32>,
      tpu.vector_store %arg9[%swap3A_395, %swap3A_396, %swap3A_397], %gather3A_393 {strides = array<i32>} : memref<8x3x640xf32, #tpu.memory_space<vmem>>, vector<16xf32>,
      %gather3A_399 = tpu.vector_load_idx %arg6[%get3A_392] : memref<10240xf32, #tpu.memory_space<vmem>>[vector<16xi32>], vector<16xf32>,
      %swap3A_400 = arith.constant 1 : i32
      %swap3A_401 = arith.index_cast %scan3A_13 : i32 to index
      %swap3A_402 = arith.index_cast %swap3A_400 : i32 to index
      %swap3A_403 = arith.constant 240 : index
      %swap3A_404 = tpu.vector_load %arg9[%swap3A_401, %swap3A_402, %swap3A_403] {strides = array<i32>} : memref<8x3x640xf32, #tpu.memory_space<vmem>>, vector<16xf32>,
      tpu.vector_store %arg9[%swap3A_401, %swap3A_402, %swap3A_403], %gather3A_399 {strides = array<i32>} : memref<8x3x640xf32, #tpu.memory_space<vmem>>, vector<16xf32>,
      %gather3A_405 = tpu.vector_load_idx %arg7[%get3A_392] : memref<10240xf32, #tpu.memory_space<vmem>>[vector<16xi32>], vector<16xf32>,
      %swap3A_406 = arith.constant 2 : i32
      %swap3A_407 = arith.index_cast %scan3A_13 : i32 to index
      %swap3A_408 = arith.index_cast %swap3A_406 : i32 to index
      %swap3A_409 = arith.constant 240 : index
      %swap3A_410 = tpu.vector_load %arg9[%swap3A_407, %swap3A_408, %swap3A_409] {strides = array<i32>} : memref<8x3x640xf32, #tpu.memory_space<vmem>>, vector<16xf32>,
      tpu.vector_store %arg9[%swap3A_407, %swap3A_408, %swap3A_409], %gather3A_405 {strides = array<i32>} : memref<8x3x640xf32, #tpu.memory_space<vmem>>, vector<16xf32>,
      %mul3A_411 = arith.constant 5 : i32
      %mul3A_412 = arith.muli %scan3A_13, %mul3A_411 : i32
      %add3A_413 = arith.constant 2 : i32
      %add3A_414 = arith.addi %mul3A_412, %add3A_413 : i32
      %get3A_415 = arith.index_cast %add3A_414 : i32 to index
      %get3A_416 = arith.constant 0 : index
      %get3A_417 = tpu.vector_load %arg8[%get3A_415, %get3A_416] {strides = array<i32>} : memref<40x128xi32, #tpu.memory_space<vmem>>, vector<16xi32>,
      %gather3A_418 = tpu.vector_load_idx %arg5[%get3A_417] : memref<10240xf32, #tpu.memory_space<vmem>>[vector<16xi32>], vector<16xf32>,
      %swap3A_419 = arith.constant 0 : i32
      %swap3A_420 = arith.index_cast %scan3A_13 : i32 to index
      %swap3A_421 = arith.index_cast %swap3A_419 : i32 to index
      %swap3A_422 = arith.constant 256 : index
      %swap3A_423 = tpu.vector_load %arg9[%swap3A_420, %swap3A_421, %swap3A_422] {strides = array<i32>} : memref<8x3x640xf32, #tpu.memory_space<vmem>>, vector<16xf32>,
      tpu.vector_store %arg9[%swap3A_420, %swap3A_421, %swap3A_422], %gather3A_418 {strides = array<i32>} : memref<8x3x640xf32, #tpu.memory_space<vmem>>, vector<16xf32>,
      %gather3A_424 = tpu.vector_load_idx %arg6[%get3A_417] : memref<10240xf32, #tpu.memory_space<vmem>>[vector<16xi32>], vector<16xf32>,
      %swap3A_425 = arith.constant 1 : i32
      %swap3A_426 = arith.index_cast %scan3A_13 : i32 to index
      %swap3A_427 = arith.index_cast %swap3A_425 : i32 to index
      %swap3A_428 = arith.constant 256 : index
      %swap3A_429 = tpu.vector_load %arg9[%swap3A_426, %swap3A_427, %swap3A_428] {strides = array<i32>} : memref<8x3x640xf32, #tpu.memory_space<vmem>>, vector<16xf32>,
      tpu.vector_store %arg9[%swap3A_426, %swap3A_427, %swap3A_428], %gather3A_424 {strides = array<i32>} : memref<8x3x640xf32, #tpu.memory_space<vmem>>, vector<16xf32>,
      %gather3A_430 = tpu.vector_load_idx %arg7[%get3A_417] : memref<10240xf32, #tpu.memory_space<vmem>>[vector<16xi32>], vector<16xf32>,
      %swap3A_431 = arith.constant 2 : i32
      %swap3A_432 = arith.index_cast %scan3A_13 : i32 to index
      %swap3A_433 = arith.index_cast %swap3A_431 : i32 to index
      %swap3A_434 = arith.constant 256 : index
      %swap3A_435 = tpu.vector_load %arg9[%swap3A_432, %swap3A_433, %swap3A_434] {strides = array<i32>} : memref<8x3x640xf32, #tpu.memory_space<vmem>>, vector<16xf32>,
      tpu.vector_store %arg9[%swap3A_432, %swap3A_433, %swap3A_434], %gather3A_430 {strides = array<i32>} : memref<8x3x640xf32, #tpu.memory_space<vmem>>, vector<16xf32>,
      %mul3A_436 = arith.constant 5 : i32
      %mul3A_437 = arith.muli %scan3A_13, %mul3A_436 : i32
      %add3A_438 = arith.constant 2 : i32
      %add3A_439 = arith.addi %mul3A_437, %add3A_438 : i32
      %get3A_440 = arith.index_cast %add3A_439 : i32 to index
      %get3A_441 = arith.constant 16 : index
      %get3A_442 = tpu.vector_load %arg8[%get3A_440, %get3A_441] {strides = array<i32>} : memref<40x128xi32, #tpu.memory_space<vmem>>, vector<16xi32>,
      %gather3A_443 = tpu.vector_load_idx %arg5[%get3A_442] : memref<10240xf32, #tpu.memory_space<vmem>>[vector<16xi32>], vector<16xf32>,
      %swap3A_444 = arith.constant 0 : i32
      %swap3A_445 = arith.index_cast %scan3A_13 : i32 to index
      %swap3A_446 = arith.index_cast %swap3A_444 : i32 to index
      %swap3A_447 = arith.constant 272 : index
      %swap3A_448 = tpu.vector_load %arg9[%swap3A_445, %swap3A_446, %swap3A_447] {strides = array<i32>} : memref<8x3x640xf32, #tpu.memory_space<vmem>>, vector<16xf32>,
      tpu.vector_store %arg9[%swap3A_445, %swap3A_446, %swap3A_447], %gather3A_443 {strides = array<i32>} : memref<8x3x640xf32, #tpu.memory_space<vmem>>, vector<16xf32>,
      %gather3A_449 = tpu.vector_load_idx %arg6[%get3A_442] : memref<10240xf32, #tpu.memory_space<vmem>>[vector<16xi32>], vector<16xf32>,
      %swap3A_450 = arith.constant 1 : i32
      %swap3A_451 = arith.index_cast %scan3A_13 : i32 to index
      %swap3A_452 = arith.index_cast %swap3A_450 : i32 to index
      %swap3A_453 = arith.constant 272 : index
      %swap3A_454 = tpu.vector_load %arg9[%swap3A_451, %swap3A_452, %swap3A_453] {strides = array<i32>} : memref<8x3x640xf32, #tpu.memory_space<vmem>>, vector<16xf32>,
      tpu.vector_store %arg9[%swap3A_451, %swap3A_452, %swap3A_453], %gather3A_449 {strides = array<i32>} : memref<8x3x640xf32, #tpu.memory_space<vmem>>, vector<16xf32>,
      %gather3A_455 = tpu.vector_load_idx %arg7[%get3A_442] : memref<10240xf32, #tpu.memory_space<vmem>>[vector<16xi32>], vector<16xf32>,
      %swap3A_456 = arith.constant 2 : i32
      %swap3A_457 = arith.index_cast %scan3A_13 : i32 to index
      %swap3A_458 = arith.index_cast %swap3A_456 : i32 to index
      %swap3A_459 = arith.constant 272 : index
      %swap3A_460 = tpu.vector_load %arg9[%swap3A_457, %swap3A_458, %swap3A_459] {strides = array<i32>} : memref<8x3x640xf32, #tpu.memory_space<vmem>>, vector<16xf32>,
      tpu.vector_store %arg9[%swap3A_457, %swap3A_458, %swap3A_459], %gather3A_455 {strides = array<i32>} : memref<8x3x640xf32, #tpu.memory_space<vmem>>, vector<16xf32>,
      %mul3A_461 = arith.constant 5 : i32
      %mul3A_462 = arith.muli %scan3A_13, %mul3A_461 : i32
      %add3A_463 = arith.constant 2 : i32
      %add3A_464 = arith.addi %mul3A_462, %add3A_463 : i32
      %get3A_465 = arith.index_cast %add3A_464 : i32 to index
      %get3A_466 = arith.constant 32 : index
      %get3A_467 = tpu.vector_load %arg8[%get3A_465, %get3A_466] {strides = array<i32>} : memref<40x128xi32, #tpu.memory_space<vmem>>, vector<16xi32>,
      %gather3A_468 = tpu.vector_load_idx %arg5[%get3A_467] : memref<10240xf32, #tpu.memory_space<vmem>>[vector<16xi32>], vector<16xf32>,
      %swap3A_469 = arith.constant 0 : i32
      %swap3A_470 = arith.index_cast %scan3A_13 : i32 to index
      %swap3A_471 = arith.index_cast %swap3A_469 : i32 to index
      %swap3A_472 = arith.constant 288 : index
      %swap3A_473 = tpu.vector_load %arg9[%swap3A_470, %swap3A_471, %swap3A_472] {strides = array<i32>} : memref<8x3x640xf32, #tpu.memory_space<vmem>>, vector<16xf32>,
      tpu.vector_store %arg9[%swap3A_470, %swap3A_471, %swap3A_472], %gather3A_468 {strides = array<i32>} : memref<8x3x640xf32, #tpu.memory_space<vmem>>, vector<16xf32>,
      %gather3A_474 = tpu.vector_load_idx %arg6[%get3A_467] : memref<10240xf32, #tpu.memory_space<vmem>>[vector<16xi32>], vector<16xf32>,
      %swap3A_475 = arith.constant 1 : i32
      %swap3A_476 = arith.index_cast %scan3A_13 : i32 to index
      %swap3A_477 = arith.index_cast %swap3A_475 : i32 to index
      %swap3A_478 = arith.constant 288 : index
      %swap3A_479 = tpu.vector_load %arg9[%swap3A_476, %swap3A_477, %swap3A_478] {strides = array<i32>} : memref<8x3x640xf32, #tpu.memory_space<vmem>>, vector<16xf32>,
      tpu.vector_store %arg9[%swap3A_476, %swap3A_477, %swap3A_478], %gather3A_474 {strides = array<i32>} : memref<8x3x640xf32, #tpu.memory_space<vmem>>, vector<16xf32>,
      %gather3A_480 = tpu.vector_load_idx %arg7[%get3A_467] : memref<10240xf32, #tpu.memory_space<vmem>>[vector<16xi32>], vector<16xf32>,
      %swap3A_481 = arith.constant 2 : i32
      %swap3A_482 = arith.index_cast %scan3A_13 : i32 to index
      %swap3A_483 = arith.index_cast %swap3A_481 : i32 to index
      %swap3A_484 = arith.constant 288 : index
      %swap3A_485 = tpu.vector_load %arg9[%swap3A_482, %swap3A_483, %swap3A_484] {strides = array<i32>} : memref<8x3x640xf32, #tpu.memory_space<vmem>>, vector<16xf32>,
      tpu.vector_store %arg9[%swap3A_482, %swap3A_483, %swap3A_484], %gather3A_480 {strides = array<i32>} : memref<8x3x640xf32, #tpu.memory_space<vmem>>, vector<16xf32>,
      %mul3A_486 = arith.constant 5 : i32
      %mul3A_487 = arith.muli %scan3A_13, %mul3A_486 : i32
      %add3A_488 = arith.constant 2 : i32
      %add3A_489 = arith.addi %mul3A_487, %add3A_488 : i32
      %get3A_490 = arith.index_cast %add3A_489 : i32 to index
      %get3A_491 = arith.constant 48 : index
      %get3A_492 = tpu.vector_load %arg8[%get3A_490, %get3A_491] {strides = array<i32>} : memref<40x128xi32, #tpu.memory_space<vmem>>, vector<16xi32>,
      %gather3A_493 = tpu.vector_load_idx %arg5[%get3A_492] : memref<10240xf32, #tpu.memory_space<vmem>>[vector<16xi32>], vector<16xf32>,
      %swap3A_494 = arith.constant 0 : i32
      %swap3A_495 = arith.index_cast %scan3A_13 : i32 to index
      %swap3A_496 = arith.index_cast %swap3A_494 : i32 to index
      %swap3A_497 = arith.constant 304 : index
      %swap3A_498 = tpu.vector_load %arg9[%swap3A_495, %swap3A_496, %swap3A_497] {strides = array<i32>} : memref<8x3x640xf32, #tpu.memory_space<vmem>>, vector<16xf32>,
      tpu.vector_store %arg9[%swap3A_495, %swap3A_496, %swap3A_497], %gather3A_493 {strides = array<i32>} : memref<8x3x640xf32, #tpu.memory_space<vmem>>, vector<16xf32>,
      %gather3A_499 = tpu.vector_load_idx %arg6[%get3A_492] : memref<10240xf32, #tpu.memory_space<vmem>>[vector<16xi32>], vector<16xf32>,
      %swap3A_500 = arith.constant 1 : i32
      %swap3A_501 = arith.index_cast %scan3A_13 : i32 to index
      %swap3A_502 = arith.index_cast %swap3A_500 : i32 to index
      %swap3A_503 = arith.constant 304 : index
      %swap3A_504 = tpu.vector_load %arg9[%swap3A_501, %swap3A_502, %swap3A_503] {strides = array<i32>} : memref<8x3x640xf32, #tpu.memory_space<vmem>>, vector<16xf32>,
      tpu.vector_store %arg9[%swap3A_501, %swap3A_502, %swap3A_503], %gather3A_499 {strides = array<i32>} : memref<8x3x640xf32, #tpu.memory_space<vmem>>, vector<16xf32>,
      %gather3A_505 = tpu.vector_load_idx %arg7[%get3A_492] : memref<10240xf32, #tpu.memory_space<vmem>>[vector<16xi32>], vector<16xf32>,
      %swap3A_506 = arith.constant 2 : i32
      %swap3A_507 = arith.index_cast %scan3A_13 : i32 to index
      %swap3A_508 = arith.index_cast %swap3A_506 : i32 to index
      %swap3A_509 = arith.constant 304 : index
      %swap3A_510 = tpu.vector_load %arg9[%swap3A_507, %swap3A_508, %swap3A_509] {strides = array<i32>} : memref<8x3x640xf32, #tpu.memory_space<vmem>>, vector<16xf32>,
      tpu.vector_store %arg9[%swap3A_507, %swap3A_508, %swap3A_509], %gather3A_505 {strides = array<i32>} : memref<8x3x640xf32, #tpu.memory_space<vmem>>, vector<16xf32>,
      %mul3A_511 = arith.constant 5 : i32
      %mul3A_512 = arith.muli %scan3A_13, %mul3A_511 : i32
      %add3A_513 = arith.constant 2 : i32
      %add3A_514 = arith.addi %mul3A_512, %add3A_513 : i32
      %get3A_515 = arith.index_cast %add3A_514 : i32 to index
      %get3A_516 = arith.constant 64 : index
      %get3A_517 = tpu.vector_load %arg8[%get3A_515, %get3A_516] {strides = array<i32>} : memref<40x128xi32, #tpu.memory_space<vmem>>, vector<16xi32>,
      %gather3A_518 = tpu.vector_load_idx %arg5[%get3A_517] : memref<10240xf32, #tpu.memory_space<vmem>>[vector<16xi32>], vector<16xf32>,
      %swap3A_519 = arith.constant 0 : i32
      %swap3A_520 = arith.index_cast %scan3A_13 : i32 to index
      %swap3A_521 = arith.index_cast %swap3A_519 : i32 to index
      %swap3A_522 = arith.constant 320 : index
      %swap3A_523 = tpu.vector_load %arg9[%swap3A_520, %swap3A_521, %swap3A_522] {strides = array<i32>} : memref<8x3x640xf32, #tpu.memory_space<vmem>>, vector<16xf32>,
      tpu.vector_store %arg9[%swap3A_520, %swap3A_521, %swap3A_522], %gather3A_518 {strides = array<i32>} : memref<8x3x640xf32, #tpu.memory_space<vmem>>, vector<16xf32>,
      %gather3A_524 = tpu.vector_load_idx %arg6[%get3A_517] : memref<10240xf32, #tpu.memory_space<vmem>>[vector<16xi32>], vector<16xf32>,
      %swap3A_525 = arith.constant 1 : i32
      %swap3A_526 = arith.index_cast %scan3A_13 : i32 to index
      %swap3A_527 = arith.index_cast %swap3A_525 : i32 to index
      %swap3A_528 = arith.constant 320 : index
      %swap3A_529 = tpu.vector_load %arg9[%swap3A_526, %swap3A_527, %swap3A_528] {strides = array<i32>} : memref<8x3x640xf32, #tpu.memory_space<vmem>>, vector<16xf32>,
      tpu.vector_store %arg9[%swap3A_526, %swap3A_527, %swap3A_528], %gather3A_524 {strides = array<i32>} : memref<8x3x640xf32, #tpu.memory_space<vmem>>, vector<16xf32>,
      %gather3A_530 = tpu.vector_load_idx %arg7[%get3A_517] : memref<10240xf32, #tpu.memory_space<vmem>>[vector<16xi32>], vector<16xf32>,
      %swap3A_531 = arith.constant 2 : i32
      %swap3A_532 = arith.index_cast %scan3A_13 : i32 to index
      %swap3A_533 = arith.index_cast %swap3A_531 : i32 to index
      %swap3A_534 = arith.constant 320 : index
      %swap3A_535 = tpu.vector_load %arg9[%swap3A_532, %swap3A_533, %swap3A_534] {strides = array<i32>} : memref<8x3x640xf32, #tpu.memory_space<vmem>>, vector<16xf32>,
      tpu.vector_store %arg9[%swap3A_532, %swap3A_533, %swap3A_534], %gather3A_530 {strides = array<i32>} : memref<8x3x640xf32, #tpu.memory_space<vmem>>, vector<16xf32>,
      %mul3A_536 = arith.constant 5 : i32
      %mul3A_537 = arith.muli %scan3A_13, %mul3A_536 : i32
      %add3A_538 = arith.constant 2 : i32
      %add3A_539 = arith.addi %mul3A_537, %add3A_538 : i32
      %get3A_540 = arith.index_cast %add3A_539 : i32 to index
      %get3A_541 = arith.constant 80 : index
      %get3A_542 = tpu.vector_load %arg8[%get3A_540, %get3A_541] {strides = array<i32>} : memref<40x128xi32, #tpu.memory_space<vmem>>, vector<16xi32>,
      %gather3A_543 = tpu.vector_load_idx %arg5[%get3A_542] : memref<10240xf32, #tpu.memory_space<vmem>>[vector<16xi32>], vector<16xf32>,
      %swap3A_544 = arith.constant 0 : i32
      %swap3A_545 = arith.index_cast %scan3A_13 : i32 to index
      %swap3A_546 = arith.index_cast %swap3A_544 : i32 to index
      %swap3A_547 = arith.constant 336 : index
      %swap3A_548 = tpu.vector_load %arg9[%swap3A_545, %swap3A_546, %swap3A_547] {strides = array<i32>} : memref<8x3x640xf32, #tpu.memory_space<vmem>>, vector<16xf32>,
      tpu.vector_store %arg9[%swap3A_545, %swap3A_546, %swap3A_547], %gather3A_543 {strides = array<i32>} : memref<8x3x640xf32, #tpu.memory_space<vmem>>, vector<16xf32>,
      %gather3A_549 = tpu.vector_load_idx %arg6[%get3A_542] : memref<10240xf32, #tpu.memory_space<vmem>>[vector<16xi32>], vector<16xf32>,
      %swap3A_550 = arith.constant 1 : i32
      %swap3A_551 = arith.index_cast %scan3A_13 : i32 to index
      %swap3A_552 = arith.index_cast %swap3A_550 : i32 to index
      %swap3A_553 = arith.constant 336 : index
      %swap3A_554 = tpu.vector_load %arg9[%swap3A_551, %swap3A_552, %swap3A_553] {strides = array<i32>} : memref<8x3x640xf32, #tpu.memory_space<vmem>>, vector<16xf32>,
      tpu.vector_store %arg9[%swap3A_551, %swap3A_552, %swap3A_553], %gather3A_549 {strides = array<i32>} : memref<8x3x640xf32, #tpu.memory_space<vmem>>, vector<16xf32>,
      %gather3A_555 = tpu.vector_load_idx %arg7[%get3A_542] : memref<10240xf32, #tpu.memory_space<vmem>>[vector<16xi32>], vector<16xf32>,
      %swap3A_556 = arith.constant 2 : i32
      %swap3A_557 = arith.index_cast %scan3A_13 : i32 to index
      %swap3A_558 = arith.index_cast %swap3A_556 : i32 to index
      %swap3A_559 = arith.constant 336 : index
      %swap3A_560 = tpu.vector_load %arg9[%swap3A_557, %swap3A_558, %swap3A_559] {strides = array<i32>} : memref<8x3x640xf32, #tpu.memory_space<vmem>>, vector<16xf32>,
      tpu.vector_store %arg9[%swap3A_557, %swap3A_558, %swap3A_559], %gather3A_555 {strides = array<i32>} : memref<8x3x640xf32, #tpu.memory_space<vmem>>, vector<16xf32>,
      %mul3A_561 = arith.constant 5 : i32
      %mul3A_562 = arith.muli %scan3A_13, %mul3A_561 : i32
      %add3A_563 = arith.constant 2 : i32
      %add3A_564 = arith.addi %mul3A_562, %add3A_563 : i32
      %get3A_565 = arith.index_cast %add3A_564 : i32 to index
      %get3A_566 = arith.constant 96 : index
      %get3A_567 = tpu.vector_load %arg8[%get3A_565, %get3A_566] {strides = array<i32>} : memref<40x128xi32, #tpu.memory_space<vmem>>, vector<16xi32>,
      %gather3A_568 = tpu.vector_load_idx %arg5[%get3A_567] : memref<10240xf32, #tpu.memory_space<vmem>>[vector<16xi32>], vector<16xf32>,
      %swap3A_569 = arith.constant 0 : i32
      %swap3A_570 = arith.index_cast %scan3A_13 : i32 to index
      %swap3A_571 = arith.index_cast %swap3A_569 : i32 to index
      %swap3A_572 = arith.constant 352 : index
      %swap3A_573 = tpu.vector_load %arg9[%swap3A_570, %swap3A_571, %swap3A_572] {strides = array<i32>} : memref<8x3x640xf32, #tpu.memory_space<vmem>>, vector<16xf32>,
      tpu.vector_store %arg9[%swap3A_570, %swap3A_571, %swap3A_572], %gather3A_568 {strides = array<i32>} : memref<8x3x640xf32, #tpu.memory_space<vmem>>, vector<16xf32>,
      %gather3A_574 = tpu.vector_load_idx %arg6[%get3A_567] : memref<10240xf32, #tpu.memory_space<vmem>>[vector<16xi32>], vector<16xf32>,
      %swap3A_575 = arith.constant 1 : i32
      %swap3A_576 = arith.index_cast %scan3A_13 : i32 to index
      %swap3A_577 = arith.index_cast %swap3A_575 : i32 to index
      %swap3A_578 = arith.constant 352 : index
      %swap3A_579 = tpu.vector_load %arg9[%swap3A_576, %swap3A_577, %swap3A_578] {strides = array<i32>} : memref<8x3x640xf32, #tpu.memory_space<vmem>>, vector<16xf32>,
      tpu.vector_store %arg9[%swap3A_576, %swap3A_577, %swap3A_578], %gather3A_574 {strides = array<i32>} : memref<8x3x640xf32, #tpu.memory_space<vmem>>, vector<16xf32>,
      %gather3A_580 = tpu.vector_load_idx %arg7[%get3A_567] : memref<10240xf32, #tpu.memory_space<vmem>>[vector<16xi32>], vector<16xf32>,
      %swap3A_581 = arith.constant 2 : i32
      %swap3A_582 = arith.index_cast %scan3A_13 : i32 to index
      %swap3A_583 = arith.index_cast %swap3A_581 : i32 to index
      %swap3A_584 = arith.constant 352 : index
      %swap3A_585 = tpu.vector_load %arg9[%swap3A_582, %swap3A_583, %swap3A_584] {strides = array<i32>} : memref<8x3x640xf32, #tpu.memory_space<vmem>>, vector<16xf32>,
      tpu.vector_store %arg9[%swap3A_582, %swap3A_583, %swap3A_584], %gather3A_580 {strides = array<i32>} : memref<8x3x640xf32, #tpu.memory_space<vmem>>, vector<16xf32>,
      %mul3A_586 = arith.constant 5 : i32
      %mul3A_587 = arith.muli %scan3A_13, %mul3A_586 : i32
      %add3A_588 = arith.constant 2 : i32
      %add3A_589 = arith.addi %mul3A_587, %add3A_588 : i32
      %get3A_590 = arith.index_cast %add3A_589 : i32 to index
      %get3A_591 = arith.constant 112 : index
      %get3A_592 = tpu.vector_load %arg8[%get3A_590, %get3A_591] {strides = array<i32>} : memref<40x128xi32, #tpu.memory_space<vmem>>, vector<16xi32>,
      %gather3A_593 = tpu.vector_load_idx %arg5[%get3A_592] : memref<10240xf32, #tpu.memory_space<vmem>>[vector<16xi32>], vector<16xf32>,
      %swap3A_594 = arith.constant 0 : i32
      %swap3A_595 = arith.index_cast %scan3A_13 : i32 to index
      %swap3A_596 = arith.index_cast %swap3A_594 : i32 to index
      %swap3A_597 = arith.constant 368 : index
      %swap3A_598 = tpu.vector_load %arg9[%swap3A_595, %swap3A_596, %swap3A_597] {strides = array<i32>} : memref<8x3x640xf32, #tpu.memory_space<vmem>>, vector<16xf32>,
      tpu.vector_store %arg9[%swap3A_595, %swap3A_596, %swap3A_597], %gather3A_593 {strides = array<i32>} : memref<8x3x640xf32, #tpu.memory_space<vmem>>, vector<16xf32>,
      %gather3A_599 = tpu.vector_load_idx %arg6[%get3A_592] : memref<10240xf32, #tpu.memory_space<vmem>>[vector<16xi32>], vector<16xf32>,
      %swap3A_600 = arith.constant 1 : i32
      %swap3A_601 = arith.index_cast %scan3A_13 : i32 to index
      %swap3A_602 = arith.index_cast %swap3A_600 : i32 to index
      %swap3A_603 = arith.constant 368 : index
      %swap3A_604 = tpu.vector_load %arg9[%swap3A_601, %swap3A_602, %swap3A_603] {strides = array<i32>} : memref<8x3x640xf32, #tpu.memory_space<vmem>>, vector<16xf32>,
      tpu.vector_store %arg9[%swap3A_601, %swap3A_602, %swap3A_603], %gather3A_599 {strides = array<i32>} : memref<8x3x640xf32, #tpu.memory_space<vmem>>, vector<16xf32>,
      %gather3A_605 = tpu.vector_load_idx %arg7[%get3A_592] : memref<10240xf32, #tpu.memory_space<vmem>>[vector<16xi32>], vector<16xf32>,
      %swap3A_606 = arith.constant 2 : i32
      %swap3A_607 = arith.index_cast %scan3A_13 : i32 to index
      %swap3A_608 = arith.index_cast %swap3A_606 : i32 to index
      %swap3A_609 = arith.constant 368 : index
      %swap3A_610 = tpu.vector_load %arg9[%swap3A_607, %swap3A_608, %swap3A_609] {strides = array<i32>} : memref<8x3x640xf32, #tpu.memory_space<vmem>>, vector<16xf32>,
      tpu.vector_store %arg9[%swap3A_607, %swap3A_608, %swap3A_609], %gather3A_605 {strides = array<i32>} : memref<8x3x640xf32, #tpu.memory_space<vmem>>, vector<16xf32>,
      %mul3A_611 = arith.constant 5 : i32
      %mul3A_612 = arith.muli %scan3A_13, %mul3A_611 : i32
      %add3A_613 = arith.constant 3 : i32
      %add3A_614 = arith.addi %mul3A_612, %add3A_613 : i32
      %get3A_615 = arith.index_cast %add3A_614 : i32 to index
      %get3A_616 = arith.constant 0 : index
      %get3A_617 = tpu.vector_load %arg8[%get3A_615, %get3A_616] {strides = array<i32>} : memref<40x128xi32, #tpu.memory_space<vmem>>, vector<16xi32>,
      %gather3A_618 = tpu.vector_load_idx %arg5[%get3A_617] : memref<10240xf32, #tpu.memory_space<vmem>>[vector<16xi32>], vector<16xf32>,
      %swap3A_619 = arith.constant 0 : i32
      %swap3A_620 = arith.index_cast %scan3A_13 : i32 to index
      %swap3A_621 = arith.index_cast %swap3A_619 : i32 to index
      %swap3A_622 = arith.constant 384 : index
      %swap3A_623 = tpu.vector_load %arg9[%swap3A_620, %swap3A_621, %swap3A_622] {strides = array<i32>} : memref<8x3x640xf32, #tpu.memory_space<vmem>>, vector<16xf32>,
      tpu.vector_store %arg9[%swap3A_620, %swap3A_621, %swap3A_622], %gather3A_618 {strides = array<i32>} : memref<8x3x640xf32, #tpu.memory_space<vmem>>, vector<16xf32>,
      %gather3A_624 = tpu.vector_load_idx %arg6[%get3A_617] : memref<10240xf32, #tpu.memory_space<vmem>>[vector<16xi32>], vector<16xf32>,
      %swap3A_625 = arith.constant 1 : i32
      %swap3A_626 = arith.index_cast %scan3A_13 : i32 to index
      %swap3A_627 = arith.index_cast %swap3A_625 : i32 to index
      %swap3A_628 = arith.constant 384 : index
      %swap3A_629 = tpu.vector_load %arg9[%swap3A_626, %swap3A_627, %swap3A_628] {strides = array<i32>} : memref<8x3x640xf32, #tpu.memory_space<vmem>>, vector<16xf32>,
      tpu.vector_store %arg9[%swap3A_626, %swap3A_627, %swap3A_628], %gather3A_624 {strides = array<i32>} : memref<8x3x640xf32, #tpu.memory_space<vmem>>, vector<16xf32>,
      %gather3A_630 = tpu.vector_load_idx %arg7[%get3A_617] : memref<10240xf32, #tpu.memory_space<vmem>>[vector<16xi32>], vector<16xf32>,
      %swap3A_631 = arith.constant 2 : i32
      %swap3A_632 = arith.index_cast %scan3A_13 : i32 to index
      %swap3A_633 = arith.index_cast %swap3A_631 : i32 to index
      %swap3A_634 = arith.constant 384 : index
      %swap3A_635 = tpu.vector_load %arg9[%swap3A_632, %swap3A_633, %swap3A_634] {strides = array<i32>} : memref<8x3x640xf32, #tpu.memory_space<vmem>>, vector<16xf32>,
      tpu.vector_store %arg9[%swap3A_632, %swap3A_633, %swap3A_634], %gather3A_630 {strides = array<i32>} : memref<8x3x640xf32, #tpu.memory_space<vmem>>, vector<16xf32>,
      %mul3A_636 = arith.constant 5 : i32
      %mul3A_637 = arith.muli %scan3A_13, %mul3A_636 : i32
      %add3A_638 = arith.constant 3 : i32
      %add3A_639 = arith.addi %mul3A_637, %add3A_638 : i32
      %get3A_640 = arith.index_cast %add3A_639 : i32 to index
      %get3A_641 = arith.constant 16 : index
      %get3A_642 = tpu.vector_load %arg8[%get3A_640, %get3A_641] {strides = array<i32>} : memref<40x128xi32, #tpu.memory_space<vmem>>, vector<16xi32>,
      %gather3A_643 = tpu.vector_load_idx %arg5[%get3A_642] : memref<10240xf32, #tpu.memory_space<vmem>>[vector<16xi32>], vector<16xf32>,
      %swap3A_644 = arith.constant 0 : i32
      %swap3A_645 = arith.index_cast %scan3A_13 : i32 to index
      %swap3A_646 = arith.index_cast %swap3A_644 : i32 to index
      %swap3A_647 = arith.constant 400 : index
      %swap3A_648 = tpu.vector_load %arg9[%swap3A_645, %swap3A_646, %swap3A_647] {strides = array<i32>} : memref<8x3x640xf32, #tpu.memory_space<vmem>>, vector<16xf32>,
      tpu.vector_store %arg9[%swap3A_645, %swap3A_646, %swap3A_647], %gather3A_643 {strides = array<i32>} : memref<8x3x640xf32, #tpu.memory_space<vmem>>, vector<16xf32>,
      %gather3A_649 = tpu.vector_load_idx %arg6[%get3A_642] : memref<10240xf32, #tpu.memory_space<vmem>>[vector<16xi32>], vector<16xf32>,
      %swap3A_650 = arith.constant 1 : i32
      %swap3A_651 = arith.index_cast %scan3A_13 : i32 to index
      %swap3A_652 = arith.index_cast %swap3A_650 : i32 to index
      %swap3A_653 = arith.constant 400 : index
      %swap3A_654 = tpu.vector_load %arg9[%swap3A_651, %swap3A_652, %swap3A_653] {strides = array<i32>} : memref<8x3x640xf32, #tpu.memory_space<vmem>>, vector<16xf32>,
      tpu.vector_store %arg9[%swap3A_651, %swap3A_652, %swap3A_653], %gather3A_649 {strides = array<i32>} : memref<8x3x640xf32, #tpu.memory_space<vmem>>, vector<16xf32>,
      %gather3A_655 = tpu.vector_load_idx %arg7[%get3A_642] : memref<10240xf32, #tpu.memory_space<vmem>>[vector<16xi32>], vector<16xf32>,
      %swap3A_656 = arith.constant 2 : i32
      %swap3A_657 = arith.index_cast %scan3A_13 : i32 to index
      %swap3A_658 = arith.index_cast %swap3A_656 : i32 to index
      %swap3A_659 = arith.constant 400 : index
      %swap3A_660 = tpu.vector_load %arg9[%swap3A_657, %swap3A_658, %swap3A_659] {strides = array<i32>} : memref<8x3x640xf32, #tpu.memory_space<vmem>>, vector<16xf32>,
      tpu.vector_store %arg9[%swap3A_657, %swap3A_658, %swap3A_659], %gather3A_655 {strides = array<i32>} : memref<8x3x640xf32, #tpu.memory_space<vmem>>, vector<16xf32>,
      %mul3A_661 = arith.constant 5 : i32
      %mul3A_662 = arith.muli %scan3A_13, %mul3A_661 : i32
      %add3A_663 = arith.constant 3 : i32
      %add3A_664 = arith.addi %mul3A_662, %add3A_663 : i32
      %get3A_665 = arith.index_cast %add3A_664 : i32 to index
      %get3A_666 = arith.constant 32 : index
      %get3A_667 = tpu.vector_load %arg8[%get3A_665, %get3A_666] {strides = array<i32>} : memref<40x128xi32, #tpu.memory_space<vmem>>, vector<16xi32>,
      %gather3A_668 = tpu.vector_load_idx %arg5[%get3A_667] : memref<10240xf32, #tpu.memory_space<vmem>>[vector<16xi32>], vector<16xf32>,
      %swap3A_669 = arith.constant 0 : i32
      %swap3A_670 = arith.index_cast %scan3A_13 : i32 to index
      %swap3A_671 = arith.index_cast %swap3A_669 : i32 to index
      %swap3A_672 = arith.constant 416 : index
      %swap3A_673 = tpu.vector_load %arg9[%swap3A_670, %swap3A_671, %swap3A_672] {strides = array<i32>} : memref<8x3x640xf32, #tpu.memory_space<vmem>>, vector<16xf32>,
      tpu.vector_store %arg9[%swap3A_670, %swap3A_671, %swap3A_672], %gather3A_668 {strides = array<i32>} : memref<8x3x640xf32, #tpu.memory_space<vmem>>, vector<16xf32>,
      %gather3A_674 = tpu.vector_load_idx %arg6[%get3A_667] : memref<10240xf32, #tpu.memory_space<vmem>>[vector<16xi32>], vector<16xf32>,
      %swap3A_675 = arith.constant 1 : i32
      %swap3A_676 = arith.index_cast %scan3A_13 : i32 to index
      %swap3A_677 = arith.index_cast %swap3A_675 : i32 to index
      %swap3A_678 = arith.constant 416 : index
      %swap3A_679 = tpu.vector_load %arg9[%swap3A_676, %swap3A_677, %swap3A_678] {strides = array<i32>} : memref<8x3x640xf32, #tpu.memory_space<vmem>>, vector<16xf32>,
      tpu.vector_store %arg9[%swap3A_676, %swap3A_677, %swap3A_678], %gather3A_674 {strides = array<i32>} : memref<8x3x640xf32, #tpu.memory_space<vmem>>, vector<16xf32>,
      %gather3A_680 = tpu.vector_load_idx %arg7[%get3A_667] : memref<10240xf32, #tpu.memory_space<vmem>>[vector<16xi32>], vector<16xf32>,
      %swap3A_681 = arith.constant 2 : i32
      %swap3A_682 = arith.index_cast %scan3A_13 : i32 to index
      %swap3A_683 = arith.index_cast %swap3A_681 : i32 to index
      %swap3A_684 = arith.constant 416 : index
      %swap3A_685 = tpu.vector_load %arg9[%swap3A_682, %swap3A_683, %swap3A_684] {strides = array<i32>} : memref<8x3x640xf32, #tpu.memory_space<vmem>>, vector<16xf32>,
      tpu.vector_store %arg9[%swap3A_682, %swap3A_683, %swap3A_684], %gather3A_680 {strides = array<i32>} : memref<8x3x640xf32, #tpu.memory_space<vmem>>, vector<16xf32>,
      %mul3A_686 = arith.constant 5 : i32
      %mul3A_687 = arith.muli %scan3A_13, %mul3A_686 : i32
      %add3A_688 = arith.constant 3 : i32
      %add3A_689 = arith.addi %mul3A_687, %add3A_688 : i32
      %get3A_690 = arith.index_cast %add3A_689 : i32 to index
      %get3A_691 = arith.constant 48 : index
      %get3A_692 = tpu.vector_load %arg8[%get3A_690, %get3A_691] {strides = array<i32>} : memref<40x128xi32, #tpu.memory_space<vmem>>, vector<16xi32>,
      %gather3A_693 = tpu.vector_load_idx %arg5[%get3A_692] : memref<10240xf32, #tpu.memory_space<vmem>>[vector<16xi32>], vector<16xf32>,
      %swap3A_694 = arith.constant 0 : i32
      %swap3A_695 = arith.index_cast %scan3A_13 : i32 to index
      %swap3A_696 = arith.index_cast %swap3A_694 : i32 to index
      %swap3A_697 = arith.constant 432 : index
      %swap3A_698 = tpu.vector_load %arg9[%swap3A_695, %swap3A_696, %swap3A_697] {strides = array<i32>} : memref<8x3x640xf32, #tpu.memory_space<vmem>>, vector<16xf32>,
      tpu.vector_store %arg9[%swap3A_695, %swap3A_696, %swap3A_697], %gather3A_693 {strides = array<i32>} : memref<8x3x640xf32, #tpu.memory_space<vmem>>, vector<16xf32>,
      %gather3A_699 = tpu.vector_load_idx %arg6[%get3A_692] : memref<10240xf32, #tpu.memory_space<vmem>>[vector<16xi32>], vector<16xf32>,
      %swap3A_700 = arith.constant 1 : i32
      %swap3A_701 = arith.index_cast %scan3A_13 : i32 to index
      %swap3A_702 = arith.index_cast %swap3A_700 : i32 to index
      %swap3A_703 = arith.constant 432 : index
      %swap3A_704 = tpu.vector_load %arg9[%swap3A_701, %swap3A_702, %swap3A_703] {strides = array<i32>} : memref<8x3x640xf32, #tpu.memory_space<vmem>>, vector<16xf32>,
      tpu.vector_store %arg9[%swap3A_701, %swap3A_702, %swap3A_703], %gather3A_699 {strides = array<i32>} : memref<8x3x640xf32, #tpu.memory_space<vmem>>, vector<16xf32>,
      %gather3A_705 = tpu.vector_load_idx %arg7[%get3A_692] : memref<10240xf32, #tpu.memory_space<vmem>>[vector<16xi32>], vector<16xf32>,
      %swap3A_706 = arith.constant 2 : i32
      %swap3A_707 = arith.index_cast %scan3A_13 : i32 to index
      %swap3A_708 = arith.index_cast %swap3A_706 : i32 to index
      %swap3A_709 = arith.constant 432 : index
      %swap3A_710 = tpu.vector_load %arg9[%swap3A_707, %swap3A_708, %swap3A_709] {strides = array<i32>} : memref<8x3x640xf32, #tpu.memory_space<vmem>>, vector<16xf32>,
      tpu.vector_store %arg9[%swap3A_707, %swap3A_708, %swap3A_709], %gather3A_705 {strides = array<i32>} : memref<8x3x640xf32, #tpu.memory_space<vmem>>, vector<16xf32>,
      %mul3A_711 = arith.constant 5 : i32
      %mul3A_712 = arith.muli %scan3A_13, %mul3A_711 : i32
      %add3A_713 = arith.constant 3 : i32
      %add3A_714 = arith.addi %mul3A_712, %add3A_713 : i32
      %get3A_715 = arith.index_cast %add3A_714 : i32 to index
      %get3A_716 = arith.constant 64 : index
      %get3A_717 = tpu.vector_load %arg8[%get3A_715, %get3A_716] {strides = array<i32>} : memref<40x128xi32, #tpu.memory_space<vmem>>, vector<16xi32>,
      %gather3A_718 = tpu.vector_load_idx %arg5[%get3A_717] : memref<10240xf32, #tpu.memory_space<vmem>>[vector<16xi32>], vector<16xf32>,
      %swap3A_719 = arith.constant 0 : i32
      %swap3A_720 = arith.index_cast %scan3A_13 : i32 to index
      %swap3A_721 = arith.index_cast %swap3A_719 : i32 to index
      %swap3A_722 = arith.constant 448 : index
      %swap3A_723 = tpu.vector_load %arg9[%swap3A_720, %swap3A_721, %swap3A_722] {strides = array<i32>} : memref<8x3x640xf32, #tpu.memory_space<vmem>>, vector<16xf32>,
      tpu.vector_store %arg9[%swap3A_720, %swap3A_721, %swap3A_722], %gather3A_718 {strides = array<i32>} : memref<8x3x640xf32, #tpu.memory_space<vmem>>, vector<16xf32>,
      %gather3A_724 = tpu.vector_load_idx %arg6[%get3A_717] : memref<10240xf32, #tpu.memory_space<vmem>>[vector<16xi32>], vector<16xf32>,
      %swap3A_725 = arith.constant 1 : i32
      %swap3A_726 = arith.index_cast %scan3A_13 : i32 to index
      %swap3A_727 = arith.index_cast %swap3A_725 : i32 to index
      %swap3A_728 = arith.constant 448 : index
      %swap3A_729 = tpu.vector_load %arg9[%swap3A_726, %swap3A_727, %swap3A_728] {strides = array<i32>} : memref<8x3x640xf32, #tpu.memory_space<vmem>>, vector<16xf32>,
      tpu.vector_store %arg9[%swap3A_726, %swap3A_727, %swap3A_728], %gather3A_724 {strides = array<i32>} : memref<8x3x640xf32, #tpu.memory_space<vmem>>, vector<16xf32>,
      %gather3A_730 = tpu.vector_load_idx %arg7[%get3A_717] : memref<10240xf32, #tpu.memory_space<vmem>>[vector<16xi32>], vector<16xf32>,
      %swap3A_731 = arith.constant 2 : i32
      %swap3A_732 = arith.index_cast %scan3A_13 : i32 to index
      %swap3A_733 = arith.index_cast %swap3A_731 : i32 to index
      %swap3A_734 = arith.constant 448 : index
      %swap3A_735 = tpu.vector_load %arg9[%swap3A_732, %swap3A_733, %swap3A_734] {strides = array<i32>} : memref<8x3x640xf32, #tpu.memory_space<vmem>>, vector<16xf32>,
      tpu.vector_store %arg9[%swap3A_732, %swap3A_733, %swap3A_734], %gather3A_730 {strides = array<i32>} : memref<8x3x640xf32, #tpu.memory_space<vmem>>, vector<16xf32>,
      %mul3A_736 = arith.constant 5 : i32
      %mul3A_737 = arith.muli %scan3A_13, %mul3A_736 : i32
      %add3A_738 = arith.constant 3 : i32
      %add3A_739 = arith.addi %mul3A_737, %add3A_738 : i32
      %get3A_740 = arith.index_cast %add3A_739 : i32 to index
      %get3A_741 = arith.constant 80 : index
      %get3A_742 = tpu.vector_load %arg8[%get3A_740, %get3A_741] {strides = array<i32>} : memref<40x128xi32, #tpu.memory_space<vmem>>, vector<16xi32>,
      %gather3A_743 = tpu.vector_load_idx %arg5[%get3A_742] : memref<10240xf32, #tpu.memory_space<vmem>>[vector<16xi32>], vector<16xf32>,
      %swap3A_744 = arith.constant 0 : i32
      %swap3A_745 = arith.index_cast %scan3A_13 : i32 to index
      %swap3A_746 = arith.index_cast %swap3A_744 : i32 to index
      %swap3A_747 = arith.constant 464 : index
      %swap3A_748 = tpu.vector_load %arg9[%swap3A_745, %swap3A_746, %swap3A_747] {strides = array<i32>} : memref<8x3x640xf32, #tpu.memory_space<vmem>>, vector<16xf32>,
      tpu.vector_store %arg9[%swap3A_745, %swap3A_746, %swap3A_747], %gather3A_743 {strides = array<i32>} : memref<8x3x640xf32, #tpu.memory_space<vmem>>, vector<16xf32>,
      %gather3A_749 = tpu.vector_load_idx %arg6[%get3A_742] : memref<10240xf32, #tpu.memory_space<vmem>>[vector<16xi32>], vector<16xf32>,
      %swap3A_750 = arith.constant 1 : i32
      %swap3A_751 = arith.index_cast %scan3A_13 : i32 to index
      %swap3A_752 = arith.index_cast %swap3A_750 : i32 to index
      %swap3A_753 = arith.constant 464 : index
      %swap3A_754 = tpu.vector_load %arg9[%swap3A_751, %swap3A_752, %swap3A_753] {strides = array<i32>} : memref<8x3x640xf32, #tpu.memory_space<vmem>>, vector<16xf32>,
      tpu.vector_store %arg9[%swap3A_751, %swap3A_752, %swap3A_753], %gather3A_749 {strides = array<i32>} : memref<8x3x640xf32, #tpu.memory_space<vmem>>, vector<16xf32>,
      %gather3A_755 = tpu.vector_load_idx %arg7[%get3A_742] : memref<10240xf32, #tpu.memory_space<vmem>>[vector<16xi32>], vector<16xf32>,
      %swap3A_756 = arith.constant 2 : i32
      %swap3A_757 = arith.index_cast %scan3A_13 : i32 to index
      %swap3A_758 = arith.index_cast %swap3A_756 : i32 to index
      %swap3A_759 = arith.constant 464 : index
      %swap3A_760 = tpu.vector_load %arg9[%swap3A_757, %swap3A_758, %swap3A_759] {strides = array<i32>} : memref<8x3x640xf32, #tpu.memory_space<vmem>>, vector<16xf32>,
      tpu.vector_store %arg9[%swap3A_757, %swap3A_758, %swap3A_759], %gather3A_755 {strides = array<i32>} : memref<8x3x640xf32, #tpu.memory_space<vmem>>, vector<16xf32>,
      %mul3A_761 = arith.constant 5 : i32
      %mul3A_762 = arith.muli %scan3A_13, %mul3A_761 : i32
      %add3A_763 = arith.constant 3 : i32
      %add3A_764 = arith.addi %mul3A_762, %add3A_763 : i32
      %get3A_765 = arith.index_cast %add3A_764 : i32 to index
      %get3A_766 = arith.constant 96 : index
      %get3A_767 = tpu.vector_load %arg8[%get3A_765, %get3A_766] {strides = array<i32>} : memref<40x128xi32, #tpu.memory_space<vmem>>, vector<16xi32>,
      %gather3A_768 = tpu.vector_load_idx %arg5[%get3A_767] : memref<10240xf32, #tpu.memory_space<vmem>>[vector<16xi32>], vector<16xf32>,
      %swap3A_769 = arith.constant 0 : i32
      %swap3A_770 = arith.index_cast %scan3A_13 : i32 to index
      %swap3A_771 = arith.index_cast %swap3A_769 : i32 to index
      %swap3A_772 = arith.constant 480 : index
      %swap3A_773 = tpu.vector_load %arg9[%swap3A_770, %swap3A_771, %swap3A_772] {strides = array<i32>} : memref<8x3x640xf32, #tpu.memory_space<vmem>>, vector<16xf32>,
      tpu.vector_store %arg9[%swap3A_770, %swap3A_771, %swap3A_772], %gather3A_768 {strides = array<i32>} : memref<8x3x640xf32, #tpu.memory_space<vmem>>, vector<16xf32>,
      %gather3A_774 = tpu.vector_load_idx %arg6[%get3A_767] : memref<10240xf32, #tpu.memory_space<vmem>>[vector<16xi32>], vector<16xf32>,
      %swap3A_775 = arith.constant 1 : i32
      %swap3A_776 = arith.index_cast %scan3A_13 : i32 to index
      %swap3A_777 = arith.index_cast %swap3A_775 : i32 to index
      %swap3A_778 = arith.constant 480 : index
      %swap3A_779 = tpu.vector_load %arg9[%swap3A_776, %swap3A_777, %swap3A_778] {strides = array<i32>} : memref<8x3x640xf32, #tpu.memory_space<vmem>>, vector<16xf32>,
      tpu.vector_store %arg9[%swap3A_776, %swap3A_777, %swap3A_778], %gather3A_774 {strides = array<i32>} : memref<8x3x640xf32, #tpu.memory_space<vmem>>, vector<16xf32>,
      %gather3A_780 = tpu.vector_load_idx %arg7[%get3A_767] : memref<10240xf32, #tpu.memory_space<vmem>>[vector<16xi32>], vector<16xf32>,
      %swap3A_781 = arith.constant 2 : i32
      %swap3A_782 = arith.index_cast %scan3A_13 : i32 to index
      %swap3A_783 = arith.index_cast %swap3A_781 : i32 to index
      %swap3A_784 = arith.constant 480 : index
      %swap3A_785 = tpu.vector_load %arg9[%swap3A_782, %swap3A_783, %swap3A_784] {strides = array<i32>} : memref<8x3x640xf32, #tpu.memory_space<vmem>>, vector<16xf32>,
      tpu.vector_store %arg9[%swap3A_782, %swap3A_783, %swap3A_784], %gather3A_780 {strides = array<i32>} : memref<8x3x640xf32, #tpu.memory_space<vmem>>, vector<16xf32>,
      %mul3A_786 = arith.constant 5 : i32
      %mul3A_787 = arith.muli %scan3A_13, %mul3A_786 : i32
      %add3A_788 = arith.constant 3 : i32
      %add3A_789 = arith.addi %mul3A_787, %add3A_788 : i32
      %get3A_790 = arith.index_cast %add3A_789 : i32 to index
      %get3A_791 = arith.constant 112 : index
      %get3A_792 = tpu.vector_load %arg8[%get3A_790, %get3A_791] {strides = array<i32>} : memref<40x128xi32, #tpu.memory_space<vmem>>, vector<16xi32>,
      %gather3A_793 = tpu.vector_load_idx %arg5[%get3A_792] : memref<10240xf32, #tpu.memory_space<vmem>>[vector<16xi32>], vector<16xf32>,
      %swap3A_794 = arith.constant 0 : i32
      %swap3A_795 = arith.index_cast %scan3A_13 : i32 to index
      %swap3A_796 = arith.index_cast %swap3A_794 : i32 to index
      %swap3A_797 = arith.constant 496 : index
      %swap3A_798 = tpu.vector_load %arg9[%swap3A_795, %swap3A_796, %swap3A_797] {strides = array<i32>} : memref<8x3x640xf32, #tpu.memory_space<vmem>>, vector<16xf32>,
      tpu.vector_store %arg9[%swap3A_795, %swap3A_796, %swap3A_797], %gather3A_793 {strides = array<i32>} : memref<8x3x640xf32, #tpu.memory_space<vmem>>, vector<16xf32>,
      %gather3A_799 = tpu.vector_load_idx %arg6[%get3A_792] : memref<10240xf32, #tpu.memory_space<vmem>>[vector<16xi32>], vector<16xf32>,
      %swap3A_800 = arith.constant 1 : i32
      %swap3A_801 = arith.index_cast %scan3A_13 : i32 to index
      %swap3A_802 = arith.index_cast %swap3A_800 : i32 to index
      %swap3A_803 = arith.constant 496 : index
      %swap3A_804 = tpu.vector_load %arg9[%swap3A_801, %swap3A_802, %swap3A_803] {strides = array<i32>} : memref<8x3x640xf32, #tpu.memory_space<vmem>>, vector<16xf32>,
      tpu.vector_store %arg9[%swap3A_801, %swap3A_802, %swap3A_803], %gather3A_799 {strides = array<i32>} : memref<8x3x640xf32, #tpu.memory_space<vmem>>, vector<16xf32>,
      %gather3A_805 = tpu.vector_load_idx %arg7[%get3A_792] : memref<10240xf32, #tpu.memory_space<vmem>>[vector<16xi32>], vector<16xf32>,
      %swap3A_806 = arith.constant 2 : i32
      %swap3A_807 = arith.index_cast %scan3A_13 : i32 to index
      %swap3A_808 = arith.index_cast %swap3A_806 : i32 to index
      %swap3A_809 = arith.constant 496 : index
      %swap3A_810 = tpu.vector_load %arg9[%swap3A_807, %swap3A_808, %swap3A_809] {strides = array<i32>} : memref<8x3x640xf32, #tpu.memory_space<vmem>>, vector<16xf32>,
      tpu.vector_store %arg9[%swap3A_807, %swap3A_808, %swap3A_809], %gather3A_805 {strides = array<i32>} : memref<8x3x640xf32, #tpu.memory_space<vmem>>, vector<16xf32>,
      %mul3A_811 = arith.constant 5 : i32
      %mul3A_812 = arith.muli %scan3A_13, %mul3A_811 : i32
      %add3A_813 = arith.constant 4 : i32
      %add3A_814 = arith.addi %mul3A_812, %add3A_813 : i32
      %get3A_815 = arith.index_cast %add3A_814 : i32 to index
      %get3A_816 = arith.constant 0 : index
      %get3A_817 = tpu.vector_load %arg8[%get3A_815, %get3A_816] {strides = array<i32>} : memref<40x128xi32, #tpu.memory_space<vmem>>, vector<16xi32>,
      %gather3A_818 = tpu.vector_load_idx %arg5[%get3A_817] : memref<10240xf32, #tpu.memory_space<vmem>>[vector<16xi32>], vector<16xf32>,
      %swap3A_819 = arith.constant 0 : i32
      %swap3A_820 = arith.index_cast %scan3A_13 : i32 to index
      %swap3A_821 = arith.index_cast %swap3A_819 : i32 to index
      %swap3A_822 = arith.constant 512 : index
      %swap3A_823 = tpu.vector_load %arg9[%swap3A_820, %swap3A_821, %swap3A_822] {strides = array<i32>} : memref<8x3x640xf32, #tpu.memory_space<vmem>>, vector<16xf32>,
      tpu.vector_store %arg9[%swap3A_820, %swap3A_821, %swap3A_822], %gather3A_818 {strides = array<i32>} : memref<8x3x640xf32, #tpu.memory_space<vmem>>, vector<16xf32>,
      %gather3A_824 = tpu.vector_load_idx %arg6[%get3A_817] : memref<10240xf32, #tpu.memory_space<vmem>>[vector<16xi32>], vector<16xf32>,
      %swap3A_825 = arith.constant 1 : i32
      %swap3A_826 = arith.index_cast %scan3A_13 : i32 to index
      %swap3A_827 = arith.index_cast %swap3A_825 : i32 to index
      %swap3A_828 = arith.constant 512 : index
      %swap3A_829 = tpu.vector_load %arg9[%swap3A_826, %swap3A_827, %swap3A_828] {strides = array<i32>} : memref<8x3x640xf32, #tpu.memory_space<vmem>>, vector<16xf32>,
      tpu.vector_store %arg9[%swap3A_826, %swap3A_827, %swap3A_828], %gather3A_824 {strides = array<i32>} : memref<8x3x640xf32, #tpu.memory_space<vmem>>, vector<16xf32>,
      %gather3A_830 = tpu.vector_load_idx %arg7[%get3A_817] : memref<10240xf32, #tpu.memory_space<vmem>>[vector<16xi32>], vector<16xf32>,
      %swap3A_831 = arith.constant 2 : i32
      %swap3A_832 = arith.index_cast %scan3A_13 : i32 to index
      %swap3A_833 = arith.index_cast %swap3A_831 : i32 to index
      %swap3A_834 = arith.constant 512 : index
      %swap3A_835 = tpu.vector_load %arg9[%swap3A_832, %swap3A_833, %swap3A_834] {strides = array<i32>} : memref<8x3x640xf32, #tpu.memory_space<vmem>>, vector<16xf32>,
      tpu.vector_store %arg9[%swap3A_832, %swap3A_833, %swap3A_834], %gather3A_830 {strides = array<i32>} : memref<8x3x640xf32, #tpu.memory_space<vmem>>, vector<16xf32>,
      %mul3A_836 = arith.constant 5 : i32
      %mul3A_837 = arith.muli %scan3A_13, %mul3A_836 : i32
      %add3A_838 = arith.constant 4 : i32
      %add3A_839 = arith.addi %mul3A_837, %add3A_838 : i32
      %get3A_840 = arith.index_cast %add3A_839 : i32 to index
      %get3A_841 = arith.constant 16 : index
      %get3A_842 = tpu.vector_load %arg8[%get3A_840, %get3A_841] {strides = array<i32>} : memref<40x128xi32, #tpu.memory_space<vmem>>, vector<16xi32>,
      %gather3A_843 = tpu.vector_load_idx %arg5[%get3A_842] : memref<10240xf32, #tpu.memory_space<vmem>>[vector<16xi32>], vector<16xf32>,
      %swap3A_844 = arith.constant 0 : i32
      %swap3A_845 = arith.index_cast %scan3A_13 : i32 to index
      %swap3A_846 = arith.index_cast %swap3A_844 : i32 to index
      %swap3A_847 = arith.constant 528 : index
      %swap3A_848 = tpu.vector_load %arg9[%swap3A_845, %swap3A_846, %swap3A_847] {strides = array<i32>} : memref<8x3x640xf32, #tpu.memory_space<vmem>>, vector<16xf32>,
      tpu.vector_store %arg9[%swap3A_845, %swap3A_846, %swap3A_847], %gather3A_843 {strides = array<i32>} : memref<8x3x640xf32, #tpu.memory_space<vmem>>, vector<16xf32>,
      %gather3A_849 = tpu.vector_load_idx %arg6[%get3A_842] : memref<10240xf32, #tpu.memory_space<vmem>>[vector<16xi32>], vector<16xf32>,
      %swap3A_850 = arith.constant 1 : i32
      %swap3A_851 = arith.index_cast %scan3A_13 : i32 to index
      %swap3A_852 = arith.index_cast %swap3A_850 : i32 to index
      %swap3A_853 = arith.constant 528 : index
      %swap3A_854 = tpu.vector_load %arg9[%swap3A_851, %swap3A_852, %swap3A_853] {strides = array<i32>} : memref<8x3x640xf32, #tpu.memory_space<vmem>>, vector<16xf32>,
      tpu.vector_store %arg9[%swap3A_851, %swap3A_852, %swap3A_853], %gather3A_849 {strides = array<i32>} : memref<8x3x640xf32, #tpu.memory_space<vmem>>, vector<16xf32>,
      %gather3A_855 = tpu.vector_load_idx %arg7[%get3A_842] : memref<10240xf32, #tpu.memory_space<vmem>>[vector<16xi32>], vector<16xf32>,
      %swap3A_856 = arith.constant 2 : i32
      %swap3A_857 = arith.index_cast %scan3A_13 : i32 to index
      %swap3A_858 = arith.index_cast %swap3A_856 : i32 to index
      %swap3A_859 = arith.constant 528 : index
      %swap3A_860 = tpu.vector_load %arg9[%swap3A_857, %swap3A_858, %swap3A_859] {strides = array<i32>} : memref<8x3x640xf32, #tpu.memory_space<vmem>>, vector<16xf32>,
      tpu.vector_store %arg9[%swap3A_857, %swap3A_858, %swap3A_859], %gather3A_855 {strides = array<i32>} : memref<8x3x640xf32, #tpu.memory_space<vmem>>, vector<16xf32>,
      %mul3A_861 = arith.constant 5 : i32
      %mul3A_862 = arith.muli %scan3A_13, %mul3A_861 : i32
      %add3A_863 = arith.constant 4 : i32
      %add3A_864 = arith.addi %mul3A_862, %add3A_863 : i32
      %get3A_865 = arith.index_cast %add3A_864 : i32 to index
      %get3A_866 = arith.constant 32 : index
      %get3A_867 = tpu.vector_load %arg8[%get3A_865, %get3A_866] {strides = array<i32>} : memref<40x128xi32, #tpu.memory_space<vmem>>, vector<16xi32>,
      %gather3A_868 = tpu.vector_load_idx %arg5[%get3A_867] : memref<10240xf32, #tpu.memory_space<vmem>>[vector<16xi32>], vector<16xf32>,
      %swap3A_869 = arith.constant 0 : i32
      %swap3A_870 = arith.index_cast %scan3A_13 : i32 to index
      %swap3A_871 = arith.index_cast %swap3A_869 : i32 to index
      %swap3A_872 = arith.constant 544 : index
      %swap3A_873 = tpu.vector_load %arg9[%swap3A_870, %swap3A_871, %swap3A_872] {strides = array<i32>} : memref<8x3x640xf32, #tpu.memory_space<vmem>>, vector<16xf32>,
      tpu.vector_store %arg9[%swap3A_870, %swap3A_871, %swap3A_872], %gather3A_868 {strides = array<i32>} : memref<8x3x640xf32, #tpu.memory_space<vmem>>, vector<16xf32>,
      %gather3A_874 = tpu.vector_load_idx %arg6[%get3A_867] : memref<10240xf32, #tpu.memory_space<vmem>>[vector<16xi32>], vector<16xf32>,
      %swap3A_875 = arith.constant 1 : i32
      %swap3A_876 = arith.index_cast %scan3A_13 : i32 to index
      %swap3A_877 = arith.index_cast %swap3A_875 : i32 to index
      %swap3A_878 = arith.constant 544 : index
      %swap3A_879 = tpu.vector_load %arg9[%swap3A_876, %swap3A_877, %swap3A_878] {strides = array<i32>} : memref<8x3x640xf32, #tpu.memory_space<vmem>>, vector<16xf32>,
      tpu.vector_store %arg9[%swap3A_876, %swap3A_877, %swap3A_878], %gather3A_874 {strides = array<i32>} : memref<8x3x640xf32, #tpu.memory_space<vmem>>, vector<16xf32>,
      %gather3A_880 = tpu.vector_load_idx %arg7[%get3A_867] : memref<10240xf32, #tpu.memory_space<vmem>>[vector<16xi32>], vector<16xf32>,
      %swap3A_881 = arith.constant 2 : i32
      %swap3A_882 = arith.index_cast %scan3A_13 : i32 to index
      %swap3A_883 = arith.index_cast %swap3A_881 : i32 to index
      %swap3A_884 = arith.constant 544 : index
      %swap3A_885 = tpu.vector_load %arg9[%swap3A_882, %swap3A_883, %swap3A_884] {strides = array<i32>} : memref<8x3x640xf32, #tpu.memory_space<vmem>>, vector<16xf32>,
      tpu.vector_store %arg9[%swap3A_882, %swap3A_883, %swap3A_884], %gather3A_880 {strides = array<i32>} : memref<8x3x640xf32, #tpu.memory_space<vmem>>, vector<16xf32>,
      %mul3A_886 = arith.constant 5 : i32
      %mul3A_887 = arith.muli %scan3A_13, %mul3A_886 : i32
      %add3A_888 = arith.constant 4 : i32
      %add3A_889 = arith.addi %mul3A_887, %add3A_888 : i32
      %get3A_890 = arith.index_cast %add3A_889 : i32 to index
      %get3A_891 = arith.constant 48 : index
      %get3A_892 = tpu.vector_load %arg8[%get3A_890, %get3A_891] {strides = array<i32>} : memref<40x128xi32, #tpu.memory_space<vmem>>, vector<16xi32>,
      %gather3A_893 = tpu.vector_load_idx %arg5[%get3A_892] : memref<10240xf32, #tpu.memory_space<vmem>>[vector<16xi32>], vector<16xf32>,
      %swap3A_894 = arith.constant 0 : i32
      %swap3A_895 = arith.index_cast %scan3A_13 : i32 to index
      %swap3A_896 = arith.index_cast %swap3A_894 : i32 to index
      %swap3A_897 = arith.constant 560 : index
      %swap3A_898 = tpu.vector_load %arg9[%swap3A_895, %swap3A_896, %swap3A_897] {strides = array<i32>} : memref<8x3x640xf32, #tpu.memory_space<vmem>>, vector<16xf32>,
      tpu.vector_store %arg9[%swap3A_895, %swap3A_896, %swap3A_897], %gather3A_893 {strides = array<i32>} : memref<8x3x640xf32, #tpu.memory_space<vmem>>, vector<16xf32>,
      %gather3A_899 = tpu.vector_load_idx %arg6[%get3A_892] : memref<10240xf32, #tpu.memory_space<vmem>>[vector<16xi32>], vector<16xf32>,
      %swap3A_900 = arith.constant 1 : i32
      %swap3A_901 = arith.index_cast %scan3A_13 : i32 to index
      %swap3A_902 = arith.index_cast %swap3A_900 : i32 to index
      %swap3A_903 = arith.constant 560 : index
      %swap3A_904 = tpu.vector_load %arg9[%swap3A_901, %swap3A_902, %swap3A_903] {strides = array<i32>} : memref<8x3x640xf32, #tpu.memory_space<vmem>>, vector<16xf32>,
      tpu.vector_store %arg9[%swap3A_901, %swap3A_902, %swap3A_903], %gather3A_899 {strides = array<i32>} : memref<8x3x640xf32, #tpu.memory_space<vmem>>, vector<16xf32>,
      %gather3A_905 = tpu.vector_load_idx %arg7[%get3A_892] : memref<10240xf32, #tpu.memory_space<vmem>>[vector<16xi32>], vector<16xf32>,
      %swap3A_906 = arith.constant 2 : i32
      %swap3A_907 = arith.index_cast %scan3A_13 : i32 to index
      %swap3A_908 = arith.index_cast %swap3A_906 : i32 to index
      %swap3A_909 = arith.constant 560 : index
      %swap3A_910 = tpu.vector_load %arg9[%swap3A_907, %swap3A_908, %swap3A_909] {strides = array<i32>} : memref<8x3x640xf32, #tpu.memory_space<vmem>>, vector<16xf32>,
      tpu.vector_store %arg9[%swap3A_907, %swap3A_908, %swap3A_909], %gather3A_905 {strides = array<i32>} : memref<8x3x640xf32, #tpu.memory_space<vmem>>, vector<16xf32>,
      %mul3A_911 = arith.constant 5 : i32
      %mul3A_912 = arith.muli %scan3A_13, %mul3A_911 : i32
      %add3A_913 = arith.constant 4 : i32
      %add3A_914 = arith.addi %mul3A_912, %add3A_913 : i32
      %get3A_915 = arith.index_cast %add3A_914 : i32 to index
      %get3A_916 = arith.constant 64 : index
      %get3A_917 = tpu.vector_load %arg8[%get3A_915, %get3A_916] {strides = array<i32>} : memref<40x128xi32, #tpu.memory_space<vmem>>, vector<16xi32>,
      %gather3A_918 = tpu.vector_load_idx %arg5[%get3A_917] : memref<10240xf32, #tpu.memory_space<vmem>>[vector<16xi32>], vector<16xf32>,
      %swap3A_919 = arith.constant 0 : i32
      %swap3A_920 = arith.index_cast %scan3A_13 : i32 to index
      %swap3A_921 = arith.index_cast %swap3A_919 : i32 to index
      %swap3A_922 = arith.constant 576 : index
      %swap3A_923 = tpu.vector_load %arg9[%swap3A_920, %swap3A_921, %swap3A_922] {strides = array<i32>} : memref<8x3x640xf32, #tpu.memory_space<vmem>>, vector<16xf32>,
      tpu.vector_store %arg9[%swap3A_920, %swap3A_921, %swap3A_922], %gather3A_918 {strides = array<i32>} : memref<8x3x640xf32, #tpu.memory_space<vmem>>, vector<16xf32>,
      %gather3A_924 = tpu.vector_load_idx %arg6[%get3A_917] : memref<10240xf32, #tpu.memory_space<vmem>>[vector<16xi32>], vector<16xf32>,
      %swap3A_925 = arith.constant 1 : i32
      %swap3A_926 = arith.index_cast %scan3A_13 : i32 to index
      %swap3A_927 = arith.index_cast %swap3A_925 : i32 to index
      %swap3A_928 = arith.constant 576 : index
      %swap3A_929 = tpu.vector_load %arg9[%swap3A_926, %swap3A_927, %swap3A_928] {strides = array<i32>} : memref<8x3x640xf32, #tpu.memory_space<vmem>>, vector<16xf32>,
      tpu.vector_store %arg9[%swap3A_926, %swap3A_927, %swap3A_928], %gather3A_924 {strides = array<i32>} : memref<8x3x640xf32, #tpu.memory_space<vmem>>, vector<16xf32>,
      %gather3A_930 = tpu.vector_load_idx %arg7[%get3A_917] : memref<10240xf32, #tpu.memory_space<vmem>>[vector<16xi32>], vector<16xf32>,
      %swap3A_931 = arith.constant 2 : i32
      %swap3A_932 = arith.index_cast %scan3A_13 : i32 to index
      %swap3A_933 = arith.index_cast %swap3A_931 : i32 to index
      %swap3A_934 = arith.constant 576 : index
      %swap3A_935 = tpu.vector_load %arg9[%swap3A_932, %swap3A_933, %swap3A_934] {strides = array<i32>} : memref<8x3x640xf32, #tpu.memory_space<vmem>>, vector<16xf32>,
      tpu.vector_store %arg9[%swap3A_932, %swap3A_933, %swap3A_934], %gather3A_930 {strides = array<i32>} : memref<8x3x640xf32, #tpu.memory_space<vmem>>, vector<16xf32>,
      %mul3A_936 = arith.constant 5 : i32
      %mul3A_937 = arith.muli %scan3A_13, %mul3A_936 : i32
      %add3A_938 = arith.constant 4 : i32
      %add3A_939 = arith.addi %mul3A_937, %add3A_938 : i32
      %get3A_940 = arith.index_cast %add3A_939 : i32 to index
      %get3A_941 = arith.constant 80 : index
      %get3A_942 = tpu.vector_load %arg8[%get3A_940, %get3A_941] {strides = array<i32>} : memref<40x128xi32, #tpu.memory_space<vmem>>, vector<16xi32>,
      %gather3A_943 = tpu.vector_load_idx %arg5[%get3A_942] : memref<10240xf32, #tpu.memory_space<vmem>>[vector<16xi32>], vector<16xf32>,
      %swap3A_944 = arith.constant 0 : i32
      %swap3A_945 = arith.index_cast %scan3A_13 : i32 to index
      %swap3A_946 = arith.index_cast %swap3A_944 : i32 to index
      %swap3A_947 = arith.constant 592 : index
      %swap3A_948 = tpu.vector_load %arg9[%swap3A_945, %swap3A_946, %swap3A_947] {strides = array<i32>} : memref<8x3x640xf32, #tpu.memory_space<vmem>>, vector<16xf32>,
      tpu.vector_store %arg9[%swap3A_945, %swap3A_946, %swap3A_947], %gather3A_943 {strides = array<i32>} : memref<8x3x640xf32, #tpu.memory_space<vmem>>, vector<16xf32>,
      %gather3A_949 = tpu.vector_load_idx %arg6[%get3A_942] : memref<10240xf32, #tpu.memory_space<vmem>>[vector<16xi32>], vector<16xf32>,
      %swap3A_950 = arith.constant 1 : i32
      %swap3A_951 = arith.index_cast %scan3A_13 : i32 to index
      %swap3A_952 = arith.index_cast %swap3A_950 : i32 to index
      %swap3A_953 = arith.constant 592 : index
      %swap3A_954 = tpu.vector_load %arg9[%swap3A_951, %swap3A_952, %swap3A_953] {strides = array<i32>} : memref<8x3x640xf32, #tpu.memory_space<vmem>>, vector<16xf32>,
      tpu.vector_store %arg9[%swap3A_951, %swap3A_952, %swap3A_953], %gather3A_949 {strides = array<i32>} : memref<8x3x640xf32, #tpu.memory_space<vmem>>, vector<16xf32>,
      %gather3A_955 = tpu.vector_load_idx %arg7[%get3A_942] : memref<10240xf32, #tpu.memory_space<vmem>>[vector<16xi32>], vector<16xf32>,
      %swap3A_956 = arith.constant 2 : i32
      %swap3A_957 = arith.index_cast %scan3A_13 : i32 to index
      %swap3A_958 = arith.index_cast %swap3A_956 : i32 to index
      %swap3A_959 = arith.constant 592 : index
      %swap3A_960 = tpu.vector_load %arg9[%swap3A_957, %swap3A_958, %swap3A_959] {strides = array<i32>} : memref<8x3x640xf32, #tpu.memory_space<vmem>>, vector<16xf32>,
      tpu.vector_store %arg9[%swap3A_957, %swap3A_958, %swap3A_959], %gather3A_955 {strides = array<i32>} : memref<8x3x640xf32, #tpu.memory_space<vmem>>, vector<16xf32>,
      %mul3A_961 = arith.constant 5 : i32
      %mul3A_962 = arith.muli %scan3A_13, %mul3A_961 : i32
      %add3A_963 = arith.constant 4 : i32
      %add3A_964 = arith.addi %mul3A_962, %add3A_963 : i32
      %get3A_965 = arith.index_cast %add3A_964 : i32 to index
      %get3A_966 = arith.constant 96 : index
      %get3A_967 = tpu.vector_load %arg8[%get3A_965, %get3A_966] {strides = array<i32>} : memref<40x128xi32, #tpu.memory_space<vmem>>, vector<16xi32>,
      %gather3A_968 = tpu.vector_load_idx %arg5[%get3A_967] : memref<10240xf32, #tpu.memory_space<vmem>>[vector<16xi32>], vector<16xf32>,
      %swap3A_969 = arith.constant 0 : i32
      %swap3A_970 = arith.index_cast %scan3A_13 : i32 to index
      %swap3A_971 = arith.index_cast %swap3A_969 : i32 to index
      %swap3A_972 = arith.constant 608 : index
      %swap3A_973 = tpu.vector_load %arg9[%swap3A_970, %swap3A_971, %swap3A_972] {strides = array<i32>} : memref<8x3x640xf32, #tpu.memory_space<vmem>>, vector<16xf32>,
      tpu.vector_store %arg9[%swap3A_970, %swap3A_971, %swap3A_972], %gather3A_968 {strides = array<i32>} : memref<8x3x640xf32, #tpu.memory_space<vmem>>, vector<16xf32>,
      %gather3A_974 = tpu.vector_load_idx %arg6[%get3A_967] : memref<10240xf32, #tpu.memory_space<vmem>>[vector<16xi32>], vector<16xf32>,
      %swap3A_975 = arith.constant 1 : i32
      %swap3A_976 = arith.index_cast %scan3A_13 : i32 to index
      %swap3A_977 = arith.index_cast %swap3A_975 : i32 to index
      %swap3A_978 = arith.constant 608 : index
      %swap3A_979 = tpu.vector_load %arg9[%swap3A_976, %swap3A_977, %swap3A_978] {strides = array<i32>} : memref<8x3x640xf32, #tpu.memory_space<vmem>>, vector<16xf32>,
      tpu.vector_store %arg9[%swap3A_976, %swap3A_977, %swap3A_978], %gather3A_974 {strides = array<i32>} : memref<8x3x640xf32, #tpu.memory_space<vmem>>, vector<16xf32>,
      %gather3A_980 = tpu.vector_load_idx %arg7[%get3A_967] : memref<10240xf32, #tpu.memory_space<vmem>>[vector<16xi32>], vector<16xf32>,
      %swap3A_981 = arith.constant 2 : i32
      %swap3A_982 = arith.index_cast %scan3A_13 : i32 to index
      %swap3A_983 = arith.index_cast %swap3A_981 : i32 to index
      %swap3A_984 = arith.constant 608 : index
      %swap3A_985 = tpu.vector_load %arg9[%swap3A_982, %swap3A_983, %swap3A_984] {strides = array<i32>} : memref<8x3x640xf32, #tpu.memory_space<vmem>>, vector<16xf32>,
      tpu.vector_store %arg9[%swap3A_982, %swap3A_983, %swap3A_984], %gather3A_980 {strides = array<i32>} : memref<8x3x640xf32, #tpu.memory_space<vmem>>, vector<16xf32>,
      %mul3A_986 = arith.constant 5 : i32
      %mul3A_987 = arith.muli %scan3A_13, %mul3A_986 : i32
      %add3A_988 = arith.constant 4 : i32
      %add3A_989 = arith.addi %mul3A_987, %add3A_988 : i32
      %get3A_990 = arith.index_cast %add3A_989 : i32 to index
      %get3A_991 = arith.constant 112 : index
      %get3A_992 = tpu.vector_load %arg8[%get3A_990, %get3A_991] {strides = array<i32>} : memref<40x128xi32, #tpu.memory_space<vmem>>, vector<16xi32>,
      %gather3A_993 = tpu.vector_load_idx %arg5[%get3A_992] : memref<10240xf32, #tpu.memory_space<vmem>>[vector<16xi32>], vector<16xf32>,
      %swap3A_994 = arith.constant 0 : i32
      %swap3A_995 = arith.index_cast %scan3A_13 : i32 to index
      %swap3A_996 = arith.index_cast %swap3A_994 : i32 to index
      %swap3A_997 = arith.constant 624 : index
      %swap3A_998 = tpu.vector_load %arg9[%swap3A_995, %swap3A_996, %swap3A_997] {strides = array<i32>} : memref<8x3x640xf32, #tpu.memory_space<vmem>>, vector<16xf32>,
      tpu.vector_store %arg9[%swap3A_995, %swap3A_996, %swap3A_997], %gather3A_993 {strides = array<i32>} : memref<8x3x640xf32, #tpu.memory_space<vmem>>, vector<16xf32>,
      %gather3A_999 = tpu.vector_load_idx %arg6[%get3A_992] : memref<10240xf32, #tpu.memory_space<vmem>>[vector<16xi32>], vector<16xf32>,
      %swap3A_1000 = arith.constant 1 : i32
      %swap3A_1001 = arith.index_cast %scan3A_13 : i32 to index
      %swap3A_1002 = arith.index_cast %swap3A_1000 : i32 to index
      %swap3A_1003 = arith.constant 624 : index
      %swap3A_1004 = tpu.vector_load %arg9[%swap3A_1001, %swap3A_1002, %swap3A_1003] {strides = array<i32>} : memref<8x3x640xf32, #tpu.memory_space<vmem>>, vector<16xf32>,
      tpu.vector_store %arg9[%swap3A_1001, %swap3A_1002, %swap3A_1003], %gather3A_999 {strides = array<i32>} : memref<8x3x640xf32, #tpu.memory_space<vmem>>, vector<16xf32>,
      %gather3A_1005 = tpu.vector_load_idx %arg7[%get3A_992] : memref<10240xf32, #tpu.memory_space<vmem>>[vector<16xi32>], vector<16xf32>,
      %swap3A_1006 = arith.constant 2 : i32
      %swap3A_1007 = arith.index_cast %scan3A_13 : i32 to index
      %swap3A_1008 = arith.index_cast %swap3A_1006 : i32 to index
      %swap3A_1009 = arith.constant 624 : index
      %swap3A_1010 = tpu.vector_load %arg9[%swap3A_1007, %swap3A_1008, %swap3A_1009] {strides = array<i32>} : memref<8x3x640xf32, #tpu.memory_space<vmem>>, vector<16xf32>,
      tpu.vector_store %arg9[%swap3A_1007, %swap3A_1008, %swap3A_1009], %gather3A_1005 {strides = array<i32>} : memref<8x3x640xf32, #tpu.memory_space<vmem>>, vector<16xf32>,
    }
    %scan3A_8 = arith.constant 8 : i32
    %mul3A_9 = arith.constant 8 : i32
    %mul3A_10 = arith.muli %arg0, %mul3A_9 : i32
    %mul3A_11 = arith.constant 640 : i32
    %mul3A_12 = arith.muli %arg1, %mul3A_11 : i32
    "tpu.region"() ({
      %run_scoped3A_13 = tpu.sem_alloc : memref<!tpu.dma_semaphore, #tpu.memory_space<semaphore_mem>>
      %dma_start3A = arith.constant 0 : i32
      %dma_start3A_14 = tpu.memref_slice %arg4[%mul3A_10, %dma_start3A, %mul3A_12] : memref<16x8x10240xf32, #tpu.memory_space<hbm>> -> memref<8x3x640xf32, #tpu.memory_space<hbm>>
      %dma_start3A_15 = arith.constant 0 : i32
      %dma_start3A_16 = tpu.memref_slice %arg4[%mul3A_10, %dma_start3A_15, %mul3A_12] : memref<16x8x10240xf32, #tpu.memory_space<hbm>> -> memref<8x3x640xf32, #tpu.memory_space<hbm>>
      tpu.enqueue_dma source(%arg9 : memref<8x3x640xf32, #tpu.memory_space<vmem>>) target(%dma_start3A_16 : memref<8x3x640xf32, #tpu.memory_space<hbm>>) target_semaphore(%run_scoped3A_13 : memref<!tpu.dma_semaphore, #tpu.memory_space<semaphore_mem>>)
      %dma_wait3A = arith.constant 0 : i32
      %dma_wait3A_17 = tpu.memref_slice %arg4[%mul3A_10, %dma_wait3A, %mul3A_12] : memref<16x8x10240xf32, #tpu.memory_space<hbm>> -> memref<8x3x640xf32, #tpu.memory_space<hbm>>
      %dma_wait3A_18 = arith.constant 0 : i32
      %dma_wait3A_19 = tpu.memref_slice %arg4[%mul3A_10, %dma_wait3A_18, %mul3A_12] : memref<16x8x10240xf32, #tpu.memory_space<hbm>> -> memref<8x3x640xf32, #tpu.memory_space<hbm>>
      tpu.wait_dma2 semaphore(%run_scoped3A_13 : memref<!tpu.dma_semaphore, #tpu.memory_space<semaphore_mem>>) src(%arg9 : memref<8x3x640xf32, #tpu.memory_space<vmem>>) dst(%dma_wait3A_19 : memref<8x3x640xf32, #tpu.memory_space<hbm>>)
      tpu.yield
    }) : () -> ()
    return
  }
}

#map = affine_map<(d0, d1) -> (0, 0, 0)>
#map1 = affine_map<(d0, d1) -> (0, 0)>
module attributes {stable_mosaic.version = 14 : i64} {
  func.func @sc_scatter(%arg0: i32, %arg1: i32, %arg2: memref<16x10240x128xf32, #tpu.memory_space<hbm>>, %arg3: memref<16x160x128xi32, #tpu.memory_space<hbm>>, %arg4: memref<640x128xf32, #tpu.memory_space<hbm>>, %arg5: memref<2x10240x128xf32, #tpu.memory_space<hbm>>, %arg6: memref<128x128xf32, #tpu.memory_space<vmem>>, %arg7: memref<128x128xf32, #tpu.memory_space<vmem>>, %arg8: memref<40x128xi32, #tpu.memory_space<vmem>>, %arg9: memref<10240x128xf32, #tpu.memory_space<vmem_shared>>, %arg10: memref<!tpu.dma_semaphore, #tpu.memory_space<semaphore_mem>>, %arg11: memref<!tpu.dma_semaphore, #tpu.memory_space<semaphore_mem>>) attributes {dimension_semantics = [#tpu.dimension_semantics<core_parallel>, #tpu.dimension_semantics<subcore_parallel>], iteration_bounds = array<i64: 2, 16>, scalar_prefetch = 0 : i64, scratch_operands = 6 : i64, tpu.core_type = #tpu.core_type<sc_vector_subcore>, window_params = [{transform_indices = #map}, {transform_indices = #map}, {transform_indices = #map1}, {transform_indices = #map}]} {
    %mul3A = arith.constant 640 : i32
    %mul3A_0 = arith.muli %arg1, %mul3A : i32
    %add3A = arith.constant 2 : i32
    %add3A_1 = arith.addi %add3A, %arg0 : i32
    %mul3A_2 = arith.constant 40 : i32
    %mul3A_3 = arith.muli %add3A_1, %mul3A_2 : i32
    %multiple_of3A = tpu.assume_multiple %mul3A_3, 8 : i32
    "tpu.region"() ({
      %run_scoped3A = tpu.sem_alloc : memref<!tpu.dma_semaphore, #tpu.memory_space<semaphore_mem>>
      %dma_start3A_21 = arith.constant 0 : i32
      %dma_start3A_22 = tpu.memref_slice %arg3[%arg1, %multiple_of3A, %dma_start3A_21] : memref<16x160x128xi32, #tpu.memory_space<hbm>> -> memref<1x40x128xi32, #tpu.memory_space<hbm>>
      %dma_start3A_23 = tpu.memref_squeeze %dma_start3A_22 : memref<1x40x128xi32, #tpu.memory_space<hbm>> -> memref<40x128xi32, #tpu.memory_space<hbm>>
      %dma_start3A_24 = arith.constant 0 : i32
      %dma_start3A_25 = tpu.memref_slice %arg3[%arg1, %multiple_of3A, %dma_start3A_24] : memref<16x160x128xi32, #tpu.memory_space<hbm>> -> memref<1x40x128xi32, #tpu.memory_space<hbm>>
      %dma_start3A_26 = tpu.memref_squeeze %dma_start3A_25 : memref<1x40x128xi32, #tpu.memory_space<hbm>> -> memref<40x128xi32, #tpu.memory_space<hbm>>
      tpu.enqueue_dma source(%dma_start3A_26 : memref<40x128xi32, #tpu.memory_space<hbm>>) target(%arg8 : memref<40x128xi32, #tpu.memory_space<vmem>>) target_semaphore(%run_scoped3A : memref<!tpu.dma_semaphore, #tpu.memory_space<semaphore_mem>>)
      %dma_wait3A = arith.constant 0 : i32
      %dma_wait3A_27 = tpu.memref_slice %arg3[%arg1, %multiple_of3A, %dma_wait3A] : memref<16x160x128xi32, #tpu.memory_space<hbm>> -> memref<1x40x128xi32, #tpu.memory_space<hbm>>
      %dma_wait3A_28 = tpu.memref_squeeze %dma_wait3A_27 : memref<1x40x128xi32, #tpu.memory_space<hbm>> -> memref<40x128xi32, #tpu.memory_space<hbm>>
      %dma_wait3A_29 = arith.constant 0 : i32
      %dma_wait3A_30 = tpu.memref_slice %arg3[%arg1, %multiple_of3A, %dma_wait3A_29] : memref<16x160x128xi32, #tpu.memory_space<hbm>> -> memref<1x40x128xi32, #tpu.memory_space<hbm>>
      %dma_wait3A_31 = tpu.memref_squeeze %dma_wait3A_30 : memref<1x40x128xi32, #tpu.memory_space<hbm>> -> memref<40x128xi32, #tpu.memory_space<hbm>>
      tpu.wait_dma2 semaphore(%run_scoped3A : memref<!tpu.dma_semaphore, #tpu.memory_space<semaphore_mem>>) src(%dma_wait3A_31 : memref<40x128xi32, #tpu.memory_space<hbm>>) dst(%arg8 : memref<40x128xi32, #tpu.memory_space<vmem>>)
      tpu.yield
    }) : () -> ()
    "tpu.region"() ({
      %run_scoped3A = tpu.sem_alloc : memref<!tpu.dma_semaphore, #tpu.memory_space<semaphore_mem>>
      %dma_start3A_21 = arith.constant 0 : i32
      %dma_start3A_22 = tpu.memref_slice %arg9[%mul3A_0, %dma_start3A_21] : memref<10240x128xf32, #tpu.memory_space<vmem_shared>> -> memref<640x128xf32, #tpu.memory_space<vmem_shared>>
      tpu.enqueue_dma source(%arg4 : memref<640x128xf32, #tpu.memory_space<hbm>>) target(%dma_start3A_22 : memref<640x128xf32, #tpu.memory_space<vmem_shared>>) target_semaphore(%run_scoped3A : memref<!tpu.dma_semaphore, #tpu.memory_space<semaphore_mem>>)
      %dma_wait3A = arith.constant 0 : i32
      %dma_wait3A_23 = tpu.memref_slice %arg9[%mul3A_0, %dma_wait3A] : memref<10240x128xf32, #tpu.memory_space<vmem_shared>> -> memref<640x128xf32, #tpu.memory_space<vmem_shared>>
      tpu.wait_dma2 semaphore(%run_scoped3A : memref<!tpu.dma_semaphore, #tpu.memory_space<semaphore_mem>>) src(%arg4 : memref<640x128xf32, #tpu.memory_space<hbm>>) dst(%dma_wait3A_23 : memref<640x128xf32, #tpu.memory_space<vmem_shared>>)
      tpu.yield
    }) : () -> ()
    %barrier3A = arith.constant 0 : index
    tpu.barrier barrier_id(%barrier3A)
    %mul3A_4 = arith.constant 8 : i32
    %mul3A_5 = arith.muli %arg0, %mul3A_4 : i32
    %add3A_6 = arith.constant 0 : i32
    %add3A_7 = arith.addi %mul3A_5, %add3A_6 : i32
    %add3A_8 = arith.constant 0 : i32
    %add3A_9 = arith.addi %mul3A_0, %add3A_8 : i32
    %dma_start3A = arith.constant 0 : i32
    %dma_start3A_10 = tpu.memref_slice %arg2[%add3A_7, %add3A_9, %dma_start3A] : memref<16x10240x128xf32, #tpu.memory_space<hbm>> -> memref<1x128x128xf32, #tpu.memory_space<hbm>>
    %dma_start3A_11 = tpu.memref_squeeze %dma_start3A_10 : memref<1x128x128xf32, #tpu.memory_space<hbm>> -> memref<128x128xf32, #tpu.memory_space<hbm>>
    %dma_start3A_12 = arith.constant 0 : i32
    %dma_start3A_13 = tpu.memref_slice %arg2[%add3A_7, %add3A_9, %dma_start3A_12] : memref<16x10240x128xf32, #tpu.memory_space<hbm>> -> memref<1x128x128xf32, #tpu.memory_space<hbm>>
    %dma_start3A_14 = tpu.memref_squeeze %dma_start3A_13 : memref<1x128x128xf32, #tpu.memory_space<hbm>> -> memref<128x128xf32, #tpu.memory_space<hbm>>
    tpu.enqueue_dma source(%dma_start3A_14 : memref<128x128xf32, #tpu.memory_space<hbm>>) target(%arg6 : memref<128x128xf32, #tpu.memory_space<vmem>>) target_semaphore(%arg10 : memref<!tpu.dma_semaphore, #tpu.memory_space<semaphore_mem>>)
    %scan3A = arith.constant 0 : i32
    %scan3A_15 = arith.constant 0 : i32
    %scan3A_16 = arith.constant 20 : i32
    %scan3A_17 = arith.addi %scan3A_15, %scan3A_16 : i32
    %scan3A_18 = arith.constant 1 : i32
    scf.for %scan3A_21 = %scan3A_15 to %scan3A_17 step %scan3A_18  : i32 {
      %mul3A_22 = arith.constant 2 : i32
      %mul3A_23 = arith.muli %mul3A_22, %scan3A_21 : i32
      %add3A_24 = arith.constant 1 : i32
      %add3A_25 = arith.addi %mul3A_23, %add3A_24 : i32
      %jit3A = arith.constant 5 : i32
      %div3A = arith.divsi %add3A_25, %jit3A : i32
      %sign3A = arith.constant 0 : i32
      %sign3A_26 = arith.cmpi sgt, %add3A_25, %sign3A : i32
      %sign3A_27 = arith.extui %sign3A_26 : i1 to i32
      %sign3A_28 = arith.constant 0 : i32
      %sign3A_29 = arith.cmpi slt, %add3A_25, %sign3A_28 : i32
      %sign3A_30 = arith.extui %sign3A_29 : i1 to i32
      %sign3A_31 = arith.subi %sign3A_27, %sign3A_30 : i32
      %sign3A_32 = arith.constant 0 : i32
      %sign3A_33 = arith.cmpi sgt, %jit3A, %sign3A_32 : i32
      %sign3A_34 = arith.extui %sign3A_33 : i1 to i32
      %sign3A_35 = arith.constant 0 : i32
      %sign3A_36 = arith.cmpi slt, %jit3A, %sign3A_35 : i32
      %sign3A_37 = arith.extui %sign3A_36 : i1 to i32
      %sign3A_38 = arith.subi %sign3A_34, %sign3A_37 : i32
      %ne3A = arith.cmpi ne, %sign3A_31, %sign3A_38 : i32
      %rem3A = arith.remsi %add3A_25, %jit3A : i32
      %ne3A_39 = arith.constant 0 : i32
      %ne3A_40 = arith.cmpi ne, %rem3A, %ne3A_39 : i32
      %and3A = arith.andi %ne3A, %ne3A_40 : i1
      %sub3A = arith.constant 1 : i32
      %sub3A_41 = arith.subi %div3A, %sub3A : i32
      %select_n3A = arith.select %and3A, %sub3A_41, %div3A : i32
      %mul3A_42 = arith.constant 5 : i32
      %mul3A_43 = arith.muli %select_n3A, %mul3A_42 : i32
      %sub3A_44 = arith.subi %add3A_25, %mul3A_43 : i32
      %mul3A_45 = arith.constant 8 : i32
      %mul3A_46 = arith.muli %arg0, %mul3A_45 : i32
      %add3A_47 = arith.addi %mul3A_46, %select_n3A : i32
      %mul3A_48 = arith.constant 128 : i32
      %mul3A_49 = arith.muli %sub3A_44, %mul3A_48 : i32
      %add3A_50 = arith.addi %mul3A_0, %mul3A_49 : i32
      %dma_start3A_51 = arith.constant 0 : i32
      %dma_start3A_52 = tpu.memref_slice %arg2[%add3A_47, %add3A_50, %dma_start3A_51] : memref<16x10240x128xf32, #tpu.memory_space<hbm>> -> memref<1x128x128xf32, #tpu.memory_space<hbm>>
      %dma_start3A_53 = tpu.memref_squeeze %dma_start3A_52 : memref<1x128x128xf32, #tpu.memory_space<hbm>> -> memref<128x128xf32, #tpu.memory_space<hbm>>
      %dma_start3A_54 = arith.constant 0 : i32
      %dma_start3A_55 = tpu.memref_slice %arg2[%add3A_47, %add3A_50, %dma_start3A_54] : memref<16x10240x128xf32, #tpu.memory_space<hbm>> -> memref<1x128x128xf32, #tpu.memory_space<hbm>>
      %dma_start3A_56 = tpu.memref_squeeze %dma_start3A_55 : memref<1x128x128xf32, #tpu.memory_space<hbm>> -> memref<128x128xf32, #tpu.memory_space<hbm>>
      tpu.enqueue_dma source(%dma_start3A_56 : memref<128x128xf32, #tpu.memory_space<hbm>>) target(%arg7 : memref<128x128xf32, #tpu.memory_space<vmem>>) target_semaphore(%arg11 : memref<!tpu.dma_semaphore, #tpu.memory_space<semaphore_mem>>)
      %jit3A_57 = arith.constant 5 : i32
      %div3A_58 = arith.divsi %mul3A_23, %jit3A_57 : i32
      %sign3A_59 = arith.constant 0 : i32
      %sign3A_60 = arith.cmpi sgt, %mul3A_23, %sign3A_59 : i32
      %sign3A_61 = arith.extui %sign3A_60 : i1 to i32
      %sign3A_62 = arith.constant 0 : i32
      %sign3A_63 = arith.cmpi slt, %mul3A_23, %sign3A_62 : i32
      %sign3A_64 = arith.extui %sign3A_63 : i1 to i32
      %sign3A_65 = arith.subi %sign3A_61, %sign3A_64 : i32
      %sign3A_66 = arith.constant 0 : i32
      %sign3A_67 = arith.cmpi sgt, %jit3A_57, %sign3A_66 : i32
      %sign3A_68 = arith.extui %sign3A_67 : i1 to i32
      %sign3A_69 = arith.constant 0 : i32
      %sign3A_70 = arith.cmpi slt, %jit3A_57, %sign3A_69 : i32
      %sign3A_71 = arith.extui %sign3A_70 : i1 to i32
      %sign3A_72 = arith.subi %sign3A_68, %sign3A_71 : i32
      %ne3A_73 = arith.cmpi ne, %sign3A_65, %sign3A_72 : i32
      %rem3A_74 = arith.remsi %mul3A_23, %jit3A_57 : i32
      %ne3A_75 = arith.constant 0 : i32
      %ne3A_76 = arith.cmpi ne, %rem3A_74, %ne3A_75 : i32
      %and3A_77 = arith.andi %ne3A_73, %ne3A_76 : i1
      %sub3A_78 = arith.constant 1 : i32
      %sub3A_79 = arith.subi %div3A_58, %sub3A_78 : i32
      %select_n3A_80 = arith.select %and3A_77, %sub3A_79, %div3A_58 : i32
      %mul3A_81 = arith.constant 5 : i32
      %mul3A_82 = arith.muli %select_n3A_80, %mul3A_81 : i32
      %sub3A_83 = arith.subi %mul3A_23, %mul3A_82 : i32
      %mul3A_84 = arith.constant 8 : i32
      %mul3A_85 = arith.muli %arg0, %mul3A_84 : i32
      %add3A_86 = arith.addi %mul3A_85, %select_n3A_80 : i32
      %mul3A_87 = arith.constant 128 : i32
      %mul3A_88 = arith.muli %sub3A_83, %mul3A_87 : i32
      %add3A_89 = arith.addi %mul3A_0, %mul3A_88 : i32
      %dma_wait3A = arith.constant 0 : i32
      %dma_wait3A_90 = tpu.memref_slice %arg2[%add3A_86, %add3A_89, %dma_wait3A] : memref<16x10240x128xf32, #tpu.memory_space<hbm>> -> memref<1x128x128xf32, #tpu.memory_space<hbm>>
      %dma_wait3A_91 = tpu.memref_squeeze %dma_wait3A_90 : memref<1x128x128xf32, #tpu.memory_space<hbm>> -> memref<128x128xf32, #tpu.memory_space<hbm>>
      %dma_wait3A_92 = arith.constant 0 : i32
      %dma_wait3A_93 = tpu.memref_slice %arg2[%add3A_86, %add3A_89, %dma_wait3A_92] : memref<16x10240x128xf32, #tpu.memory_space<hbm>> -> memref<1x128x128xf32, #tpu.memory_space<hbm>>
      %dma_wait3A_94 = tpu.memref_squeeze %dma_wait3A_93 : memref<1x128x128xf32, #tpu.memory_space<hbm>> -> memref<128x128xf32, #tpu.memory_space<hbm>>
      tpu.wait_dma2 semaphore(%arg10 : memref<!tpu.dma_semaphore, #tpu.memory_space<semaphore_mem>>) src(%dma_wait3A_94 : memref<128x128xf32, #tpu.memory_space<hbm>>) dst(%arg6 : memref<128x128xf32, #tpu.memory_space<vmem>>)
      "tpu.region"() ({
        %run_scoped3A = tpu.sem_alloc : memref<!tpu.dma_semaphore, #tpu.memory_space<semaphore_mem>>
        %dma_start3A_140 = arith.constant 0 : i32
        %dma_start3A_141 = tpu.memref_slice %arg8[%mul3A_23, %dma_start3A_140] : memref<40x128xi32, #tpu.memory_space<vmem>> -> memref<1x128xi32, #tpu.memory_space<vmem>>
        %dma_start3A_142 = tpu.memref_squeeze %dma_start3A_141 : memref<1x128xi32, #tpu.memory_space<vmem>> -> memref<128xi32, #tpu.memory_space<vmem>>
        %dma_start3A_143 = arith.constant 0 : i32
        %dma_start3A_144 = arith.constant 0 : i32
        %dma_start3A_145 = tpu.memref_slice %arg9[%dma_start3A_143, %dma_start3A_144] : memref<10240x128xf32, #tpu.memory_space<vmem_shared>> -> memref<10240x128xf32, #tpu.memory_space<vmem_shared>>
        tpu.enqueue_indirect_dma source(%arg6 : memref<128x128xf32, #tpu.memory_space<vmem>>) target(%dma_start3A_145 : memref<10240x128xf32, #tpu.memory_space<vmem_shared>>) offsets(%dma_start3A_142 : memref<128xi32, #tpu.memory_space<vmem>>) semaphore(%run_scoped3A : memref<!tpu.dma_semaphore, #tpu.memory_space<semaphore_mem>>) {add = true}
        %dma_wait3A_146 = arith.constant 0 : i32
        %dma_wait3A_147 = tpu.memref_slice %arg8[%mul3A_23, %dma_wait3A_146] : memref<40x128xi32, #tpu.memory_space<vmem>> -> memref<1x128xi32, #tpu.memory_space<vmem>>
        %dma_wait3A_148 = tpu.memref_squeeze %dma_wait3A_147 : memref<1x128xi32, #tpu.memory_space<vmem>> -> memref<128xi32, #tpu.memory_space<vmem>>
        %dma_wait3A_149 = arith.constant 0 : i32
        %dma_wait3A_150 = arith.constant 0 : i32
        %dma_wait3A_151 = tpu.memref_slice %arg9[%dma_wait3A_149, %dma_wait3A_150] : memref<10240x128xf32, #tpu.memory_space<vmem_shared>> -> memref<10240x128xf32, #tpu.memory_space<vmem_shared>>
        tpu.wait_indirect_dma semaphore(%run_scoped3A : memref<!tpu.dma_semaphore, #tpu.memory_space<semaphore_mem>>) src(%arg6 : memref<128x128xf32, #tpu.memory_space<vmem>>) dst(%dma_wait3A_151 : memref<10240x128xf32, #tpu.memory_space<vmem_shared>>)
        tpu.yield
      }) : () -> ()
      %lt3A = arith.constant 19 : i32
      %lt3A_95 = arith.cmpi slt, %scan3A_21, %lt3A : i32
      %convert_element_type3A = arith.extui %lt3A_95 : i1 to i32
      %cond3A = arith.constant 0 : i32
      %cond3A_96 = arith.cmpi ne, %convert_element_type3A, %cond3A : i32
      scf.if %cond3A_96 {
        %add3A_140 = arith.constant 2 : i32
        %add3A_141 = arith.addi %mul3A_23, %add3A_140 : i32
        %jit3A_142 = arith.constant 5 : i32
        %div3A_143 = arith.divsi %add3A_141, %jit3A_142 : i32
        %sign3A_144 = arith.constant 0 : i32
        %sign3A_145 = arith.cmpi sgt, %add3A_141, %sign3A_144 : i32
        %sign3A_146 = arith.extui %sign3A_145 : i1 to i32
        %sign3A_147 = arith.constant 0 : i32
        %sign3A_148 = arith.cmpi slt, %add3A_141, %sign3A_147 : i32
        %sign3A_149 = arith.extui %sign3A_148 : i1 to i32
        %sign3A_150 = arith.subi %sign3A_146, %sign3A_149 : i32
        %sign3A_151 = arith.constant 0 : i32
        %sign3A_152 = arith.cmpi sgt, %jit3A_142, %sign3A_151 : i32
        %sign3A_153 = arith.extui %sign3A_152 : i1 to i32
        %sign3A_154 = arith.constant 0 : i32
        %sign3A_155 = arith.cmpi slt, %jit3A_142, %sign3A_154 : i32
        %sign3A_156 = arith.extui %sign3A_155 : i1 to i32
        %sign3A_157 = arith.subi %sign3A_153, %sign3A_156 : i32
        %ne3A_158 = arith.cmpi ne, %sign3A_150, %sign3A_157 : i32
        %rem3A_159 = arith.remsi %add3A_141, %jit3A_142 : i32
        %ne3A_160 = arith.constant 0 : i32
        %ne3A_161 = arith.cmpi ne, %rem3A_159, %ne3A_160 : i32
        %and3A_162 = arith.andi %ne3A_158, %ne3A_161 : i1
        %sub3A_163 = arith.constant 1 : i32
        %sub3A_164 = arith.subi %div3A_143, %sub3A_163 : i32
        %select_n3A_165 = arith.select %and3A_162, %sub3A_164, %div3A_143 : i32
        %mul3A_166 = arith.constant 5 : i32
        %mul3A_167 = arith.muli %select_n3A_165, %mul3A_166 : i32
        %sub3A_168 = arith.subi %add3A_141, %mul3A_167 : i32
        %mul3A_169 = arith.constant 8 : i32
        %mul3A_170 = arith.muli %arg0, %mul3A_169 : i32
        %add3A_171 = arith.addi %mul3A_170, %select_n3A_165 : i32
        %mul3A_172 = arith.constant 128 : i32
        %mul3A_173 = arith.muli %sub3A_168, %mul3A_172 : i32
        %add3A_174 = arith.addi %mul3A_0, %mul3A_173 : i32
        %dma_start3A_175 = arith.constant 0 : i32
        %dma_start3A_176 = tpu.memref_slice %arg2[%add3A_171, %add3A_174, %dma_start3A_175] : memref<16x10240x128xf32, #tpu.memory_space<hbm>> -> memref<1x128x128xf32, #tpu.memory_space<hbm>>
        %dma_start3A_177 = tpu.memref_squeeze %dma_start3A_176 : memref<1x128x128xf32, #tpu.memory_space<hbm>> -> memref<128x128xf32, #tpu.memory_space<hbm>>
        %dma_start3A_178 = arith.constant 0 : i32
        %dma_start3A_179 = tpu.memref_slice %arg2[%add3A_171, %add3A_174, %dma_start3A_178] : memref<16x10240x128xf32, #tpu.memory_space<hbm>> -> memref<1x128x128xf32, #tpu.memory_space<hbm>>
        %dma_start3A_180 = tpu.memref_squeeze %dma_start3A_179 : memref<1x128x128xf32, #tpu.memory_space<hbm>> -> memref<128x128xf32, #tpu.memory_space<hbm>>
        tpu.enqueue_dma source(%dma_start3A_180 : memref<128x128xf32, #tpu.memory_space<hbm>>) target(%arg6 : memref<128x128xf32, #tpu.memory_space<vmem>>) target_semaphore(%arg10 : memref<!tpu.dma_semaphore, #tpu.memory_space<semaphore_mem>>)
      } else {
      }
      %add3A_97 = arith.constant 1 : i32
      %add3A_98 = arith.addi %mul3A_23, %add3A_97 : i32
      %jit3A_99 = arith.constant 5 : i32
      %div3A_100 = arith.divsi %add3A_98, %jit3A_99 : i32
      %sign3A_101 = arith.constant 0 : i32
      %sign3A_102 = arith.cmpi sgt, %add3A_98, %sign3A_101 : i32
      %sign3A_103 = arith.extui %sign3A_102 : i1 to i32
      %sign3A_104 = arith.constant 0 : i32
      %sign3A_105 = arith.cmpi slt, %add3A_98, %sign3A_104 : i32
      %sign3A_106 = arith.extui %sign3A_105 : i1 to i32
      %sign3A_107 = arith.subi %sign3A_103, %sign3A_106 : i32
      %sign3A_108 = arith.constant 0 : i32
      %sign3A_109 = arith.cmpi sgt, %jit3A_99, %sign3A_108 : i32
      %sign3A_110 = arith.extui %sign3A_109 : i1 to i32
      %sign3A_111 = arith.constant 0 : i32
      %sign3A_112 = arith.cmpi slt, %jit3A_99, %sign3A_111 : i32
      %sign3A_113 = arith.extui %sign3A_112 : i1 to i32
      %sign3A_114 = arith.subi %sign3A_110, %sign3A_113 : i32
      %ne3A_115 = arith.cmpi ne, %sign3A_107, %sign3A_114 : i32
      %rem3A_116 = arith.remsi %add3A_98, %jit3A_99 : i32
      %ne3A_117 = arith.constant 0 : i32
      %ne3A_118 = arith.cmpi ne, %rem3A_116, %ne3A_117 : i32
      %and3A_119 = arith.andi %ne3A_115, %ne3A_118 : i1
      %sub3A_120 = arith.constant 1 : i32
      %sub3A_121 = arith.subi %div3A_100, %sub3A_120 : i32
      %select_n3A_122 = arith.select %and3A_119, %sub3A_121, %div3A_100 : i32
      %mul3A_123 = arith.constant 5 : i32
      %mul3A_124 = arith.muli %select_n3A_122, %mul3A_123 : i32
      %sub3A_125 = arith.subi %add3A_98, %mul3A_124 : i32
      %mul3A_126 = arith.constant 8 : i32
      %mul3A_127 = arith.muli %arg0, %mul3A_126 : i32
      %add3A_128 = arith.addi %mul3A_127, %select_n3A_122 : i32
      %mul3A_129 = arith.constant 128 : i32
      %mul3A_130 = arith.muli %sub3A_125, %mul3A_129 : i32
      %add3A_131 = arith.addi %mul3A_0, %mul3A_130 : i32
      %dma_wait3A_132 = arith.constant 0 : i32
      %dma_wait3A_133 = tpu.memref_slice %arg2[%add3A_128, %add3A_131, %dma_wait3A_132] : memref<16x10240x128xf32, #tpu.memory_space<hbm>> -> memref<1x128x128xf32, #tpu.memory_space<hbm>>
      %dma_wait3A_134 = tpu.memref_squeeze %dma_wait3A_133 : memref<1x128x128xf32, #tpu.memory_space<hbm>> -> memref<128x128xf32, #tpu.memory_space<hbm>>
      %dma_wait3A_135 = arith.constant 0 : i32
      %dma_wait3A_136 = tpu.memref_slice %arg2[%add3A_128, %add3A_131, %dma_wait3A_135] : memref<16x10240x128xf32, #tpu.memory_space<hbm>> -> memref<1x128x128xf32, #tpu.memory_space<hbm>>
      %dma_wait3A_137 = tpu.memref_squeeze %dma_wait3A_136 : memref<1x128x128xf32, #tpu.memory_space<hbm>> -> memref<128x128xf32, #tpu.memory_space<hbm>>
      tpu.wait_dma2 semaphore(%arg11 : memref<!tpu.dma_semaphore, #tpu.memory_space<semaphore_mem>>) src(%dma_wait3A_137 : memref<128x128xf32, #tpu.memory_space<hbm>>) dst(%arg7 : memref<128x128xf32, #tpu.memory_space<vmem>>)
      %add3A_138 = arith.constant 1 : i32
      %add3A_139 = arith.addi %mul3A_23, %add3A_138 : i32
      "tpu.region"() ({
        %run_scoped3A = tpu.sem_alloc : memref<!tpu.dma_semaphore, #tpu.memory_space<semaphore_mem>>
        %dma_start3A_140 = arith.constant 0 : i32
        %dma_start3A_141 = tpu.memref_slice %arg8[%add3A_139, %dma_start3A_140] : memref<40x128xi32, #tpu.memory_space<vmem>> -> memref<1x128xi32, #tpu.memory_space<vmem>>
        %dma_start3A_142 = tpu.memref_squeeze %dma_start3A_141 : memref<1x128xi32, #tpu.memory_space<vmem>> -> memref<128xi32, #tpu.memory_space<vmem>>
        %dma_start3A_143 = arith.constant 0 : i32
        %dma_start3A_144 = arith.constant 0 : i32
        %dma_start3A_145 = tpu.memref_slice %arg9[%dma_start3A_143, %dma_start3A_144] : memref<10240x128xf32, #tpu.memory_space<vmem_shared>> -> memref<10240x128xf32, #tpu.memory_space<vmem_shared>>
        tpu.enqueue_indirect_dma source(%arg7 : memref<128x128xf32, #tpu.memory_space<vmem>>) target(%dma_start3A_145 : memref<10240x128xf32, #tpu.memory_space<vmem_shared>>) offsets(%dma_start3A_142 : memref<128xi32, #tpu.memory_space<vmem>>) semaphore(%run_scoped3A : memref<!tpu.dma_semaphore, #tpu.memory_space<semaphore_mem>>) {add = true}
        %dma_wait3A_146 = arith.constant 0 : i32
        %dma_wait3A_147 = tpu.memref_slice %arg8[%add3A_139, %dma_wait3A_146] : memref<40x128xi32, #tpu.memory_space<vmem>> -> memref<1x128xi32, #tpu.memory_space<vmem>>
        %dma_wait3A_148 = tpu.memref_squeeze %dma_wait3A_147 : memref<1x128xi32, #tpu.memory_space<vmem>> -> memref<128xi32, #tpu.memory_space<vmem>>
        %dma_wait3A_149 = arith.constant 0 : i32
        %dma_wait3A_150 = arith.constant 0 : i32
        %dma_wait3A_151 = tpu.memref_slice %arg9[%dma_wait3A_149, %dma_wait3A_150] : memref<10240x128xf32, #tpu.memory_space<vmem_shared>> -> memref<10240x128xf32, #tpu.memory_space<vmem_shared>>
        tpu.wait_indirect_dma semaphore(%run_scoped3A : memref<!tpu.dma_semaphore, #tpu.memory_space<semaphore_mem>>) src(%arg7 : memref<128x128xf32, #tpu.memory_space<vmem>>) dst(%dma_wait3A_151 : memref<10240x128xf32, #tpu.memory_space<vmem_shared>>)
        tpu.yield
      }) : () -> ()
    }
    %scan3A_19 = arith.constant 20 : i32
    %barrier3A_20 = arith.constant 0 : index
    tpu.barrier barrier_id(%barrier3A_20)
    "tpu.region"() ({
      %run_scoped3A = tpu.sem_alloc : memref<!tpu.dma_semaphore, #tpu.memory_space<semaphore_mem>>
      %dma_start3A_21 = arith.constant 0 : i32
      %dma_start3A_22 = tpu.memref_slice %arg5[%arg0, %mul3A_0, %dma_start3A_21] : memref<2x10240x128xf32, #tpu.memory_space<hbm>> -> memref<1x640x128xf32, #tpu.memory_space<hbm>>
      %dma_start3A_23 = tpu.memref_squeeze %dma_start3A_22 : memref<1x640x128xf32, #tpu.memory_space<hbm>> -> memref<640x128xf32, #tpu.memory_space<hbm>>
      %dma_start3A_24 = arith.constant 0 : i32
      %dma_start3A_25 = tpu.memref_slice %arg9[%mul3A_0, %dma_start3A_24] : memref<10240x128xf32, #tpu.memory_space<vmem_shared>> -> memref<640x128xf32, #tpu.memory_space<vmem_shared>>
      tpu.enqueue_dma source(%dma_start3A_25 : memref<640x128xf32, #tpu.memory_space<vmem_shared>>) target(%dma_start3A_23 : memref<640x128xf32, #tpu.memory_space<hbm>>) target_semaphore(%run_scoped3A : memref<!tpu.dma_semaphore, #tpu.memory_space<semaphore_mem>>)
      %dma_wait3A = arith.constant 0 : i32
      %dma_wait3A_26 = tpu.memref_slice %arg5[%arg0, %mul3A_0, %dma_wait3A] : memref<2x10240x128xf32, #tpu.memory_space<hbm>> -> memref<1x640x128xf32, #tpu.memory_space<hbm>>
      %dma_wait3A_27 = tpu.memref_squeeze %dma_wait3A_26 : memref<1x640x128xf32, #tpu.memory_space<hbm>> -> memref<640x128xf32, #tpu.memory_space<hbm>>
      %dma_wait3A_28 = arith.constant 0 : i32
      %dma_wait3A_29 = tpu.memref_slice %arg9[%mul3A_0, %dma_wait3A_28] : memref<10240x128xf32, #tpu.memory_space<vmem_shared>> -> memref<640x128xf32, #tpu.memory_space<vmem_shared>>
      tpu.wait_dma2 semaphore(%run_scoped3A : memref<!tpu.dma_semaphore, #tpu.memory_space<semaphore_mem>>) src(%dma_wait3A_29 : memref<640x128xf32, #tpu.memory_space<vmem_shared>>) dst(%dma_wait3A_27 : memref<640x128xf32, #tpu.memory_space<hbm>>)
      tpu.yield
    }) : () -> ()
    return
  }
}

#map = affine_map<(d0, d1) -> (0, 0, 0)>
#map1 = affine_map<(d0, d1) -> (0, 0)>
module attributes {stable_mosaic.version = 14 : i64} {
  func.func @sc_scatter(%arg0: i32, %arg1: i32, %arg2: memref<16x10240x128xf32, #tpu.memory_space<hbm>>, %arg3: memref<16x160x128xi32, #tpu.memory_space<hbm>>, %arg4: memref<640x128xf32, #tpu.memory_space<hbm>>, %arg5: memref<2x10240x128xf32, #tpu.memory_space<hbm>>, %arg6: memref<128x128xf32, #tpu.memory_space<vmem>>, %arg7: memref<128x128xf32, #tpu.memory_space<vmem>>, %arg8: memref<40x128xi32, #tpu.memory_space<vmem>>, %arg9: memref<10240x128xf32, #tpu.memory_space<vmem_shared>>, %arg10: memref<!tpu.dma_semaphore, #tpu.memory_space<semaphore_mem>>, %arg11: memref<!tpu.dma_semaphore, #tpu.memory_space<semaphore_mem>>) attributes {dimension_semantics = [#tpu.dimension_semantics<core_parallel>, #tpu.dimension_semantics<subcore_parallel>], iteration_bounds = array<i64: 2, 16>, scalar_prefetch = 0 : i64, scratch_operands = 6 : i64, tpu.core_type = #tpu.core_type<sc_vector_subcore>, window_params = [{transform_indices = #map}, {transform_indices = #map}, {transform_indices = #map1}, {transform_indices = #map}]} {
    %mul3A = arith.constant 640 : i32
    %mul3A_0 = arith.muli %arg1, %mul3A : i32
    %add3A = arith.constant 0 : i32
    %add3A_1 = arith.addi %add3A, %arg0 : i32
    %mul3A_2 = arith.constant 40 : i32
    %mul3A_3 = arith.muli %add3A_1, %mul3A_2 : i32
    %multiple_of3A = tpu.assume_multiple %mul3A_3, 8 : i32
    "tpu.region"() ({
      %run_scoped3A = tpu.sem_alloc : memref<!tpu.dma_semaphore, #tpu.memory_space<semaphore_mem>>
      %dma_start3A_21 = arith.constant 0 : i32
      %dma_start3A_22 = tpu.memref_slice %arg3[%arg1, %multiple_of3A, %dma_start3A_21] : memref<16x160x128xi32, #tpu.memory_space<hbm>> -> memref<1x40x128xi32, #tpu.memory_space<hbm>>
      %dma_start3A_23 = tpu.memref_squeeze %dma_start3A_22 : memref<1x40x128xi32, #tpu.memory_space<hbm>> -> memref<40x128xi32, #tpu.memory_space<hbm>>
      %dma_start3A_24 = arith.constant 0 : i32
      %dma_start3A_25 = tpu.memref_slice %arg3[%arg1, %multiple_of3A, %dma_start3A_24] : memref<16x160x128xi32, #tpu.memory_space<hbm>> -> memref<1x40x128xi32, #tpu.memory_space<hbm>>
      %dma_start3A_26 = tpu.memref_squeeze %dma_start3A_25 : memref<1x40x128xi32, #tpu.memory_space<hbm>> -> memref<40x128xi32, #tpu.memory_space<hbm>>
      tpu.enqueue_dma source(%dma_start3A_26 : memref<40x128xi32, #tpu.memory_space<hbm>>) target(%arg8 : memref<40x128xi32, #tpu.memory_space<vmem>>) target_semaphore(%run_scoped3A : memref<!tpu.dma_semaphore, #tpu.memory_space<semaphore_mem>>)
      %dma_wait3A = arith.constant 0 : i32
      %dma_wait3A_27 = tpu.memref_slice %arg3[%arg1, %multiple_of3A, %dma_wait3A] : memref<16x160x128xi32, #tpu.memory_space<hbm>> -> memref<1x40x128xi32, #tpu.memory_space<hbm>>
      %dma_wait3A_28 = tpu.memref_squeeze %dma_wait3A_27 : memref<1x40x128xi32, #tpu.memory_space<hbm>> -> memref<40x128xi32, #tpu.memory_space<hbm>>
      %dma_wait3A_29 = arith.constant 0 : i32
      %dma_wait3A_30 = tpu.memref_slice %arg3[%arg1, %multiple_of3A, %dma_wait3A_29] : memref<16x160x128xi32, #tpu.memory_space<hbm>> -> memref<1x40x128xi32, #tpu.memory_space<hbm>>
      %dma_wait3A_31 = tpu.memref_squeeze %dma_wait3A_30 : memref<1x40x128xi32, #tpu.memory_space<hbm>> -> memref<40x128xi32, #tpu.memory_space<hbm>>
      tpu.wait_dma2 semaphore(%run_scoped3A : memref<!tpu.dma_semaphore, #tpu.memory_space<semaphore_mem>>) src(%dma_wait3A_31 : memref<40x128xi32, #tpu.memory_space<hbm>>) dst(%arg8 : memref<40x128xi32, #tpu.memory_space<vmem>>)
      tpu.yield
    }) : () -> ()
    "tpu.region"() ({
      %run_scoped3A = tpu.sem_alloc : memref<!tpu.dma_semaphore, #tpu.memory_space<semaphore_mem>>
      %dma_start3A_21 = arith.constant 0 : i32
      %dma_start3A_22 = tpu.memref_slice %arg9[%mul3A_0, %dma_start3A_21] : memref<10240x128xf32, #tpu.memory_space<vmem_shared>> -> memref<640x128xf32, #tpu.memory_space<vmem_shared>>
      tpu.enqueue_dma source(%arg4 : memref<640x128xf32, #tpu.memory_space<hbm>>) target(%dma_start3A_22 : memref<640x128xf32, #tpu.memory_space<vmem_shared>>) target_semaphore(%run_scoped3A : memref<!tpu.dma_semaphore, #tpu.memory_space<semaphore_mem>>)
      %dma_wait3A = arith.constant 0 : i32
      %dma_wait3A_23 = tpu.memref_slice %arg9[%mul3A_0, %dma_wait3A] : memref<10240x128xf32, #tpu.memory_space<vmem_shared>> -> memref<640x128xf32, #tpu.memory_space<vmem_shared>>
      tpu.wait_dma2 semaphore(%run_scoped3A : memref<!tpu.dma_semaphore, #tpu.memory_space<semaphore_mem>>) src(%arg4 : memref<640x128xf32, #tpu.memory_space<hbm>>) dst(%dma_wait3A_23 : memref<640x128xf32, #tpu.memory_space<vmem_shared>>)
      tpu.yield
    }) : () -> ()
    %barrier3A = arith.constant 0 : index
    tpu.barrier barrier_id(%barrier3A)
    %mul3A_4 = arith.constant 8 : i32
    %mul3A_5 = arith.muli %arg0, %mul3A_4 : i32
    %add3A_6 = arith.constant 0 : i32
    %add3A_7 = arith.addi %mul3A_5, %add3A_6 : i32
    %add3A_8 = arith.constant 0 : i32
    %add3A_9 = arith.addi %mul3A_0, %add3A_8 : i32
    %dma_start3A = arith.constant 0 : i32
    %dma_start3A_10 = tpu.memref_slice %arg2[%add3A_7, %add3A_9, %dma_start3A] : memref<16x10240x128xf32, #tpu.memory_space<hbm>> -> memref<1x128x128xf32, #tpu.memory_space<hbm>>
    %dma_start3A_11 = tpu.memref_squeeze %dma_start3A_10 : memref<1x128x128xf32, #tpu.memory_space<hbm>> -> memref<128x128xf32, #tpu.memory_space<hbm>>
    %dma_start3A_12 = arith.constant 0 : i32
    %dma_start3A_13 = tpu.memref_slice %arg2[%add3A_7, %add3A_9, %dma_start3A_12] : memref<16x10240x128xf32, #tpu.memory_space<hbm>> -> memref<1x128x128xf32, #tpu.memory_space<hbm>>
    %dma_start3A_14 = tpu.memref_squeeze %dma_start3A_13 : memref<1x128x128xf32, #tpu.memory_space<hbm>> -> memref<128x128xf32, #tpu.memory_space<hbm>>
    tpu.enqueue_dma source(%dma_start3A_14 : memref<128x128xf32, #tpu.memory_space<hbm>>) target(%arg6 : memref<128x128xf32, #tpu.memory_space<vmem>>) target_semaphore(%arg10 : memref<!tpu.dma_semaphore, #tpu.memory_space<semaphore_mem>>)
    %scan3A = arith.constant 0 : i32
    %scan3A_15 = arith.constant 0 : i32
    %scan3A_16 = arith.constant 20 : i32
    %scan3A_17 = arith.addi %scan3A_15, %scan3A_16 : i32
    %scan3A_18 = arith.constant 1 : i32
    scf.for %scan3A_21 = %scan3A_15 to %scan3A_17 step %scan3A_18  : i32 {
      %mul3A_22 = arith.constant 2 : i32
      %mul3A_23 = arith.muli %mul3A_22, %scan3A_21 : i32
      %add3A_24 = arith.constant 1 : i32
      %add3A_25 = arith.addi %mul3A_23, %add3A_24 : i32
      %jit3A = arith.constant 5 : i32
      %div3A = arith.divsi %add3A_25, %jit3A : i32
      %sign3A = arith.constant 0 : i32
      %sign3A_26 = arith.cmpi sgt, %add3A_25, %sign3A : i32
      %sign3A_27 = arith.extui %sign3A_26 : i1 to i32
      %sign3A_28 = arith.constant 0 : i32
      %sign3A_29 = arith.cmpi slt, %add3A_25, %sign3A_28 : i32
      %sign3A_30 = arith.extui %sign3A_29 : i1 to i32
      %sign3A_31 = arith.subi %sign3A_27, %sign3A_30 : i32
      %sign3A_32 = arith.constant 0 : i32
      %sign3A_33 = arith.cmpi sgt, %jit3A, %sign3A_32 : i32
      %sign3A_34 = arith.extui %sign3A_33 : i1 to i32
      %sign3A_35 = arith.constant 0 : i32
      %sign3A_36 = arith.cmpi slt, %jit3A, %sign3A_35 : i32
      %sign3A_37 = arith.extui %sign3A_36 : i1 to i32
      %sign3A_38 = arith.subi %sign3A_34, %sign3A_37 : i32
      %ne3A = arith.cmpi ne, %sign3A_31, %sign3A_38 : i32
      %rem3A = arith.remsi %add3A_25, %jit3A : i32
      %ne3A_39 = arith.constant 0 : i32
      %ne3A_40 = arith.cmpi ne, %rem3A, %ne3A_39 : i32
      %and3A = arith.andi %ne3A, %ne3A_40 : i1
      %sub3A = arith.constant 1 : i32
      %sub3A_41 = arith.subi %div3A, %sub3A : i32
      %select_n3A = arith.select %and3A, %sub3A_41, %div3A : i32
      %mul3A_42 = arith.constant 5 : i32
      %mul3A_43 = arith.muli %select_n3A, %mul3A_42 : i32
      %sub3A_44 = arith.subi %add3A_25, %mul3A_43 : i32
      %mul3A_45 = arith.constant 8 : i32
      %mul3A_46 = arith.muli %arg0, %mul3A_45 : i32
      %add3A_47 = arith.addi %mul3A_46, %select_n3A : i32
      %mul3A_48 = arith.constant 128 : i32
      %mul3A_49 = arith.muli %sub3A_44, %mul3A_48 : i32
      %add3A_50 = arith.addi %mul3A_0, %mul3A_49 : i32
      %dma_start3A_51 = arith.constant 0 : i32
      %dma_start3A_52 = tpu.memref_slice %arg2[%add3A_47, %add3A_50, %dma_start3A_51] : memref<16x10240x128xf32, #tpu.memory_space<hbm>> -> memref<1x128x128xf32, #tpu.memory_space<hbm>>
      %dma_start3A_53 = tpu.memref_squeeze %dma_start3A_52 : memref<1x128x128xf32, #tpu.memory_space<hbm>> -> memref<128x128xf32, #tpu.memory_space<hbm>>
      %dma_start3A_54 = arith.constant 0 : i32
      %dma_start3A_55 = tpu.memref_slice %arg2[%add3A_47, %add3A_50, %dma_start3A_54] : memref<16x10240x128xf32, #tpu.memory_space<hbm>> -> memref<1x128x128xf32, #tpu.memory_space<hbm>>
      %dma_start3A_56 = tpu.memref_squeeze %dma_start3A_55 : memref<1x128x128xf32, #tpu.memory_space<hbm>> -> memref<128x128xf32, #tpu.memory_space<hbm>>
      tpu.enqueue_dma source(%dma_start3A_56 : memref<128x128xf32, #tpu.memory_space<hbm>>) target(%arg7 : memref<128x128xf32, #tpu.memory_space<vmem>>) target_semaphore(%arg11 : memref<!tpu.dma_semaphore, #tpu.memory_space<semaphore_mem>>)
      %jit3A_57 = arith.constant 5 : i32
      %div3A_58 = arith.divsi %mul3A_23, %jit3A_57 : i32
      %sign3A_59 = arith.constant 0 : i32
      %sign3A_60 = arith.cmpi sgt, %mul3A_23, %sign3A_59 : i32
      %sign3A_61 = arith.extui %sign3A_60 : i1 to i32
      %sign3A_62 = arith.constant 0 : i32
      %sign3A_63 = arith.cmpi slt, %mul3A_23, %sign3A_62 : i32
      %sign3A_64 = arith.extui %sign3A_63 : i1 to i32
      %sign3A_65 = arith.subi %sign3A_61, %sign3A_64 : i32
      %sign3A_66 = arith.constant 0 : i32
      %sign3A_67 = arith.cmpi sgt, %jit3A_57, %sign3A_66 : i32
      %sign3A_68 = arith.extui %sign3A_67 : i1 to i32
      %sign3A_69 = arith.constant 0 : i32
      %sign3A_70 = arith.cmpi slt, %jit3A_57, %sign3A_69 : i32
      %sign3A_71 = arith.extui %sign3A_70 : i1 to i32
      %sign3A_72 = arith.subi %sign3A_68, %sign3A_71 : i32
      %ne3A_73 = arith.cmpi ne, %sign3A_65, %sign3A_72 : i32
      %rem3A_74 = arith.remsi %mul3A_23, %jit3A_57 : i32
      %ne3A_75 = arith.constant 0 : i32
      %ne3A_76 = arith.cmpi ne, %rem3A_74, %ne3A_75 : i32
      %and3A_77 = arith.andi %ne3A_73, %ne3A_76 : i1
      %sub3A_78 = arith.constant 1 : i32
      %sub3A_79 = arith.subi %div3A_58, %sub3A_78 : i32
      %select_n3A_80 = arith.select %and3A_77, %sub3A_79, %div3A_58 : i32
      %mul3A_81 = arith.constant 5 : i32
      %mul3A_82 = arith.muli %select_n3A_80, %mul3A_81 : i32
      %sub3A_83 = arith.subi %mul3A_23, %mul3A_82 : i32
      %mul3A_84 = arith.constant 8 : i32
      %mul3A_85 = arith.muli %arg0, %mul3A_84 : i32
      %add3A_86 = arith.addi %mul3A_85, %select_n3A_80 : i32
      %mul3A_87 = arith.constant 128 : i32
      %mul3A_88 = arith.muli %sub3A_83, %mul3A_87 : i32
      %add3A_89 = arith.addi %mul3A_0, %mul3A_88 : i32
      %dma_wait3A = arith.constant 0 : i32
      %dma_wait3A_90 = tpu.memref_slice %arg2[%add3A_86, %add3A_89, %dma_wait3A] : memref<16x10240x128xf32, #tpu.memory_space<hbm>> -> memref<1x128x128xf32, #tpu.memory_space<hbm>>
      %dma_wait3A_91 = tpu.memref_squeeze %dma_wait3A_90 : memref<1x128x128xf32, #tpu.memory_space<hbm>> -> memref<128x128xf32, #tpu.memory_space<hbm>>
      %dma_wait3A_92 = arith.constant 0 : i32
      %dma_wait3A_93 = tpu.memref_slice %arg2[%add3A_86, %add3A_89, %dma_wait3A_92] : memref<16x10240x128xf32, #tpu.memory_space<hbm>> -> memref<1x128x128xf32, #tpu.memory_space<hbm>>
      %dma_wait3A_94 = tpu.memref_squeeze %dma_wait3A_93 : memref<1x128x128xf32, #tpu.memory_space<hbm>> -> memref<128x128xf32, #tpu.memory_space<hbm>>
      tpu.wait_dma2 semaphore(%arg10 : memref<!tpu.dma_semaphore, #tpu.memory_space<semaphore_mem>>) src(%dma_wait3A_94 : memref<128x128xf32, #tpu.memory_space<hbm>>) dst(%arg6 : memref<128x128xf32, #tpu.memory_space<vmem>>)
      "tpu.region"() ({
        %run_scoped3A = tpu.sem_alloc : memref<!tpu.dma_semaphore, #tpu.memory_space<semaphore_mem>>
        %dma_start3A_140 = arith.constant 0 : i32
        %dma_start3A_141 = tpu.memref_slice %arg8[%mul3A_23, %dma_start3A_140] : memref<40x128xi32, #tpu.memory_space<vmem>> -> memref<1x128xi32, #tpu.memory_space<vmem>>
        %dma_start3A_142 = tpu.memref_squeeze %dma_start3A_141 : memref<1x128xi32, #tpu.memory_space<vmem>> -> memref<128xi32, #tpu.memory_space<vmem>>
        %dma_start3A_143 = arith.constant 0 : i32
        %dma_start3A_144 = arith.constant 0 : i32
        %dma_start3A_145 = tpu.memref_slice %arg9[%dma_start3A_143, %dma_start3A_144] : memref<10240x128xf32, #tpu.memory_space<vmem_shared>> -> memref<10240x128xf32, #tpu.memory_space<vmem_shared>>
        tpu.enqueue_indirect_dma source(%arg6 : memref<128x128xf32, #tpu.memory_space<vmem>>) target(%dma_start3A_145 : memref<10240x128xf32, #tpu.memory_space<vmem_shared>>) offsets(%dma_start3A_142 : memref<128xi32, #tpu.memory_space<vmem>>) semaphore(%run_scoped3A : memref<!tpu.dma_semaphore, #tpu.memory_space<semaphore_mem>>) {add = true}
        %dma_wait3A_146 = arith.constant 0 : i32
        %dma_wait3A_147 = tpu.memref_slice %arg8[%mul3A_23, %dma_wait3A_146] : memref<40x128xi32, #tpu.memory_space<vmem>> -> memref<1x128xi32, #tpu.memory_space<vmem>>
        %dma_wait3A_148 = tpu.memref_squeeze %dma_wait3A_147 : memref<1x128xi32, #tpu.memory_space<vmem>> -> memref<128xi32, #tpu.memory_space<vmem>>
        %dma_wait3A_149 = arith.constant 0 : i32
        %dma_wait3A_150 = arith.constant 0 : i32
        %dma_wait3A_151 = tpu.memref_slice %arg9[%dma_wait3A_149, %dma_wait3A_150] : memref<10240x128xf32, #tpu.memory_space<vmem_shared>> -> memref<10240x128xf32, #tpu.memory_space<vmem_shared>>
        tpu.wait_indirect_dma semaphore(%run_scoped3A : memref<!tpu.dma_semaphore, #tpu.memory_space<semaphore_mem>>) src(%arg6 : memref<128x128xf32, #tpu.memory_space<vmem>>) dst(%dma_wait3A_151 : memref<10240x128xf32, #tpu.memory_space<vmem_shared>>)
        tpu.yield
      }) : () -> ()
      %lt3A = arith.constant 19 : i32
      %lt3A_95 = arith.cmpi slt, %scan3A_21, %lt3A : i32
      %convert_element_type3A = arith.extui %lt3A_95 : i1 to i32
      %cond3A = arith.constant 0 : i32
      %cond3A_96 = arith.cmpi ne, %convert_element_type3A, %cond3A : i32
      scf.if %cond3A_96 {
        %add3A_140 = arith.constant 2 : i32
        %add3A_141 = arith.addi %mul3A_23, %add3A_140 : i32
        %jit3A_142 = arith.constant 5 : i32
        %div3A_143 = arith.divsi %add3A_141, %jit3A_142 : i32
        %sign3A_144 = arith.constant 0 : i32
        %sign3A_145 = arith.cmpi sgt, %add3A_141, %sign3A_144 : i32
        %sign3A_146 = arith.extui %sign3A_145 : i1 to i32
        %sign3A_147 = arith.constant 0 : i32
        %sign3A_148 = arith.cmpi slt, %add3A_141, %sign3A_147 : i32
        %sign3A_149 = arith.extui %sign3A_148 : i1 to i32
        %sign3A_150 = arith.subi %sign3A_146, %sign3A_149 : i32
        %sign3A_151 = arith.constant 0 : i32
        %sign3A_152 = arith.cmpi sgt, %jit3A_142, %sign3A_151 : i32
        %sign3A_153 = arith.extui %sign3A_152 : i1 to i32
        %sign3A_154 = arith.constant 0 : i32
        %sign3A_155 = arith.cmpi slt, %jit3A_142, %sign3A_154 : i32
        %sign3A_156 = arith.extui %sign3A_155 : i1 to i32
        %sign3A_157 = arith.subi %sign3A_153, %sign3A_156 : i32
        %ne3A_158 = arith.cmpi ne, %sign3A_150, %sign3A_157 : i32
        %rem3A_159 = arith.remsi %add3A_141, %jit3A_142 : i32
        %ne3A_160 = arith.constant 0 : i32
        %ne3A_161 = arith.cmpi ne, %rem3A_159, %ne3A_160 : i32
        %and3A_162 = arith.andi %ne3A_158, %ne3A_161 : i1
        %sub3A_163 = arith.constant 1 : i32
        %sub3A_164 = arith.subi %div3A_143, %sub3A_163 : i32
        %select_n3A_165 = arith.select %and3A_162, %sub3A_164, %div3A_143 : i32
        %mul3A_166 = arith.constant 5 : i32
        %mul3A_167 = arith.muli %select_n3A_165, %mul3A_166 : i32
        %sub3A_168 = arith.subi %add3A_141, %mul3A_167 : i32
        %mul3A_169 = arith.constant 8 : i32
        %mul3A_170 = arith.muli %arg0, %mul3A_169 : i32
        %add3A_171 = arith.addi %mul3A_170, %select_n3A_165 : i32
        %mul3A_172 = arith.constant 128 : i32
        %mul3A_173 = arith.muli %sub3A_168, %mul3A_172 : i32
        %add3A_174 = arith.addi %mul3A_0, %mul3A_173 : i32
        %dma_start3A_175 = arith.constant 0 : i32
        %dma_start3A_176 = tpu.memref_slice %arg2[%add3A_171, %add3A_174, %dma_start3A_175] : memref<16x10240x128xf32, #tpu.memory_space<hbm>> -> memref<1x128x128xf32, #tpu.memory_space<hbm>>
        %dma_start3A_177 = tpu.memref_squeeze %dma_start3A_176 : memref<1x128x128xf32, #tpu.memory_space<hbm>> -> memref<128x128xf32, #tpu.memory_space<hbm>>
        %dma_start3A_178 = arith.constant 0 : i32
        %dma_start3A_179 = tpu.memref_slice %arg2[%add3A_171, %add3A_174, %dma_start3A_178] : memref<16x10240x128xf32, #tpu.memory_space<hbm>> -> memref<1x128x128xf32, #tpu.memory_space<hbm>>
        %dma_start3A_180 = tpu.memref_squeeze %dma_start3A_179 : memref<1x128x128xf32, #tpu.memory_space<hbm>> -> memref<128x128xf32, #tpu.memory_space<hbm>>
        tpu.enqueue_dma source(%dma_start3A_180 : memref<128x128xf32, #tpu.memory_space<hbm>>) target(%arg6 : memref<128x128xf32, #tpu.memory_space<vmem>>) target_semaphore(%arg10 : memref<!tpu.dma_semaphore, #tpu.memory_space<semaphore_mem>>)
      } else {
      }
      %add3A_97 = arith.constant 1 : i32
      %add3A_98 = arith.addi %mul3A_23, %add3A_97 : i32
      %jit3A_99 = arith.constant 5 : i32
      %div3A_100 = arith.divsi %add3A_98, %jit3A_99 : i32
      %sign3A_101 = arith.constant 0 : i32
      %sign3A_102 = arith.cmpi sgt, %add3A_98, %sign3A_101 : i32
      %sign3A_103 = arith.extui %sign3A_102 : i1 to i32
      %sign3A_104 = arith.constant 0 : i32
      %sign3A_105 = arith.cmpi slt, %add3A_98, %sign3A_104 : i32
      %sign3A_106 = arith.extui %sign3A_105 : i1 to i32
      %sign3A_107 = arith.subi %sign3A_103, %sign3A_106 : i32
      %sign3A_108 = arith.constant 0 : i32
      %sign3A_109 = arith.cmpi sgt, %jit3A_99, %sign3A_108 : i32
      %sign3A_110 = arith.extui %sign3A_109 : i1 to i32
      %sign3A_111 = arith.constant 0 : i32
      %sign3A_112 = arith.cmpi slt, %jit3A_99, %sign3A_111 : i32
      %sign3A_113 = arith.extui %sign3A_112 : i1 to i32
      %sign3A_114 = arith.subi %sign3A_110, %sign3A_113 : i32
      %ne3A_115 = arith.cmpi ne, %sign3A_107, %sign3A_114 : i32
      %rem3A_116 = arith.remsi %add3A_98, %jit3A_99 : i32
      %ne3A_117 = arith.constant 0 : i32
      %ne3A_118 = arith.cmpi ne, %rem3A_116, %ne3A_117 : i32
      %and3A_119 = arith.andi %ne3A_115, %ne3A_118 : i1
      %sub3A_120 = arith.constant 1 : i32
      %sub3A_121 = arith.subi %div3A_100, %sub3A_120 : i32
      %select_n3A_122 = arith.select %and3A_119, %sub3A_121, %div3A_100 : i32
      %mul3A_123 = arith.constant 5 : i32
      %mul3A_124 = arith.muli %select_n3A_122, %mul3A_123 : i32
      %sub3A_125 = arith.subi %add3A_98, %mul3A_124 : i32
      %mul3A_126 = arith.constant 8 : i32
      %mul3A_127 = arith.muli %arg0, %mul3A_126 : i32
      %add3A_128 = arith.addi %mul3A_127, %select_n3A_122 : i32
      %mul3A_129 = arith.constant 128 : i32
      %mul3A_130 = arith.muli %sub3A_125, %mul3A_129 : i32
      %add3A_131 = arith.addi %mul3A_0, %mul3A_130 : i32
      %dma_wait3A_132 = arith.constant 0 : i32
      %dma_wait3A_133 = tpu.memref_slice %arg2[%add3A_128, %add3A_131, %dma_wait3A_132] : memref<16x10240x128xf32, #tpu.memory_space<hbm>> -> memref<1x128x128xf32, #tpu.memory_space<hbm>>
      %dma_wait3A_134 = tpu.memref_squeeze %dma_wait3A_133 : memref<1x128x128xf32, #tpu.memory_space<hbm>> -> memref<128x128xf32, #tpu.memory_space<hbm>>
      %dma_wait3A_135 = arith.constant 0 : i32
      %dma_wait3A_136 = tpu.memref_slice %arg2[%add3A_128, %add3A_131, %dma_wait3A_135] : memref<16x10240x128xf32, #tpu.memory_space<hbm>> -> memref<1x128x128xf32, #tpu.memory_space<hbm>>
      %dma_wait3A_137 = tpu.memref_squeeze %dma_wait3A_136 : memref<1x128x128xf32, #tpu.memory_space<hbm>> -> memref<128x128xf32, #tpu.memory_space<hbm>>
      tpu.wait_dma2 semaphore(%arg11 : memref<!tpu.dma_semaphore, #tpu.memory_space<semaphore_mem>>) src(%dma_wait3A_137 : memref<128x128xf32, #tpu.memory_space<hbm>>) dst(%arg7 : memref<128x128xf32, #tpu.memory_space<vmem>>)
      %add3A_138 = arith.constant 1 : i32
      %add3A_139 = arith.addi %mul3A_23, %add3A_138 : i32
      "tpu.region"() ({
        %run_scoped3A = tpu.sem_alloc : memref<!tpu.dma_semaphore, #tpu.memory_space<semaphore_mem>>
        %dma_start3A_140 = arith.constant 0 : i32
        %dma_start3A_141 = tpu.memref_slice %arg8[%add3A_139, %dma_start3A_140] : memref<40x128xi32, #tpu.memory_space<vmem>> -> memref<1x128xi32, #tpu.memory_space<vmem>>
        %dma_start3A_142 = tpu.memref_squeeze %dma_start3A_141 : memref<1x128xi32, #tpu.memory_space<vmem>> -> memref<128xi32, #tpu.memory_space<vmem>>
        %dma_start3A_143 = arith.constant 0 : i32
        %dma_start3A_144 = arith.constant 0 : i32
        %dma_start3A_145 = tpu.memref_slice %arg9[%dma_start3A_143, %dma_start3A_144] : memref<10240x128xf32, #tpu.memory_space<vmem_shared>> -> memref<10240x128xf32, #tpu.memory_space<vmem_shared>>
        tpu.enqueue_indirect_dma source(%arg7 : memref<128x128xf32, #tpu.memory_space<vmem>>) target(%dma_start3A_145 : memref<10240x128xf32, #tpu.memory_space<vmem_shared>>) offsets(%dma_start3A_142 : memref<128xi32, #tpu.memory_space<vmem>>) semaphore(%run_scoped3A : memref<!tpu.dma_semaphore, #tpu.memory_space<semaphore_mem>>) {add = true}
        %dma_wait3A_146 = arith.constant 0 : i32
        %dma_wait3A_147 = tpu.memref_slice %arg8[%add3A_139, %dma_wait3A_146] : memref<40x128xi32, #tpu.memory_space<vmem>> -> memref<1x128xi32, #tpu.memory_space<vmem>>
        %dma_wait3A_148 = tpu.memref_squeeze %dma_wait3A_147 : memref<1x128xi32, #tpu.memory_space<vmem>> -> memref<128xi32, #tpu.memory_space<vmem>>
        %dma_wait3A_149 = arith.constant 0 : i32
        %dma_wait3A_150 = arith.constant 0 : i32
        %dma_wait3A_151 = tpu.memref_slice %arg9[%dma_wait3A_149, %dma_wait3A_150] : memref<10240x128xf32, #tpu.memory_space<vmem_shared>> -> memref<10240x128xf32, #tpu.memory_space<vmem_shared>>
        tpu.wait_indirect_dma semaphore(%run_scoped3A : memref<!tpu.dma_semaphore, #tpu.memory_space<semaphore_mem>>) src(%arg7 : memref<128x128xf32, #tpu.memory_space<vmem>>) dst(%dma_wait3A_151 : memref<10240x128xf32, #tpu.memory_space<vmem_shared>>)
        tpu.yield
      }) : () -> ()
    }
    %scan3A_19 = arith.constant 20 : i32
    %barrier3A_20 = arith.constant 0 : index
    tpu.barrier barrier_id(%barrier3A_20)
    "tpu.region"() ({
      %run_scoped3A = tpu.sem_alloc : memref<!tpu.dma_semaphore, #tpu.memory_space<semaphore_mem>>
      %dma_start3A_21 = arith.constant 0 : i32
      %dma_start3A_22 = tpu.memref_slice %arg5[%arg0, %mul3A_0, %dma_start3A_21] : memref<2x10240x128xf32, #tpu.memory_space<hbm>> -> memref<1x640x128xf32, #tpu.memory_space<hbm>>
      %dma_start3A_23 = tpu.memref_squeeze %dma_start3A_22 : memref<1x640x128xf32, #tpu.memory_space<hbm>> -> memref<640x128xf32, #tpu.memory_space<hbm>>
      %dma_start3A_24 = arith.constant 0 : i32
      %dma_start3A_25 = tpu.memref_slice %arg9[%mul3A_0, %dma_start3A_24] : memref<10240x128xf32, #tpu.memory_space<vmem_shared>> -> memref<640x128xf32, #tpu.memory_space<vmem_shared>>
      tpu.enqueue_dma source(%dma_start3A_25 : memref<640x128xf32, #tpu.memory_space<vmem_shared>>) target(%dma_start3A_23 : memref<640x128xf32, #tpu.memory_space<hbm>>) target_semaphore(%run_scoped3A : memref<!tpu.dma_semaphore, #tpu.memory_space<semaphore_mem>>)
      %dma_wait3A = arith.constant 0 : i32
      %dma_wait3A_26 = tpu.memref_slice %arg5[%arg0, %mul3A_0, %dma_wait3A] : memref<2x10240x128xf32, #tpu.memory_space<hbm>> -> memref<1x640x128xf32, #tpu.memory_space<hbm>>
      %dma_wait3A_27 = tpu.memref_squeeze %dma_wait3A_26 : memref<1x640x128xf32, #tpu.memory_space<hbm>> -> memref<640x128xf32, #tpu.memory_space<hbm>>
      %dma_wait3A_28 = arith.constant 0 : i32
      %dma_wait3A_29 = tpu.memref_slice %arg9[%mul3A_0, %dma_wait3A_28] : memref<10240x128xf32, #tpu.memory_space<vmem_shared>> -> memref<640x128xf32, #tpu.memory_space<vmem_shared>>
      tpu.wait_dma2 semaphore(%run_scoped3A : memref<!tpu.dma_semaphore, #tpu.memory_space<semaphore_mem>>) src(%dma_wait3A_29 : memref<640x128xf32, #tpu.memory_space<vmem_shared>>) dst(%dma_wait3A_27 : memref<640x128xf32, #tpu.memory_space<hbm>>)
      tpu.yield
    }) : () -> ()
    return
  }
}

module attributes {stable_mosaic.version = 14 : i64} {
  func.func @_prep_body(%arg0: i32, %arg1: memref<128x1024xf32, #tpu.memory_space<vmem>>, %arg2: memref<128x512xf32, #tpu.memory_space<vmem>>, %arg3: memref<8x1024xf32, #tpu.memory_space<vmem>>, %arg4: memref<4x1024x128xf32, #tpu.memory_space<vmem>>) attributes {dimension_semantics = [#tpu.dimension_semantics<arbitrary>], iteration_bounds = array<i64: 10>, scalar_prefetch = 0 : i64, scratch_operands = 0 : i64, tpu.core_type = #tpu.core_type<tc>, window_params = [{transform_indices = @transform_0, window_bounds = array<i64: 128, 1024>}, {pipeline_mode = #tpu.pipeline_mode<synchronous>, transform_indices = @transform_1, window_bounds = array<i64: 128, 512>}, {transform_indices = @transform_2, window_bounds = array<i64: 8, 1024>}, {transform_indices = @transform_3, window_bounds = array<i64: 4, 1024, 128>}]} {
    %get3A = arith.constant 0 : index
    %get3A_0 = arith.constant 0 : index
    %get3A_1 = vector.load %arg1[%get3A, %get3A_0] : memref<128x1024xf32, #tpu.memory_space<vmem>>, vector<128x1024xf32>
    %get3A_2 = arith.constant 0 : index
    %get3A_3 = arith.constant 0 : index
    %get3A_4 = vector.load %arg2[%get3A_2, %get3A_3] : memref<128x512xf32, #tpu.memory_space<vmem>>, vector<128x512xf32>
    %dot_general3A = arith.constant dense<0.000000e+00> : vector<1024x512xf32>
    %dot_general3A_5 = tpu.matmul %get3A_1, %get3A_4, %dot_general3A {dimension_numbers = #tpu.dot_dimension_numbers<[0], [0], [1], [1], [0, 1, 1, 1], [], []>, transpose_lhs_hint = false} : vector<128x1024xf32>, vector<128x512xf32>, vector<1024x512xf32> -> vector<1024x512xf32>
    %slice3A = vector.extract_strided_slice %dot_general3A_5 {offsets = [0, 384], sizes = [1024, 128], strides = [1, 1]} : vector<1024x512xf32> to vector<1024x128xf32>
    %get3A_6 = arith.constant 0 : index
    %get3A_7 = arith.constant 0 : index
    %get3A_8 = vector.load %arg3[%get3A_6, %get3A_7] : memref<8x1024xf32, #tpu.memory_space<vmem>>, vector<1x1024xf32>
    %get3A_9 = vector.shape_cast %get3A_8 : vector<1x1024xf32> to vector<1024xf32>
    %broadcast_in_dim3A = vector.shape_cast %get3A_9 : vector<1024xf32> to vector<1024x1xf32>
    %slice3A_10 = vector.extract_strided_slice %dot_general3A_5 {offsets = [0, 0], sizes = [1024, 128], strides = [1, 1]} : vector<1024x512xf32> to vector<1024x128xf32>
    %mul3A = vector.broadcast %broadcast_in_dim3A : vector<1024x1xf32> to vector<1024x128xf32>
    %mul3A_11 = arith.mulf %mul3A, %slice3A_10 : vector<1024x128xf32>
    %sub3A = arith.subf %slice3A, %mul3A_11 : vector<1024x128xf32>
    %get3A_12 = arith.constant 1 : index
    %get3A_13 = arith.constant 0 : index
    %get3A_14 = vector.load %arg3[%get3A_12, %get3A_13] : memref<8x1024xf32, #tpu.memory_space<vmem>>, vector<1x1024xf32>
    %get3A_15 = vector.shape_cast %get3A_14 : vector<1x1024xf32> to vector<1024xf32>
    %broadcast_in_dim3A_16 = vector.shape_cast %get3A_15 : vector<1024xf32> to vector<1024x1xf32>
    %slice3A_17 = vector.extract_strided_slice %dot_general3A_5 {offsets = [0, 128], sizes = [1024, 128], strides = [1, 1]} : vector<1024x512xf32> to vector<1024x128xf32>
    %mul3A_18 = vector.broadcast %broadcast_in_dim3A_16 : vector<1024x1xf32> to vector<1024x128xf32>
    %mul3A_19 = arith.mulf %mul3A_18, %slice3A_17 : vector<1024x128xf32>
    %sub3A_20 = arith.subf %sub3A, %mul3A_19 : vector<1024x128xf32>
    %get3A_21 = arith.constant 2 : index
    %get3A_22 = arith.constant 0 : index
    %get3A_23 = vector.load %arg3[%get3A_21, %get3A_22] : memref<8x1024xf32, #tpu.memory_space<vmem>>, vector<1x1024xf32>
    %get3A_24 = vector.shape_cast %get3A_23 : vector<1x1024xf32> to vector<1024xf32>
    %broadcast_in_dim3A_25 = vector.shape_cast %get3A_24 : vector<1024xf32> to vector<1024x1xf32>
    %slice3A_26 = vector.extract_strided_slice %dot_general3A_5 {offsets = [0, 256], sizes = [1024, 128], strides = [1, 1]} : vector<1024x512xf32> to vector<1024x128xf32>
    %mul3A_27 = vector.broadcast %broadcast_in_dim3A_25 : vector<1024x1xf32> to vector<1024x128xf32>
    %mul3A_28 = arith.mulf %mul3A_27, %slice3A_26 : vector<1024x128xf32>
    %sub3A_29 = arith.subf %sub3A_20, %mul3A_28 : vector<1024x128xf32>
    %slice3A_30 = vector.extract_strided_slice %dot_general3A_5 {offsets = [0, 0], sizes = [1024, 128], strides = [1, 1]} : vector<1024x512xf32> to vector<1024x128xf32>
    %swap3A = arith.constant 0 : index
    %swap3A_31 = arith.constant 0 : index
    %swap3A_32 = arith.constant 0 : index
    %swap3A_33 = vector.load %arg4[%swap3A, %swap3A_31, %swap3A_32] : memref<4x1024x128xf32, #tpu.memory_space<vmem>>, vector<1x1024x128xf32>
    %swap3A_34 = vector.shape_cast %swap3A_33 : vector<1x1024x128xf32> to vector<1024x128xf32>
    %swap3A_35 = vector.shape_cast %slice3A_30 : vector<1024x128xf32> to vector<1x1024x128xf32>
    tpu.vector_store %arg4[%swap3A, %swap3A_31, %swap3A_32], %swap3A_35 {strides = array<i32>} : memref<4x1024x128xf32, #tpu.memory_space<vmem>>, vector<1x1024x128xf32>,
    %slice3A_36 = vector.extract_strided_slice %dot_general3A_5 {offsets = [0, 128], sizes = [1024, 128], strides = [1, 1]} : vector<1024x512xf32> to vector<1024x128xf32>
    %swap3A_37 = arith.constant 1 : index
    %swap3A_38 = arith.constant 0 : index
    %swap3A_39 = arith.constant 0 : index
    %swap3A_40 = vector.load %arg4[%swap3A_37, %swap3A_38, %swap3A_39] : memref<4x1024x128xf32, #tpu.memory_space<vmem>>, vector<1x1024x128xf32>
    %swap3A_41 = vector.shape_cast %swap3A_40 : vector<1x1024x128xf32> to vector<1024x128xf32>
    %swap3A_42 = vector.shape_cast %slice3A_36 : vector<1024x128xf32> to vector<1x1024x128xf32>
    tpu.vector_store %arg4[%swap3A_37, %swap3A_38, %swap3A_39], %swap3A_42 {strides = array<i32>} : memref<4x1024x128xf32, #tpu.memory_space<vmem>>, vector<1x1024x128xf32>,
    %slice3A_43 = vector.extract_strided_slice %dot_general3A_5 {offsets = [0, 256], sizes = [1024, 128], strides = [1, 1]} : vector<1024x512xf32> to vector<1024x128xf32>
    %swap3A_44 = arith.constant 2 : index
    %swap3A_45 = arith.constant 0 : index
    %swap3A_46 = arith.constant 0 : index
    %swap3A_47 = vector.load %arg4[%swap3A_44, %swap3A_45, %swap3A_46] : memref<4x1024x128xf32, #tpu.memory_space<vmem>>, vector<1x1024x128xf32>
    %swap3A_48 = vector.shape_cast %swap3A_47 : vector<1x1024x128xf32> to vector<1024x128xf32>
    %swap3A_49 = vector.shape_cast %slice3A_43 : vector<1024x128xf32> to vector<1x1024x128xf32>
    tpu.vector_store %arg4[%swap3A_44, %swap3A_45, %swap3A_46], %swap3A_49 {strides = array<i32>} : memref<4x1024x128xf32, #tpu.memory_space<vmem>>, vector<1x1024x128xf32>,
    %swap3A_50 = arith.constant 3 : index
    %swap3A_51 = arith.constant 0 : index
    %swap3A_52 = arith.constant 0 : index
    %swap3A_53 = vector.load %arg4[%swap3A_50, %swap3A_51, %swap3A_52] : memref<4x1024x128xf32, #tpu.memory_space<vmem>>, vector<1x1024x128xf32>
    %swap3A_54 = vector.shape_cast %swap3A_53 : vector<1x1024x128xf32> to vector<1024x128xf32>
    %swap3A_55 = vector.shape_cast %sub3A_29 : vector<1024x128xf32> to vector<1x1024x128xf32>
    tpu.vector_store %arg4[%swap3A_50, %swap3A_51, %swap3A_52], %swap3A_55 {strides = array<i32>} : memref<4x1024x128xf32, #tpu.memory_space<vmem>>, vector<1x1024x128xf32>,
    return
  }
  func.func @transform_0(%arg0: i32) -> (i32, i32) {
    %c0_i32 = arith.constant 0 : i32
    %c0_i32_0 = arith.constant 0 : i32
    return %c0_i32, %arg0 : i32, i32
  }
  func.func @transform_1(%arg0: i32) -> (i32, i32) {
    %c0_i32 = arith.constant 0 : i32
    %c0_i32_0 = arith.constant 0 : i32
    %c0_i32_1 = arith.constant 0 : i32
    return %c0_i32, %c0_i32_0 : i32, i32
  }
  func.func @transform_2(%arg0: i32) -> (i32, i32) {
    %c0_i32 = arith.constant 0 : i32
    %c0_i32_0 = arith.constant 0 : i32
    return %c0_i32, %arg0 : i32, i32
  }
  func.func @transform_3(%arg0: i32) -> (i32, i32, i32) {
    %c0_i32 = arith.constant 0 : i32
    %c0_i32_0 = arith.constant 0 : i32
    %c0_i32_1 = arith.constant 0 : i32
    return %c0_i32, %arg0, %c0_i32_0 : i32, i32, i32
  }
}

module attributes {stable_mosaic.version = 14 : i64} {
  func.func @_comb_body(%arg0: i32, %arg1: memref<2x1024x128xf32, #tpu.memory_space<vmem>>, %arg2: memref<2x1024x128xf32, #tpu.memory_space<vmem>>, %arg3: memref<8x128xf32, #tpu.memory_space<vmem>>, %arg4: memref<128x1024xf32, #tpu.memory_space<vmem>>) attributes {dimension_semantics = [#tpu.dimension_semantics<arbitrary>], iteration_bounds = array<i64: 10>, scalar_prefetch = 0 : i64, scratch_operands = 0 : i64, tpu.core_type = #tpu.core_type<tc>, window_params = [{transform_indices = @transform_0, window_bounds = array<i64: 2, 1024, 128>}, {transform_indices = @transform_1, window_bounds = array<i64: 2, 1024, 128>}, {pipeline_mode = #tpu.pipeline_mode<synchronous>, transform_indices = @transform_2, window_bounds = array<i64: 8, 128>}, {transform_indices = @transform_3, window_bounds = array<i64: 128, 1024>}]} {
    %get3A = arith.constant 0 : index
    %get3A_0 = arith.constant 0 : index
    %get3A_1 = vector.load %arg3[%get3A, %get3A_0] : memref<8x128xf32, #tpu.memory_space<vmem>>, vector<1x128xf32>
    %get3A_2 = vector.shape_cast %get3A_1 : vector<1x128xf32> to vector<128xf32>
    %broadcast_in_dim3A = vector.shape_cast %get3A_2 : vector<128xf32> to vector<1x128xf32>
    %get3A_3 = arith.constant 0 : index
    %get3A_4 = arith.constant 0 : index
    %get3A_5 = arith.constant 0 : index
    %get3A_6 = vector.load %arg1[%get3A_3, %get3A_4, %get3A_5] : memref<2x1024x128xf32, #tpu.memory_space<vmem>>, vector<1x1024x128xf32>
    %get3A_7 = vector.shape_cast %get3A_6 : vector<1x1024x128xf32> to vector<1024x128xf32>
    %add3A = vector.broadcast %broadcast_in_dim3A : vector<1x128xf32> to vector<1024x128xf32>
    %add3A_8 = arith.addf %add3A, %get3A_7 : vector<1024x128xf32>
    %get3A_9 = arith.constant 1 : index
    %get3A_10 = arith.constant 0 : index
    %get3A_11 = arith.constant 0 : index
    %get3A_12 = vector.load %arg1[%get3A_9, %get3A_10, %get3A_11] : memref<2x1024x128xf32, #tpu.memory_space<vmem>>, vector<1x1024x128xf32>
    %get3A_13 = vector.shape_cast %get3A_12 : vector<1x1024x128xf32> to vector<1024x128xf32>
    %add3A_14 = arith.addf %add3A_8, %get3A_13 : vector<1024x128xf32>
    %get3A_15 = arith.constant 0 : index
    %get3A_16 = arith.constant 0 : index
    %get3A_17 = arith.constant 0 : index
    %get3A_18 = vector.load %arg2[%get3A_15, %get3A_16, %get3A_17] : memref<2x1024x128xf32, #tpu.memory_space<vmem>>, vector<1x1024x128xf32>
    %get3A_19 = vector.shape_cast %get3A_18 : vector<1x1024x128xf32> to vector<1024x128xf32>
    %add3A_20 = arith.addf %add3A_14, %get3A_19 : vector<1024x128xf32>
    %get3A_21 = arith.constant 1 : index
    %get3A_22 = arith.constant 0 : index
    %get3A_23 = arith.constant 0 : index
    %get3A_24 = vector.load %arg2[%get3A_21, %get3A_22, %get3A_23] : memref<2x1024x128xf32, #tpu.memory_space<vmem>>, vector<1x1024x128xf32>
    %get3A_25 = vector.shape_cast %get3A_24 : vector<1x1024x128xf32> to vector<1024x128xf32>
    %add3A_26 = arith.addf %add3A_20, %get3A_25 : vector<1024x128xf32>
    %transpose3A = tpu.transpose %add3A_26, [1, 0] : vector<1024x128xf32> -> vector<128x1024xf32>
    %swap3A = arith.constant 0 : index
    %swap3A_27 = arith.constant 0 : index
    %swap3A_28 = vector.load %arg4[%swap3A, %swap3A_27] : memref<128x1024xf32, #tpu.memory_space<vmem>>, vector<128x1024xf32>
    tpu.vector_store %arg4[%swap3A, %swap3A_27], %transpose3A {strides = array<i32>} : memref<128x1024xf32, #tpu.memory_space<vmem>>, vector<128x1024xf32>,
    return
  }
  func.func @transform_0(%arg0: i32) -> (i32, i32, i32) {
    %c0_i32 = arith.constant 0 : i32
    %c0_i32_0 = arith.constant 0 : i32
    %c0_i32_1 = arith.constant 0 : i32
    return %c0_i32, %arg0, %c0_i32_0 : i32, i32, i32
  }
  func.func @transform_1(%arg0: i32) -> (i32, i32, i32) {
    %c0_i32 = arith.constant 0 : i32
    %c0_i32_0 = arith.constant 0 : i32
    %c0_i32_1 = arith.constant 0 : i32
    return %c0_i32, %arg0, %c0_i32_0 : i32, i32, i32
  }
  func.func @transform_2(%arg0: i32) -> (i32, i32) {
    %c0_i32 = arith.constant 0 : i32
    %c0_i32_0 = arith.constant 0 : i32
    %c0_i32_1 = arith.constant 0 : i32
    return %c0_i32, %c0_i32_0 : i32, i32
  }
  func.func @transform_3(%arg0: i32) -> (i32, i32) {
    %c0_i32 = arith.constant 0 : i32
    %c0_i32_0 = arith.constant 0 : i32
    return %c0_i32, %arg0 : i32, i32
  }
}

module attributes {stable_mosaic.version = 14 : i64} {
  func.func @_msg_body(%arg0: i32, %arg1: memref<4x1024x128xf32, #tpu.memory_space<vmem>>, %arg2: memref<16x8x1024xf32, #tpu.memory_space<vmem>>, %arg3: memref<16x1024x128xf32, #tpu.memory_space<vmem>>) attributes {dimension_semantics = [#tpu.dimension_semantics<arbitrary>], iteration_bounds = array<i64: 10>, scalar_prefetch = 0 : i64, scratch_operands = 0 : i64, tpu.core_type = #tpu.core_type<tc>, window_params = [{transform_indices = @transform_0, window_bounds = array<i64: 4, 1024, 128>}, {transform_indices = @transform_1, window_bounds = array<i64: 16, 8, 1024>}, {transform_indices = @transform_2, window_bounds = array<i64: 16, 1024, 128>}]} {
    %get3A = arith.constant 0 : index
    %get3A_0 = arith.constant 0 : index
    %get3A_1 = arith.constant 0 : index
    %get3A_2 = vector.load %arg2[%get3A, %get3A_0, %get3A_1] : memref<16x8x1024xf32, #tpu.memory_space<vmem>>, vector<16x8x1024xf32>
    %reshape3A = vector.shape_cast %get3A_2 : vector<16x8x1024xf32> to vector<128x1024xf32>
    %transpose3A = tpu.transpose %reshape3A, [1, 0] : vector<128x1024xf32> -> vector<1024x128xf32>
    %slice3A = vector.extract_strided_slice %transpose3A {offsets = [0, 0], sizes = [1024, 8], strides = [1, 1]} : vector<1024x128xf32> to vector<1024x8xf32>
    %get3A_3 = arith.constant 3 : index
    %get3A_4 = arith.constant 0 : index
    %get3A_5 = arith.constant 0 : index
    %get3A_6 = vector.load %arg1[%get3A_3, %get3A_4, %get3A_5] : memref<4x1024x128xf32, #tpu.memory_space<vmem>>, vector<1x1024x128xf32>
    %get3A_7 = vector.shape_cast %get3A_6 : vector<1x1024x128xf32> to vector<1024x128xf32>
    %slice3A_8 = vector.extract_strided_slice %slice3A {offsets = [0, 0], sizes = [1024, 1], strides = [1, 1]} : vector<1024x8xf32> to vector<1024x1xf32>
    %get3A_9 = arith.constant 0 : index
    %get3A_10 = arith.constant 0 : index
    %get3A_11 = arith.constant 0 : index
    %get3A_12 = vector.load %arg1[%get3A_9, %get3A_10, %get3A_11] : memref<4x1024x128xf32, #tpu.memory_space<vmem>>, vector<1x1024x128xf32>
    %get3A_13 = vector.shape_cast %get3A_12 : vector<1x1024x128xf32> to vector<1024x128xf32>
    %mul3A = vector.broadcast %slice3A_8 : vector<1024x1xf32> to vector<1024x128xf32>
    %mul3A_14 = arith.mulf %mul3A, %get3A_13 : vector<1024x128xf32>
    %add3A = arith.addf %get3A_7, %mul3A_14 : vector<1024x128xf32>
    %slice3A_15 = vector.extract_strided_slice %slice3A {offsets = [0, 1], sizes = [1024, 1], strides = [1, 1]} : vector<1024x8xf32> to vector<1024x1xf32>
    %get3A_16 = arith.constant 1 : index
    %get3A_17 = arith.constant 0 : index
    %get3A_18 = arith.constant 0 : index
    %get3A_19 = vector.load %arg1[%get3A_16, %get3A_17, %get3A_18] : memref<4x1024x128xf32, #tpu.memory_space<vmem>>, vector<1x1024x128xf32>
    %get3A_20 = vector.shape_cast %get3A_19 : vector<1x1024x128xf32> to vector<1024x128xf32>
    %mul3A_21 = vector.broadcast %slice3A_15 : vector<1024x1xf32> to vector<1024x128xf32>
    %mul3A_22 = arith.mulf %mul3A_21, %get3A_20 : vector<1024x128xf32>
    %add3A_23 = arith.addf %add3A, %mul3A_22 : vector<1024x128xf32>
    %slice3A_24 = vector.extract_strided_slice %slice3A {offsets = [0, 2], sizes = [1024, 1], strides = [1, 1]} : vector<1024x8xf32> to vector<1024x1xf32>
    %get3A_25 = arith.constant 2 : index
    %get3A_26 = arith.constant 0 : index
    %get3A_27 = arith.constant 0 : index
    %get3A_28 = vector.load %arg1[%get3A_25, %get3A_26, %get3A_27] : memref<4x1024x128xf32, #tpu.memory_space<vmem>>, vector<1x1024x128xf32>
    %get3A_29 = vector.shape_cast %get3A_28 : vector<1x1024x128xf32> to vector<1024x128xf32>
    %mul3A_30 = vector.broadcast %slice3A_24 : vector<1024x1xf32> to vector<1024x128xf32>
    %mul3A_31 = arith.mulf %mul3A_30, %get3A_29 : vector<1024x128xf32>
    %add3A_32 = arith.addf %add3A_23, %mul3A_31 : vector<1024x128xf32>
    %swap3A = arith.constant 0 : index
    %swap3A_33 = arith.constant 0 : index
    %swap3A_34 = arith.constant 0 : index
    %swap3A_35 = vector.load %arg3[%swap3A, %swap3A_33, %swap3A_34] : memref<16x1024x128xf32, #tpu.memory_space<vmem>>, vector<1x1024x128xf32>
    %swap3A_36 = vector.shape_cast %swap3A_35 : vector<1x1024x128xf32> to vector<1024x128xf32>
    %swap3A_37 = vector.shape_cast %add3A_32 : vector<1024x128xf32> to vector<1x1024x128xf32>
    tpu.vector_store %arg3[%swap3A, %swap3A_33, %swap3A_34], %swap3A_37 {strides = array<i32>} : memref<16x1024x128xf32, #tpu.memory_space<vmem>>, vector<1x1024x128xf32>,
    %slice3A_38 = vector.extract_strided_slice %transpose3A {offsets = [0, 8], sizes = [1024, 8], strides = [1, 1]} : vector<1024x128xf32> to vector<1024x8xf32>
    %get3A_39 = arith.constant 3 : index
    %get3A_40 = arith.constant 0 : index
    %get3A_41 = arith.constant 0 : index
    %get3A_42 = vector.load %arg1[%get3A_39, %get3A_40, %get3A_41] : memref<4x1024x128xf32, #tpu.memory_space<vmem>>, vector<1x1024x128xf32>
    %get3A_43 = vector.shape_cast %get3A_42 : vector<1x1024x128xf32> to vector<1024x128xf32>
    %slice3A_44 = vector.extract_strided_slice %slice3A_38 {offsets = [0, 0], sizes = [1024, 1], strides = [1, 1]} : vector<1024x8xf32> to vector<1024x1xf32>
    %get3A_45 = arith.constant 0 : index
    %get3A_46 = arith.constant 0 : index
    %get3A_47 = arith.constant 0 : index
    %get3A_48 = vector.load %arg1[%get3A_45, %get3A_46, %get3A_47] : memref<4x1024x128xf32, #tpu.memory_space<vmem>>, vector<1x1024x128xf32>
    %get3A_49 = vector.shape_cast %get3A_48 : vector<1x1024x128xf32> to vector<1024x128xf32>
    %mul3A_50 = vector.broadcast %slice3A_44 : vector<1024x1xf32> to vector<1024x128xf32>
    %mul3A_51 = arith.mulf %mul3A_50, %get3A_49 : vector<1024x128xf32>
    %add3A_52 = arith.addf %get3A_43, %mul3A_51 : vector<1024x128xf32>
    %slice3A_53 = vector.extract_strided_slice %slice3A_38 {offsets = [0, 1], sizes = [1024, 1], strides = [1, 1]} : vector<1024x8xf32> to vector<1024x1xf32>
    %get3A_54 = arith.constant 1 : index
    %get3A_55 = arith.constant 0 : index
    %get3A_56 = arith.constant 0 : index
    %get3A_57 = vector.load %arg1[%get3A_54, %get3A_55, %get3A_56] : memref<4x1024x128xf32, #tpu.memory_space<vmem>>, vector<1x1024x128xf32>
    %get3A_58 = vector.shape_cast %get3A_57 : vector<1x1024x128xf32> to vector<1024x128xf32>
    %mul3A_59 = vector.broadcast %slice3A_53 : vector<1024x1xf32> to vector<1024x128xf32>
    %mul3A_60 = arith.mulf %mul3A_59, %get3A_58 : vector<1024x128xf32>
    %add3A_61 = arith.addf %add3A_52, %mul3A_60 : vector<1024x128xf32>
    %slice3A_62 = vector.extract_strided_slice %slice3A_38 {offsets = [0, 2], sizes = [1024, 1], strides = [1, 1]} : vector<1024x8xf32> to vector<1024x1xf32>
    %get3A_63 = arith.constant 2 : index
    %get3A_64 = arith.constant 0 : index
    %get3A_65 = arith.constant 0 : index
    %get3A_66 = vector.load %arg1[%get3A_63, %get3A_64, %get3A_65] : memref<4x1024x128xf32, #tpu.memory_space<vmem>>, vector<1x1024x128xf32>
    %get3A_67 = vector.shape_cast %get3A_66 : vector<1x1024x128xf32> to vector<1024x128xf32>
    %mul3A_68 = vector.broadcast %slice3A_62 : vector<1024x1xf32> to vector<1024x128xf32>
    %mul3A_69 = arith.mulf %mul3A_68, %get3A_67 : vector<1024x128xf32>
    %add3A_70 = arith.addf %add3A_61, %mul3A_69 : vector<1024x128xf32>
    %swap3A_71 = arith.constant 1 : index
    %swap3A_72 = arith.constant 0 : index
    %swap3A_73 = arith.constant 0 : index
    %swap3A_74 = vector.load %arg3[%swap3A_71, %swap3A_72, %swap3A_73] : memref<16x1024x128xf32, #tpu.memory_space<vmem>>, vector<1x1024x128xf32>
    %swap3A_75 = vector.shape_cast %swap3A_74 : vector<1x1024x128xf32> to vector<1024x128xf32>
    %swap3A_76 = vector.shape_cast %add3A_70 : vector<1024x128xf32> to vector<1x1024x128xf32>
    tpu.vector_store %arg3[%swap3A_71, %swap3A_72, %swap3A_73], %swap3A_76 {strides = array<i32>} : memref<16x1024x128xf32, #tpu.memory_space<vmem>>, vector<1x1024x128xf32>,
    %slice3A_77 = vector.extract_strided_slice %transpose3A {offsets = [0, 16], sizes = [1024, 8], strides = [1, 1]} : vector<1024x128xf32> to vector<1024x8xf32>
    %get3A_78 = arith.constant 3 : index
    %get3A_79 = arith.constant 0 : index
    %get3A_80 = arith.constant 0 : index
    %get3A_81 = vector.load %arg1[%get3A_78, %get3A_79, %get3A_80] : memref<4x1024x128xf32, #tpu.memory_space<vmem>>, vector<1x1024x128xf32>
    %get3A_82 = vector.shape_cast %get3A_81 : vector<1x1024x128xf32> to vector<1024x128xf32>
    %slice3A_83 = vector.extract_strided_slice %slice3A_77 {offsets = [0, 0], sizes = [1024, 1], strides = [1, 1]} : vector<1024x8xf32> to vector<1024x1xf32>
    %get3A_84 = arith.constant 0 : index
    %get3A_85 = arith.constant 0 : index
    %get3A_86 = arith.constant 0 : index
    %get3A_87 = vector.load %arg1[%get3A_84, %get3A_85, %get3A_86] : memref<4x1024x128xf32, #tpu.memory_space<vmem>>, vector<1x1024x128xf32>
    %get3A_88 = vector.shape_cast %get3A_87 : vector<1x1024x128xf32> to vector<1024x128xf32>
    %mul3A_89 = vector.broadcast %slice3A_83 : vector<1024x1xf32> to vector<1024x128xf32>
    %mul3A_90 = arith.mulf %mul3A_89, %get3A_88 : vector<1024x128xf32>
    %add3A_91 = arith.addf %get3A_82, %mul3A_90 : vector<1024x128xf32>
    %slice3A_92 = vector.extract_strided_slice %slice3A_77 {offsets = [0, 1], sizes = [1024, 1], strides = [1, 1]} : vector<1024x8xf32> to vector<1024x1xf32>
    %get3A_93 = arith.constant 1 : index
    %get3A_94 = arith.constant 0 : index
    %get3A_95 = arith.constant 0 : index
    %get3A_96 = vector.load %arg1[%get3A_93, %get3A_94, %get3A_95] : memref<4x1024x128xf32, #tpu.memory_space<vmem>>, vector<1x1024x128xf32>
    %get3A_97 = vector.shape_cast %get3A_96 : vector<1x1024x128xf32> to vector<1024x128xf32>
    %mul3A_98 = vector.broadcast %slice3A_92 : vector<1024x1xf32> to vector<1024x128xf32>
    %mul3A_99 = arith.mulf %mul3A_98, %get3A_97 : vector<1024x128xf32>
    %add3A_100 = arith.addf %add3A_91, %mul3A_99 : vector<1024x128xf32>
    %slice3A_101 = vector.extract_strided_slice %slice3A_77 {offsets = [0, 2], sizes = [1024, 1], strides = [1, 1]} : vector<1024x8xf32> to vector<1024x1xf32>
    %get3A_102 = arith.constant 2 : index
    %get3A_103 = arith.constant 0 : index
    %get3A_104 = arith.constant 0 : index
    %get3A_105 = vector.load %arg1[%get3A_102, %get3A_103, %get3A_104] : memref<4x1024x128xf32, #tpu.memory_space<vmem>>, vector<1x1024x128xf32>
    %get3A_106 = vector.shape_cast %get3A_105 : vector<1x1024x128xf32> to vector<1024x128xf32>
    %mul3A_107 = vector.broadcast %slice3A_101 : vector<1024x1xf32> to vector<1024x128xf32>
    %mul3A_108 = arith.mulf %mul3A_107, %get3A_106 : vector<1024x128xf32>
    %add3A_109 = arith.addf %add3A_100, %mul3A_108 : vector<1024x128xf32>
    %swap3A_110 = arith.constant 2 : index
    %swap3A_111 = arith.constant 0 : index
    %swap3A_112 = arith.constant 0 : index
    %swap3A_113 = vector.load %arg3[%swap3A_110, %swap3A_111, %swap3A_112] : memref<16x1024x128xf32, #tpu.memory_space<vmem>>, vector<1x1024x128xf32>
    %swap3A_114 = vector.shape_cast %swap3A_113 : vector<1x1024x128xf32> to vector<1024x128xf32>
    %swap3A_115 = vector.shape_cast %add3A_109 : vector<1024x128xf32> to vector<1x1024x128xf32>
    tpu.vector_store %arg3[%swap3A_110, %swap3A_111, %swap3A_112], %swap3A_115 {strides = array<i32>} : memref<16x1024x128xf32, #tpu.memory_space<vmem>>, vector<1x1024x128xf32>,
    %slice3A_116 = vector.extract_strided_slice %transpose3A {offsets = [0, 24], sizes = [1024, 8], strides = [1, 1]} : vector<1024x128xf32> to vector<1024x8xf32>
    %get3A_117 = arith.constant 3 : index
    %get3A_118 = arith.constant 0 : index
    %get3A_119 = arith.constant 0 : index
    %get3A_120 = vector.load %arg1[%get3A_117, %get3A_118, %get3A_119] : memref<4x1024x128xf32, #tpu.memory_space<vmem>>, vector<1x1024x128xf32>
    %get3A_121 = vector.shape_cast %get3A_120 : vector<1x1024x128xf32> to vector<1024x128xf32>
    %slice3A_122 = vector.extract_strided_slice %slice3A_116 {offsets = [0, 0], sizes = [1024, 1], strides = [1, 1]} : vector<1024x8xf32> to vector<1024x1xf32>
    %get3A_123 = arith.constant 0 : index
    %get3A_124 = arith.constant 0 : index
    %get3A_125 = arith.constant 0 : index
    %get3A_126 = vector.load %arg1[%get3A_123, %get3A_124, %get3A_125] : memref<4x1024x128xf32, #tpu.memory_space<vmem>>, vector<1x1024x128xf32>
    %get3A_127 = vector.shape_cast %get3A_126 : vector<1x1024x128xf32> to vector<1024x128xf32>
    %mul3A_128 = vector.broadcast %slice3A_122 : vector<1024x1xf32> to vector<1024x128xf32>
    %mul3A_129 = arith.mulf %mul3A_128, %get3A_127 : vector<1024x128xf32>
    %add3A_130 = arith.addf %get3A_121, %mul3A_129 : vector<1024x128xf32>
    %slice3A_131 = vector.extract_strided_slice %slice3A_116 {offsets = [0, 1], sizes = [1024, 1], strides = [1, 1]} : vector<1024x8xf32> to vector<1024x1xf32>
    %get3A_132 = arith.constant 1 : index
    %get3A_133 = arith.constant 0 : index
    %get3A_134 = arith.constant 0 : index
    %get3A_135 = vector.load %arg1[%get3A_132, %get3A_133, %get3A_134] : memref<4x1024x128xf32, #tpu.memory_space<vmem>>, vector<1x1024x128xf32>
    %get3A_136 = vector.shape_cast %get3A_135 : vector<1x1024x128xf32> to vector<1024x128xf32>
    %mul3A_137 = vector.broadcast %slice3A_131 : vector<1024x1xf32> to vector<1024x128xf32>
    %mul3A_138 = arith.mulf %mul3A_137, %get3A_136 : vector<1024x128xf32>
    %add3A_139 = arith.addf %add3A_130, %mul3A_138 : vector<1024x128xf32>
    %slice3A_140 = vector.extract_strided_slice %slice3A_116 {offsets = [0, 2], sizes = [1024, 1], strides = [1, 1]} : vector<1024x8xf32> to vector<1024x1xf32>
    %get3A_141 = arith.constant 2 : index
    %get3A_142 = arith.constant 0 : index
    %get3A_143 = arith.constant 0 : index
    %get3A_144 = vector.load %arg1[%get3A_141, %get3A_142, %get3A_143] : memref<4x1024x128xf32, #tpu.memory_space<vmem>>, vector<1x1024x128xf32>
    %get3A_145 = vector.shape_cast %get3A_144 : vector<1x1024x128xf32> to vector<1024x128xf32>
    %mul3A_146 = vector.broadcast %slice3A_140 : vector<1024x1xf32> to vector<1024x128xf32>
    %mul3A_147 = arith.mulf %mul3A_146, %get3A_145 : vector<1024x128xf32>
    %add3A_148 = arith.addf %add3A_139, %mul3A_147 : vector<1024x128xf32>
    %swap3A_149 = arith.constant 3 : index
    %swap3A_150 = arith.constant 0 : index
    %swap3A_151 = arith.constant 0 : index
    %swap3A_152 = vector.load %arg3[%swap3A_149, %swap3A_150, %swap3A_151] : memref<16x1024x128xf32, #tpu.memory_space<vmem>>, vector<1x1024x128xf32>
    %swap3A_153 = vector.shape_cast %swap3A_152 : vector<1x1024x128xf32> to vector<1024x128xf32>
    %swap3A_154 = vector.shape_cast %add3A_148 : vector<1024x128xf32> to vector<1x1024x128xf32>
    tpu.vector_store %arg3[%swap3A_149, %swap3A_150, %swap3A_151], %swap3A_154 {strides = array<i32>} : memref<16x1024x128xf32, #tpu.memory_space<vmem>>, vector<1x1024x128xf32>,
    %slice3A_155 = vector.extract_strided_slice %transpose3A {offsets = [0, 32], sizes = [1024, 8], strides = [1, 1]} : vector<1024x128xf32> to vector<1024x8xf32>
    %get3A_156 = arith.constant 3 : index
    %get3A_157 = arith.constant 0 : index
    %get3A_158 = arith.constant 0 : index
    %get3A_159 = vector.load %arg1[%get3A_156, %get3A_157, %get3A_158] : memref<4x1024x128xf32, #tpu.memory_space<vmem>>, vector<1x1024x128xf32>
    %get3A_160 = vector.shape_cast %get3A_159 : vector<1x1024x128xf32> to vector<1024x128xf32>
    %slice3A_161 = vector.extract_strided_slice %slice3A_155 {offsets = [0, 0], sizes = [1024, 1], strides = [1, 1]} : vector<1024x8xf32> to vector<1024x1xf32>
    %get3A_162 = arith.constant 0 : index
    %get3A_163 = arith.constant 0 : index
    %get3A_164 = arith.constant 0 : index
    %get3A_165 = vector.load %arg1[%get3A_162, %get3A_163, %get3A_164] : memref<4x1024x128xf32, #tpu.memory_space<vmem>>, vector<1x1024x128xf32>
    %get3A_166 = vector.shape_cast %get3A_165 : vector<1x1024x128xf32> to vector<1024x128xf32>
    %mul3A_167 = vector.broadcast %slice3A_161 : vector<1024x1xf32> to vector<1024x128xf32>
    %mul3A_168 = arith.mulf %mul3A_167, %get3A_166 : vector<1024x128xf32>
    %add3A_169 = arith.addf %get3A_160, %mul3A_168 : vector<1024x128xf32>
    %slice3A_170 = vector.extract_strided_slice %slice3A_155 {offsets = [0, 1], sizes = [1024, 1], strides = [1, 1]} : vector<1024x8xf32> to vector<1024x1xf32>
    %get3A_171 = arith.constant 1 : index
    %get3A_172 = arith.constant 0 : index
    %get3A_173 = arith.constant 0 : index
    %get3A_174 = vector.load %arg1[%get3A_171, %get3A_172, %get3A_173] : memref<4x1024x128xf32, #tpu.memory_space<vmem>>, vector<1x1024x128xf32>
    %get3A_175 = vector.shape_cast %get3A_174 : vector<1x1024x128xf32> to vector<1024x128xf32>
    %mul3A_176 = vector.broadcast %slice3A_170 : vector<1024x1xf32> to vector<1024x128xf32>
    %mul3A_177 = arith.mulf %mul3A_176, %get3A_175 : vector<1024x128xf32>
    %add3A_178 = arith.addf %add3A_169, %mul3A_177 : vector<1024x128xf32>
    %slice3A_179 = vector.extract_strided_slice %slice3A_155 {offsets = [0, 2], sizes = [1024, 1], strides = [1, 1]} : vector<1024x8xf32> to vector<1024x1xf32>
    %get3A_180 = arith.constant 2 : index
    %get3A_181 = arith.constant 0 : index
    %get3A_182 = arith.constant 0 : index
    %get3A_183 = vector.load %arg1[%get3A_180, %get3A_181, %get3A_182] : memref<4x1024x128xf32, #tpu.memory_space<vmem>>, vector<1x1024x128xf32>
    %get3A_184 = vector.shape_cast %get3A_183 : vector<1x1024x128xf32> to vector<1024x128xf32>
    %mul3A_185 = vector.broadcast %slice3A_179 : vector<1024x1xf32> to vector<1024x128xf32>
    %mul3A_186 = arith.mulf %mul3A_185, %get3A_184 : vector<1024x128xf32>
    %add3A_187 = arith.addf %add3A_178, %mul3A_186 : vector<1024x128xf32>
    %swap3A_188 = arith.constant 4 : index
    %swap3A_189 = arith.constant 0 : index
    %swap3A_190 = arith.constant 0 : index
    %swap3A_191 = vector.load %arg3[%swap3A_188, %swap3A_189, %swap3A_190] : memref<16x1024x128xf32, #tpu.memory_space<vmem>>, vector<1x1024x128xf32>
    %swap3A_192 = vector.shape_cast %swap3A_191 : vector<1x1024x128xf32> to vector<1024x128xf32>
    %swap3A_193 = vector.shape_cast %add3A_187 : vector<1024x128xf32> to vector<1x1024x128xf32>
    tpu.vector_store %arg3[%swap3A_188, %swap3A_189, %swap3A_190], %swap3A_193 {strides = array<i32>} : memref<16x1024x128xf32, #tpu.memory_space<vmem>>, vector<1x1024x128xf32>,
    %slice3A_194 = vector.extract_strided_slice %transpose3A {offsets = [0, 40], sizes = [1024, 8], strides = [1, 1]} : vector<1024x128xf32> to vector<1024x8xf32>
    %get3A_195 = arith.constant 3 : index
    %get3A_196 = arith.constant 0 : index
    %get3A_197 = arith.constant 0 : index
    %get3A_198 = vector.load %arg1[%get3A_195, %get3A_196, %get3A_197] : memref<4x1024x128xf32, #tpu.memory_space<vmem>>, vector<1x1024x128xf32>
    %get3A_199 = vector.shape_cast %get3A_198 : vector<1x1024x128xf32> to vector<1024x128xf32>
    %slice3A_200 = vector.extract_strided_slice %slice3A_194 {offsets = [0, 0], sizes = [1024, 1], strides = [1, 1]} : vector<1024x8xf32> to vector<1024x1xf32>
    %get3A_201 = arith.constant 0 : index
    %get3A_202 = arith.constant 0 : index
    %get3A_203 = arith.constant 0 : index
    %get3A_204 = vector.load %arg1[%get3A_201, %get3A_202, %get3A_203] : memref<4x1024x128xf32, #tpu.memory_space<vmem>>, vector<1x1024x128xf32>
    %get3A_205 = vector.shape_cast %get3A_204 : vector<1x1024x128xf32> to vector<1024x128xf32>
    %mul3A_206 = vector.broadcast %slice3A_200 : vector<1024x1xf32> to vector<1024x128xf32>
    %mul3A_207 = arith.mulf %mul3A_206, %get3A_205 : vector<1024x128xf32>
    %add3A_208 = arith.addf %get3A_199, %mul3A_207 : vector<1024x128xf32>
    %slice3A_209 = vector.extract_strided_slice %slice3A_194 {offsets = [0, 1], sizes = [1024, 1], strides = [1, 1]} : vector<1024x8xf32> to vector<1024x1xf32>
    %get3A_210 = arith.constant 1 : index
    %get3A_211 = arith.constant 0 : index
    %get3A_212 = arith.constant 0 : index
    %get3A_213 = vector.load %arg1[%get3A_210, %get3A_211, %get3A_212] : memref<4x1024x128xf32, #tpu.memory_space<vmem>>, vector<1x1024x128xf32>
    %get3A_214 = vector.shape_cast %get3A_213 : vector<1x1024x128xf32> to vector<1024x128xf32>
    %mul3A_215 = vector.broadcast %slice3A_209 : vector<1024x1xf32> to vector<1024x128xf32>
    %mul3A_216 = arith.mulf %mul3A_215, %get3A_214 : vector<1024x128xf32>
    %add3A_217 = arith.addf %add3A_208, %mul3A_216 : vector<1024x128xf32>
    %slice3A_218 = vector.extract_strided_slice %slice3A_194 {offsets = [0, 2], sizes = [1024, 1], strides = [1, 1]} : vector<1024x8xf32> to vector<1024x1xf32>
    %get3A_219 = arith.constant 2 : index
    %get3A_220 = arith.constant 0 : index
    %get3A_221 = arith.constant 0 : index
    %get3A_222 = vector.load %arg1[%get3A_219, %get3A_220, %get3A_221] : memref<4x1024x128xf32, #tpu.memory_space<vmem>>, vector<1x1024x128xf32>
    %get3A_223 = vector.shape_cast %get3A_222 : vector<1x1024x128xf32> to vector<1024x128xf32>
    %mul3A_224 = vector.broadcast %slice3A_218 : vector<1024x1xf32> to vector<1024x128xf32>
    %mul3A_225 = arith.mulf %mul3A_224, %get3A_223 : vector<1024x128xf32>
    %add3A_226 = arith.addf %add3A_217, %mul3A_225 : vector<1024x128xf32>
    %swap3A_227 = arith.constant 5 : index
    %swap3A_228 = arith.constant 0 : index
    %swap3A_229 = arith.constant 0 : index
    %swap3A_230 = vector.load %arg3[%swap3A_227, %swap3A_228, %swap3A_229] : memref<16x1024x128xf32, #tpu.memory_space<vmem>>, vector<1x1024x128xf32>
    %swap3A_231 = vector.shape_cast %swap3A_230 : vector<1x1024x128xf32> to vector<1024x128xf32>
    %swap3A_232 = vector.shape_cast %add3A_226 : vector<1024x128xf32> to vector<1x1024x128xf32>
    tpu.vector_store %arg3[%swap3A_227, %swap3A_228, %swap3A_229], %swap3A_232 {strides = array<i32>} : memref<16x1024x128xf32, #tpu.memory_space<vmem>>, vector<1x1024x128xf32>,
    %slice3A_233 = vector.extract_strided_slice %transpose3A {offsets = [0, 48], sizes = [1024, 8], strides = [1, 1]} : vector<1024x128xf32> to vector<1024x8xf32>
    %get3A_234 = arith.constant 3 : index
    %get3A_235 = arith.constant 0 : index
    %get3A_236 = arith.constant 0 : index
    %get3A_237 = vector.load %arg1[%get3A_234, %get3A_235, %get3A_236] : memref<4x1024x128xf32, #tpu.memory_space<vmem>>, vector<1x1024x128xf32>
    %get3A_238 = vector.shape_cast %get3A_237 : vector<1x1024x128xf32> to vector<1024x128xf32>
    %slice3A_239 = vector.extract_strided_slice %slice3A_233 {offsets = [0, 0], sizes = [1024, 1], strides = [1, 1]} : vector<1024x8xf32> to vector<1024x1xf32>
    %get3A_240 = arith.constant 0 : index
    %get3A_241 = arith.constant 0 : index
    %get3A_242 = arith.constant 0 : index
    %get3A_243 = vector.load %arg1[%get3A_240, %get3A_241, %get3A_242] : memref<4x1024x128xf32, #tpu.memory_space<vmem>>, vector<1x1024x128xf32>
    %get3A_244 = vector.shape_cast %get3A_243 : vector<1x1024x128xf32> to vector<1024x128xf32>
    %mul3A_245 = vector.broadcast %slice3A_239 : vector<1024x1xf32> to vector<1024x128xf32>
    %mul3A_246 = arith.mulf %mul3A_245, %get3A_244 : vector<1024x128xf32>
    %add3A_247 = arith.addf %get3A_238, %mul3A_246 : vector<1024x128xf32>
    %slice3A_248 = vector.extract_strided_slice %slice3A_233 {offsets = [0, 1], sizes = [1024, 1], strides = [1, 1]} : vector<1024x8xf32> to vector<1024x1xf32>
    %get3A_249 = arith.constant 1 : index
    %get3A_250 = arith.constant 0 : index
    %get3A_251 = arith.constant 0 : index
    %get3A_252 = vector.load %arg1[%get3A_249, %get3A_250, %get3A_251] : memref<4x1024x128xf32, #tpu.memory_space<vmem>>, vector<1x1024x128xf32>
    %get3A_253 = vector.shape_cast %get3A_252 : vector<1x1024x128xf32> to vector<1024x128xf32>
    %mul3A_254 = vector.broadcast %slice3A_248 : vector<1024x1xf32> to vector<1024x128xf32>
    %mul3A_255 = arith.mulf %mul3A_254, %get3A_253 : vector<1024x128xf32>
    %add3A_256 = arith.addf %add3A_247, %mul3A_255 : vector<1024x128xf32>
    %slice3A_257 = vector.extract_strided_slice %slice3A_233 {offsets = [0, 2], sizes = [1024, 1], strides = [1, 1]} : vector<1024x8xf32> to vector<1024x1xf32>
    %get3A_258 = arith.constant 2 : index
    %get3A_259 = arith.constant 0 : index
    %get3A_260 = arith.constant 0 : index
    %get3A_261 = vector.load %arg1[%get3A_258, %get3A_259, %get3A_260] : memref<4x1024x128xf32, #tpu.memory_space<vmem>>, vector<1x1024x128xf32>
    %get3A_262 = vector.shape_cast %get3A_261 : vector<1x1024x128xf32> to vector<1024x128xf32>
    %mul3A_263 = vector.broadcast %slice3A_257 : vector<1024x1xf32> to vector<1024x128xf32>
    %mul3A_264 = arith.mulf %mul3A_263, %get3A_262 : vector<1024x128xf32>
    %add3A_265 = arith.addf %add3A_256, %mul3A_264 : vector<1024x128xf32>
    %swap3A_266 = arith.constant 6 : index
    %swap3A_267 = arith.constant 0 : index
    %swap3A_268 = arith.constant 0 : index
    %swap3A_269 = vector.load %arg3[%swap3A_266, %swap3A_267, %swap3A_268] : memref<16x1024x128xf32, #tpu.memory_space<vmem>>, vector<1x1024x128xf32>
    %swap3A_270 = vector.shape_cast %swap3A_269 : vector<1x1024x128xf32> to vector<1024x128xf32>
    %swap3A_271 = vector.shape_cast %add3A_265 : vector<1024x128xf32> to vector<1x1024x128xf32>
    tpu.vector_store %arg3[%swap3A_266, %swap3A_267, %swap3A_268], %swap3A_271 {strides = array<i32>} : memref<16x1024x128xf32, #tpu.memory_space<vmem>>, vector<1x1024x128xf32>,
    %slice3A_272 = vector.extract_strided_slice %transpose3A {offsets = [0, 56], sizes = [1024, 8], strides = [1, 1]} : vector<1024x128xf32> to vector<1024x8xf32>
    %get3A_273 = arith.constant 3 : index
    %get3A_274 = arith.constant 0 : index
    %get3A_275 = arith.constant 0 : index
    %get3A_276 = vector.load %arg1[%get3A_273, %get3A_274, %get3A_275] : memref<4x1024x128xf32, #tpu.memory_space<vmem>>, vector<1x1024x128xf32>
    %get3A_277 = vector.shape_cast %get3A_276 : vector<1x1024x128xf32> to vector<1024x128xf32>
    %slice3A_278 = vector.extract_strided_slice %slice3A_272 {offsets = [0, 0], sizes = [1024, 1], strides = [1, 1]} : vector<1024x8xf32> to vector<1024x1xf32>
    %get3A_279 = arith.constant 0 : index
    %get3A_280 = arith.constant 0 : index
    %get3A_281 = arith.constant 0 : index
    %get3A_282 = vector.load %arg1[%get3A_279, %get3A_280, %get3A_281] : memref<4x1024x128xf32, #tpu.memory_space<vmem>>, vector<1x1024x128xf32>
    %get3A_283 = vector.shape_cast %get3A_282 : vector<1x1024x128xf32> to vector<1024x128xf32>
    %mul3A_284 = vector.broadcast %slice3A_278 : vector<1024x1xf32> to vector<1024x128xf32>
    %mul3A_285 = arith.mulf %mul3A_284, %get3A_283 : vector<1024x128xf32>
    %add3A_286 = arith.addf %get3A_277, %mul3A_285 : vector<1024x128xf32>
    %slice3A_287 = vector.extract_strided_slice %slice3A_272 {offsets = [0, 1], sizes = [1024, 1], strides = [1, 1]} : vector<1024x8xf32> to vector<1024x1xf32>
    %get3A_288 = arith.constant 1 : index
    %get3A_289 = arith.constant 0 : index
    %get3A_290 = arith.constant 0 : index
    %get3A_291 = vector.load %arg1[%get3A_288, %get3A_289, %get3A_290] : memref<4x1024x128xf32, #tpu.memory_space<vmem>>, vector<1x1024x128xf32>
    %get3A_292 = vector.shape_cast %get3A_291 : vector<1x1024x128xf32> to vector<1024x128xf32>
    %mul3A_293 = vector.broadcast %slice3A_287 : vector<1024x1xf32> to vector<1024x128xf32>
    %mul3A_294 = arith.mulf %mul3A_293, %get3A_292 : vector<1024x128xf32>
    %add3A_295 = arith.addf %add3A_286, %mul3A_294 : vector<1024x128xf32>
    %slice3A_296 = vector.extract_strided_slice %slice3A_272 {offsets = [0, 2], sizes = [1024, 1], strides = [1, 1]} : vector<1024x8xf32> to vector<1024x1xf32>
    %get3A_297 = arith.constant 2 : index
    %get3A_298 = arith.constant 0 : index
    %get3A_299 = arith.constant 0 : index
    %get3A_300 = vector.load %arg1[%get3A_297, %get3A_298, %get3A_299] : memref<4x1024x128xf32, #tpu.memory_space<vmem>>, vector<1x1024x128xf32>
    %get3A_301 = vector.shape_cast %get3A_300 : vector<1x1024x128xf32> to vector<1024x128xf32>
    %mul3A_302 = vector.broadcast %slice3A_296 : vector<1024x1xf32> to vector<1024x128xf32>
    %mul3A_303 = arith.mulf %mul3A_302, %get3A_301 : vector<1024x128xf32>
    %add3A_304 = arith.addf %add3A_295, %mul3A_303 : vector<1024x128xf32>
    %swap3A_305 = arith.constant 7 : index
    %swap3A_306 = arith.constant 0 : index
    %swap3A_307 = arith.constant 0 : index
    %swap3A_308 = vector.load %arg3[%swap3A_305, %swap3A_306, %swap3A_307] : memref<16x1024x128xf32, #tpu.memory_space<vmem>>, vector<1x1024x128xf32>
    %swap3A_309 = vector.shape_cast %swap3A_308 : vector<1x1024x128xf32> to vector<1024x128xf32>
    %swap3A_310 = vector.shape_cast %add3A_304 : vector<1024x128xf32> to vector<1x1024x128xf32>
    tpu.vector_store %arg3[%swap3A_305, %swap3A_306, %swap3A_307], %swap3A_310 {strides = array<i32>} : memref<16x1024x128xf32, #tpu.memory_space<vmem>>, vector<1x1024x128xf32>,
    %slice3A_311 = vector.extract_strided_slice %transpose3A {offsets = [0, 64], sizes = [1024, 8], strides = [1, 1]} : vector<1024x128xf32> to vector<1024x8xf32>
    %get3A_312 = arith.constant 3 : index
    %get3A_313 = arith.constant 0 : index
    %get3A_314 = arith.constant 0 : index
    %get3A_315 = vector.load %arg1[%get3A_312, %get3A_313, %get3A_314] : memref<4x1024x128xf32, #tpu.memory_space<vmem>>, vector<1x1024x128xf32>
    %get3A_316 = vector.shape_cast %get3A_315 : vector<1x1024x128xf32> to vector<1024x128xf32>
    %slice3A_317 = vector.extract_strided_slice %slice3A_311 {offsets = [0, 0], sizes = [1024, 1], strides = [1, 1]} : vector<1024x8xf32> to vector<1024x1xf32>
    %get3A_318 = arith.constant 0 : index
    %get3A_319 = arith.constant 0 : index
    %get3A_320 = arith.constant 0 : index
    %get3A_321 = vector.load %arg1[%get3A_318, %get3A_319, %get3A_320] : memref<4x1024x128xf32, #tpu.memory_space<vmem>>, vector<1x1024x128xf32>
    %get3A_322 = vector.shape_cast %get3A_321 : vector<1x1024x128xf32> to vector<1024x128xf32>
    %mul3A_323 = vector.broadcast %slice3A_317 : vector<1024x1xf32> to vector<1024x128xf32>
    %mul3A_324 = arith.mulf %mul3A_323, %get3A_322 : vector<1024x128xf32>
    %add3A_325 = arith.addf %get3A_316, %mul3A_324 : vector<1024x128xf32>
    %slice3A_326 = vector.extract_strided_slice %slice3A_311 {offsets = [0, 1], sizes = [1024, 1], strides = [1, 1]} : vector<1024x8xf32> to vector<1024x1xf32>
    %get3A_327 = arith.constant 1 : index
    %get3A_328 = arith.constant 0 : index
    %get3A_329 = arith.constant 0 : index
    %get3A_330 = vector.load %arg1[%get3A_327, %get3A_328, %get3A_329] : memref<4x1024x128xf32, #tpu.memory_space<vmem>>, vector<1x1024x128xf32>
    %get3A_331 = vector.shape_cast %get3A_330 : vector<1x1024x128xf32> to vector<1024x128xf32>
    %mul3A_332 = vector.broadcast %slice3A_326 : vector<1024x1xf32> to vector<1024x128xf32>
    %mul3A_333 = arith.mulf %mul3A_332, %get3A_331 : vector<1024x128xf32>
    %add3A_334 = arith.addf %add3A_325, %mul3A_333 : vector<1024x128xf32>
    %slice3A_335 = vector.extract_strided_slice %slice3A_311 {offsets = [0, 2], sizes = [1024, 1], strides = [1, 1]} : vector<1024x8xf32> to vector<1024x1xf32>
    %get3A_336 = arith.constant 2 : index
    %get3A_337 = arith.constant 0 : index
    %get3A_338 = arith.constant 0 : index
    %get3A_339 = vector.load %arg1[%get3A_336, %get3A_337, %get3A_338] : memref<4x1024x128xf32, #tpu.memory_space<vmem>>, vector<1x1024x128xf32>
    %get3A_340 = vector.shape_cast %get3A_339 : vector<1x1024x128xf32> to vector<1024x128xf32>
    %mul3A_341 = vector.broadcast %slice3A_335 : vector<1024x1xf32> to vector<1024x128xf32>
    %mul3A_342 = arith.mulf %mul3A_341, %get3A_340 : vector<1024x128xf32>
    %add3A_343 = arith.addf %add3A_334, %mul3A_342 : vector<1024x128xf32>
    %swap3A_344 = arith.constant 8 : index
    %swap3A_345 = arith.constant 0 : index
    %swap3A_346 = arith.constant 0 : index
    %swap3A_347 = vector.load %arg3[%swap3A_344, %swap3A_345, %swap3A_346] : memref<16x1024x128xf32, #tpu.memory_space<vmem>>, vector<1x1024x128xf32>
    %swap3A_348 = vector.shape_cast %swap3A_347 : vector<1x1024x128xf32> to vector<1024x128xf32>
    %swap3A_349 = vector.shape_cast %add3A_343 : vector<1024x128xf32> to vector<1x1024x128xf32>
    tpu.vector_store %arg3[%swap3A_344, %swap3A_345, %swap3A_346], %swap3A_349 {strides = array<i32>} : memref<16x1024x128xf32, #tpu.memory_space<vmem>>, vector<1x1024x128xf32>,
    %slice3A_350 = vector.extract_strided_slice %transpose3A {offsets = [0, 72], sizes = [1024, 8], strides = [1, 1]} : vector<1024x128xf32> to vector<1024x8xf32>
    %get3A_351 = arith.constant 3 : index
    %get3A_352 = arith.constant 0 : index
    %get3A_353 = arith.constant 0 : index
    %get3A_354 = vector.load %arg1[%get3A_351, %get3A_352, %get3A_353] : memref<4x1024x128xf32, #tpu.memory_space<vmem>>, vector<1x1024x128xf32>
    %get3A_355 = vector.shape_cast %get3A_354 : vector<1x1024x128xf32> to vector<1024x128xf32>
    %slice3A_356 = vector.extract_strided_slice %slice3A_350 {offsets = [0, 0], sizes = [1024, 1], strides = [1, 1]} : vector<1024x8xf32> to vector<1024x1xf32>
    %get3A_357 = arith.constant 0 : index
    %get3A_358 = arith.constant 0 : index
    %get3A_359 = arith.constant 0 : index
    %get3A_360 = vector.load %arg1[%get3A_357, %get3A_358, %get3A_359] : memref<4x1024x128xf32, #tpu.memory_space<vmem>>, vector<1x1024x128xf32>
    %get3A_361 = vector.shape_cast %get3A_360 : vector<1x1024x128xf32> to vector<1024x128xf32>
    %mul3A_362 = vector.broadcast %slice3A_356 : vector<1024x1xf32> to vector<1024x128xf32>
    %mul3A_363 = arith.mulf %mul3A_362, %get3A_361 : vector<1024x128xf32>
    %add3A_364 = arith.addf %get3A_355, %mul3A_363 : vector<1024x128xf32>
    %slice3A_365 = vector.extract_strided_slice %slice3A_350 {offsets = [0, 1], sizes = [1024, 1], strides = [1, 1]} : vector<1024x8xf32> to vector<1024x1xf32>
    %get3A_366 = arith.constant 1 : index
    %get3A_367 = arith.constant 0 : index
    %get3A_368 = arith.constant 0 : index
    %get3A_369 = vector.load %arg1[%get3A_366, %get3A_367, %get3A_368] : memref<4x1024x128xf32, #tpu.memory_space<vmem>>, vector<1x1024x128xf32>
    %get3A_370 = vector.shape_cast %get3A_369 : vector<1x1024x128xf32> to vector<1024x128xf32>
    %mul3A_371 = vector.broadcast %slice3A_365 : vector<1024x1xf32> to vector<1024x128xf32>
    %mul3A_372 = arith.mulf %mul3A_371, %get3A_370 : vector<1024x128xf32>
    %add3A_373 = arith.addf %add3A_364, %mul3A_372 : vector<1024x128xf32>
    %slice3A_374 = vector.extract_strided_slice %slice3A_350 {offsets = [0, 2], sizes = [1024, 1], strides = [1, 1]} : vector<1024x8xf32> to vector<1024x1xf32>
    %get3A_375 = arith.constant 2 : index
    %get3A_376 = arith.constant 0 : index
    %get3A_377 = arith.constant 0 : index
    %get3A_378 = vector.load %arg1[%get3A_375, %get3A_376, %get3A_377] : memref<4x1024x128xf32, #tpu.memory_space<vmem>>, vector<1x1024x128xf32>
    %get3A_379 = vector.shape_cast %get3A_378 : vector<1x1024x128xf32> to vector<1024x128xf32>
    %mul3A_380 = vector.broadcast %slice3A_374 : vector<1024x1xf32> to vector<1024x128xf32>
    %mul3A_381 = arith.mulf %mul3A_380, %get3A_379 : vector<1024x128xf32>
    %add3A_382 = arith.addf %add3A_373, %mul3A_381 : vector<1024x128xf32>
    %swap3A_383 = arith.constant 9 : index
    %swap3A_384 = arith.constant 0 : index
    %swap3A_385 = arith.constant 0 : index
    %swap3A_386 = vector.load %arg3[%swap3A_383, %swap3A_384, %swap3A_385] : memref<16x1024x128xf32, #tpu.memory_space<vmem>>, vector<1x1024x128xf32>
    %swap3A_387 = vector.shape_cast %swap3A_386 : vector<1x1024x128xf32> to vector<1024x128xf32>
    %swap3A_388 = vector.shape_cast %add3A_382 : vector<1024x128xf32> to vector<1x1024x128xf32>
    tpu.vector_store %arg3[%swap3A_383, %swap3A_384, %swap3A_385], %swap3A_388 {strides = array<i32>} : memref<16x1024x128xf32, #tpu.memory_space<vmem>>, vector<1x1024x128xf32>,
    %slice3A_389 = vector.extract_strided_slice %transpose3A {offsets = [0, 80], sizes = [1024, 8], strides = [1, 1]} : vector<1024x128xf32> to vector<1024x8xf32>
    %get3A_390 = arith.constant 3 : index
    %get3A_391 = arith.constant 0 : index
    %get3A_392 = arith.constant 0 : index
    %get3A_393 = vector.load %arg1[%get3A_390, %get3A_391, %get3A_392] : memref<4x1024x128xf32, #tpu.memory_space<vmem>>, vector<1x1024x128xf32>
    %get3A_394 = vector.shape_cast %get3A_393 : vector<1x1024x128xf32> to vector<1024x128xf32>
    %slice3A_395 = vector.extract_strided_slice %slice3A_389 {offsets = [0, 0], sizes = [1024, 1], strides = [1, 1]} : vector<1024x8xf32> to vector<1024x1xf32>
    %get3A_396 = arith.constant 0 : index
    %get3A_397 = arith.constant 0 : index
    %get3A_398 = arith.constant 0 : index
    %get3A_399 = vector.load %arg1[%get3A_396, %get3A_397, %get3A_398] : memref<4x1024x128xf32, #tpu.memory_space<vmem>>, vector<1x1024x128xf32>
    %get3A_400 = vector.shape_cast %get3A_399 : vector<1x1024x128xf32> to vector<1024x128xf32>
    %mul3A_401 = vector.broadcast %slice3A_395 : vector<1024x1xf32> to vector<1024x128xf32>
    %mul3A_402 = arith.mulf %mul3A_401, %get3A_400 : vector<1024x128xf32>
    %add3A_403 = arith.addf %get3A_394, %mul3A_402 : vector<1024x128xf32>
    %slice3A_404 = vector.extract_strided_slice %slice3A_389 {offsets = [0, 1], sizes = [1024, 1], strides = [1, 1]} : vector<1024x8xf32> to vector<1024x1xf32>
    %get3A_405 = arith.constant 1 : index
    %get3A_406 = arith.constant 0 : index
    %get3A_407 = arith.constant 0 : index
    %get3A_408 = vector.load %arg1[%get3A_405, %get3A_406, %get3A_407] : memref<4x1024x128xf32, #tpu.memory_space<vmem>>, vector<1x1024x128xf32>
    %get3A_409 = vector.shape_cast %get3A_408 : vector<1x1024x128xf32> to vector<1024x128xf32>
    %mul3A_410 = vector.broadcast %slice3A_404 : vector<1024x1xf32> to vector<1024x128xf32>
    %mul3A_411 = arith.mulf %mul3A_410, %get3A_409 : vector<1024x128xf32>
    %add3A_412 = arith.addf %add3A_403, %mul3A_411 : vector<1024x128xf32>
    %slice3A_413 = vector.extract_strided_slice %slice3A_389 {offsets = [0, 2], sizes = [1024, 1], strides = [1, 1]} : vector<1024x8xf32> to vector<1024x1xf32>
    %get3A_414 = arith.constant 2 : index
    %get3A_415 = arith.constant 0 : index
    %get3A_416 = arith.constant 0 : index
    %get3A_417 = vector.load %arg1[%get3A_414, %get3A_415, %get3A_416] : memref<4x1024x128xf32, #tpu.memory_space<vmem>>, vector<1x1024x128xf32>
    %get3A_418 = vector.shape_cast %get3A_417 : vector<1x1024x128xf32> to vector<1024x128xf32>
    %mul3A_419 = vector.broadcast %slice3A_413 : vector<1024x1xf32> to vector<1024x128xf32>
    %mul3A_420 = arith.mulf %mul3A_419, %get3A_418 : vector<1024x128xf32>
    %add3A_421 = arith.addf %add3A_412, %mul3A_420 : vector<1024x128xf32>
    %swap3A_422 = arith.constant 10 : index
    %swap3A_423 = arith.constant 0 : index
    %swap3A_424 = arith.constant 0 : index
    %swap3A_425 = vector.load %arg3[%swap3A_422, %swap3A_423, %swap3A_424] : memref<16x1024x128xf32, #tpu.memory_space<vmem>>, vector<1x1024x128xf32>
    %swap3A_426 = vector.shape_cast %swap3A_425 : vector<1x1024x128xf32> to vector<1024x128xf32>
    %swap3A_427 = vector.shape_cast %add3A_421 : vector<1024x128xf32> to vector<1x1024x128xf32>
    tpu.vector_store %arg3[%swap3A_422, %swap3A_423, %swap3A_424], %swap3A_427 {strides = array<i32>} : memref<16x1024x128xf32, #tpu.memory_space<vmem>>, vector<1x1024x128xf32>,
    %slice3A_428 = vector.extract_strided_slice %transpose3A {offsets = [0, 88], sizes = [1024, 8], strides = [1, 1]} : vector<1024x128xf32> to vector<1024x8xf32>
    %get3A_429 = arith.constant 3 : index
    %get3A_430 = arith.constant 0 : index
    %get3A_431 = arith.constant 0 : index
    %get3A_432 = vector.load %arg1[%get3A_429, %get3A_430, %get3A_431] : memref<4x1024x128xf32, #tpu.memory_space<vmem>>, vector<1x1024x128xf32>
    %get3A_433 = vector.shape_cast %get3A_432 : vector<1x1024x128xf32> to vector<1024x128xf32>
    %slice3A_434 = vector.extract_strided_slice %slice3A_428 {offsets = [0, 0], sizes = [1024, 1], strides = [1, 1]} : vector<1024x8xf32> to vector<1024x1xf32>
    %get3A_435 = arith.constant 0 : index
    %get3A_436 = arith.constant 0 : index
    %get3A_437 = arith.constant 0 : index
    %get3A_438 = vector.load %arg1[%get3A_435, %get3A_436, %get3A_437] : memref<4x1024x128xf32, #tpu.memory_space<vmem>>, vector<1x1024x128xf32>
    %get3A_439 = vector.shape_cast %get3A_438 : vector<1x1024x128xf32> to vector<1024x128xf32>
    %mul3A_440 = vector.broadcast %slice3A_434 : vector<1024x1xf32> to vector<1024x128xf32>
    %mul3A_441 = arith.mulf %mul3A_440, %get3A_439 : vector<1024x128xf32>
    %add3A_442 = arith.addf %get3A_433, %mul3A_441 : vector<1024x128xf32>
    %slice3A_443 = vector.extract_strided_slice %slice3A_428 {offsets = [0, 1], sizes = [1024, 1], strides = [1, 1]} : vector<1024x8xf32> to vector<1024x1xf32>
    %get3A_444 = arith.constant 1 : index
    %get3A_445 = arith.constant 0 : index
    %get3A_446 = arith.constant 0 : index
    %get3A_447 = vector.load %arg1[%get3A_444, %get3A_445, %get3A_446] : memref<4x1024x128xf32, #tpu.memory_space<vmem>>, vector<1x1024x128xf32>
    %get3A_448 = vector.shape_cast %get3A_447 : vector<1x1024x128xf32> to vector<1024x128xf32>
    %mul3A_449 = vector.broadcast %slice3A_443 : vector<1024x1xf32> to vector<1024x128xf32>
    %mul3A_450 = arith.mulf %mul3A_449, %get3A_448 : vector<1024x128xf32>
    %add3A_451 = arith.addf %add3A_442, %mul3A_450 : vector<1024x128xf32>
    %slice3A_452 = vector.extract_strided_slice %slice3A_428 {offsets = [0, 2], sizes = [1024, 1], strides = [1, 1]} : vector<1024x8xf32> to vector<1024x1xf32>
    %get3A_453 = arith.constant 2 : index
    %get3A_454 = arith.constant 0 : index
    %get3A_455 = arith.constant 0 : index
    %get3A_456 = vector.load %arg1[%get3A_453, %get3A_454, %get3A_455] : memref<4x1024x128xf32, #tpu.memory_space<vmem>>, vector<1x1024x128xf32>
    %get3A_457 = vector.shape_cast %get3A_456 : vector<1x1024x128xf32> to vector<1024x128xf32>
    %mul3A_458 = vector.broadcast %slice3A_452 : vector<1024x1xf32> to vector<1024x128xf32>
    %mul3A_459 = arith.mulf %mul3A_458, %get3A_457 : vector<1024x128xf32>
    %add3A_460 = arith.addf %add3A_451, %mul3A_459 : vector<1024x128xf32>
    %swap3A_461 = arith.constant 11 : index
    %swap3A_462 = arith.constant 0 : index
    %swap3A_463 = arith.constant 0 : index
    %swap3A_464 = vector.load %arg3[%swap3A_461, %swap3A_462, %swap3A_463] : memref<16x1024x128xf32, #tpu.memory_space<vmem>>, vector<1x1024x128xf32>
    %swap3A_465 = vector.shape_cast %swap3A_464 : vector<1x1024x128xf32> to vector<1024x128xf32>
    %swap3A_466 = vector.shape_cast %add3A_460 : vector<1024x128xf32> to vector<1x1024x128xf32>
    tpu.vector_store %arg3[%swap3A_461, %swap3A_462, %swap3A_463], %swap3A_466 {strides = array<i32>} : memref<16x1024x128xf32, #tpu.memory_space<vmem>>, vector<1x1024x128xf32>,
    %slice3A_467 = vector.extract_strided_slice %transpose3A {offsets = [0, 96], sizes = [1024, 8], strides = [1, 1]} : vector<1024x128xf32> to vector<1024x8xf32>
    %get3A_468 = arith.constant 3 : index
    %get3A_469 = arith.constant 0 : index
    %get3A_470 = arith.constant 0 : index
    %get3A_471 = vector.load %arg1[%get3A_468, %get3A_469, %get3A_470] : memref<4x1024x128xf32, #tpu.memory_space<vmem>>, vector<1x1024x128xf32>
    %get3A_472 = vector.shape_cast %get3A_471 : vector<1x1024x128xf32> to vector<1024x128xf32>
    %slice3A_473 = vector.extract_strided_slice %slice3A_467 {offsets = [0, 0], sizes = [1024, 1], strides = [1, 1]} : vector<1024x8xf32> to vector<1024x1xf32>
    %get3A_474 = arith.constant 0 : index
    %get3A_475 = arith.constant 0 : index
    %get3A_476 = arith.constant 0 : index
    %get3A_477 = vector.load %arg1[%get3A_474, %get3A_475, %get3A_476] : memref<4x1024x128xf32, #tpu.memory_space<vmem>>, vector<1x1024x128xf32>
    %get3A_478 = vector.shape_cast %get3A_477 : vector<1x1024x128xf32> to vector<1024x128xf32>
    %mul3A_479 = vector.broadcast %slice3A_473 : vector<1024x1xf32> to vector<1024x128xf32>
    %mul3A_480 = arith.mulf %mul3A_479, %get3A_478 : vector<1024x128xf32>
    %add3A_481 = arith.addf %get3A_472, %mul3A_480 : vector<1024x128xf32>
    %slice3A_482 = vector.extract_strided_slice %slice3A_467 {offsets = [0, 1], sizes = [1024, 1], strides = [1, 1]} : vector<1024x8xf32> to vector<1024x1xf32>
    %get3A_483 = arith.constant 1 : index
    %get3A_484 = arith.constant 0 : index
    %get3A_485 = arith.constant 0 : index
    %get3A_486 = vector.load %arg1[%get3A_483, %get3A_484, %get3A_485] : memref<4x1024x128xf32, #tpu.memory_space<vmem>>, vector<1x1024x128xf32>
    %get3A_487 = vector.shape_cast %get3A_486 : vector<1x1024x128xf32> to vector<1024x128xf32>
    %mul3A_488 = vector.broadcast %slice3A_482 : vector<1024x1xf32> to vector<1024x128xf32>
    %mul3A_489 = arith.mulf %mul3A_488, %get3A_487 : vector<1024x128xf32>
    %add3A_490 = arith.addf %add3A_481, %mul3A_489 : vector<1024x128xf32>
    %slice3A_491 = vector.extract_strided_slice %slice3A_467 {offsets = [0, 2], sizes = [1024, 1], strides = [1, 1]} : vector<1024x8xf32> to vector<1024x1xf32>
    %get3A_492 = arith.constant 2 : index
    %get3A_493 = arith.constant 0 : index
    %get3A_494 = arith.constant 0 : index
    %get3A_495 = vector.load %arg1[%get3A_492, %get3A_493, %get3A_494] : memref<4x1024x128xf32, #tpu.memory_space<vmem>>, vector<1x1024x128xf32>
    %get3A_496 = vector.shape_cast %get3A_495 : vector<1x1024x128xf32> to vector<1024x128xf32>
    %mul3A_497 = vector.broadcast %slice3A_491 : vector<1024x1xf32> to vector<1024x128xf32>
    %mul3A_498 = arith.mulf %mul3A_497, %get3A_496 : vector<1024x128xf32>
    %add3A_499 = arith.addf %add3A_490, %mul3A_498 : vector<1024x128xf32>
    %swap3A_500 = arith.constant 12 : index
    %swap3A_501 = arith.constant 0 : index
    %swap3A_502 = arith.constant 0 : index
    %swap3A_503 = vector.load %arg3[%swap3A_500, %swap3A_501, %swap3A_502] : memref<16x1024x128xf32, #tpu.memory_space<vmem>>, vector<1x1024x128xf32>
    %swap3A_504 = vector.shape_cast %swap3A_503 : vector<1x1024x128xf32> to vector<1024x128xf32>
    %swap3A_505 = vector.shape_cast %add3A_499 : vector<1024x128xf32> to vector<1x1024x128xf32>
    tpu.vector_store %arg3[%swap3A_500, %swap3A_501, %swap3A_502], %swap3A_505 {strides = array<i32>} : memref<16x1024x128xf32, #tpu.memory_space<vmem>>, vector<1x1024x128xf32>,
    %slice3A_506 = vector.extract_strided_slice %transpose3A {offsets = [0, 104], sizes = [1024, 8], strides = [1, 1]} : vector<1024x128xf32> to vector<1024x8xf32>
    %get3A_507 = arith.constant 3 : index
    %get3A_508 = arith.constant 0 : index
    %get3A_509 = arith.constant 0 : index
    %get3A_510 = vector.load %arg1[%get3A_507, %get3A_508, %get3A_509] : memref<4x1024x128xf32, #tpu.memory_space<vmem>>, vector<1x1024x128xf32>
    %get3A_511 = vector.shape_cast %get3A_510 : vector<1x1024x128xf32> to vector<1024x128xf32>
    %slice3A_512 = vector.extract_strided_slice %slice3A_506 {offsets = [0, 0], sizes = [1024, 1], strides = [1, 1]} : vector<1024x8xf32> to vector<1024x1xf32>
    %get3A_513 = arith.constant 0 : index
    %get3A_514 = arith.constant 0 : index
    %get3A_515 = arith.constant 0 : index
    %get3A_516 = vector.load %arg1[%get3A_513, %get3A_514, %get3A_515] : memref<4x1024x128xf32, #tpu.memory_space<vmem>>, vector<1x1024x128xf32>
    %get3A_517 = vector.shape_cast %get3A_516 : vector<1x1024x128xf32> to vector<1024x128xf32>
    %mul3A_518 = vector.broadcast %slice3A_512 : vector<1024x1xf32> to vector<1024x128xf32>
    %mul3A_519 = arith.mulf %mul3A_518, %get3A_517 : vector<1024x128xf32>
    %add3A_520 = arith.addf %get3A_511, %mul3A_519 : vector<1024x128xf32>
    %slice3A_521 = vector.extract_strided_slice %slice3A_506 {offsets = [0, 1], sizes = [1024, 1], strides = [1, 1]} : vector<1024x8xf32> to vector<1024x1xf32>
    %get3A_522 = arith.constant 1 : index
    %get3A_523 = arith.constant 0 : index
    %get3A_524 = arith.constant 0 : index
    %get3A_525 = vector.load %arg1[%get3A_522, %get3A_523, %get3A_524] : memref<4x1024x128xf32, #tpu.memory_space<vmem>>, vector<1x1024x128xf32>
    %get3A_526 = vector.shape_cast %get3A_525 : vector<1x1024x128xf32> to vector<1024x128xf32>
    %mul3A_527 = vector.broadcast %slice3A_521 : vector<1024x1xf32> to vector<1024x128xf32>
    %mul3A_528 = arith.mulf %mul3A_527, %get3A_526 : vector<1024x128xf32>
    %add3A_529 = arith.addf %add3A_520, %mul3A_528 : vector<1024x128xf32>
    %slice3A_530 = vector.extract_strided_slice %slice3A_506 {offsets = [0, 2], sizes = [1024, 1], strides = [1, 1]} : vector<1024x8xf32> to vector<1024x1xf32>
    %get3A_531 = arith.constant 2 : index
    %get3A_532 = arith.constant 0 : index
    %get3A_533 = arith.constant 0 : index
    %get3A_534 = vector.load %arg1[%get3A_531, %get3A_532, %get3A_533] : memref<4x1024x128xf32, #tpu.memory_space<vmem>>, vector<1x1024x128xf32>
    %get3A_535 = vector.shape_cast %get3A_534 : vector<1x1024x128xf32> to vector<1024x128xf32>
    %mul3A_536 = vector.broadcast %slice3A_530 : vector<1024x1xf32> to vector<1024x128xf32>
    %mul3A_537 = arith.mulf %mul3A_536, %get3A_535 : vector<1024x128xf32>
    %add3A_538 = arith.addf %add3A_529, %mul3A_537 : vector<1024x128xf32>
    %swap3A_539 = arith.constant 13 : index
    %swap3A_540 = arith.constant 0 : index
    %swap3A_541 = arith.constant 0 : index
    %swap3A_542 = vector.load %arg3[%swap3A_539, %swap3A_540, %swap3A_541] : memref<16x1024x128xf32, #tpu.memory_space<vmem>>, vector<1x1024x128xf32>
    %swap3A_543 = vector.shape_cast %swap3A_542 : vector<1x1024x128xf32> to vector<1024x128xf32>
    %swap3A_544 = vector.shape_cast %add3A_538 : vector<1024x128xf32> to vector<1x1024x128xf32>
    tpu.vector_store %arg3[%swap3A_539, %swap3A_540, %swap3A_541], %swap3A_544 {strides = array<i32>} : memref<16x1024x128xf32, #tpu.memory_space<vmem>>, vector<1x1024x128xf32>,
    %slice3A_545 = vector.extract_strided_slice %transpose3A {offsets = [0, 112], sizes = [1024, 8], strides = [1, 1]} : vector<1024x128xf32> to vector<1024x8xf32>
    %get3A_546 = arith.constant 3 : index
    %get3A_547 = arith.constant 0 : index
    %get3A_548 = arith.constant 0 : index
    %get3A_549 = vector.load %arg1[%get3A_546, %get3A_547, %get3A_548] : memref<4x1024x128xf32, #tpu.memory_space<vmem>>, vector<1x1024x128xf32>
    %get3A_550 = vector.shape_cast %get3A_549 : vector<1x1024x128xf32> to vector<1024x128xf32>
    %slice3A_551 = vector.extract_strided_slice %slice3A_545 {offsets = [0, 0], sizes = [1024, 1], strides = [1, 1]} : vector<1024x8xf32> to vector<1024x1xf32>
    %get3A_552 = arith.constant 0 : index
    %get3A_553 = arith.constant 0 : index
    %get3A_554 = arith.constant 0 : index
    %get3A_555 = vector.load %arg1[%get3A_552, %get3A_553, %get3A_554] : memref<4x1024x128xf32, #tpu.memory_space<vmem>>, vector<1x1024x128xf32>
    %get3A_556 = vector.shape_cast %get3A_555 : vector<1x1024x128xf32> to vector<1024x128xf32>
    %mul3A_557 = vector.broadcast %slice3A_551 : vector<1024x1xf32> to vector<1024x128xf32>
    %mul3A_558 = arith.mulf %mul3A_557, %get3A_556 : vector<1024x128xf32>
    %add3A_559 = arith.addf %get3A_550, %mul3A_558 : vector<1024x128xf32>
    %slice3A_560 = vector.extract_strided_slice %slice3A_545 {offsets = [0, 1], sizes = [1024, 1], strides = [1, 1]} : vector<1024x8xf32> to vector<1024x1xf32>
    %get3A_561 = arith.constant 1 : index
    %get3A_562 = arith.constant 0 : index
    %get3A_563 = arith.constant 0 : index
    %get3A_564 = vector.load %arg1[%get3A_561, %get3A_562, %get3A_563] : memref<4x1024x128xf32, #tpu.memory_space<vmem>>, vector<1x1024x128xf32>
    %get3A_565 = vector.shape_cast %get3A_564 : vector<1x1024x128xf32> to vector<1024x128xf32>
    %mul3A_566 = vector.broadcast %slice3A_560 : vector<1024x1xf32> to vector<1024x128xf32>
    %mul3A_567 = arith.mulf %mul3A_566, %get3A_565 : vector<1024x128xf32>
    %add3A_568 = arith.addf %add3A_559, %mul3A_567 : vector<1024x128xf32>
    %slice3A_569 = vector.extract_strided_slice %slice3A_545 {offsets = [0, 2], sizes = [1024, 1], strides = [1, 1]} : vector<1024x8xf32> to vector<1024x1xf32>
    %get3A_570 = arith.constant 2 : index
    %get3A_571 = arith.constant 0 : index
    %get3A_572 = arith.constant 0 : index
    %get3A_573 = vector.load %arg1[%get3A_570, %get3A_571, %get3A_572] : memref<4x1024x128xf32, #tpu.memory_space<vmem>>, vector<1x1024x128xf32>
    %get3A_574 = vector.shape_cast %get3A_573 : vector<1x1024x128xf32> to vector<1024x128xf32>
    %mul3A_575 = vector.broadcast %slice3A_569 : vector<1024x1xf32> to vector<1024x128xf32>
    %mul3A_576 = arith.mulf %mul3A_575, %get3A_574 : vector<1024x128xf32>
    %add3A_577 = arith.addf %add3A_568, %mul3A_576 : vector<1024x128xf32>
    %swap3A_578 = arith.constant 14 : index
    %swap3A_579 = arith.constant 0 : index
    %swap3A_580 = arith.constant 0 : index
    %swap3A_581 = vector.load %arg3[%swap3A_578, %swap3A_579, %swap3A_580] : memref<16x1024x128xf32, #tpu.memory_space<vmem>>, vector<1x1024x128xf32>
    %swap3A_582 = vector.shape_cast %swap3A_581 : vector<1x1024x128xf32> to vector<1024x128xf32>
    %swap3A_583 = vector.shape_cast %add3A_577 : vector<1024x128xf32> to vector<1x1024x128xf32>
    tpu.vector_store %arg3[%swap3A_578, %swap3A_579, %swap3A_580], %swap3A_583 {strides = array<i32>} : memref<16x1024x128xf32, #tpu.memory_space<vmem>>, vector<1x1024x128xf32>,
    %slice3A_584 = vector.extract_strided_slice %transpose3A {offsets = [0, 120], sizes = [1024, 8], strides = [1, 1]} : vector<1024x128xf32> to vector<1024x8xf32>
    %get3A_585 = arith.constant 3 : index
    %get3A_586 = arith.constant 0 : index
    %get3A_587 = arith.constant 0 : index
    %get3A_588 = vector.load %arg1[%get3A_585, %get3A_586, %get3A_587] : memref<4x1024x128xf32, #tpu.memory_space<vmem>>, vector<1x1024x128xf32>
    %get3A_589 = vector.shape_cast %get3A_588 : vector<1x1024x128xf32> to vector<1024x128xf32>
    %slice3A_590 = vector.extract_strided_slice %slice3A_584 {offsets = [0, 0], sizes = [1024, 1], strides = [1, 1]} : vector<1024x8xf32> to vector<1024x1xf32>
    %get3A_591 = arith.constant 0 : index
    %get3A_592 = arith.constant 0 : index
    %get3A_593 = arith.constant 0 : index
    %get3A_594 = vector.load %arg1[%get3A_591, %get3A_592, %get3A_593] : memref<4x1024x128xf32, #tpu.memory_space<vmem>>, vector<1x1024x128xf32>
    %get3A_595 = vector.shape_cast %get3A_594 : vector<1x1024x128xf32> to vector<1024x128xf32>
    %mul3A_596 = vector.broadcast %slice3A_590 : vector<1024x1xf32> to vector<1024x128xf32>
    %mul3A_597 = arith.mulf %mul3A_596, %get3A_595 : vector<1024x128xf32>
    %add3A_598 = arith.addf %get3A_589, %mul3A_597 : vector<1024x128xf32>
    %slice3A_599 = vector.extract_strided_slice %slice3A_584 {offsets = [0, 1], sizes = [1024, 1], strides = [1, 1]} : vector<1024x8xf32> to vector<1024x1xf32>
    %get3A_600 = arith.constant 1 : index
    %get3A_601 = arith.constant 0 : index
    %get3A_602 = arith.constant 0 : index
    %get3A_603 = vector.load %arg1[%get3A_600, %get3A_601, %get3A_602] : memref<4x1024x128xf32, #tpu.memory_space<vmem>>, vector<1x1024x128xf32>
    %get3A_604 = vector.shape_cast %get3A_603 : vector<1x1024x128xf32> to vector<1024x128xf32>
    %mul3A_605 = vector.broadcast %slice3A_599 : vector<1024x1xf32> to vector<1024x128xf32>
    %mul3A_606 = arith.mulf %mul3A_605, %get3A_604 : vector<1024x128xf32>
    %add3A_607 = arith.addf %add3A_598, %mul3A_606 : vector<1024x128xf32>
    %slice3A_608 = vector.extract_strided_slice %slice3A_584 {offsets = [0, 2], sizes = [1024, 1], strides = [1, 1]} : vector<1024x8xf32> to vector<1024x1xf32>
    %get3A_609 = arith.constant 2 : index
    %get3A_610 = arith.constant 0 : index
    %get3A_611 = arith.constant 0 : index
    %get3A_612 = vector.load %arg1[%get3A_609, %get3A_610, %get3A_611] : memref<4x1024x128xf32, #tpu.memory_space<vmem>>, vector<1x1024x128xf32>
    %get3A_613 = vector.shape_cast %get3A_612 : vector<1x1024x128xf32> to vector<1024x128xf32>
    %mul3A_614 = vector.broadcast %slice3A_608 : vector<1024x1xf32> to vector<1024x128xf32>
    %mul3A_615 = arith.mulf %mul3A_614, %get3A_613 : vector<1024x128xf32>
    %add3A_616 = arith.addf %add3A_607, %mul3A_615 : vector<1024x128xf32>
    %swap3A_617 = arith.constant 15 : index
    %swap3A_618 = arith.constant 0 : index
    %swap3A_619 = arith.constant 0 : index
    %swap3A_620 = vector.load %arg3[%swap3A_617, %swap3A_618, %swap3A_619] : memref<16x1024x128xf32, #tpu.memory_space<vmem>>, vector<1x1024x128xf32>
    %swap3A_621 = vector.shape_cast %swap3A_620 : vector<1x1024x128xf32> to vector<1024x128xf32>
    %swap3A_622 = vector.shape_cast %add3A_616 : vector<1024x128xf32> to vector<1x1024x128xf32>
    tpu.vector_store %arg3[%swap3A_617, %swap3A_618, %swap3A_619], %swap3A_622 {strides = array<i32>} : memref<16x1024x128xf32, #tpu.memory_space<vmem>>, vector<1x1024x128xf32>,
    return
  }
  func.func @transform_0(%arg0: i32) -> (i32, i32, i32) {
    %c0_i32 = arith.constant 0 : i32
    %c0_i32_0 = arith.constant 0 : i32
    %c0_i32_1 = arith.constant 0 : i32
    return %c0_i32, %arg0, %c0_i32_0 : i32, i32, i32
  }
  func.func @transform_1(%arg0: i32) -> (i32, i32, i32) {
    %c0_i32 = arith.constant 0 : i32
    %c0_i32_0 = arith.constant 0 : i32
    %c0_i32_1 = arith.constant 0 : i32
    return %c0_i32, %c0_i32_0, %arg0 : i32, i32, i32
  }
  func.func @transform_2(%arg0: i32) -> (i32, i32, i32) {
    %c0_i32 = arith.constant 0 : i32
    %c0_i32_0 = arith.constant 0 : i32
    %c0_i32_1 = arith.constant 0 : i32
    return %c0_i32, %arg0, %c0_i32_0 : i32, i32, i32
  }
}

</mosaic_0001>

<sc_bundles>
// kernel: kernel.10.cloned.1.call-start
scs
__scs_entry_jumppad:
0x0: {  	(pc) =	sbr.rel $0x88, $3  }
0x1: {  	(tag) =	ssettag $0x0;
	lr =	simm.s32 $0x1  }
0x2: {  	[smem:$0x3F9B] =	sst lr;
	_ =	strace $0xD0000000  }
0x3: {  	_ = 	snop  }
0x4: {  	_ = 	snop  }
0x5: {  	_ = 	snop  }
0x6: {  	_ = 	snop  }
0x7: {  	_ = 	snop  }
__scs_overlays_trampoline_lowered:
0x8: {  	[smem:$0x3FAA] =	sst s0  }
0x9: {  	[smem:$0x3FAB] =	sst s1  }
0xa: {  	[smem:$0x3FAC] =	sst s2  }
0xb: {  	[smem:$0x3FAD] =	sst s3  }
0xc: {  	[smem:$0x3FAE] =	sst s4  }
0xd: {  	[smem:$0x3FAF] =	sst s5  }
0xe: {  	[smem:$0x3FB0] =	sst s6  }
0xf: {  	[smem:$0x3FB1] =	sst s7  }
0x10: {  	[smem:$0x3FB2] =	sst s8  }
0x11: {  	[smem:$0x3FB3] =	sst s9;
	s0 =	simm.s32 @!p0 $0x0  }
0x12: {  	s1 =	sld [smem:$0x3F99];
	s0 =	simm.s32 @p0 $0x1  }
0x13: {  	[smem:$0x3FB4] =	sst s0;
	s0 =	simm.s32 @!p1 $0x0  }
0x14: {  	s2 =	sld [smem:$0x3F98];
	s0 =	simm.s32 @p1 $0x1  }
0x15: {  	[smem:$0x3FB5] =	sst s0;
	s0 =	simm.s32 @!p2 $0x0  }
0x16: {  	s3 =	sld [smem:$0x3FDB];
	s0 =	simm.s32 @p2 $0x1  }
0x17: {  	s4 =	simm.s32 $0x1BF5;
	[smem:$0x3FB7] =	sst s0  }
0x18: {  	s0 =	sld [smem:$0x3F9A];
	_ =	swait.ge [sflag:s4], $0x0  }
0x19: {  	s7 =	sld [smem:$0x3F9B]  }
0x1a: {  	s8 =	sadd.s32 $0xFFFFE003, lr  }
0x1b: {  	s9 =	sadd.s32 $0xFFFFFEF7, lr;
	s5 =	simm.s32 $0xFFFFFFFF;
	p2 =	slt.u32 s8, $0xFFFFF086  }
0x1c: {  	p1 =	slt.u32 s9, $0xF7A;
	s5 =	simm.s32 @!p2 $0x0  }
0x1d: {  	s5 =	simm.s32 @p1 $0x1;
	p0 =	seq.s32 s7, s2  }
0x1e: {  	s7 =	smul.u32 @!p0 $0xF7A, s2;
	p2 =	seq.s32 @!p0 s5, $0x0  }
0x1f: {  	s9 =	smul.u32 $0xF7A, s1;
	s8 =	simm.s32 @!p0 $0x1BF5;
	p2 =	por !p2, p0  }
0x20: {  	[sflag:s8] =	ssyncset.s32 @!p0 $0xFFFFF086;
	s6 =	sadd.s32 @!p0 s3, s7;
	s7 =	simm.s32 @!p0 $0x108  }
0x21: {  	s3 =	sadd.s32 s3, s9;
	s6 =	sadd.s32 @!p0 $0x88, s6;
	s7 =	simm.s32 @p2 $0x1082  }
0x22: {  	[simem:s7], [sflag:s8] =	dma.local @!p0 [hbm:s6], $0xF7A  }
0x23: {  	s9 =	sor.u32 $0xD0000000, s2;
	s6 =	simm.s32 $0x108;
	_ =	swait.ge @!p0 [sflag:s8], $0x0  }
0x24: {  	s3 =	sadd.s32 $0x88, s3;
	s6 =	simm.s32 @!p1 $0x1082;
	[sflag:s4] =	ssyncset.s32 $0xFFFFF086  }
0x25: {  	[simem:s6], [sflag:s4] =	dma.local [hbm:s3], $0xF7A  }
0x26: {  	[smem:$0x3F9B] =	sst s1;
	(tag) =	ssettag s2;
	_ =	strace s9  }
0x27: {  	s1 =	sld [smem:$0x3FAB]  }
0x28: {  	s2 =	sld [smem:$0x3FAC]  }
0x29: {  	s4 =	sld [smem:$0x3FAE]  }
0x2a: {  	p0 =	seq.s32 s5, $0x0;
	s5 =	sld [smem:$0x3FAF]  }
0x2b: {  	s6 =	sld [smem:$0x3FB0]  }
0x2c: {  	s7 =	sld [smem:$0x3FB1]  }
0x2d: {  	s3 =	simm.s32 $0x108;
	s8 =	sld [smem:$0x3FB2]  }
0x2e: {  	s3 =	simm.s32 @!p0 $0x1082;
	s9 =	sld [smem:$0x3FB3]  }
0x2f: {  	lr =	sadd.s32 s0, s3;
	s0 =	sld [smem:$0x3FAA]  }
0x30: {  	s3 =	sld [smem:$0x3FAD]  }
0x31: {  	[smem:$0x3FB6] =	sst s10  }
0x32: {  	s10 =	sld [smem:$0x3FB4];
	_ =	sdelay $0x3  }
0x33: {  	p0 =	seq.s32 s10, $0x1;
	s10 =	sld [smem:$0x3FB6];
	_ =	sdelay $0x3  }
0x34: {  	[smem:$0x3FB6] =	sst s10  }
0x35: {  	s10 =	sld [smem:$0x3FB5];
	_ =	sdelay $0x3  }
0x36: {  	p1 =	seq.s32 s10, $0x1;
	s10 =	sld [smem:$0x3FB6];
	_ =	sdelay $0x3  }
0x37: {  	[smem:$0x3FB6] =	sst s10  }
0x38: {  	s10 =	sld [smem:$0x3FB7]  }
0x39: {  	_ = 	snop;
	(pc) =	sbr.ind lr, $3  }
0x3a: {  	_ = 	snop  }
0x3b: {  	_ = 	snop  }
0x3c: {  	p2 =	seq.s32 s10, $0x1;
	s10 =	sld [smem:$0x3FB6]  }
0x3d: {  	_ =	shalt  }
0x3e: {  	_ =	shalt  }
0x3f: {  	_ =	shalt  }
0x40: {  	_ =	shalt  }
0x41: {  	_ =	shalt  }
0x42: {  	_ =	shalt  }
0x43: {  	_ =	shalt  }
0x44: {  	_ =	shalt  }
0x45: {  	_ =	shalt  }
0x46: {  	_ =	shalt  }
0x47: {  	_ =	shalt  }
0x48: {  	_ =	shalt  }
0x49: {  	_ =	shalt  }
0x4a: {  	_ =	shalt  }
0x4b: {  	_ =	shalt  }
0x4c: {  	_ =	shalt  }
0x4d: {  	_ =	shalt  }
0x4e: {  	_ =	shalt  }
0x4f: {  	_ =	shalt  }
0x50: {  	_ =	shalt  }
0x51: {  	_ =	shalt  }
0x52: {  	_ =	shalt  }
0x53: {  	_ =	shalt  }
0x54: {  	_ =	shalt  }
0x55: {  	_ =	shalt  }
0x56: {  	_ =	shalt  }
0x57: {  	_ =	shalt  }
0x58: {  	_ =	shalt  }
0x59: {  	_ =	shalt  }
0x5a: {  	_ =	shalt  }
0x5b: {  	_ =	shalt  }
0x5c: {  	_ =	shalt  }
0x5d: {  	_ =	shalt  }
0x5e: {  	_ =	shalt  }
0x5f: {  	_ =	shalt  }
0x60: {  	_ =	shalt  }
0x61: {  	_ =	shalt  }
0x62: {  	_ =	shalt  }
0x63: {  	_ =	shalt  }
0x64: {  	_ =	shalt  }
0x65: {  	_ =	shalt  }
0x66: {  	_ =	shalt  }
0x67: {  	_ =	shalt  }
0x68: {  	_ =	shalt  }
0x69: {  	_ =	shalt  }
0x6a: {  	_ =	shalt  }
0x6b: {  	_ =	shalt  }
0x6c: {  	_ =	shalt  }
0x6d: {  	_ =	shalt  }
0x6e: {  	_ =	shalt  }
0x6f: {  	_ =	shalt  }
0x70: {  	_ =	shalt  }
0x71: {  	_ =	shalt  }
0x72: {  	_ =	shalt  }
0x73: {  	_ =	shalt  }
0x74: {  	_ =	shalt  }
0x75: {  	_ =	shalt  }
0x76: {  	_ =	shalt  }
0x77: {  	_ =	shalt  }
0x78: {  	_ =	shalt  }
0x79: {  	_ =	shalt  }
0x7a: {  	_ =	shalt  }
0x7b: {  	_ =	shalt  }
0x7c: {  	_ =	shalt  }
0x7d: {  	_ =	shalt  }
0x7e: {  	_ =	shalt  }
0x7f: {  	_ =	shalt  }
0x80: {  	_ =	shalt  }
0x81: {  	_ =	shalt  }
0x82: {  	_ =	shalt  }
0x83: {  	_ =	shalt  }
0x84: {  	_ =	shalt  }
0x85: {  	_ =	shalt  }
0x86: {  	_ =	shalt  }
0x87: {  	_ =	shalt  }
.Lfunc_end0:
.L_simem_size_0:
called_computation_lowered:
.L_overlay_start_0:
0x88: {  	s2 =	sld [smem:$0x3FD9]  }
0x89: {  	s3 =	sld [smem:$0x3FFE];
	_ =	sdelay $0x1  }
0x8a: {  	s1 =	srdreg.scid  }
0x8b: {  	s0 =	sand.u32 $0x1, s1  }
0x8c: {  	s17 =	sshll.u32 s0, $0xA;
	s2 =	sadd.s32 s3, s2  }
0x8d: {  	s2 =	sadd.s32 s2, s17  }
0x8e: {  	[smem:$0x3FC2] =	sst s2  }
0x8f: {  	_ = 	snop  }
0x90: {  	s18 =	sld [smem:$0x3FD0];
	(tm) =	ssettm $0x1  }
0x91: {  	s19 =	sld [smem:$0x3FFB];
	_ =	sdelay $0x3  }
0x92: {  	_ =	strace s19  }
0x93: {  	s2 =	sld [smem:$0x3FFC];
	_ =	sdelay $0x3  }
0x94: {  	_ =	strace s2  }
0x95: {  	s2 =	sld [smem:$0x3FFD];
	_ =	sdelay $0x3  }
0x96: {  	_ =	strace s2  }
0x97: {  	_ =	strace $0x8FFFFFFF  }
0x98: {  	s20 =	sld [smem:$0x3FDB];
	_ =	sdelay $0x1  }
0x99: {  	s4 =	simm.s32 $_scs_section_size  }
0x9a: {  	s5 =	simm.s32 $_size__tile_overlayer_lowered;
	s6 =	simm.s32 $_tile_overlayer_lowered  }
0x9b: {  	s7 =	simm.s32 $0x1BFF;
	s21 =	sshll.u32 s6, $0x1;
	s4 =	sadd.s32 s4, s20  }
0x9c: {  	s22 =	simm.s32 $0x0;
	s5 =	sshll.u32 s5, $0x1;
	s6 =	sadd.s32 s21, s4  }
0x9d: {  	[timem:s22], [sflag:s7] =	dma.local [hbm:s6], s5  }
0x9e: {  	_ =	swait.ge [sflag:s7], s5  }
0x9f: {  	s5 =	ssub.s32 $0x0, s5;
	[sflag:s7] =	ssyncset.done $0x0  }
0xa0: {  	[sflag:s7] =	ssyncadd.s32 s5;
	_ =	sdelay $0x1  }
0xa1: {  	s23 =	simm.s32 $0x1B8B  }
0xa2: {  	_ =	swait.ge [sflag:s23], $0x1  }
0xa3: {  	[sflag:s23] =	ssyncset.done $0x0  }
0xa4: {  	[sflag:s23] =	ssyncadd.s32 $0xFFFFFFFF  }
0xa5: {  	s5 =	sld [smem:$0x0]  }
0xa6: {  	s6 =	sand.u32 $0xFFFFFFFE, s1  }
0xa7: {  	p0 =	sne.s32 s1, s6  }
0xa8: {  	s6 =	sshll.u32 @p0 s6, $0xE  }
0xa9: {  	s6 =	sadd.s32 @p0 $0x11B8D, s6;
	s7 =	sshll.u32 @p0 s5, $0x11  }
0xaa: {  	s6 =	sor.u32 @p0 s7, s6  }
0xab: {  	[sflag:s6] =	ssyncadd.remote.s32 @p0 $0x1;
	_ =	sdelay $0x1  }
0xac: {  	s6 =	simm.s32 @p0 $0x1B8D  }
0xad: {  	_ =	swait.eq @p0 [sflag:s6], $0x1  }
0xae: {  	[sflag:s6] =	ssyncadd.s32 @p0 $0xFFFFFFFF  }
0xaf: {  	s7 =	sshll.u32 @!p0 s1, $0xE  }
0xb0: {  	s7 =	sor.u32 @!p0 $0x4000, s7;
	s6 =	simm.s32 @!p0 $0x1B8D  }
0xb1: {  	s5 =	sshll.u32 @!p0 s5, $0x11;
	s7 =	sadd.s32 @!p0 $0x11B8D, s7;
	_ =	swait.eq @!p0 [sflag:s6], $0x1  }
0xb2: {  	s5 =	sor.u32 @!p0 s5, s7;
	[sflag:s6] =	ssyncadd.s32 @!p0 $0xFFFFFFFF  }
0xb3: {  	s25 =	simm.s32 $0x1B8E;
	s24 =	sld [smem:$0x3FFE];
	[sflag:s5] =	ssyncadd.remote.s32 @!p0 $0x1  }
0xb4: {  	s26 =	simm.s32 $execute0_lowered;
	[smem:$0x3FD2] =	sst s25  }
0xb5: {  	s6 =	sshll.u32 s26, $0x1;
	_ =	strace $0x80000049;
	[dreg:$0x1] =	wrdreg $0xFFFFFFFF  }
0xb6: {  	s28 =	simm.s32 $_size_execute0_lowered;
	s4 =	sadd.s32 s4, s6;
	[dreg:$0x0] =	wrdreg $0x0  }
0xb7: {  	s6 =	sshll.u32 s28, $0x1;
	[dreg:$0x2] =	wrdreg s4  }
0xb8: {  	[dreg:$0x3] =	wrdreg s6  }
0xb9: {  	[dreg:$0x4] =	wrdreg $0xC0  }
0xba: {  	_ =	task [dreg:s22], $0x5FFFF  }
0xbb: {  	[dreg:$0x1] =	wrdreg $0xFFFFFFFF  }
0xbc: {  	[dreg:$0x0] =	wrdreg $0x60  }
0xbd: {  	[dreg:$0x2] =	wrdreg s24  }
0xbe: {  	[dreg:$0x3] =	wrdreg s18  }
0xbf: {  	[dreg:$0x4] =	wrdreg $0x9  }
0xc0: {  	_ =	task.clear_ibuf [dreg:s22], $0x5FFFF;
	_ =	strace $0x90000049  }
0xc1: {  	s29 =	simm.s32 $0x9;
	_ =	strace $0x8000004B  }
0xc2: {  	_ =	swait.ge [sflag:s29], $0x1  }
0xc3: {  	[sflag:s29] =	ssyncadd.s32 $0xFFFFFFFF  }
0xc4: {  	_ =	strace $0x9000004B  }
0xc5: {  	_ =	sfence  }
0xc6: {  	s30 =	sld [smem:$0x0];
	_ =	sdelay $0x2  }
0xc7: {  	s31 =	sshll.u32 s1, $0xD;
	s1 =	sshrl.u32 s1, $0x2  }
0xc8: {  	s4 =	sand.u32 $0x4000, s31;
	s1 =	sadd.s32 s1, s30  }
0xc9: {  	s0 =	sor.u32 s4, s0;
	s1 =	sshll.u32 s1, $0x11  }
0xca: {  	s0 =	sor.u32 s1, s0  }
0xcb: {  	s0 =	sadd.s32 $0x8F2B, s0  }
0xcc: {  	[sflag:s0] =	ssyncadd.remote.s32 $0x1  }
0xcd: {  	_ =	sfence.sel $0xFFFF  }
0xce: {  	[dreg:$0x0] =	wrdreg $0xFFFFFFFF;
	(pc) =	sbr.abs _section_cstart, $3  }
0xcf: {  	[dreg:$0x1] =	wrdreg $0xFFFFFFFF  }
0xd0: {  	_ =	task.clear_ibuf [dreg:s22], $0x2FFFF;
	_ =	strace $0x9FFFFFFF  }
0xd1: {  	(tm) =	ssettm $0x7FFFFFFF  }
tec
execute0_lowered:
.L_overlay_start_1:
0x0: {  	(tag) =	ssettag $0x1  }
0x1: {  	s5 =	rddreg [dreg:$0x0];
	s0 =	srdreg.scid  }
0x2: {  	s6 =	rddreg [dreg:$0x1];
	s1 =	stileid.u32  }
0x3: {  	s2 =	simm.s32 $0x0;
	s11 =	simm.s32 $0x1;
	s12 =	simm.s32 $0x2800  }
0x4: {  	s13 =	simm.s32 $0x5000;
	s14 =	simm.s32 $0x7800;
	s8 =	smul.u32 $0x1400, s1  }
0x5: {  	s4 =	sand.u32 $0x1, s0;
	s0 =	rddreg [dreg:$0x2];
	s9 =	smul.u32 $0x5000, s1  }
0x6: {  	s15 =	simm.s32 $0x0;
	[smem:$0x7FF] =	sst s2;
	s7 =	smul.u32 $0xA0000, s4  }
0x7: {  	s3 =	sadd.s32 $0x2800, s5;
	s10 =	smul.u32 $0x1400, s4;
	s4 =	ssub.s32 $0x2, s4  }
0x8: {  	_ =	strace $0x8000004A;
	s31 =	sshrl.u32 s4, $0x1;
	s7 =	sor.u32 s8, s7  }
0x9: {  	s9 =	sadd.s32 s10, s9;
	s8 =	ssub.s32 s4, s31;
	s4 =	sadd.s32 $0x2810, s5  }
0xa: {  	s10 =	simm.s32 $0x400;
	s7 =	sshrl.u32 s7, $0x3;
	s9 =	sshrl.u32 s9, $0x3  }
0xb: {  	s8 =	smax.u32 s8, $0x1;
	s7 =	sadd.s32 s7, s5;
	s5 =	sadd.s32 $0x2820, s5  }
0xc: {  	s6 =	sadd.s32 s6, s9;
	s9 =	simm.s32 $0x80;
	s7 =	sadd.s32 $0x2D000, s7  }
.LBB2_1:
0xd: {  	[tilespmem:s2], [sflag:$0x1] =	stream.strided.gather [hbm4b:s3+s9], $0x2800, s10, s9, $0x38;
	[tilespmem:$0xDC00] =	vst v63  }
0xe: {  	_ =	swait.ge [sflag:s11], $0x2800  }
0xf: {  	[sflag:s11] =	ssyncset.done $0x0  }
0x10: {  	[sflag:s11] =	ssyncadd.s32 $0xFFFFD800  }
0x11: {  	[tilespmem:s12], [sflag:$0x1] =	stream.strided.gather [hbm4b:s4+s9], $0x2800, s10, s9, $0x38;
	[tilespmem:$0xDC00] =	vst v63  }
0x12: {  	_ =	swait.ge [sflag:s11], $0x2800  }
0x13: {  	[sflag:s11] =	ssyncset.done $0x0  }
0x14: {  	[sflag:s11] =	ssyncadd.s32 $0xFFFFD800  }
0x15: {  	[tilespmem:s13], [sflag:$0x1] =	stream.strided.gather [hbm4b:s5+s9], $0x2800, s10, s9, $0x38;
	[tilespmem:$0xDC00] =	vst v63  }
0x16: {  	_ =	swait.ge [sflag:s11], $0x2800  }
0x17: {  	[sflag:s11] =	ssyncset.done $0x0  }
0x18: {  	[sflag:s11] =	ssyncadd.s32 $0xFFFFD800  }
0x19: {  	[tilespmem:s14], [sflag:$0x1] =	stream.linear.gather [hbm4b:s6+s2], $0x1400, $0x38;
	[tilespmem:$0xDC00] =	vst v63  }
0x1a: {  	_ =	swait.ge [sflag:s11], $0x1400  }
0x1b: {  	[sflag:s11] =	ssyncset.done $0x0  }
0x1c: {  	s16 =	simm.s32 $0x90C0;
	s17 =	simm.s32 $0x0;
	[sflag:s11] =	ssyncadd.s32 $0xFFFFEC00  }
.LBB2_2:
0x1d: {  	s18 =	sshra.s32 s17, $0x2  }
0x1e: {  	v0 =	vld [tilespmem:s18+$0x7800];
	_ =	sdelay $0x7  }
0x1f: {  	v1 =	vld.idx.msk [tilespmem:v0+s2+$0x0], $0xffff;
	_ =	sdelay $0x4  }
0x20: {  	[tilespmem:s16+$0xFFFFFB40] =	vst v1  }
0x21: {  	v1 =	vld.idx.msk [tilespmem:v0+s12+$0x0], $0xffff;
	_ =	sdelay $0x4  }
0x22: {  	[tilespmem:s16+$0xFFFFFBC0] =	vst v1  }
0x23: {  	v0 =	vld.idx.msk [tilespmem:v0+s13+$0x0], $0xffff;
	_ =	sdelay $0x4  }
0x24: {  	[tilespmem:s16+$0xFFFFFC40] =	vst v0  }
0x25: {  	v0 =	vld [tilespmem:s18+$0x7810];
	_ =	sdelay $0x7  }
0x26: {  	v1 =	vld.idx.msk [tilespmem:v0+s2+$0x0], $0xffff;
	_ =	sdelay $0x4  }
0x27: {  	[tilespmem:s16+$0xFFFFFB50] =	vst v1  }
0x28: {  	v1 =	vld.idx.msk [tilespmem:v0+s12+$0x0], $0xffff;
	_ =	sdelay $0x4  }
0x29: {  	[tilespmem:s16+$0xFFFFFBD0] =	vst v1  }
0x2a: {  	v0 =	vld.idx.msk [tilespmem:v0+s13+$0x0], $0xffff;
	_ =	sdelay $0x4  }
0x2b: {  	[tilespmem:s16+$0xFFFFFC50] =	vst v0  }
0x2c: {  	v0 =	vld [tilespmem:s18+$0x7820];
	_ =	sdelay $0x7  }
0x2d: {  	v1 =	vld.idx.msk [tilespmem:v0+s2+$0x0], $0xffff;
	_ =	sdelay $0x4  }
0x2e: {  	[tilespmem:s16+$0xFFFFFB60] =	vst v1  }
0x2f: {  	v1 =	vld.idx.msk [tilespmem:v0+s12+$0x0], $0xffff;
	_ =	sdelay $0x4  }
0x30: {  	[tilespmem:s16+$0xFFFFFBE0] =	vst v1  }
0x31: {  	v0 =	vld.idx.msk [tilespmem:v0+s13+$0x0], $0xffff;
	_ =	sdelay $0x4  }
0x32: {  	[tilespmem:s16+$0xFFFFFC60] =	vst v0  }
0x33: {  	v0 =	vld [tilespmem:s18+$0x7830];
	_ =	sdelay $0x7  }
0x34: {  	v1 =	vld.idx.msk [tilespmem:v0+s2+$0x0], $0xffff;
	_ =	sdelay $0x4  }
0x35: {  	[tilespmem:s16+$0xFFFFFB70] =	vst v1  }
0x36: {  	v1 =	vld.idx.msk [tilespmem:v0+s12+$0x0], $0xffff;
	_ =	sdelay $0x4  }
0x37: {  	[tilespmem:s16+$0xFFFFFBF0] =	vst v1  }
0x38: {  	v0 =	vld.idx.msk [tilespmem:v0+s13+$0x0], $0xffff;
	_ =	sdelay $0x4  }
0x39: {  	[tilespmem:s16+$0xFFFFFC70] =	vst v0  }
0x3a: {  	v0 =	vld [tilespmem:s18+$0x7840];
	_ =	sdelay $0x7  }
0x3b: {  	v1 =	vld.idx.msk [tilespmem:v0+s2+$0x0], $0xffff;
	_ =	sdelay $0x4  }
0x3c: {  	[tilespmem:s16+$0xFFFFFB80] =	vst v1  }
0x3d: {  	v1 =	vld.idx.msk [tilespmem:v0+s12+$0x0], $0xffff;
	_ =	sdelay $0x4  }
0x3e: {  	[tilespmem:s16+$0xFFFFFC00] =	vst v1  }
0x3f: {  	v0 =	vld.idx.msk [tilespmem:v0+s13+$0x0], $0xffff;
	_ =	sdelay $0x4  }
0x40: {  	[tilespmem:s16+$0xFFFFFC80] =	vst v0  }
0x41: {  	v0 =	vld [tilespmem:s18+$0x7850];
	_ =	sdelay $0x7  }
0x42: {  	v1 =	vld.idx.msk [tilespmem:v0+s2+$0x0], $0xffff;
	_ =	sdelay $0x4  }
0x43: {  	[tilespmem:s16+$0xFFFFFB90] =	vst v1  }
0x44: {  	v1 =	vld.idx.msk [tilespmem:v0+s12+$0x0], $0xffff;
	_ =	sdelay $0x4  }
0x45: {  	[tilespmem:s16+$0xFFFFFC10] =	vst v1  }
0x46: {  	v0 =	vld.idx.msk [tilespmem:v0+s13+$0x0], $0xffff;
	_ =	sdelay $0x4  }
0x47: {  	[tilespmem:s16+$0xFFFFFC90] =	vst v0  }
0x48: {  	v0 =	vld [tilespmem:s18+$0x7860];
	_ =	sdelay $0x7  }
0x49: {  	v1 =	vld.idx.msk [tilespmem:v0+s2+$0x0], $0xffff;
	_ =	sdelay $0x4  }
0x4a: {  	[tilespmem:s16+$0xFFFFFBA0] =	vst v1  }
0x4b: {  	v1 =	vld.idx.msk [tilespmem:v0+s12+$0x0], $0xffff;
	_ =	sdelay $0x4  }
0x4c: {  	[tilespmem:s16+$0xFFFFFC20] =	vst v1  }
0x4d: {  	v0 =	vld.idx.msk [tilespmem:v0+s13+$0x0], $0xffff;
	_ =	sdelay $0x4  }
0x4e: {  	[tilespmem:s16+$0xFFFFFCA0] =	vst v0  }
0x4f: {  	v0 =	vld [tilespmem:s18+$0x7870];
	_ =	sdelay $0x7  }
0x50: {  	v1 =	vld.idx.msk [tilespmem:v0+s2+$0x0], $0xffff;
	_ =	sdelay $0x4  }
0x51: {  	[tilespmem:s16+$0xFFFFFBB0] =	vst v1  }
0x52: {  	v1 =	vld.idx.msk [tilespmem:v0+s12+$0x0], $0xffff;
	_ =	sdelay $0x4  }
0x53: {  	[tilespmem:s16+$0xFFFFFC30] =	vst v1  }
0x54: {  	v0 =	vld.idx.msk [tilespmem:v0+s13+$0x0], $0xffff;
	_ =	sdelay $0x4  }
0x55: {  	[tilespmem:s16+$0xFFFFFCB0] =	vst v0  }
0x56: {  	v0 =	vld [tilespmem:s18+$0x7880];
	_ =	sdelay $0x7  }
0x57: {  	v1 =	vld.idx.msk [tilespmem:v0+s2+$0x0], $0xffff;
	_ =	sdelay $0x4  }
0x58: {  	[tilespmem:s16+$0xFFFFFD40] =	vst v1  }
0x59: {  	v1 =	vld.idx.msk [tilespmem:v0+s12+$0x0], $0xffff;
	_ =	sdelay $0x4  }
0x5a: {  	[tilespmem:s16+$0xFFFFFDC0] =	vst v1  }
0x5b: {  	v0 =	vld.idx.msk [tilespmem:v0+s13+$0x0], $0xffff;
	_ =	sdelay $0x4  }
0x5c: {  	[tilespmem:s16+$0xFFFFFE40] =	vst v0  }
0x5d: {  	v0 =	vld [tilespmem:s18+$0x7890];
	_ =	sdelay $0x7  }
0x5e: {  	v1 =	vld.idx.msk [tilespmem:v0+s2+$0x0], $0xffff;
	_ =	sdelay $0x4  }
0x5f: {  	[tilespmem:s16+$0xFFFFFD50] =	vst v1  }
0x60: {  	v1 =	vld.idx.msk [tilespmem:v0+s12+$0x0], $0xffff;
	_ =	sdelay $0x4  }
0x61: {  	[tilespmem:s16+$0xFFFFFDD0] =	vst v1  }
0x62: {  	v0 =	vld.idx.msk [tilespmem:v0+s13+$0x0], $0xffff;
	_ =	sdelay $0x4  }
0x63: {  	[tilespmem:s16+$0xFFFFFE50] =	vst v0  }
0x64: {  	v0 =	vld [tilespmem:s18+$0x78A0];
	_ =	sdelay $0x7  }
0x65: {  	v1 =	vld.idx.msk [tilespmem:v0+s2+$0x0], $0xffff;
	_ =	sdelay $0x4  }
0x66: {  	[tilespmem:s16+$0xFFFFFD60] =	vst v1  }
0x67: {  	v1 =	vld.idx.msk [tilespmem:v0+s12+$0x0], $0xffff;
	_ =	sdelay $0x4  }
0x68: {  	[tilespmem:s16+$0xFFFFFDE0] =	vst v1  }
0x69: {  	v0 =	vld.idx.msk [tilespmem:v0+s13+$0x0], $0xffff;
	_ =	sdelay $0x4  }
0x6a: {  	[tilespmem:s16+$0xFFFFFE60] =	vst v0  }
0x6b: {  	v0 =	vld [tilespmem:s18+$0x78B0];
	_ =	sdelay $0x7  }
0x6c: {  	v1 =	vld.idx.msk [tilespmem:v0+s2+$0x0], $0xffff;
	_ =	sdelay $0x4  }
0x6d: {  	[tilespmem:s16+$0xFFFFFD70] =	vst v1  }
0x6e: {  	v1 =	vld.idx.msk [tilespmem:v0+s12+$0x0], $0xffff;
	_ =	sdelay $0x4  }
0x6f: {  	[tilespmem:s16+$0xFFFFFDF0] =	vst v1  }
0x70: {  	v0 =	vld.idx.msk [tilespmem:v0+s13+$0x0], $0xffff;
	_ =	sdelay $0x4  }
0x71: {  	[tilespmem:s16+$0xFFFFFE70] =	vst v0  }
0x72: {  	v0 =	vld [tilespmem:s18+$0x78C0];
	_ =	sdelay $0x7  }
0x73: {  	v1 =	vld.idx.msk [tilespmem:v0+s2+$0x0], $0xffff;
	_ =	sdelay $0x4  }
0x74: {  	[tilespmem:s16+$0xFFFFFD80] =	vst v1  }
0x75: {  	v1 =	vld.idx.msk [tilespmem:v0+s12+$0x0], $0xffff;
	_ =	sdelay $0x4  }
0x76: {  	[tilespmem:s16+$0xFFFFFE00] =	vst v1  }
0x77: {  	v0 =	vld.idx.msk [tilespmem:v0+s13+$0x0], $0xffff;
	_ =	sdelay $0x4  }
0x78: {  	[tilespmem:s16+$0xFFFFFE80] =	vst v0  }
0x79: {  	v0 =	vld [tilespmem:s18+$0x78D0];
	_ =	sdelay $0x7  }
0x7a: {  	v1 =	vld.idx.msk [tilespmem:v0+s2+$0x0], $0xffff;
	_ =	sdelay $0x4  }
0x7b: {  	[tilespmem:s16+$0xFFFFFD90] =	vst v1  }
0x7c: {  	v1 =	vld.idx.msk [tilespmem:v0+s12+$0x0], $0xffff;
	_ =	sdelay $0x4  }
0x7d: {  	[tilespmem:s16+$0xFFFFFE10] =	vst v1  }
0x7e: {  	v0 =	vld.idx.msk [tilespmem:v0+s13+$0x0], $0xffff;
	_ =	sdelay $0x4  }
0x7f: {  	[tilespmem:s16+$0xFFFFFE90] =	vst v0  }
0x80: {  	v0 =	vld [tilespmem:s18+$0x78E0];
	_ =	sdelay $0x7  }
0x81: {  	v1 =	vld.idx.msk [tilespmem:v0+s2+$0x0], $0xffff;
	_ =	sdelay $0x4  }
0x82: {  	[tilespmem:s16+$0xFFFFFDA0] =	vst v1  }
0x83: {  	v1 =	vld.idx.msk [tilespmem:v0+s12+$0x0], $0xffff;
	_ =	sdelay $0x4  }
0x84: {  	[tilespmem:s16+$0xFFFFFE20] =	vst v1  }
0x85: {  	v0 =	vld.idx.msk [tilespmem:v0+s13+$0x0], $0xffff;
	_ =	sdelay $0x4  }
0x86: {  	[tilespmem:s16+$0xFFFFFEA0] =	vst v0  }
0x87: {  	v0 =	vld [tilespmem:s18+$0x78F0];
	_ =	sdelay $0x7  }
0x88: {  	v1 =	vld.idx.msk [tilespmem:v0+s2+$0x0], $0xffff;
	_ =	sdelay $0x4  }
0x89: {  	[tilespmem:s16+$0xFFFFFDB0] =	vst v1  }
0x8a: {  	v1 =	vld.idx.msk [tilespmem:v0+s12+$0x0], $0xffff;
	_ =	sdelay $0x4  }
0x8b: {  	[tilespmem:s16+$0xFFFFFE30] =	vst v1  }
0x8c: {  	v0 =	vld.idx.msk [tilespmem:v0+s13+$0x0], $0xffff;
	_ =	sdelay $0x4  }
0x8d: {  	[tilespmem:s16+$0xFFFFFEB0] =	vst v0  }
0x8e: {  	v0 =	vld [tilespmem:s18+$0x7900];
	_ =	sdelay $0x7  }
0x8f: {  	v1 =	vld.idx.msk [tilespmem:v0+s2+$0x0], $0xffff;
	_ =	sdelay $0x4  }
0x90: {  	[tilespmem:s16+$0xFFFFFF40] =	vst v1  }
0x91: {  	v1 =	vld.idx.msk [tilespmem:v0+s12+$0x0], $0xffff;
	_ =	sdelay $0x4  }
0x92: {  	[tilespmem:s16+$0xFFFFFFC0] =	vst v1  }
0x93: {  	v0 =	vld.idx.msk [tilespmem:v0+s13+$0x0], $0xffff;
	_ =	sdelay $0x4  }
0x94: {  	[tilespmem:s16+$0x40] =	vst v0  }
0x95: {  	v0 =	vld [tilespmem:s18+$0x7910];
	_ =	sdelay $0x7  }
0x96: {  	v1 =	vld.idx.msk [tilespmem:v0+s2+$0x0], $0xffff;
	_ =	sdelay $0x4  }
0x97: {  	[tilespmem:s16+$0xFFFFFF50] =	vst v1  }
0x98: {  	v1 =	vld.idx.msk [tilespmem:v0+s12+$0x0], $0xffff;
	_ =	sdelay $0x4  }
0x99: {  	[tilespmem:s16+$0xFFFFFFD0] =	vst v1  }
0x9a: {  	v0 =	vld.idx.msk [tilespmem:v0+s13+$0x0], $0xffff;
	_ =	sdelay $0x4  }
0x9b: {  	[tilespmem:s16+$0x50] =	vst v0  }
0x9c: {  	v0 =	vld [tilespmem:s18+$0x7920];
	_ =	sdelay $0x7  }
0x9d: {  	v1 =	vld.idx.msk [tilespmem:v0+s2+$0x0], $0xffff;
	_ =	sdelay $0x4  }
0x9e: {  	[tilespmem:s16+$0xFFFFFF60] =	vst v1  }
0x9f: {  	v1 =	vld.idx.msk [tilespmem:v0+s12+$0x0], $0xffff;
	_ =	sdelay $0x4  }
0xa0: {  	[tilespmem:s16+$0xFFFFFFE0] =	vst v1  }
0xa1: {  	v0 =	vld.idx.msk [tilespmem:v0+s13+$0x0], $0xffff;
	_ =	sdelay $0x4  }
0xa2: {  	[tilespmem:s16+$0x60] =	vst v0  }
0xa3: {  	v0 =	vld [tilespmem:s18+$0x7930];
	_ =	sdelay $0x7  }
0xa4: {  	v1 =	vld.idx.msk [tilespmem:v0+s2+$0x0], $0xffff;
	_ =	sdelay $0x4  }
0xa5: {  	[tilespmem:s16+$0xFFFFFF70] =	vst v1  }
0xa6: {  	v1 =	vld.idx.msk [tilespmem:v0+s12+$0x0], $0xffff;
	_ =	sdelay $0x4  }
0xa7: {  	[tilespmem:s16+$0xFFFFFFF0] =	vst v1  }
0xa8: {  	v0 =	vld.idx.msk [tilespmem:v0+s13+$0x0], $0xffff;
	_ =	sdelay $0x4  }
0xa9: {  	[tilespmem:s16+$0x70] =	vst v0  }
0xaa: {  	v0 =	vld [tilespmem:s18+$0x7940];
	_ =	sdelay $0x7  }
0xab: {  	v1 =	vld.idx.msk [tilespmem:v0+s2+$0x0], $0xffff;
	_ =	sdelay $0x4  }
0xac: {  	[tilespmem:s16+$0xFFFFFF80] =	vst v1  }
0xad: {  	v1 =	vld.idx.msk [tilespmem:v0+s12+$0x0], $0xffff;
	_ =	sdelay $0x4  }
0xae: {  	[tilespmem:s16+$0x0] =	vst v1  }
0xaf: {  	v0 =	vld.idx.msk [tilespmem:v0+s13+$0x0], $0xffff;
	_ =	sdelay $0x4  }
0xb0: {  	[tilespmem:s16+$0x80] =	vst v0  }
0xb1: {  	v0 =	vld [tilespmem:s18+$0x7950];
	_ =	sdelay $0x7  }
0xb2: {  	v1 =	vld.idx.msk [tilespmem:v0+s2+$0x0], $0xffff;
	_ =	sdelay $0x4  }
0xb3: {  	[tilespmem:s16+$0xFFFFFF90] =	vst v1  }
0xb4: {  	v1 =	vld.idx.msk [tilespmem:v0+s12+$0x0], $0xffff;
	_ =	sdelay $0x4  }
0xb5: {  	[tilespmem:s16+$0x10] =	vst v1  }
0xb6: {  	v0 =	vld.idx.msk [tilespmem:v0+s13+$0x0], $0xffff;
	_ =	sdelay $0x4  }
0xb7: {  	[tilespmem:s16+$0x90] =	vst v0  }
0xb8: {  	v0 =	vld [tilespmem:s18+$0x7960];
	_ =	sdelay $0x7  }
0xb9: {  	v1 =	vld.idx.msk [tilespmem:v0+s2+$0x0], $0xffff;
	_ =	sdelay $0x4  }
0xba: {  	[tilespmem:s16+$0xFFFFFFA0] =	vst v1  }
0xbb: {  	v1 =	vld.idx.msk [tilespmem:v0+s12+$0x0], $0xffff;
	_ =	sdelay $0x4  }
0xbc: {  	[tilespmem:s16+$0x20] =	vst v1  }
0xbd: {  	v0 =	vld.idx.msk [tilespmem:v0+s13+$0x0], $0xffff;
	_ =	sdelay $0x4  }
0xbe: {  	[tilespmem:s16+$0xA0] =	vst v0  }
0xbf: {  	v0 =	vld [tilespmem:s18+$0x7970];
	_ =	sdelay $0x7  }
0xc0: {  	v1 =	vld.idx.msk [tilespmem:v0+s2+$0x0], $0xffff;
	_ =	sdelay $0x4  }
0xc1: {  	[tilespmem:s16+$0xFFFFFFB0] =	vst v1  }
0xc2: {  	v1 =	vld.idx.msk [tilespmem:v0+s12+$0x0], $0xffff;
	_ =	sdelay $0x4  }
0xc3: {  	[tilespmem:s16+$0x30] =	vst v1  }
0xc4: {  	v0 =	vld.idx.msk [tilespmem:v0+s13+$0x0], $0xffff;
	_ =	sdelay $0x4  }
0xc5: {  	[tilespmem:s16+$0xB0] =	vst v0  }
0xc6: {  	v0 =	vld [tilespmem:s18+$0x7980];
	_ =	sdelay $0x7  }
0xc7: {  	v1 =	vld.idx.msk [tilespmem:v0+s2+$0x0], $0xffff;
	_ =	sdelay $0x4  }
0xc8: {  	[tilespmem:s16+$0x140] =	vst v1  }
0xc9: {  	v1 =	vld.idx.msk [tilespmem:v0+s12+$0x0], $0xffff;
	_ =	sdelay $0x4  }
0xca: {  	[tilespmem:s16+$0x1C0] =	vst v1  }
0xcb: {  	v0 =	vld.idx.msk [tilespmem:v0+s13+$0x0], $0xffff;
	_ =	sdelay $0x4  }
0xcc: {  	[tilespmem:s16+$0x240] =	vst v0  }
0xcd: {  	v0 =	vld [tilespmem:s18+$0x7990];
	_ =	sdelay $0x7  }
0xce: {  	v1 =	vld.idx.msk [tilespmem:v0+s2+$0x0], $0xffff;
	_ =	sdelay $0x4  }
0xcf: {  	[tilespmem:s16+$0x150] =	vst v1  }
0xd0: {  	v1 =	vld.idx.msk [tilespmem:v0+s12+$0x0], $0xffff;
	_ =	sdelay $0x4  }
0xd1: {  	[tilespmem:s16+$0x1D0] =	vst v1  }
0xd2: {  	v0 =	vld.idx.msk [tilespmem:v0+s13+$0x0], $0xffff;
	_ =	sdelay $0x4  }
0xd3: {  	[tilespmem:s16+$0x250] =	vst v0  }
0xd4: {  	v0 =	vld [tilespmem:s18+$0x79A0];
	_ =	sdelay $0x7  }
0xd5: {  	v1 =	vld.idx.msk [tilespmem:v0+s2+$0x0], $0xffff;
	_ =	sdelay $0x4  }
0xd6: {  	[tilespmem:s16+$0x160] =	vst v1  }
0xd7: {  	v1 =	vld.idx.msk [tilespmem:v0+s12+$0x0], $0xffff;
	_ =	sdelay $0x4  }
0xd8: {  	[tilespmem:s16+$0x1E0] =	vst v1  }
0xd9: {  	v0 =	vld.idx.msk [tilespmem:v0+s13+$0x0], $0xffff;
	_ =	sdelay $0x4  }
0xda: {  	[tilespmem:s16+$0x260] =	vst v0  }
0xdb: {  	v0 =	vld [tilespmem:s18+$0x79B0];
	_ =	sdelay $0x7  }
0xdc: {  	v1 =	vld.idx.msk [tilespmem:v0+s2+$0x0], $0xffff;
	_ =	sdelay $0x4  }
0xdd: {  	[tilespmem:s16+$0x170] =	vst v1  }
0xde: {  	v1 =	vld.idx.msk [tilespmem:v0+s12+$0x0], $0xffff;
	_ =	sdelay $0x4  }
0xdf: {  	[tilespmem:s16+$0x1F0] =	vst v1  }
0xe0: {  	v0 =	vld.idx.msk [tilespmem:v0+s13+$0x0], $0xffff;
	_ =	sdelay $0x4  }
0xe1: {  	[tilespmem:s16+$0x270] =	vst v0  }
0xe2: {  	v0 =	vld [tilespmem:s18+$0x79C0];
	_ =	sdelay $0x7  }
0xe3: {  	v1 =	vld.idx.msk [tilespmem:v0+s2+$0x0], $0xffff;
	_ =	sdelay $0x4  }
0xe4: {  	[tilespmem:s16+$0x180] =	vst v1  }
0xe5: {  	v1 =	vld.idx.msk [tilespmem:v0+s12+$0x0], $0xffff;
	_ =	sdelay $0x4  }
0xe6: {  	[tilespmem:s16+$0x200] =	vst v1  }
0xe7: {  	v0 =	vld.idx.msk [tilespmem:v0+s13+$0x0], $0xffff;
	_ =	sdelay $0x4  }
0xe8: {  	[tilespmem:s16+$0x280] =	vst v0  }
0xe9: {  	v0 =	vld [tilespmem:s18+$0x79D0];
	_ =	sdelay $0x7  }
0xea: {  	v1 =	vld.idx.msk [tilespmem:v0+s2+$0x0], $0xffff;
	_ =	sdelay $0x4  }
0xeb: {  	[tilespmem:s16+$0x190] =	vst v1  }
0xec: {  	v1 =	vld.idx.msk [tilespmem:v0+s12+$0x0], $0xffff;
	_ =	sdelay $0x4  }
0xed: {  	[tilespmem:s16+$0x210] =	vst v1  }
0xee: {  	v0 =	vld.idx.msk [tilespmem:v0+s13+$0x0], $0xffff;
	_ =	sdelay $0x4  }
0xef: {  	[tilespmem:s16+$0x290] =	vst v0  }
0xf0: {  	v0 =	vld [tilespmem:s18+$0x79E0];
	_ =	sdelay $0x7  }
0xf1: {  	v1 =	vld.idx.msk [tilespmem:v0+s2+$0x0], $0xffff;
	_ =	sdelay $0x4  }
0xf2: {  	[tilespmem:s16+$0x1A0] =	vst v1  }
0xf3: {  	v1 =	vld.idx.msk [tilespmem:v0+s12+$0x0], $0xffff;
	_ =	sdelay $0x4  }
0xf4: {  	[tilespmem:s16+$0x220] =	vst v1  }
0xf5: {  	v0 =	vld.idx.msk [tilespmem:v0+s13+$0x0], $0xffff;
	_ =	sdelay $0x4  }
0xf6: {  	[tilespmem:s16+$0x2A0] =	vst v0  }
0xf7: {  	v0 =	vld [tilespmem:s18+$0x79F0];
	_ =	sdelay $0x7  }
0xf8: {  	v1 =	vld.idx.msk [tilespmem:v0+s2+$0x0], $0xffff;
	_ =	sdelay $0x4  }
0xf9: {  	[tilespmem:s16+$0x1B0] =	vst v1  }
0xfa: {  	v1 =	vld.idx.msk [tilespmem:v0+s12+$0x0], $0xffff;
	_ =	sdelay $0x4  }
0xfb: {  	[tilespmem:s16+$0x230] =	vst v1  }
0xfc: {  	v0 =	vld.idx.msk [tilespmem:v0+s13+$0x0], $0xffff;
	_ =	sdelay $0x4  }
0xfd: {  	[tilespmem:s16+$0x2B0] =	vst v0  }
0xfe: {  	v0 =	vld [tilespmem:s18+$0x7A00];
	_ =	sdelay $0x7  }
0xff: {  	v1 =	vld.idx.msk [tilespmem:v0+s2+$0x0], $0xffff;
	_ =	sdelay $0x4  }
0x100: {  	[tilespmem:s16+$0x340] =	vst v1  }
0x101: {  	v1 =	vld.idx.msk [tilespmem:v0+s12+$0x0], $0xffff;
	_ =	sdelay $0x4  }
0x102: {  	[tilespmem:s16+$0x3C0] =	vst v1  }
0x103: {  	v0 =	vld.idx.msk [tilespmem:v0+s13+$0x0], $0xffff;
	_ =	sdelay $0x4  }
0x104: {  	[tilespmem:s16+$0x440] =	vst v0  }
0x105: {  	v0 =	vld [tilespmem:s18+$0x7A10];
	_ =	sdelay $0x7  }
0x106: {  	v1 =	vld.idx.msk [tilespmem:v0+s2+$0x0], $0xffff;
	_ =	sdelay $0x4  }
0x107: {  	[tilespmem:s16+$0x350] =	vst v1  }
0x108: {  	v1 =	vld.idx.msk [tilespmem:v0+s12+$0x0], $0xffff;
	_ =	sdelay $0x4  }
0x109: {  	[tilespmem:s16+$0x3D0] =	vst v1  }
0x10a: {  	v0 =	vld.idx.msk [tilespmem:v0+s13+$0x0], $0xffff;
	_ =	sdelay $0x4  }
0x10b: {  	[tilespmem:s16+$0x450] =	vst v0  }
0x10c: {  	v0 =	vld [tilespmem:s18+$0x7A20];
	_ =	sdelay $0x7  }
0x10d: {  	v1 =	vld.idx.msk [tilespmem:v0+s2+$0x0], $0xffff;
	_ =	sdelay $0x4  }
0x10e: {  	[tilespmem:s16+$0x360] =	vst v1  }
0x10f: {  	v1 =	vld.idx.msk [tilespmem:v0+s12+$0x0], $0xffff;
	_ =	sdelay $0x4  }
0x110: {  	[tilespmem:s16+$0x3E0] =	vst v1  }
0x111: {  	v0 =	vld.idx.msk [tilespmem:v0+s13+$0x0], $0xffff;
	_ =	sdelay $0x4  }
0x112: {  	[tilespmem:s16+$0x460] =	vst v0  }
0x113: {  	v0 =	vld [tilespmem:s18+$0x7A30];
	_ =	sdelay $0x7  }
0x114: {  	v1 =	vld.idx.msk [tilespmem:v0+s2+$0x0], $0xffff;
	_ =	sdelay $0x4  }
0x115: {  	[tilespmem:s16+$0x370] =	vst v1  }
0x116: {  	v1 =	vld.idx.msk [tilespmem:v0+s12+$0x0], $0xffff;
	_ =	sdelay $0x4  }
0x117: {  	[tilespmem:s16+$0x3F0] =	vst v1  }
0x118: {  	v0 =	vld.idx.msk [tilespmem:v0+s13+$0x0], $0xffff;
	_ =	sdelay $0x4  }
0x119: {  	[tilespmem:s16+$0x470] =	vst v0  }
0x11a: {  	v0 =	vld [tilespmem:s18+$0x7A40];
	_ =	sdelay $0x7  }
0x11b: {  	v1 =	vld.idx.msk [tilespmem:v0+s2+$0x0], $0xffff;
	_ =	sdelay $0x4  }
0x11c: {  	[tilespmem:s16+$0x380] =	vst v1  }
0x11d: {  	v1 =	vld.idx.msk [tilespmem:v0+s12+$0x0], $0xffff;
	_ =	sdelay $0x4  }
0x11e: {  	[tilespmem:s16+$0x400] =	vst v1  }
0x11f: {  	v0 =	vld.idx.msk [tilespmem:v0+s13+$0x0], $0xffff;
	_ =	sdelay $0x4  }
0x120: {  	[tilespmem:s16+$0x480] =	vst v0  }
0x121: {  	v0 =	vld [tilespmem:s18+$0x7A50];
	_ =	sdelay $0x7  }
0x122: {  	v1 =	vld.idx.msk [tilespmem:v0+s2+$0x0], $0xffff;
	_ =	sdelay $0x4  }
0x123: {  	[tilespmem:s16+$0x390] =	vst v1  }
0x124: {  	v1 =	vld.idx.msk [tilespmem:v0+s12+$0x0], $0xffff;
	_ =	sdelay $0x4  }
0x125: {  	[tilespmem:s16+$0x410] =	vst v1  }
0x126: {  	v0 =	vld.idx.msk [tilespmem:v0+s13+$0x0], $0xffff;
	_ =	sdelay $0x4  }
0x127: {  	[tilespmem:s16+$0x490] =	vst v0  }
0x128: {  	v0 =	vld [tilespmem:s18+$0x7A60];
	_ =	sdelay $0x7  }
0x129: {  	v1 =	vld.idx.msk [tilespmem:v0+s2+$0x0], $0xffff;
	_ =	sdelay $0x4  }
0x12a: {  	[tilespmem:s16+$0x3A0] =	vst v1  }
0x12b: {  	v1 =	vld.idx.msk [tilespmem:v0+s12+$0x0], $0xffff;
	_ =	sdelay $0x4  }
0x12c: {  	[tilespmem:s16+$0x420] =	vst v1  }
0x12d: {  	v0 =	vld.idx.msk [tilespmem:v0+s13+$0x0], $0xffff;
	_ =	sdelay $0x4  }
0x12e: {  	[tilespmem:s16+$0x4A0] =	vst v0  }
0x12f: {  	v0 =	vld [tilespmem:s18+$0x7A70];
	_ =	sdelay $0x7  }
0x130: {  	v1 =	vld.idx.msk [tilespmem:v0+s2+$0x0], $0xffff;
	_ =	sdelay $0x4  }
0x131: {  	[tilespmem:s16+$0x3B0] =	vst v1  }
0x132: {  	v1 =	vld.idx.msk [tilespmem:v0+s12+$0x0], $0xffff;
	_ =	sdelay $0x4  }
0x133: {  	[tilespmem:s16+$0x430] =	vst v1  }
0x134: {  	p0 =	sne.s32 s17, $0x4600;
	v0 =	vld.idx.msk [tilespmem:v0+s13+$0x0], $0xffff  }
.Ltmp0:
0x135: {  	_ = 	snop;
	(pc) =	sbr.rel @p0 .LBB2_2-.Ltmp0, $2  }
0x136: {  	_ =	sdelay $0x2  }
0x137: {  	s17 =	sadd.s32 $0xA00, s17;
	[tilespmem:s16+$0x4B0] =	vst v0;
	s16 =	sadd.s32 $0xA00, s16  }
0x138: {  	s16 =	simm.s32 $0x8C00  }
0x139: {  	s20 =	sadd.s32 $0x0, s7;
	s26 =	simm.s32 $0x8E00;
	s28 =	simm.s32 $0x9000  }
0x13a: {  	[hbm4b:s20+s2] =	stream.linear.scatter [tilespmem:s16], [sflag:$0x1], $0x180, $0x38;
	[tilespmem:$0xDC00] =	vst v63  }
0x13b: {  	s30 =	simm.s32 $0x9200;
	s18 =	simm.s32 $0x5000;
	s17 =	sadd.s32 $0x80, s20  }
0x13c: {  	[hbm4b:s17+s2] =	stream.linear.scatter [tilespmem:s26], [sflag:$0x1], $0x180, $0x38;
	[tilespmem:$0xDC00] =	vst v63  }
0x13d: {  	s19 =	simm.s32 $0x9400;
	s29 =	sadd.s32 $0x100, s20;
	s31 =	sadd.s32 $0x180, s20  }
0x13e: {  	[hbm4b:s29+s2] =	stream.linear.scatter [tilespmem:s28], [sflag:$0x1], $0x180, $0x38;
	[tilespmem:$0xDC00] =	vst v63  }
0x13f: {  	s16 =	simm.s32 $0xA00;
	s20 =	sadd.s32 $0x200, s20;
	s17 =	simm.s32 $0x2800  }
0x140: {  	[hbm4b:s31+s2] =	stream.linear.scatter [tilespmem:s30], [sflag:$0x1], $0x180, $0x38;
	[tilespmem:$0xDC00] =	vst v63  }
.LBB2_4:
0x141: {  	[hbm4b:s20+s2] =	stream.linear.scatter [tilespmem:s19], [sflag:$0x1], $0x180, $0x38;
	[tilespmem:$0xDC00] =	vst v63  }
0x142: {  	s19 =	smov.u32 s17;
	s17 =	smov.u32 s18;
	s21 =	sshra.s32 s18, $0x2  }
0x143: {  	s20 =	sadd.s32 $0x8C00, s16;
	s23 =	sadd.s32 $0x2800, s18;
	s22 =	sadd.s32 s19, s7  }
0x144: {  	[hbm4b:s22+s2] =	stream.linear.scatter [tilespmem:s20], [sflag:$0x1], $0x180, $0x38;
	[tilespmem:$0xDC00] =	vst v63  }
0x145: {  	p0 =	sne.s32 s18, $0x11800;
	s19 =	sadd.s32 $0x8E00, s16;
	s20 =	sadd.s32 $0x80, s22  }
0x146: {  	[hbm4b:s20+s2] =	stream.linear.scatter [tilespmem:s19], [sflag:$0x1], $0x180, $0x38;
	[tilespmem:$0xDC00] =	vst v63  }
.Ltmp1:
0x147: {  	s19 =	sadd.s32 $0x9000, s16;
	s20 =	sadd.s32 $0x100, s22;
	(pc) =	sbr.rel @p0 .LBB2_4-.Ltmp1, $4  }
0x148: {  	[hbm4b:s20+s2] =	stream.linear.scatter [tilespmem:s19], [sflag:$0x1], $0x180, $0x38;
	[tilespmem:$0xDC00] =	vst v63  }
0x149: {  	s18 =	sadd.s32 $0x9200, s16;
	s19 =	sadd.s32 $0x180, s22;
	s20 =	sadd.s32 $0x200, s22  }
0x14a: {  	[hbm4b:s19+s2] =	stream.linear.scatter [tilespmem:s18], [sflag:$0x1], $0x180, $0x38;
	[tilespmem:$0xDC00] =	vst v63  }
0x14b: {  	s19 =	sadd.s32 $0x9400, s16;
	s16 =	smov.u32 s21;
	s18 =	smov.u32 s23  }
0x14c: {  	[hbm4b:s20+s2] =	stream.linear.scatter [tilespmem:s19], [sflag:$0x1], $0x180, $0x38;
	[tilespmem:$0xDC00] =	vst v63  }
0x14d: {  	s18 =	sadd.s32 $0x8C00, s16;
	s17 =	sadd.s32 s17, s7  }
0x14e: {  	[hbm4b:s17+s2] =	stream.linear.scatter [tilespmem:s18], [sflag:$0x1], $0x180, $0x38;
	[tilespmem:$0xDC00] =	vst v63  }
0x14f: {  	s24 =	sadd.s32 $0x8E00, s16;
	s25 =	sadd.s32 $0x80, s17  }
0x150: {  	[hbm4b:s25+s2] =	stream.linear.scatter [tilespmem:s24], [sflag:$0x1], $0x180, $0x38;
	[tilespmem:$0xDC00] =	vst v63  }
0x151: {  	s26 =	sadd.s32 $0x9000, s16;
	s15 =	sadd.s32 $0x1, s15;
	s28 =	sadd.s32 $0x100, s17  }
0x152: {  	[hbm4b:s28+s2] =	stream.linear.scatter [tilespmem:s26], [sflag:$0x1], $0x180, $0x38;
	[tilespmem:$0xDC00] =	vst v63  }
0x153: {  	s29 =	sadd.s32 $0x9200, s16;
	s30 =	sadd.s32 $0x180, s17;
	p0 =	sne.s32 s15, s8  }
0x154: {  	[hbm4b:s30+s2] =	stream.linear.scatter [tilespmem:s29], [sflag:$0x1], $0x180, $0x38;
	[tilespmem:$0xDC00] =	vst v63  }
.Ltmp2:
0x155: {  	s31 =	sadd.s32 $0x9400, s16;
	s17 =	sadd.s32 $0x200, s17;
	(pc) =	sbr.rel @p0 .LBB2_1-.Ltmp2, $4  }
0x156: {  	[hbm4b:s17+s2] =	stream.linear.scatter [tilespmem:s31], [sflag:$0x1], $0x180, $0x38;
	[tilespmem:$0xDC00] =	vst v63  }
0x157: {  	_ =	swait.ge [sflag:s11], $0x3C00  }
0x158: {  	[sflag:s11] =	ssyncset.done $0x0  }
0x159: {  	[sflag:s11] =	ssyncadd.s32 $0xFFFFC400  }
0x15a: {  	_ =	sfence.sel $0x180000  }
0x15b: {  	[bflag:$0x0] =	sbarrier.arrive $0xFFFF  }
0x15c: {  	p0 =	sne.s32 s1, $0x0;
	_ =	strace $0x9000004A  }
0x15d: {  	s0 =	sadd.s32 @!p0 $0x100000, s0;
	[bflag:$0x2] =	sbarrier.arrive $0xFFFF  }
0x15e: {  	[sflag:s0] =	ssyncadd.tile.s32 @!p0 $0x1;
	_ =	shalt  }
.Lfunc_end2:
_tile_overlayer_lowered:
.L_overlay_start_2:
0x15f: {  	(tag) =	ssettag $0x2  }
0x160: {  	s0 =	rddreg [dreg:$0x0];
	s2 =	stileid.u32  }
0x161: {  	s1 =	rddreg [dreg:$0x1];
	p0 =	sne.s32 s2, $0x0  }
0x162: {  	s3 =	rddreg [dreg:$0x2];
	[bflag:$0x3] =	sbarrier.arrive $0xFFFF;
	s2 =	simm.s32 @!p0 $0x1C01  }
0x163: {  	[timem:s3], [sflag:s2] =	dma.local @!p0 [hbm:s0], s1  }
0x164: {  	s0 =	simm.s32 @!p0 $0x1  }
0x165: {  	_ =	swait.ge @!p0 [sflag:s0], s1  }
0x166: {  	s1 =	ssub.s32 @!p0 $0x0, s1;
	[sflag:s0] =	ssyncset.done @!p0 $0x0  }
0x167: {  	[sflag:s0] =	ssyncadd.s32 @!p0 s1  }
0x168: {  	[bflag:$0x3] =	sbarrier.arrive $0xFFFF  }
0x169: {  	_ =	shalt  }

// kernel: kernel.13.cloned.1.call-start
scs
__scs_entry_jumppad:
0x0: {  	(pc) =	sbr.rel $0x88, $3  }
0x1: {  	(tag) =	ssettag $0x0;
	lr =	simm.s32 $0x1  }
0x2: {  	[smem:$0x3F9B] =	sst lr;
	_ =	strace $0xD0000000  }
0x3: {  	_ = 	snop  }
0x4: {  	_ = 	snop  }
0x5: {  	_ = 	snop  }
0x6: {  	_ = 	snop  }
0x7: {  	_ = 	snop  }
__scs_overlays_trampoline_lowered:
0x8: {  	[smem:$0x3FAA] =	sst s0  }
0x9: {  	[smem:$0x3FAB] =	sst s1  }
0xa: {  	[smem:$0x3FAC] =	sst s2  }
0xb: {  	[smem:$0x3FAD] =	sst s3  }
0xc: {  	[smem:$0x3FAE] =	sst s4  }
0xd: {  	[smem:$0x3FAF] =	sst s5  }
0xe: {  	[smem:$0x3FB0] =	sst s6  }
0xf: {  	[smem:$0x3FB1] =	sst s7  }
0x10: {  	[smem:$0x3FB2] =	sst s8  }
0x11: {  	[smem:$0x3FB3] =	sst s9;
	s0 =	simm.s32 @!p0 $0x0  }
0x12: {  	s1 =	sld [smem:$0x3F99];
	s0 =	simm.s32 @p0 $0x1  }
0x13: {  	[smem:$0x3FB4] =	sst s0;
	s0 =	simm.s32 @!p1 $0x0  }
0x14: {  	s2 =	sld [smem:$0x3F98];
	s0 =	simm.s32 @p1 $0x1  }
0x15: {  	[smem:$0x3FB5] =	sst s0;
	s0 =	simm.s32 @!p2 $0x0  }
0x16: {  	s3 =	sld [smem:$0x3FDB];
	s0 =	simm.s32 @p2 $0x1  }
0x17: {  	s4 =	simm.s32 $0x1BF5;
	[smem:$0x3FB7] =	sst s0  }
0x18: {  	s0 =	sld [smem:$0x3F9A];
	_ =	swait.ge [sflag:s4], $0x0  }
0x19: {  	s7 =	sld [smem:$0x3F9B]  }
0x1a: {  	s8 =	sadd.s32 $0xFFFFE003, lr  }
0x1b: {  	s9 =	sadd.s32 $0xFFFFFEF7, lr;
	s5 =	simm.s32 $0xFFFFFFFF;
	p2 =	slt.u32 s8, $0xFFFFF086  }
0x1c: {  	p1 =	slt.u32 s9, $0xF7A;
	s5 =	simm.s32 @!p2 $0x0  }
0x1d: {  	s5 =	simm.s32 @p1 $0x1;
	p0 =	seq.s32 s7, s2  }
0x1e: {  	s7 =	smul.u32 @!p0 $0xF7A, s2;
	p2 =	seq.s32 @!p0 s5, $0x0  }
0x1f: {  	s9 =	smul.u32 $0xF7A, s1;
	s8 =	simm.s32 @!p0 $0x1BF5;
	p2 =	por !p2, p0  }
0x20: {  	[sflag:s8] =	ssyncset.s32 @!p0 $0xFFFFF086;
	s6 =	sadd.s32 @!p0 s3, s7;
	s7 =	simm.s32 @!p0 $0x108  }
0x21: {  	s3 =	sadd.s32 s3, s9;
	s6 =	sadd.s32 @!p0 $0x88, s6;
	s7 =	simm.s32 @p2 $0x1082  }
0x22: {  	[simem:s7], [sflag:s8] =	dma.local @!p0 [hbm:s6], $0xF7A  }
0x23: {  	s9 =	sor.u32 $0xD0000000, s2;
	s6 =	simm.s32 $0x108;
	_ =	swait.ge @!p0 [sflag:s8], $0x0  }
0x24: {  	s3 =	sadd.s32 $0x88, s3;
	s6 =	simm.s32 @!p1 $0x1082;
	[sflag:s4] =	ssyncset.s32 $0xFFFFF086  }
0x25: {  	[simem:s6], [sflag:s4] =	dma.local [hbm:s3], $0xF7A  }
0x26: {  	[smem:$0x3F9B] =	sst s1;
	(tag) =	ssettag s2;
	_ =	strace s9  }
0x27: {  	s1 =	sld [smem:$0x3FAB]  }
0x28: {  	s2 =	sld [smem:$0x3FAC]  }
0x29: {  	s4 =	sld [smem:$0x3FAE]  }
0x2a: {  	p0 =	seq.s32 s5, $0x0;
	s5 =	sld [smem:$0x3FAF]  }
0x2b: {  	s6 =	sld [smem:$0x3FB0]  }
0x2c: {  	s7 =	sld [smem:$0x3FB1]  }
0x2d: {  	s3 =	simm.s32 $0x108;
	s8 =	sld [smem:$0x3FB2]  }
0x2e: {  	s3 =	simm.s32 @!p0 $0x1082;
	s9 =	sld [smem:$0x3FB3]  }
0x2f: {  	lr =	sadd.s32 s0, s3;
	s0 =	sld [smem:$0x3FAA]  }
0x30: {  	s3 =	sld [smem:$0x3FAD]  }
0x31: {  	[smem:$0x3FB6] =	sst s10  }
0x32: {  	s10 =	sld [smem:$0x3FB4];
	_ =	sdelay $0x3  }
0x33: {  	p0 =	seq.s32 s10, $0x1;
	s10 =	sld [smem:$0x3FB6];
	_ =	sdelay $0x3  }
0x34: {  	[smem:$0x3FB6] =	sst s10  }
0x35: {  	s10 =	sld [smem:$0x3FB5];
	_ =	sdelay $0x3  }
0x36: {  	p1 =	seq.s32 s10, $0x1;
	s10 =	sld [smem:$0x3FB6];
	_ =	sdelay $0x3  }
0x37: {  	[smem:$0x3FB6] =	sst s10  }
0x38: {  	s10 =	sld [smem:$0x3FB7]  }
0x39: {  	_ = 	snop;
	(pc) =	sbr.ind lr, $3  }
0x3a: {  	_ = 	snop  }
0x3b: {  	_ = 	snop  }
0x3c: {  	p2 =	seq.s32 s10, $0x1;
	s10 =	sld [smem:$0x3FB6]  }
0x3d: {  	_ =	shalt  }
0x3e: {  	_ =	shalt  }
0x3f: {  	_ =	shalt  }
0x40: {  	_ =	shalt  }
0x41: {  	_ =	shalt  }
0x42: {  	_ =	shalt  }
0x43: {  	_ =	shalt  }
0x44: {  	_ =	shalt  }
0x45: {  	_ =	shalt  }
0x46: {  	_ =	shalt  }
0x47: {  	_ =	shalt  }
0x48: {  	_ =	shalt  }
0x49: {  	_ =	shalt  }
0x4a: {  	_ =	shalt  }
0x4b: {  	_ =	shalt  }
0x4c: {  	_ =	shalt  }
0x4d: {  	_ =	shalt  }
0x4e: {  	_ =	shalt  }
0x4f: {  	_ =	shalt  }
0x50: {  	_ =	shalt  }
0x51: {  	_ =	shalt  }
0x52: {  	_ =	shalt  }
0x53: {  	_ =	shalt  }
0x54: {  	_ =	shalt  }
0x55: {  	_ =	shalt  }
0x56: {  	_ =	shalt  }
0x57: {  	_ =	shalt  }
0x58: {  	_ =	shalt  }
0x59: {  	_ =	shalt  }
0x5a: {  	_ =	shalt  }
0x5b: {  	_ =	shalt  }
0x5c: {  	_ =	shalt  }
0x5d: {  	_ =	shalt  }
0x5e: {  	_ =	shalt  }
0x5f: {  	_ =	shalt  }
0x60: {  	_ =	shalt  }
0x61: {  	_ =	shalt  }
0x62: {  	_ =	shalt  }
0x63: {  	_ =	shalt  }
0x64: {  	_ =	shalt  }
0x65: {  	_ =	shalt  }
0x66: {  	_ =	shalt  }
0x67: {  	_ =	shalt  }
0x68: {  	_ =	shalt  }
0x69: {  	_ =	shalt  }
0x6a: {  	_ =	shalt  }
0x6b: {  	_ =	shalt  }
0x6c: {  	_ =	shalt  }
0x6d: {  	_ =	shalt  }
0x6e: {  	_ =	shalt  }
0x6f: {  	_ =	shalt  }
0x70: {  	_ =	shalt  }
0x71: {  	_ =	shalt  }
0x72: {  	_ =	shalt  }
0x73: {  	_ =	shalt  }
0x74: {  	_ =	shalt  }
0x75: {  	_ =	shalt  }
0x76: {  	_ =	shalt  }
0x77: {  	_ =	shalt  }
0x78: {  	_ =	shalt  }
0x79: {  	_ =	shalt  }
0x7a: {  	_ =	shalt  }
0x7b: {  	_ =	shalt  }
0x7c: {  	_ =	shalt  }
0x7d: {  	_ =	shalt  }
0x7e: {  	_ =	shalt  }
0x7f: {  	_ =	shalt  }
0x80: {  	_ =	shalt  }
0x81: {  	_ =	shalt  }
0x82: {  	_ =	shalt  }
0x83: {  	_ =	shalt  }
0x84: {  	_ =	shalt  }
0x85: {  	_ =	shalt  }
0x86: {  	_ =	shalt  }
0x87: {  	_ =	shalt  }
.Lfunc_end0:
.L_simem_size_0:
called_computation.1_lowered:
.L_overlay_start_0:
0x88: {  	s2 =	sld [smem:$0x3FD9]  }
0x89: {  	s3 =	sld [smem:$0x3FFE];
	_ =	sdelay $0x1  }
0x8a: {  	s1 =	srdreg.scid  }
0x8b: {  	s0 =	sand.u32 $0x1, s1  }
0x8c: {  	s17 =	sshll.u32 s0, $0xA;
	s2 =	sadd.s32 s3, s2  }
0x8d: {  	s2 =	sadd.s32 s2, s17  }
0x8e: {  	[smem:$0x3FC2] =	sst s2  }
0x8f: {  	_ = 	snop  }
0x90: {  	s18 =	sld [smem:$0x3FD0];
	(tm) =	ssettm $0x1  }
0x91: {  	s19 =	sld [smem:$0x3FFB];
	_ =	sdelay $0x3  }
0x92: {  	_ =	strace s19  }
0x93: {  	s2 =	sld [smem:$0x3FFC];
	_ =	sdelay $0x3  }
0x94: {  	_ =	strace s2  }
0x95: {  	s2 =	sld [smem:$0x3FFD];
	_ =	sdelay $0x3  }
0x96: {  	_ =	strace s2  }
0x97: {  	_ =	strace $0x8FFFFFFF  }
0x98: {  	s20 =	sld [smem:$0x3FDB];
	_ =	sdelay $0x1  }
0x99: {  	s4 =	simm.s32 $_scs_section_size  }
0x9a: {  	s5 =	simm.s32 $_size__tile_overlayer_lowered;
	s6 =	simm.s32 $_tile_overlayer_lowered  }
0x9b: {  	s7 =	simm.s32 $0x1BFF;
	s21 =	sshll.u32 s6, $0x1;
	s4 =	sadd.s32 s4, s20  }
0x9c: {  	s22 =	simm.s32 $0x0;
	s5 =	sshll.u32 s5, $0x1;
	s6 =	sadd.s32 s21, s4  }
0x9d: {  	[timem:s22], [sflag:s7] =	dma.local [hbm:s6], s5  }
0x9e: {  	_ =	swait.ge [sflag:s7], s5  }
0x9f: {  	s5 =	ssub.s32 $0x0, s5;
	[sflag:s7] =	ssyncset.done $0x0  }
0xa0: {  	[sflag:s7] =	ssyncadd.s32 s5;
	_ =	sdelay $0x1  }
0xa1: {  	s23 =	simm.s32 $0x1B8B  }
0xa2: {  	_ =	swait.ge [sflag:s23], $0x1  }
0xa3: {  	[sflag:s23] =	ssyncset.done $0x0  }
0xa4: {  	[sflag:s23] =	ssyncadd.s32 $0xFFFFFFFF  }
0xa5: {  	s5 =	sld [smem:$0x0]  }
0xa6: {  	s6 =	sand.u32 $0xFFFFFFFE, s1  }
0xa7: {  	p0 =	sne.s32 s1, s6  }
0xa8: {  	s6 =	sshll.u32 @p0 s6, $0xE  }
0xa9: {  	s6 =	sadd.s32 @p0 $0x11B8D, s6;
	s7 =	sshll.u32 @p0 s5, $0x11  }
0xaa: {  	s6 =	sor.u32 @p0 s7, s6  }
0xab: {  	[sflag:s6] =	ssyncadd.remote.s32 @p0 $0x1;
	_ =	sdelay $0x1  }
0xac: {  	s6 =	simm.s32 @p0 $0x1B8D  }
0xad: {  	_ =	swait.eq @p0 [sflag:s6], $0x1  }
0xae: {  	[sflag:s6] =	ssyncadd.s32 @p0 $0xFFFFFFFF  }
0xaf: {  	s7 =	sshll.u32 @!p0 s1, $0xE  }
0xb0: {  	s7 =	sor.u32 @!p0 $0x4000, s7;
	s6 =	simm.s32 @!p0 $0x1B8D  }
0xb1: {  	s5 =	sshll.u32 @!p0 s5, $0x11;
	s7 =	sadd.s32 @!p0 $0x11B8D, s7;
	_ =	swait.eq @!p0 [sflag:s6], $0x1  }
0xb2: {  	s5 =	sor.u32 @!p0 s5, s7;
	[sflag:s6] =	ssyncadd.s32 @!p0 $0xFFFFFFFF  }
0xb3: {  	s25 =	simm.s32 $0x1B8E;
	s24 =	sld [smem:$0x3FFE];
	[sflag:s5] =	ssyncadd.remote.s32 @!p0 $0x1  }
0xb4: {  	s26 =	simm.s32 $execute0_lowered;
	[smem:$0x3FD2] =	sst s25  }
0xb5: {  	s6 =	sshll.u32 s26, $0x1;
	_ =	strace $0x8000004F;
	[dreg:$0x1] =	wrdreg $0xFFFFFFFF  }
0xb6: {  	s28 =	simm.s32 $_size_execute0_lowered;
	s4 =	sadd.s32 s4, s6;
	[dreg:$0x0] =	wrdreg $0x0  }
0xb7: {  	s6 =	sshll.u32 s28, $0x1;
	[dreg:$0x2] =	wrdreg s4  }
0xb8: {  	[dreg:$0x3] =	wrdreg s6  }
0xb9: {  	[dreg:$0x4] =	wrdreg $0xC0  }
0xba: {  	_ =	task [dreg:s22], $0x5FFFF  }
0xbb: {  	[dreg:$0x1] =	wrdreg $0xFFFFFFFF  }
0xbc: {  	[dreg:$0x0] =	wrdreg $0x60  }
0xbd: {  	[dreg:$0x2] =	wrdreg s24  }
0xbe: {  	[dreg:$0x3] =	wrdreg s18  }
0xbf: {  	[dreg:$0x4] =	wrdreg $0x94000  }
0xc0: {  	[dreg:$0x5] =	wrdreg $0x9  }
0xc1: {  	_ =	task.clear_ibuf [dreg:s22], $0x6FFFF;
	_ =	strace $0x9000004F  }
0xc2: {  	s29 =	simm.s32 $0x9;
	_ =	strace $0x80000051  }
0xc3: {  	_ =	swait.ge [sflag:s29], $0x1  }
0xc4: {  	[sflag:s29] =	ssyncadd.s32 $0xFFFFFFFF  }
0xc5: {  	_ =	strace $0x90000051  }
0xc6: {  	_ =	sfence  }
0xc7: {  	s30 =	sld [smem:$0x0];
	_ =	sdelay $0x2  }
0xc8: {  	s31 =	sshll.u32 s1, $0xD;
	s1 =	sshrl.u32 s1, $0x2  }
0xc9: {  	s4 =	sand.u32 $0x4000, s31;
	s1 =	sadd.s32 s1, s30  }
0xca: {  	s0 =	sor.u32 s4, s0;
	s1 =	sshll.u32 s1, $0x11  }
0xcb: {  	s0 =	sor.u32 s1, s0  }
0xcc: {  	s0 =	sadd.s32 $0x8F2B, s0  }
0xcd: {  	[sflag:s0] =	ssyncadd.remote.s32 $0x1  }
0xce: {  	_ =	sfence.sel $0xFFFF  }
0xcf: {  	[dreg:$0x0] =	wrdreg $0xFFFFFFFF;
	(pc) =	sbr.abs _section_cstart, $3  }
0xd0: {  	[dreg:$0x1] =	wrdreg $0xFFFFFFFF  }
0xd1: {  	_ =	task.clear_ibuf [dreg:s22], $0x2FFFF;
	_ =	strace $0x9FFFFFFF  }
0xd2: {  	(tm) =	ssettm $0x7FFFFFFF  }
0xd3: {  	_ =	shalt  }
tec
execute0_lowered:
.L_overlay_start_1:
0x0: {  	(tag) =	ssettag $0x1  }
0x1: {  	s6 =	rddreg [dreg:$0x0]  }
0x2: {  	s7 =	rddreg [dreg:$0x1]  }
0x3: {  	s2 =	rddreg [dreg:$0x2]  }
0x4: {  	s0 =	rddreg [dreg:$0x3]  }
0x5: {  	s4 =	srdreg.scid;
	s1 =	stileid.u32  }
0x6: {  	s3 =	simm.s32 $0x0;
	s15 =	simm.s32 $0x4000;
	s9 =	smul.u32 $0x14000, s1  }
0x7: {  	s16 =	simm.s32 $0x1;
	s17 =	simm.s32 $0x80;
	s11 =	smul.u32 $0x5000, s1  }
0x8: {  	s18 =	simm.s32 $0x2;
	s8 =	sand.u32 $0x1, s4;
	s26 =	smul.u32 $0x50000, s1  }
0x9: {  	s19 =	simm.s32 $0x0;
	[smem:$0x7FF] =	sst s3;
	s5 =	smul.u32 $0x140000, s8  }
0xa: {  	s4 =	sadd.s32 $0x3C5000, s6;
	s31 =	sshll.u32 s1, $0x6;
	s12 =	smul.u32 $0x1400, s8  }
0xb: {  	_ =	strace $0x80000050;
	s25 =	ssub.s32 $0x2, s8;
	s8 =	smul.u32 $0xA00000, s8  }
0xc: {  	s13 =	sshrl.u32 s25, $0x1;
	s30 =	sshrl.u32 s26, $0x2;
	s10 =	sadd.s32 s9, s5  }
0xd: {  	s5 =	sadd.s32 $0x5000, s6;
	s11 =	sadd.s32 s12, s11;
	s13 =	ssub.s32 s25, s13  }
0xe: {  	s29 =	sor.u32 s9, s8;
	s14 =	sadd.s32 s30, s2;
	s12 =	simm.s32 $0x3  }
0xf: {  	s10 =	sshrl.u32 s10, $0x3;
	s28 =	sshrl.u32 s11, $0x3;
	s8 =	sshrl.u32 s29, $0x3  }
0x10: {  	s9 =	smax.u32 s13, $0x1;
	s11 =	sadd.s32 $0x8000, s29;
	s13 =	sor.u32 $0x1C03, s31  }
0x11: {  	s14 =	sshrl.u32 s14, $0x3;
	s10 =	sadd.s32 s10, s6;
	s6 =	sadd.s32 s7, s28  }
0x12: {  	s7 =	sadd.s32 s4, s8;
	s8 =	sadd.s32 $0x7800, s10;
	s10 =	sadd.s32 $0x4000, s29  }
.LBB2_1:
0x13: {  	s21 =	simm.s32 $0x8000  }
0x14: {  	[tilespmem:s21], [sflag:$0x3] =	stream.linear.gather [hbm4b:s6+s3], $0x1400, $0x38;
	[tilespmem:$0x1D400] =	vst v63  }
0x15: {  	s20 =	smulhi.u32 $0xCCCCCCCD, s16;
	_ =	swait.ge [sflag:s12], $0x1400  }
0x16: {  	[sflag:s12] =	ssyncset.done $0x0  }
0x17: {  	s20 =	sshrl.u32 s20, $0x2;
	[sflag:s12] =	ssyncadd.s32 $0xFFFFEC00  }
0x18: {  	[spmem:s14], [sflag:s13] =	dma.local [hbm:s5], $0x2800  }
0x19: {  	s20 =	smul.u32 $0x12C000, s20;
	_ =	swait.ge [sflag:s12], $0x2800  }
0x1a: {  	[sflag:s12] =	ssyncset.done $0x0  }
0x1b: {  	s20 =	sadd.s32 s20, s10;
	[sflag:s12] =	ssyncadd.s32 $0xFFFFD800  }
0x1c: {  	s20 =	sshrl.u32 s20, $0x3;
	[bflag:$0x0] =	sbarrier.arrive $0xFFFF  }
0x1d: {  	[tilespmem:s3], [sflag:$0x1] =	stream.linear.gather [hbm4b:s7+s3], $0x4000, $0x38;
	[tilespmem:$0x1D400] =	vst v63  }
0x1e: {  	s22 =	smulhi.u32 $0xCCCCCCCD, s18;
	s20 =	sadd.s32 s4, s20  }
0x1f: {  	[tilespmem:s15], [sflag:$0x2] =	stream.linear.gather [hbm4b:s20+s3], $0x4000, $0x38;
	[tilespmem:$0x1D400] =	vst v63  }
0x20: {  	_ =	swait.ge [sflag:s16], $0x4000  }
0x21: {  	s29 =	sshrl.u32 s22, $0x2;
	[sflag:s16] =	ssyncset.done $0x0  }
0x22: {  	p0 =	por $0x0, $0x0;
	s22 =	smul.u32 $0x12C000, s29;
	[sflag:s16] =	ssyncadd.s32 $0xFFFFC000  }
0x23: {  	[spmem:s2] =	stream.indirect.scatter.add.f32 [tilespmem:s3], [sflag:$0x3], $0x80, s21, s17, $0xb8;
	[tilespmem:$0x1D400] =	vst v63  }
0x24: {  	s20 =	simm.s32 $0x3;
	s21 =	sadd.s32 s22, s11;
	_ =	swait.ge [sflag:s12], $0x4000  }
0x25: {  	s23 =	smulhi.u32 $0xCCCCCCCD, s20;
	s21 =	sshrl.u32 @!p0 s21, $0x3;
	[sflag:s12] =	ssyncset.done $0x0  }
0x26: {  	s22 =	simm.s32 @!p0 $0x0;
	s21 =	sadd.s32 @!p0 s4, s21;
	[sflag:s12] =	ssyncadd.s32 $0xFFFFC000  }
0x27: {  	[tilespmem:s22], [sflag:$0x1] =	stream.linear.gather @!p0 [hbm4b:s21+s22], $0x4000, $0x38;
	[tilespmem:$0x1D400] =	vst v63  }
0x28: {  	s24 =	simm.s32 $0x6;
	s25 =	sadd.s32 $0x8000, s10;
	_ =	swait.ge [sflag:s18], $0x4000  }
0x29: {  	s31 =	simm.s32 $0x8080;
	s30 =	sshrl.u32 s23, $0x2;
	[sflag:s18] =	ssyncset.done $0x0  }
0x2a: {  	s23 =	sadd.s32 $0x8000, s11;
	s21 =	smul.u32 $0x12C000, s30;
	[sflag:s18] =	ssyncadd.s32 $0xFFFFC000  }
0x2b: {  	[spmem:s2] =	stream.indirect.scatter.add.f32 [tilespmem:s15], [sflag:$0x3], $0x80, s31, s17, $0xb8;
	[tilespmem:$0x1D400] =	vst v63  }
0x2c: {  	s22 =	simm.s32 $0x4;
	s21 =	sadd.s32 s21, s25;
	_ =	swait.ge [sflag:s12], $0x4000  }
0x2d: {  	s26 =	sshrl.u32 s21, $0x3;
	s21 =	simm.s32 $0x8100;
	[sflag:s12] =	ssyncset.done $0x0  }
.LBB2_2:
0x2e: {  	s28 =	smulhi.u32 $0xCCCCCCCD, s22  }
0x2f: {  	s26 =	sadd.s32 s4, s26;
	[sflag:s12] =	ssyncadd.s32 $0xFFFFC000;
	s29 =	smov.u32 s24  }
0x30: {  	[tilespmem:s15], [sflag:$0x2] =	stream.linear.gather [hbm4b:s26+s3], $0x4000, $0x38;
	[tilespmem:$0x1D400] =	vst v63  }
0x31: {  	s24 =	sadd.s32 $0x2, s24;
	s26 =	sshrl.u32 s28, $0x2;
	_ =	swait.ge [sflag:s16], $0x4000  }
0x32: {  	p0 =	sne.s32 s24, $0x2A;
	s26 =	smul.u32 $0x12C000, s26;
	[sflag:s16] =	ssyncset.done $0x0  }
0x33: {  	s20 =	sadd.s32 $0x2, s20;
	[sflag:s16] =	ssyncadd.s32 $0xFFFFC000  }
0x34: {  	[spmem:s2] =	stream.indirect.scatter.add.f32 [tilespmem:s3], [sflag:$0x3], $0x80, s21, s17, $0xb8;
	[tilespmem:$0x1D400] =	vst v63  }
0x35: {  	p1 =	seq.s32 s22, $0x28;
	s26 =	sadd.s32 s26, s23;
	_ =	swait.ge [sflag:s12], $0x4000  }
0x36: {  	s22 =	sshrl.u32 @!p1 s26, $0x3;
	s26 =	simm.s32 @!p1 $0x0;
	[sflag:s12] =	ssyncset.done $0x0  }
0x37: {  	s28 =	smulhi.u32 $0xCCCCCCCD, s20;
	s22 =	sadd.s32 @!p1 s4, s22;
	[sflag:s12] =	ssyncadd.s32 $0xFFFFC000  }
0x38: {  	[tilespmem:s26], [sflag:$0x1] =	stream.linear.gather @!p1 [hbm4b:s22+s26], $0x4000, $0x38;
	[tilespmem:$0x1D400] =	vst v63  }
0x39: {  	s25 =	sadd.s32 $0x8000, s25;
	s22 =	smov.u32 s29;
	_ =	swait.ge [sflag:s18], $0x4000  }
.Ltmp0:
0x3a: {  	s26 =	sshrl.u32 s28, $0x2;
	[sflag:s18] =	ssyncset.done $0x0;
	(pc) =	sbr.rel @p0 .LBB2_2-.Ltmp0, $4  }
0x3b: {  	s28 =	sadd.s32 $0x80, s21;
	s26 =	smul.u32 $0x12C000, s26;
	[sflag:s18] =	ssyncadd.s32 $0xFFFFC000  }
0x3c: {  	[spmem:s2] =	stream.indirect.scatter.add.f32 [tilespmem:s15], [sflag:$0x3], $0x80, s28, s17, $0xb8;
	[tilespmem:$0x1D400] =	vst v63  }
0x3d: {  	s23 =	sadd.s32 $0x8000, s23;
	s26 =	sadd.s32 s26, s25;
	_ =	swait.ge [sflag:s12], $0x4000  }
0x3e: {  	s21 =	sadd.s32 $0x100, s21;
	s26 =	sshrl.u32 s26, $0x3;
	[sflag:s12] =	ssyncset.done $0x0  }
0x3f: {  	s20 =	smulhi.u32 $0xCCCCCCCD, s22;
	s24 =	sadd.s32 s4, s26;
	[sflag:s12] =	ssyncadd.s32 $0xFFFFC000  }
0x40: {  	[tilespmem:s15], [sflag:$0x2] =	stream.linear.gather [hbm4b:s24+s3], $0x4000, $0x38;
	[tilespmem:$0x1D400] =	vst v63  }
0x41: {  	_ =	swait.ge [sflag:s16], $0x4000  }
0x42: {  	s20 =	sshrl.u32 s20, $0x2;
	[sflag:s16] =	ssyncset.done $0x0  }
0x43: {  	s20 =	smul.u32 $0x12C000, s20;
	[sflag:s16] =	ssyncadd.s32 $0xFFFFC000  }
0x44: {  	[spmem:s2] =	stream.indirect.scatter.add.f32 [tilespmem:s3], [sflag:$0x3], $0x80, s21, s17, $0xb8;
	[tilespmem:$0x1D400] =	vst v63  }
0x45: {  	p0 =	seq.s32 s22, $0x28;
	s20 =	sadd.s32 s20, s23;
	_ =	swait.ge [sflag:s12], $0x4000  }
0x46: {  	s20 =	sshrl.u32 @!p0 s20, $0x3;
	[sflag:s12] =	ssyncset.done $0x0  }
0x47: {  	s22 =	simm.s32 @!p0 $0x0;
	s20 =	sadd.s32 @!p0 s4, s20;
	[sflag:s12] =	ssyncadd.s32 $0xFFFFC000  }
0x48: {  	[tilespmem:s22], [sflag:$0x1] =	stream.linear.gather @!p0 [hbm4b:s20+s22], $0x4000, $0x38;
	[tilespmem:$0x1D400] =	vst v63  }
0x49: {  	_ =	swait.ge [sflag:s18], $0x4000  }
0x4a: {  	[sflag:s18] =	ssyncset.done $0x0  }
0x4b: {  	s31 =	sadd.s32 $0x80, s21;
	[sflag:s18] =	ssyncadd.s32 $0xFFFFC000  }
0x4c: {  	[spmem:s2] =	stream.indirect.scatter.add.f32 [tilespmem:s15], [sflag:$0x3], $0x80, s31, s17, $0xb8;
	[tilespmem:$0x1D400] =	vst v63  }
0x4d: {  	_ =	swait.ge [sflag:s12], $0x4000  }
0x4e: {  	s19 =	sadd.s32 $0x1, s19;
	[sflag:s12] =	ssyncset.done $0x0  }
0x4f: {  	p0 =	sne.s32 s19, s9;
	[sflag:s12] =	ssyncadd.s32 $0xFFFFC000  }
.Ltmp1:
0x50: {  	[bflag:$0x0] =	sbarrier.arrive $0xFFFF;
	(pc) =	sbr.rel @p0 .LBB2_1-.Ltmp1, $4  }
0x51: {  	[hbm:s8], [sflag:s13] =	dma.local [spmem:s14], $0x2800  }
0x52: {  	_ =	swait.ge [sflag:s12], $0x2800  }
0x53: {  	[sflag:s12] =	ssyncset.done $0x0  }
0x54: {  	[sflag:s12] =	ssyncadd.s32 $0xFFFFD800  }
0x55: {  	_ =	sfence.sel $0x180000  }
0x56: {  	[bflag:$0x0] =	sbarrier.arrive $0xFFFF  }
0x57: {  	p0 =	sne.s32 s1, $0x0;
	_ =	strace $0x90000050  }
0x58: {  	s0 =	sadd.s32 @!p0 $0x100000, s0;
	[bflag:$0x2] =	sbarrier.arrive $0xFFFF  }
0x59: {  	[sflag:s0] =	ssyncadd.tile.s32 @!p0 $0x1;
	_ =	shalt  }
.Lfunc_end2:
_tile_overlayer_lowered:
.L_overlay_start_2:
0x5a: {  	(tag) =	ssettag $0x2  }
0x5b: {  	s0 =	rddreg [dreg:$0x0];
	s2 =	stileid.u32  }
0x5c: {  	s1 =	rddreg [dreg:$0x1];
	p0 =	sne.s32 s2, $0x0  }
0x5d: {  	s3 =	rddreg [dreg:$0x2];
	[bflag:$0x3] =	sbarrier.arrive $0xFFFF;
	s2 =	simm.s32 @!p0 $0x1C03  }
0x5e: {  	[timem:s3], [sflag:s2] =	dma.local @!p0 [hbm:s0], s1  }
0x5f: {  	s0 =	simm.s32 @!p0 $0x3  }
0x60: {  	_ =	swait.ge @!p0 [sflag:s0], s1  }
0x61: {  	s1 =	ssub.s32 @!p0 $0x0, s1;
	[sflag:s0] =	ssyncset.done @!p0 $0x0  }
0x62: {  	[sflag:s0] =	ssyncadd.s32 @!p0 s1  }
0x63: {  	[bflag:$0x3] =	sbarrier.arrive $0xFFFF  }
0x64: {  	_ =	shalt  }

// kernel: kernel.16.cloned.1.call-start
scs
__scs_entry_jumppad:
0x0: {  	(pc) =	sbr.rel $0x88, $3  }
0x1: {  	(tag) =	ssettag $0x0;
	lr =	simm.s32 $0x1  }
0x2: {  	[smem:$0x3F9B] =	sst lr;
	_ =	strace $0xD0000000  }
0x3: {  	_ = 	snop  }
0x4: {  	_ = 	snop  }
0x5: {  	_ = 	snop  }
0x6: {  	_ = 	snop  }
0x7: {  	_ = 	snop  }
__scs_overlays_trampoline_lowered:
0x8: {  	[smem:$0x3FAA] =	sst s0  }
0x9: {  	[smem:$0x3FAB] =	sst s1  }
0xa: {  	[smem:$0x3FAC] =	sst s2  }
0xb: {  	[smem:$0x3FAD] =	sst s3  }
0xc: {  	[smem:$0x3FAE] =	sst s4  }
0xd: {  	[smem:$0x3FAF] =	sst s5  }
0xe: {  	[smem:$0x3FB0] =	sst s6  }
0xf: {  	[smem:$0x3FB1] =	sst s7  }
0x10: {  	[smem:$0x3FB2] =	sst s8  }
0x11: {  	[smem:$0x3FB3] =	sst s9;
	s0 =	simm.s32 @!p0 $0x0  }
0x12: {  	s1 =	sld [smem:$0x3F99];
	s0 =	simm.s32 @p0 $0x1  }
0x13: {  	[smem:$0x3FB4] =	sst s0;
	s0 =	simm.s32 @!p1 $0x0  }
0x14: {  	s2 =	sld [smem:$0x3F98];
	s0 =	simm.s32 @p1 $0x1  }
0x15: {  	[smem:$0x3FB5] =	sst s0;
	s0 =	simm.s32 @!p2 $0x0  }
0x16: {  	s3 =	sld [smem:$0x3FDB];
	s0 =	simm.s32 @p2 $0x1  }
0x17: {  	s4 =	simm.s32 $0x1BF5;
	[smem:$0x3FB7] =	sst s0  }
0x18: {  	s0 =	sld [smem:$0x3F9A];
	_ =	swait.ge [sflag:s4], $0x0  }
0x19: {  	s7 =	sld [smem:$0x3F9B]  }
0x1a: {  	s8 =	sadd.s32 $0xFFFFE003, lr  }
0x1b: {  	s9 =	sadd.s32 $0xFFFFFEF7, lr;
	s5 =	simm.s32 $0xFFFFFFFF;
	p2 =	slt.u32 s8, $0xFFFFF086  }
0x1c: {  	p1 =	slt.u32 s9, $0xF7A;
	s5 =	simm.s32 @!p2 $0x0  }
0x1d: {  	s5 =	simm.s32 @p1 $0x1;
	p0 =	seq.s32 s7, s2  }
0x1e: {  	s7 =	smul.u32 @!p0 $0xF7A, s2;
	p2 =	seq.s32 @!p0 s5, $0x0  }
0x1f: {  	s9 =	smul.u32 $0xF7A, s1;
	s8 =	simm.s32 @!p0 $0x1BF5;
	p2 =	por !p2, p0  }
0x20: {  	[sflag:s8] =	ssyncset.s32 @!p0 $0xFFFFF086;
	s6 =	sadd.s32 @!p0 s3, s7;
	s7 =	simm.s32 @!p0 $0x108  }
0x21: {  	s3 =	sadd.s32 s3, s9;
	s6 =	sadd.s32 @!p0 $0x88, s6;
	s7 =	simm.s32 @p2 $0x1082  }
0x22: {  	[simem:s7], [sflag:s8] =	dma.local @!p0 [hbm:s6], $0xF7A  }
0x23: {  	s9 =	sor.u32 $0xD0000000, s2;
	s6 =	simm.s32 $0x108;
	_ =	swait.ge @!p0 [sflag:s8], $0x0  }
0x24: {  	s3 =	sadd.s32 $0x88, s3;
	s6 =	simm.s32 @!p1 $0x1082;
	[sflag:s4] =	ssyncset.s32 $0xFFFFF086  }
0x25: {  	[simem:s6], [sflag:s4] =	dma.local [hbm:s3], $0xF7A  }
0x26: {  	[smem:$0x3F9B] =	sst s1;
	(tag) =	ssettag s2;
	_ =	strace s9  }
0x27: {  	s1 =	sld [smem:$0x3FAB]  }
0x28: {  	s2 =	sld [smem:$0x3FAC]  }
0x29: {  	s4 =	sld [smem:$0x3FAE]  }
0x2a: {  	p0 =	seq.s32 s5, $0x0;
	s5 =	sld [smem:$0x3FAF]  }
0x2b: {  	s6 =	sld [smem:$0x3FB0]  }
0x2c: {  	s7 =	sld [smem:$0x3FB1]  }
0x2d: {  	s3 =	simm.s32 $0x108;
	s8 =	sld [smem:$0x3FB2]  }
0x2e: {  	s3 =	simm.s32 @!p0 $0x1082;
	s9 =	sld [smem:$0x3FB3]  }
0x2f: {  	lr =	sadd.s32 s0, s3;
	s0 =	sld [smem:$0x3FAA]  }
0x30: {  	s3 =	sld [smem:$0x3FAD]  }
0x31: {  	[smem:$0x3FB6] =	sst s10  }
0x32: {  	s10 =	sld [smem:$0x3FB4];
	_ =	sdelay $0x3  }
0x33: {  	p0 =	seq.s32 s10, $0x1;
	s10 =	sld [smem:$0x3FB6];
	_ =	sdelay $0x3  }
0x34: {  	[smem:$0x3FB6] =	sst s10  }
0x35: {  	s10 =	sld [smem:$0x3FB5];
	_ =	sdelay $0x3  }
0x36: {  	p1 =	seq.s32 s10, $0x1;
	s10 =	sld [smem:$0x3FB6];
	_ =	sdelay $0x3  }
0x37: {  	[smem:$0x3FB6] =	sst s10  }
0x38: {  	s10 =	sld [smem:$0x3FB7]  }
0x39: {  	_ = 	snop;
	(pc) =	sbr.ind lr, $3  }
0x3a: {  	_ = 	snop  }
0x3b: {  	_ = 	snop  }
0x3c: {  	p2 =	seq.s32 s10, $0x1;
	s10 =	sld [smem:$0x3FB6]  }
0x3d: {  	_ =	shalt  }
0x3e: {  	_ =	shalt  }
0x3f: {  	_ =	shalt  }
0x40: {  	_ =	shalt  }
0x41: {  	_ =	shalt  }
0x42: {  	_ =	shalt  }
0x43: {  	_ =	shalt  }
0x44: {  	_ =	shalt  }
0x45: {  	_ =	shalt  }
0x46: {  	_ =	shalt  }
0x47: {  	_ =	shalt  }
0x48: {  	_ =	shalt  }
0x49: {  	_ =	shalt  }
0x4a: {  	_ =	shalt  }
0x4b: {  	_ =	shalt  }
0x4c: {  	_ =	shalt  }
0x4d: {  	_ =	shalt  }
0x4e: {  	_ =	shalt  }
0x4f: {  	_ =	shalt  }
0x50: {  	_ =	shalt  }
0x51: {  	_ =	shalt  }
0x52: {  	_ =	shalt  }
0x53: {  	_ =	shalt  }
0x54: {  	_ =	shalt  }
0x55: {  	_ =	shalt  }
0x56: {  	_ =	shalt  }
0x57: {  	_ =	shalt  }
0x58: {  	_ =	shalt  }
0x59: {  	_ =	shalt  }
0x5a: {  	_ =	shalt  }
0x5b: {  	_ =	shalt  }
0x5c: {  	_ =	shalt  }
0x5d: {  	_ =	shalt  }
0x5e: {  	_ =	shalt  }
0x5f: {  	_ =	shalt  }
0x60: {  	_ =	shalt  }
0x61: {  	_ =	shalt  }
0x62: {  	_ =	shalt  }
0x63: {  	_ =	shalt  }
0x64: {  	_ =	shalt  }
0x65: {  	_ =	shalt  }
0x66: {  	_ =	shalt  }
0x67: {  	_ =	shalt  }
0x68: {  	_ =	shalt  }
0x69: {  	_ =	shalt  }
0x6a: {  	_ =	shalt  }
0x6b: {  	_ =	shalt  }
0x6c: {  	_ =	shalt  }
0x6d: {  	_ =	shalt  }
0x6e: {  	_ =	shalt  }
0x6f: {  	_ =	shalt  }
0x70: {  	_ =	shalt  }
0x71: {  	_ =	shalt  }
0x72: {  	_ =	shalt  }
0x73: {  	_ =	shalt  }
0x74: {  	_ =	shalt  }
0x75: {  	_ =	shalt  }
0x76: {  	_ =	shalt  }
0x77: {  	_ =	shalt  }
0x78: {  	_ =	shalt  }
0x79: {  	_ =	shalt  }
0x7a: {  	_ =	shalt  }
0x7b: {  	_ =	shalt  }
0x7c: {  	_ =	shalt  }
0x7d: {  	_ =	shalt  }
0x7e: {  	_ =	shalt  }
0x7f: {  	_ =	shalt  }
0x80: {  	_ =	shalt  }
0x81: {  	_ =	shalt  }
0x82: {  	_ =	shalt  }
0x83: {  	_ =	shalt  }
0x84: {  	_ =	shalt  }
0x85: {  	_ =	shalt  }
0x86: {  	_ =	shalt  }
0x87: {  	_ =	shalt  }
.Lfunc_end0:
.L_simem_size_0:
called_computation.2_lowered:
.L_overlay_start_0:
0x88: {  	s2 =	sld [smem:$0x3FD9]  }
0x89: {  	s3 =	sld [smem:$0x3FFE];
	_ =	sdelay $0x1  }
0x8a: {  	s1 =	srdreg.scid  }
0x8b: {  	s0 =	sand.u32 $0x1, s1  }
0x8c: {  	s17 =	sshll.u32 s0, $0xA;
	s2 =	sadd.s32 s3, s2  }
0x8d: {  	s2 =	sadd.s32 s2, s17  }
0x8e: {  	[smem:$0x3FC2] =	sst s2  }
0x8f: {  	_ = 	snop  }
0x90: {  	s2 =	sld [smem:$0x3FD0];
	(tm) =	ssettm $0x1  }
0x91: {  	s18 =	sld [smem:$0x3FFB];
	_ =	sdelay $0x3  }
0x92: {  	_ =	strace s18  }
0x93: {  	s3 =	sld [smem:$0x3FFC];
	_ =	sdelay $0x3  }
0x94: {  	_ =	strace s3  }
0x95: {  	s3 =	sld [smem:$0x3FFD];
	_ =	sdelay $0x3  }
0x96: {  	_ =	strace s3  }
0x97: {  	_ =	strace $0x8FFFFFFF  }
0x98: {  	s19 =	sld [smem:$0x3FDB];
	_ =	sdelay $0x1  }
0x99: {  	s4 =	simm.s32 $_scs_section_size  }
0x9a: {  	s5 =	simm.s32 $_size__tile_overlayer_lowered;
	s6 =	simm.s32 $_tile_overlayer_lowered  }
0x9b: {  	s22 =	simm.s32 $0x1BFF;
	s21 =	sshll.u32 s6, $0x1;
	s3 =	sadd.s32 s4, s19  }
0x9c: {  	s7 =	simm.s32 $0x0;
	s20 =	sshll.u32 s5, $0x1;
	s5 =	sadd.s32 s21, s3  }
0x9d: {  	[timem:s7], [sflag:s22] =	dma.local [hbm:s5], s20  }
0x9e: {  	_ =	swait.ge [sflag:s22], s20  }
0x9f: {  	s4 =	ssub.s32 $0x0, s20;
	[sflag:s22] =	ssyncset.done $0x0  }
0xa0: {  	[sflag:s22] =	ssyncadd.s32 s4;
	_ =	sdelay $0x1  }
0xa1: {  	s23 =	simm.s32 $0x1B8B  }
0xa2: {  	_ =	swait.ge [sflag:s23], $0x1  }
0xa3: {  	[sflag:s23] =	ssyncset.done $0x0  }
0xa4: {  	s25 =	simm.s32 $0x1B8E;
	s24 =	sld [smem:$0x3FFE];
	[sflag:s23] =	ssyncadd.s32 $0xFFFFFFFF  }
0xa5: {  	s26 =	simm.s32 $execute0_lowered;
	[smem:$0x3FD2] =	sst s25  }
0xa6: {  	s5 =	sshll.u32 s26, $0x1;
	_ =	strace $0x80000046;
	[dreg:$0x1] =	wrdreg $0xFFFFFFFF  }
0xa7: {  	s28 =	simm.s32 $_size_execute0_lowered;
	s3 =	sadd.s32 s3, s5;
	[dreg:$0x0] =	wrdreg $0x0  }
0xa8: {  	s5 =	sshll.u32 s28, $0x1;
	[dreg:$0x2] =	wrdreg s3  }
0xa9: {  	[dreg:$0x3] =	wrdreg s5  }
0xaa: {  	[dreg:$0x4] =	wrdreg $0xC0  }
0xab: {  	_ =	task [dreg:s7], $0x5FFFF  }
0xac: {  	[dreg:$0x1] =	wrdreg $0xFFFFFFFF  }
0xad: {  	[dreg:$0x0] =	wrdreg $0x60  }
0xae: {  	[dreg:$0x2] =	wrdreg s24  }
0xaf: {  	[dreg:$0x3] =	wrdreg s2  }
0xb0: {  	[dreg:$0x4] =	wrdreg $0xA  }
0xb1: {  	_ =	task.clear_ibuf [dreg:s7], $0x5FFFF;
	_ =	strace $0x90000046  }
0xb2: {  	s29 =	simm.s32 $0xA;
	_ =	strace $0x80000048  }
0xb3: {  	_ =	swait.ge [sflag:s29], $0x1  }
0xb4: {  	[sflag:s29] =	ssyncadd.s32 $0xFFFFFFFF  }
0xb5: {  	_ =	strace $0x90000048  }
0xb6: {  	_ =	sfence  }
0xb7: {  	s30 =	sld [smem:$0x0];
	_ =	sdelay $0x2  }
0xb8: {  	s31 =	sshll.u32 s1, $0xD;
	s1 =	sshrl.u32 s1, $0x2  }
0xb9: {  	s3 =	sand.u32 $0x4000, s31;
	s1 =	sadd.s32 s1, s30  }
0xba: {  	s0 =	sor.u32 s3, s0;
	s1 =	sshll.u32 s1, $0x11  }
0xbb: {  	s0 =	sor.u32 s1, s0  }
0xbc: {  	s0 =	sadd.s32 $0x8F2B, s0  }
0xbd: {  	[sflag:s0] =	ssyncadd.remote.s32 $0x1  }
0xbe: {  	_ =	sfence.sel $0xFFFF  }
0xbf: {  	[dreg:$0x0] =	wrdreg $0xFFFFFFFF;
	(pc) =	sbr.abs _section_cstart, $3  }
0xc0: {  	[dreg:$0x1] =	wrdreg $0xFFFFFFFF  }
0xc1: {  	_ =	task.clear_ibuf [dreg:s7], $0x2FFFF;
	_ =	strace $0x9FFFFFFF  }
0xc2: {  	(tm) =	ssettm $0x7FFFFFFF  }
0xc3: {  	_ =	shalt  }
tec
execute0_lowered:
.L_overlay_start_1:
0x0: {  	(tag) =	ssettag $0x1  }
0x1: {  	s5 =	rddreg [dreg:$0x0]  }
0x2: {  	s0 =	srdreg.scid;
	s7 =	rddreg [dreg:$0x1]  }
0x3: {  	s1 =	rddreg [dreg:$0x2];
	s4 =	sand.u32 $0x1, s0  }
0x4: {  	s2 =	simm.s32 $0x0;
	s0 =	stileid.u32;
	s6 =	smul.u32 $0xA0000, s4  }
0x5: {  	s11 =	simm.s32 $0x1;
	s12 =	simm.s32 $0x2800;
	s8 =	smul.u32 $0x1400, s0  }
0x6: {  	s13 =	simm.s32 $0x5000;
	s14 =	simm.s32 $0x7800;
	s9 =	smul.u32 $0x5000, s0  }
0x7: {  	s15 =	simm.s32 $0x0;
	[smem:$0x7FF] =	sst s2;
	s10 =	smul.u32 $0x1400, s4  }
0x8: {  	s3 =	sadd.s32 $0x2800, s5;
	_ =	strace $0x80000047;
	s4 =	ssub.s32 $0x2, s4  }
0x9: {  	s29 =	sshrl.u32 s4, $0x1;
	s6 =	sor.u32 s8, s6;
	s28 =	sadd.s32 s9, s10  }
0xa: {  	s9 =	ssub.s32 s4, s29;
	s4 =	sadd.s32 $0x2810, s5;
	s6 =	sshrl.u32 s6, $0x3  }
0xb: {  	s10 =	simm.s32 $0x400;
	s8 =	sshrl.u32 s28, $0x3;
	s30 =	sadd.s32 s6, s5  }
0xc: {  	s31 =	sadd.s32 s7, s8;
	s5 =	sadd.s32 $0x2820, s5;
	s8 =	smax.u32 s9, $0x1  }
0xd: {  	s9 =	simm.s32 $0x80;
	s6 =	sadd.s32 $0x500, s31;
	s7 =	sadd.s32 $0x5000, s30  }
.LBB2_1:
0xe: {  	[tilespmem:s2], [sflag:$0x1] =	stream.strided.gather [hbm4b:s3+s9], $0x2800, s10, s9, $0x38;
	[tilespmem:$0xDC00] =	vst v63  }
0xf: {  	_ =	swait.ge [sflag:s11], $0x2800  }
0x10: {  	[sflag:s11] =	ssyncset.done $0x0  }
0x11: {  	[sflag:s11] =	ssyncadd.s32 $0xFFFFD800  }
0x12: {  	[tilespmem:s12], [sflag:$0x1] =	stream.strided.gather [hbm4b:s4+s9], $0x2800, s10, s9, $0x38;
	[tilespmem:$0xDC00] =	vst v63  }
0x13: {  	_ =	swait.ge [sflag:s11], $0x2800  }
0x14: {  	[sflag:s11] =	ssyncset.done $0x0  }
0x15: {  	[sflag:s11] =	ssyncadd.s32 $0xFFFFD800  }
0x16: {  	[tilespmem:s13], [sflag:$0x1] =	stream.strided.gather [hbm4b:s5+s9], $0x2800, s10, s9, $0x38;
	[tilespmem:$0xDC00] =	vst v63  }
0x17: {  	_ =	swait.ge [sflag:s11], $0x2800  }
0x18: {  	[sflag:s11] =	ssyncset.done $0x0  }
0x19: {  	[sflag:s11] =	ssyncadd.s32 $0xFFFFD800  }
0x1a: {  	[tilespmem:s14], [sflag:$0x1] =	stream.linear.gather [hbm4b:s6+s2], $0x1400, $0x38;
	[tilespmem:$0xDC00] =	vst v63  }
0x1b: {  	_ =	swait.ge [sflag:s11], $0x1400  }
0x1c: {  	[sflag:s11] =	ssyncset.done $0x0  }
0x1d: {  	s16 =	simm.s32 $0x90C0;
	s17 =	simm.s32 $0x0;
	[sflag:s11] =	ssyncadd.s32 $0xFFFFEC00  }
.LBB2_2:
0x1e: {  	s18 =	sshra.s32 s17, $0x2  }
0x1f: {  	v0 =	vld [tilespmem:s18+$0x7800];
	_ =	sdelay $0x7  }
0x20: {  	v1 =	vld.idx.msk [tilespmem:v0+s2+$0x0], $0xffff;
	_ =	sdelay $0x4  }
0x21: {  	[tilespmem:s16+$0xFFFFFB40] =	vst v1  }
0x22: {  	v1 =	vld.idx.msk [tilespmem:v0+s12+$0x0], $0xffff;
	_ =	sdelay $0x4  }
0x23: {  	[tilespmem:s16+$0xFFFFFBC0] =	vst v1  }
0x24: {  	v0 =	vld.idx.msk [tilespmem:v0+s13+$0x0], $0xffff;
	_ =	sdelay $0x4  }
0x25: {  	[tilespmem:s16+$0xFFFFFC40] =	vst v0  }
0x26: {  	v0 =	vld [tilespmem:s18+$0x7810];
	_ =	sdelay $0x7  }
0x27: {  	v1 =	vld.idx.msk [tilespmem:v0+s2+$0x0], $0xffff;
	_ =	sdelay $0x4  }
0x28: {  	[tilespmem:s16+$0xFFFFFB50] =	vst v1  }
0x29: {  	v1 =	vld.idx.msk [tilespmem:v0+s12+$0x0], $0xffff;
	_ =	sdelay $0x4  }
0x2a: {  	[tilespmem:s16+$0xFFFFFBD0] =	vst v1  }
0x2b: {  	v0 =	vld.idx.msk [tilespmem:v0+s13+$0x0], $0xffff;
	_ =	sdelay $0x4  }
0x2c: {  	[tilespmem:s16+$0xFFFFFC50] =	vst v0  }
0x2d: {  	v0 =	vld [tilespmem:s18+$0x7820];
	_ =	sdelay $0x7  }
0x2e: {  	v1 =	vld.idx.msk [tilespmem:v0+s2+$0x0], $0xffff;
	_ =	sdelay $0x4  }
0x2f: {  	[tilespmem:s16+$0xFFFFFB60] =	vst v1  }
0x30: {  	v1 =	vld.idx.msk [tilespmem:v0+s12+$0x0], $0xffff;
	_ =	sdelay $0x4  }
0x31: {  	[tilespmem:s16+$0xFFFFFBE0] =	vst v1  }
0x32: {  	v0 =	vld.idx.msk [tilespmem:v0+s13+$0x0], $0xffff;
	_ =	sdelay $0x4  }
0x33: {  	[tilespmem:s16+$0xFFFFFC60] =	vst v0  }
0x34: {  	v0 =	vld [tilespmem:s18+$0x7830];
	_ =	sdelay $0x7  }
0x35: {  	v1 =	vld.idx.msk [tilespmem:v0+s2+$0x0], $0xffff;
	_ =	sdelay $0x4  }
0x36: {  	[tilespmem:s16+$0xFFFFFB70] =	vst v1  }
0x37: {  	v1 =	vld.idx.msk [tilespmem:v0+s12+$0x0], $0xffff;
	_ =	sdelay $0x4  }
0x38: {  	[tilespmem:s16+$0xFFFFFBF0] =	vst v1  }
0x39: {  	v0 =	vld.idx.msk [tilespmem:v0+s13+$0x0], $0xffff;
	_ =	sdelay $0x4  }
0x3a: {  	[tilespmem:s16+$0xFFFFFC70] =	vst v0  }
0x3b: {  	v0 =	vld [tilespmem:s18+$0x7840];
	_ =	sdelay $0x7  }
0x3c: {  	v1 =	vld.idx.msk [tilespmem:v0+s2+$0x0], $0xffff;
	_ =	sdelay $0x4  }
0x3d: {  	[tilespmem:s16+$0xFFFFFB80] =	vst v1  }
0x3e: {  	v1 =	vld.idx.msk [tilespmem:v0+s12+$0x0], $0xffff;
	_ =	sdelay $0x4  }
0x3f: {  	[tilespmem:s16+$0xFFFFFC00] =	vst v1  }
0x40: {  	v0 =	vld.idx.msk [tilespmem:v0+s13+$0x0], $0xffff;
	_ =	sdelay $0x4  }
0x41: {  	[tilespmem:s16+$0xFFFFFC80] =	vst v0  }
0x42: {  	v0 =	vld [tilespmem:s18+$0x7850];
	_ =	sdelay $0x7  }
0x43: {  	v1 =	vld.idx.msk [tilespmem:v0+s2+$0x0], $0xffff;
	_ =	sdelay $0x4  }
0x44: {  	[tilespmem:s16+$0xFFFFFB90] =	vst v1  }
0x45: {  	v1 =	vld.idx.msk [tilespmem:v0+s12+$0x0], $0xffff;
	_ =	sdelay $0x4  }
0x46: {  	[tilespmem:s16+$0xFFFFFC10] =	vst v1  }
0x47: {  	v0 =	vld.idx.msk [tilespmem:v0+s13+$0x0], $0xffff;
	_ =	sdelay $0x4  }
0x48: {  	[tilespmem:s16+$0xFFFFFC90] =	vst v0  }
0x49: {  	v0 =	vld [tilespmem:s18+$0x7860];
	_ =	sdelay $0x7  }
0x4a: {  	v1 =	vld.idx.msk [tilespmem:v0+s2+$0x0], $0xffff;
	_ =	sdelay $0x4  }
0x4b: {  	[tilespmem:s16+$0xFFFFFBA0] =	vst v1  }
0x4c: {  	v1 =	vld.idx.msk [tilespmem:v0+s12+$0x0], $0xffff;
	_ =	sdelay $0x4  }
0x4d: {  	[tilespmem:s16+$0xFFFFFC20] =	vst v1  }
0x4e: {  	v0 =	vld.idx.msk [tilespmem:v0+s13+$0x0], $0xffff;
	_ =	sdelay $0x4  }
0x4f: {  	[tilespmem:s16+$0xFFFFFCA0] =	vst v0  }
0x50: {  	v0 =	vld [tilespmem:s18+$0x7870];
	_ =	sdelay $0x7  }
0x51: {  	v1 =	vld.idx.msk [tilespmem:v0+s2+$0x0], $0xffff;
	_ =	sdelay $0x4  }
0x52: {  	[tilespmem:s16+$0xFFFFFBB0] =	vst v1  }
0x53: {  	v1 =	vld.idx.msk [tilespmem:v0+s12+$0x0], $0xffff;
	_ =	sdelay $0x4  }
0x54: {  	[tilespmem:s16+$0xFFFFFC30] =	vst v1  }
0x55: {  	v0 =	vld.idx.msk [tilespmem:v0+s13+$0x0], $0xffff;
	_ =	sdelay $0x4  }
0x56: {  	[tilespmem:s16+$0xFFFFFCB0] =	vst v0  }
0x57: {  	v0 =	vld [tilespmem:s18+$0x7880];
	_ =	sdelay $0x7  }
0x58: {  	v1 =	vld.idx.msk [tilespmem:v0+s2+$0x0], $0xffff;
	_ =	sdelay $0x4  }
0x59: {  	[tilespmem:s16+$0xFFFFFD40] =	vst v1  }
0x5a: {  	v1 =	vld.idx.msk [tilespmem:v0+s12+$0x0], $0xffff;
	_ =	sdelay $0x4  }
0x5b: {  	[tilespmem:s16+$0xFFFFFDC0] =	vst v1  }
0x5c: {  	v0 =	vld.idx.msk [tilespmem:v0+s13+$0x0], $0xffff;
	_ =	sdelay $0x4  }
0x5d: {  	[tilespmem:s16+$0xFFFFFE40] =	vst v0  }
0x5e: {  	v0 =	vld [tilespmem:s18+$0x7890];
	_ =	sdelay $0x7  }
0x5f: {  	v1 =	vld.idx.msk [tilespmem:v0+s2+$0x0], $0xffff;
	_ =	sdelay $0x4  }
0x60: {  	[tilespmem:s16+$0xFFFFFD50] =	vst v1  }
0x61: {  	v1 =	vld.idx.msk [tilespmem:v0+s12+$0x0], $0xffff;
	_ =	sdelay $0x4  }
0x62: {  	[tilespmem:s16+$0xFFFFFDD0] =	vst v1  }
0x63: {  	v0 =	vld.idx.msk [tilespmem:v0+s13+$0x0], $0xffff;
	_ =	sdelay $0x4  }
0x64: {  	[tilespmem:s16+$0xFFFFFE50] =	vst v0  }
0x65: {  	v0 =	vld [tilespmem:s18+$0x78A0];
	_ =	sdelay $0x7  }
0x66: {  	v1 =	vld.idx.msk [tilespmem:v0+s2+$0x0], $0xffff;
	_ =	sdelay $0x4  }
0x67: {  	[tilespmem:s16+$0xFFFFFD60] =	vst v1  }
0x68: {  	v1 =	vld.idx.msk [tilespmem:v0+s12+$0x0], $0xffff;
	_ =	sdelay $0x4  }
0x69: {  	[tilespmem:s16+$0xFFFFFDE0] =	vst v1  }
0x6a: {  	v0 =	vld.idx.msk [tilespmem:v0+s13+$0x0], $0xffff;
	_ =	sdelay $0x4  }
0x6b: {  	[tilespmem:s16+$0xFFFFFE60] =	vst v0  }
0x6c: {  	v0 =	vld [tilespmem:s18+$0x78B0];
	_ =	sdelay $0x7  }
0x6d: {  	v1 =	vld.idx.msk [tilespmem:v0+s2+$0x0], $0xffff;
	_ =	sdelay $0x4  }
0x6e: {  	[tilespmem:s16+$0xFFFFFD70] =	vst v1  }
0x6f: {  	v1 =	vld.idx.msk [tilespmem:v0+s12+$0x0], $0xffff;
	_ =	sdelay $0x4  }
0x70: {  	[tilespmem:s16+$0xFFFFFDF0] =	vst v1  }
0x71: {  	v0 =	vld.idx.msk [tilespmem:v0+s13+$0x0], $0xffff;
	_ =	sdelay $0x4  }
0x72: {  	[tilespmem:s16+$0xFFFFFE70] =	vst v0  }
0x73: {  	v0 =	vld [tilespmem:s18+$0x78C0];
	_ =	sdelay $0x7  }
0x74: {  	v1 =	vld.idx.msk [tilespmem:v0+s2+$0x0], $0xffff;
	_ =	sdelay $0x4  }
0x75: {  	[tilespmem:s16+$0xFFFFFD80] =	vst v1  }
0x76: {  	v1 =	vld.idx.msk [tilespmem:v0+s12+$0x0], $0xffff;
	_ =	sdelay $0x4  }
0x77: {  	[tilespmem:s16+$0xFFFFFE00] =	vst v1  }
0x78: {  	v0 =	vld.idx.msk [tilespmem:v0+s13+$0x0], $0xffff;
	_ =	sdelay $0x4  }
0x79: {  	[tilespmem:s16+$0xFFFFFE80] =	vst v0  }
0x7a: {  	v0 =	vld [tilespmem:s18+$0x78D0];
	_ =	sdelay $0x7  }
0x7b: {  	v1 =	vld.idx.msk [tilespmem:v0+s2+$0x0], $0xffff;
	_ =	sdelay $0x4  }
0x7c: {  	[tilespmem:s16+$0xFFFFFD90] =	vst v1  }
0x7d: {  	v1 =	vld.idx.msk [tilespmem:v0+s12+$0x0], $0xffff;
	_ =	sdelay $0x4  }
0x7e: {  	[tilespmem:s16+$0xFFFFFE10] =	vst v1  }
0x7f: {  	v0 =	vld.idx.msk [tilespmem:v0+s13+$0x0], $0xffff;
	_ =	sdelay $0x4  }
0x80: {  	[tilespmem:s16+$0xFFFFFE90] =	vst v0  }
0x81: {  	v0 =	vld [tilespmem:s18+$0x78E0];
	_ =	sdelay $0x7  }
0x82: {  	v1 =	vld.idx.msk [tilespmem:v0+s2+$0x0], $0xffff;
	_ =	sdelay $0x4  }
0x83: {  	[tilespmem:s16+$0xFFFFFDA0] =	vst v1  }
0x84: {  	v1 =	vld.idx.msk [tilespmem:v0+s12+$0x0], $0xffff;
	_ =	sdelay $0x4  }
0x85: {  	[tilespmem:s16+$0xFFFFFE20] =	vst v1  }
0x86: {  	v0 =	vld.idx.msk [tilespmem:v0+s13+$0x0], $0xffff;
	_ =	sdelay $0x4  }
0x87: {  	[tilespmem:s16+$0xFFFFFEA0] =	vst v0  }
0x88: {  	v0 =	vld [tilespmem:s18+$0x78F0];
	_ =	sdelay $0x7  }
0x89: {  	v1 =	vld.idx.msk [tilespmem:v0+s2+$0x0], $0xffff;
	_ =	sdelay $0x4  }
0x8a: {  	[tilespmem:s16+$0xFFFFFDB0] =	vst v1  }
0x8b: {  	v1 =	vld.idx.msk [tilespmem:v0+s12+$0x0], $0xffff;
	_ =	sdelay $0x4  }
0x8c: {  	[tilespmem:s16+$0xFFFFFE30] =	vst v1  }
0x8d: {  	v0 =	vld.idx.msk [tilespmem:v0+s13+$0x0], $0xffff;
	_ =	sdelay $0x4  }
0x8e: {  	[tilespmem:s16+$0xFFFFFEB0] =	vst v0  }
0x8f: {  	v0 =	vld [tilespmem:s18+$0x7900];
	_ =	sdelay $0x7  }
0x90: {  	v1 =	vld.idx.msk [tilespmem:v0+s2+$0x0], $0xffff;
	_ =	sdelay $0x4  }
0x91: {  	[tilespmem:s16+$0xFFFFFF40] =	vst v1  }
0x92: {  	v1 =	vld.idx.msk [tilespmem:v0+s12+$0x0], $0xffff;
	_ =	sdelay $0x4  }
0x93: {  	[tilespmem:s16+$0xFFFFFFC0] =	vst v1  }
0x94: {  	v0 =	vld.idx.msk [tilespmem:v0+s13+$0x0], $0xffff;
	_ =	sdelay $0x4  }
0x95: {  	[tilespmem:s16+$0x40] =	vst v0  }
0x96: {  	v0 =	vld [tilespmem:s18+$0x7910];
	_ =	sdelay $0x7  }
0x97: {  	v1 =	vld.idx.msk [tilespmem:v0+s2+$0x0], $0xffff;
	_ =	sdelay $0x4  }
0x98: {  	[tilespmem:s16+$0xFFFFFF50] =	vst v1  }
0x99: {  	v1 =	vld.idx.msk [tilespmem:v0+s12+$0x0], $0xffff;
	_ =	sdelay $0x4  }
0x9a: {  	[tilespmem:s16+$0xFFFFFFD0] =	vst v1  }
0x9b: {  	v0 =	vld.idx.msk [tilespmem:v0+s13+$0x0], $0xffff;
	_ =	sdelay $0x4  }
0x9c: {  	[tilespmem:s16+$0x50] =	vst v0  }
0x9d: {  	v0 =	vld [tilespmem:s18+$0x7920];
	_ =	sdelay $0x7  }
0x9e: {  	v1 =	vld.idx.msk [tilespmem:v0+s2+$0x0], $0xffff;
	_ =	sdelay $0x4  }
0x9f: {  	[tilespmem:s16+$0xFFFFFF60] =	vst v1  }
0xa0: {  	v1 =	vld.idx.msk [tilespmem:v0+s12+$0x0], $0xffff;
	_ =	sdelay $0x4  }
0xa1: {  	[tilespmem:s16+$0xFFFFFFE0] =	vst v1  }
0xa2: {  	v0 =	vld.idx.msk [tilespmem:v0+s13+$0x0], $0xffff;
	_ =	sdelay $0x4  }
0xa3: {  	[tilespmem:s16+$0x60] =	vst v0  }
0xa4: {  	v0 =	vld [tilespmem:s18+$0x7930];
	_ =	sdelay $0x7  }
0xa5: {  	v1 =	vld.idx.msk [tilespmem:v0+s2+$0x0], $0xffff;
	_ =	sdelay $0x4  }
0xa6: {  	[tilespmem:s16+$0xFFFFFF70] =	vst v1  }
0xa7: {  	v1 =	vld.idx.msk [tilespmem:v0+s12+$0x0], $0xffff;
	_ =	sdelay $0x4  }
0xa8: {  	[tilespmem:s16+$0xFFFFFFF0] =	vst v1  }
0xa9: {  	v0 =	vld.idx.msk [tilespmem:v0+s13+$0x0], $0xffff;
	_ =	sdelay $0x4  }
0xaa: {  	[tilespmem:s16+$0x70] =	vst v0  }
0xab: {  	v0 =	vld [tilespmem:s18+$0x7940];
	_ =	sdelay $0x7  }
0xac: {  	v1 =	vld.idx.msk [tilespmem:v0+s2+$0x0], $0xffff;
	_ =	sdelay $0x4  }
0xad: {  	[tilespmem:s16+$0xFFFFFF80] =	vst v1  }
0xae: {  	v1 =	vld.idx.msk [tilespmem:v0+s12+$0x0], $0xffff;
	_ =	sdelay $0x4  }
0xaf: {  	[tilespmem:s16+$0x0] =	vst v1  }
0xb0: {  	v0 =	vld.idx.msk [tilespmem:v0+s13+$0x0], $0xffff;
	_ =	sdelay $0x4  }
0xb1: {  	[tilespmem:s16+$0x80] =	vst v0  }
0xb2: {  	v0 =	vld [tilespmem:s18+$0x7950];
	_ =	sdelay $0x7  }
0xb3: {  	v1 =	vld.idx.msk [tilespmem:v0+s2+$0x0], $0xffff;
	_ =	sdelay $0x4  }
0xb4: {  	[tilespmem:s16+$0xFFFFFF90] =	vst v1  }
0xb5: {  	v1 =	vld.idx.msk [tilespmem:v0+s12+$0x0], $0xffff;
	_ =	sdelay $0x4  }
0xb6: {  	[tilespmem:s16+$0x10] =	vst v1  }
0xb7: {  	v0 =	vld.idx.msk [tilespmem:v0+s13+$0x0], $0xffff;
	_ =	sdelay $0x4  }
0xb8: {  	[tilespmem:s16+$0x90] =	vst v0  }
0xb9: {  	v0 =	vld [tilespmem:s18+$0x7960];
	_ =	sdelay $0x7  }
0xba: {  	v1 =	vld.idx.msk [tilespmem:v0+s2+$0x0], $0xffff;
	_ =	sdelay $0x4  }
0xbb: {  	[tilespmem:s16+$0xFFFFFFA0] =	vst v1  }
0xbc: {  	v1 =	vld.idx.msk [tilespmem:v0+s12+$0x0], $0xffff;
	_ =	sdelay $0x4  }
0xbd: {  	[tilespmem:s16+$0x20] =	vst v1  }
0xbe: {  	v0 =	vld.idx.msk [tilespmem:v0+s13+$0x0], $0xffff;
	_ =	sdelay $0x4  }
0xbf: {  	[tilespmem:s16+$0xA0] =	vst v0  }
0xc0: {  	v0 =	vld [tilespmem:s18+$0x7970];
	_ =	sdelay $0x7  }
0xc1: {  	v1 =	vld.idx.msk [tilespmem:v0+s2+$0x0], $0xffff;
	_ =	sdelay $0x4  }
0xc2: {  	[tilespmem:s16+$0xFFFFFFB0] =	vst v1  }
0xc3: {  	v1 =	vld.idx.msk [tilespmem:v0+s12+$0x0], $0xffff;
	_ =	sdelay $0x4  }
0xc4: {  	[tilespmem:s16+$0x30] =	vst v1  }
0xc5: {  	v0 =	vld.idx.msk [tilespmem:v0+s13+$0x0], $0xffff;
	_ =	sdelay $0x4  }
0xc6: {  	[tilespmem:s16+$0xB0] =	vst v0  }
0xc7: {  	v0 =	vld [tilespmem:s18+$0x7980];
	_ =	sdelay $0x7  }
0xc8: {  	v1 =	vld.idx.msk [tilespmem:v0+s2+$0x0], $0xffff;
	_ =	sdelay $0x4  }
0xc9: {  	[tilespmem:s16+$0x140] =	vst v1  }
0xca: {  	v1 =	vld.idx.msk [tilespmem:v0+s12+$0x0], $0xffff;
	_ =	sdelay $0x4  }
0xcb: {  	[tilespmem:s16+$0x1C0] =	vst v1  }
0xcc: {  	v0 =	vld.idx.msk [tilespmem:v0+s13+$0x0], $0xffff;
	_ =	sdelay $0x4  }
0xcd: {  	[tilespmem:s16+$0x240] =	vst v0  }
0xce: {  	v0 =	vld [tilespmem:s18+$0x7990];
	_ =	sdelay $0x7  }
0xcf: {  	v1 =	vld.idx.msk [tilespmem:v0+s2+$0x0], $0xffff;
	_ =	sdelay $0x4  }
0xd0: {  	[tilespmem:s16+$0x150] =	vst v1  }
0xd1: {  	v1 =	vld.idx.msk [tilespmem:v0+s12+$0x0], $0xffff;
	_ =	sdelay $0x4  }
0xd2: {  	[tilespmem:s16+$0x1D0] =	vst v1  }
0xd3: {  	v0 =	vld.idx.msk [tilespmem:v0+s13+$0x0], $0xffff;
	_ =	sdelay $0x4  }
0xd4: {  	[tilespmem:s16+$0x250] =	vst v0  }
0xd5: {  	v0 =	vld [tilespmem:s18+$0x79A0];
	_ =	sdelay $0x7  }
0xd6: {  	v1 =	vld.idx.msk [tilespmem:v0+s2+$0x0], $0xffff;
	_ =	sdelay $0x4  }
0xd7: {  	[tilespmem:s16+$0x160] =	vst v1  }
0xd8: {  	v1 =	vld.idx.msk [tilespmem:v0+s12+$0x0], $0xffff;
	_ =	sdelay $0x4  }
0xd9: {  	[tilespmem:s16+$0x1E0] =	vst v1  }
0xda: {  	v0 =	vld.idx.msk [tilespmem:v0+s13+$0x0], $0xffff;
	_ =	sdelay $0x4  }
0xdb: {  	[tilespmem:s16+$0x260] =	vst v0  }
0xdc: {  	v0 =	vld [tilespmem:s18+$0x79B0];
	_ =	sdelay $0x7  }
0xdd: {  	v1 =	vld.idx.msk [tilespmem:v0+s2+$0x0], $0xffff;
	_ =	sdelay $0x4  }
0xde: {  	[tilespmem:s16+$0x170] =	vst v1  }
0xdf: {  	v1 =	vld.idx.msk [tilespmem:v0+s12+$0x0], $0xffff;
	_ =	sdelay $0x4  }
0xe0: {  	[tilespmem:s16+$0x1F0] =	vst v1  }
0xe1: {  	v0 =	vld.idx.msk [tilespmem:v0+s13+$0x0], $0xffff;
	_ =	sdelay $0x4  }
0xe2: {  	[tilespmem:s16+$0x270] =	vst v0  }
0xe3: {  	v0 =	vld [tilespmem:s18+$0x79C0];
	_ =	sdelay $0x7  }
0xe4: {  	v1 =	vld.idx.msk [tilespmem:v0+s2+$0x0], $0xffff;
	_ =	sdelay $0x4  }
0xe5: {  	[tilespmem:s16+$0x180] =	vst v1  }
0xe6: {  	v1 =	vld.idx.msk [tilespmem:v0+s12+$0x0], $0xffff;
	_ =	sdelay $0x4  }
0xe7: {  	[tilespmem:s16+$0x200] =	vst v1  }
0xe8: {  	v0 =	vld.idx.msk [tilespmem:v0+s13+$0x0], $0xffff;
	_ =	sdelay $0x4  }
0xe9: {  	[tilespmem:s16+$0x280] =	vst v0  }
0xea: {  	v0 =	vld [tilespmem:s18+$0x79D0];
	_ =	sdelay $0x7  }
0xeb: {  	v1 =	vld.idx.msk [tilespmem:v0+s2+$0x0], $0xffff;
	_ =	sdelay $0x4  }
0xec: {  	[tilespmem:s16+$0x190] =	vst v1  }
0xed: {  	v1 =	vld.idx.msk [tilespmem:v0+s12+$0x0], $0xffff;
	_ =	sdelay $0x4  }
0xee: {  	[tilespmem:s16+$0x210] =	vst v1  }
0xef: {  	v0 =	vld.idx.msk [tilespmem:v0+s13+$0x0], $0xffff;
	_ =	sdelay $0x4  }
0xf0: {  	[tilespmem:s16+$0x290] =	vst v0  }
0xf1: {  	v0 =	vld [tilespmem:s18+$0x79E0];
	_ =	sdelay $0x7  }
0xf2: {  	v1 =	vld.idx.msk [tilespmem:v0+s2+$0x0], $0xffff;
	_ =	sdelay $0x4  }
0xf3: {  	[tilespmem:s16+$0x1A0] =	vst v1  }
0xf4: {  	v1 =	vld.idx.msk [tilespmem:v0+s12+$0x0], $0xffff;
	_ =	sdelay $0x4  }
0xf5: {  	[tilespmem:s16+$0x220] =	vst v1  }
0xf6: {  	v0 =	vld.idx.msk [tilespmem:v0+s13+$0x0], $0xffff;
	_ =	sdelay $0x4  }
0xf7: {  	[tilespmem:s16+$0x2A0] =	vst v0  }
0xf8: {  	v0 =	vld [tilespmem:s18+$0x79F0];
	_ =	sdelay $0x7  }
0xf9: {  	v1 =	vld.idx.msk [tilespmem:v0+s2+$0x0], $0xffff;
	_ =	sdelay $0x4  }
0xfa: {  	[tilespmem:s16+$0x1B0] =	vst v1  }
0xfb: {  	v1 =	vld.idx.msk [tilespmem:v0+s12+$0x0], $0xffff;
	_ =	sdelay $0x4  }
0xfc: {  	[tilespmem:s16+$0x230] =	vst v1  }
0xfd: {  	v0 =	vld.idx.msk [tilespmem:v0+s13+$0x0], $0xffff;
	_ =	sdelay $0x4  }
0xfe: {  	[tilespmem:s16+$0x2B0] =	vst v0  }
0xff: {  	v0 =	vld [tilespmem:s18+$0x7A00];
	_ =	sdelay $0x7  }
0x100: {  	v1 =	vld.idx.msk [tilespmem:v0+s2+$0x0], $0xffff;
	_ =	sdelay $0x4  }
0x101: {  	[tilespmem:s16+$0x340] =	vst v1  }
0x102: {  	v1 =	vld.idx.msk [tilespmem:v0+s12+$0x0], $0xffff;
	_ =	sdelay $0x4  }
0x103: {  	[tilespmem:s16+$0x3C0] =	vst v1  }
0x104: {  	v0 =	vld.idx.msk [tilespmem:v0+s13+$0x0], $0xffff;
	_ =	sdelay $0x4  }
0x105: {  	[tilespmem:s16+$0x440] =	vst v0  }
0x106: {  	v0 =	vld [tilespmem:s18+$0x7A10];
	_ =	sdelay $0x7  }
0x107: {  	v1 =	vld.idx.msk [tilespmem:v0+s2+$0x0], $0xffff;
	_ =	sdelay $0x4  }
0x108: {  	[tilespmem:s16+$0x350] =	vst v1  }
0x109: {  	v1 =	vld.idx.msk [tilespmem:v0+s12+$0x0], $0xffff;
	_ =	sdelay $0x4  }
0x10a: {  	[tilespmem:s16+$0x3D0] =	vst v1  }
0x10b: {  	v0 =	vld.idx.msk [tilespmem:v0+s13+$0x0], $0xffff;
	_ =	sdelay $0x4  }
0x10c: {  	[tilespmem:s16+$0x450] =	vst v0  }
0x10d: {  	v0 =	vld [tilespmem:s18+$0x7A20];
	_ =	sdelay $0x7  }
0x10e: {  	v1 =	vld.idx.msk [tilespmem:v0+s2+$0x0], $0xffff;
	_ =	sdelay $0x4  }
0x10f: {  	[tilespmem:s16+$0x360] =	vst v1  }
0x110: {  	v1 =	vld.idx.msk [tilespmem:v0+s12+$0x0], $0xffff;
	_ =	sdelay $0x4  }
0x111: {  	[tilespmem:s16+$0x3E0] =	vst v1  }
0x112: {  	v0 =	vld.idx.msk [tilespmem:v0+s13+$0x0], $0xffff;
	_ =	sdelay $0x4  }
0x113: {  	[tilespmem:s16+$0x460] =	vst v0  }
0x114: {  	v0 =	vld [tilespmem:s18+$0x7A30];
	_ =	sdelay $0x7  }
0x115: {  	v1 =	vld.idx.msk [tilespmem:v0+s2+$0x0], $0xffff;
	_ =	sdelay $0x4  }
0x116: {  	[tilespmem:s16+$0x370] =	vst v1  }
0x117: {  	v1 =	vld.idx.msk [tilespmem:v0+s12+$0x0], $0xffff;
	_ =	sdelay $0x4  }
0x118: {  	[tilespmem:s16+$0x3F0] =	vst v1  }
0x119: {  	v0 =	vld.idx.msk [tilespmem:v0+s13+$0x0], $0xffff;
	_ =	sdelay $0x4  }
0x11a: {  	[tilespmem:s16+$0x470] =	vst v0  }
0x11b: {  	v0 =	vld [tilespmem:s18+$0x7A40];
	_ =	sdelay $0x7  }
0x11c: {  	v1 =	vld.idx.msk [tilespmem:v0+s2+$0x0], $0xffff;
	_ =	sdelay $0x4  }
0x11d: {  	[tilespmem:s16+$0x380] =	vst v1  }
0x11e: {  	v1 =	vld.idx.msk [tilespmem:v0+s12+$0x0], $0xffff;
	_ =	sdelay $0x4  }
0x11f: {  	[tilespmem:s16+$0x400] =	vst v1  }
0x120: {  	v0 =	vld.idx.msk [tilespmem:v0+s13+$0x0], $0xffff;
	_ =	sdelay $0x4  }
0x121: {  	[tilespmem:s16+$0x480] =	vst v0  }
0x122: {  	v0 =	vld [tilespmem:s18+$0x7A50];
	_ =	sdelay $0x7  }
0x123: {  	v1 =	vld.idx.msk [tilespmem:v0+s2+$0x0], $0xffff;
	_ =	sdelay $0x4  }
0x124: {  	[tilespmem:s16+$0x390] =	vst v1  }
0x125: {  	v1 =	vld.idx.msk [tilespmem:v0+s12+$0x0], $0xffff;
	_ =	sdelay $0x4  }
0x126: {  	[tilespmem:s16+$0x410] =	vst v1  }
0x127: {  	v0 =	vld.idx.msk [tilespmem:v0+s13+$0x0], $0xffff;
	_ =	sdelay $0x4  }
0x128: {  	[tilespmem:s16+$0x490] =	vst v0  }
0x129: {  	v0 =	vld [tilespmem:s18+$0x7A60];
	_ =	sdelay $0x7  }
0x12a: {  	v1 =	vld.idx.msk [tilespmem:v0+s2+$0x0], $0xffff;
	_ =	sdelay $0x4  }
0x12b: {  	[tilespmem:s16+$0x3A0] =	vst v1  }
0x12c: {  	v1 =	vld.idx.msk [tilespmem:v0+s12+$0x0], $0xffff;
	_ =	sdelay $0x4  }
0x12d: {  	[tilespmem:s16+$0x420] =	vst v1  }
0x12e: {  	v0 =	vld.idx.msk [tilespmem:v0+s13+$0x0], $0xffff;
	_ =	sdelay $0x4  }
0x12f: {  	[tilespmem:s16+$0x4A0] =	vst v0  }
0x130: {  	v0 =	vld [tilespmem:s18+$0x7A70];
	_ =	sdelay $0x7  }
0x131: {  	v1 =	vld.idx.msk [tilespmem:v0+s2+$0x0], $0xffff;
	_ =	sdelay $0x4  }
0x132: {  	[tilespmem:s16+$0x3B0] =	vst v1  }
0x133: {  	v1 =	vld.idx.msk [tilespmem:v0+s12+$0x0], $0xffff;
	_ =	sdelay $0x4  }
0x134: {  	[tilespmem:s16+$0x430] =	vst v1  }
0x135: {  	p0 =	sne.s32 s17, $0x4600;
	v0 =	vld.idx.msk [tilespmem:v0+s13+$0x0], $0xffff  }
.Ltmp0:
0x136: {  	_ = 	snop;
	(pc) =	sbr.rel @p0 .LBB2_2-.Ltmp0, $2  }
0x137: {  	_ =	sdelay $0x2  }
0x138: {  	s17 =	sadd.s32 $0xA00, s17;
	[tilespmem:s16+$0x4B0] =	vst v0;
	s16 =	sadd.s32 $0xA00, s16  }
0x139: {  	s16 =	simm.s32 $0x8C00  }
0x13a: {  	s20 =	sadd.s32 $0x0, s7;
	s26 =	simm.s32 $0x8E00;
	s28 =	simm.s32 $0x9000  }
0x13b: {  	[hbm4b:s20+s2] =	stream.linear.scatter [tilespmem:s16], [sflag:$0x1], $0x180, $0x38;
	[tilespmem:$0xDC00] =	vst v63  }
0x13c: {  	s30 =	simm.s32 $0x9200;
	s18 =	simm.s32 $0x5000;
	s17 =	sadd.s32 $0x80, s20  }
0x13d: {  	[hbm4b:s17+s2] =	stream.linear.scatter [tilespmem:s26], [sflag:$0x1], $0x180, $0x38;
	[tilespmem:$0xDC00] =	vst v63  }
0x13e: {  	s19 =	simm.s32 $0x9400;
	s29 =	sadd.s32 $0x100, s20;
	s31 =	sadd.s32 $0x180, s20  }
0x13f: {  	[hbm4b:s29+s2] =	stream.linear.scatter [tilespmem:s28], [sflag:$0x1], $0x180, $0x38;
	[tilespmem:$0xDC00] =	vst v63  }
0x140: {  	s16 =	simm.s32 $0xA00;
	s20 =	sadd.s32 $0x200, s20;
	s17 =	simm.s32 $0x2800  }
0x141: {  	[hbm4b:s31+s2] =	stream.linear.scatter [tilespmem:s30], [sflag:$0x1], $0x180, $0x38;
	[tilespmem:$0xDC00] =	vst v63  }
.LBB2_4:
0x142: {  	[hbm4b:s20+s2] =	stream.linear.scatter [tilespmem:s19], [sflag:$0x1], $0x180, $0x38;
	[tilespmem:$0xDC00] =	vst v63  }
0x143: {  	s19 =	smov.u32 s17;
	s17 =	smov.u32 s18;
	s21 =	sshra.s32 s18, $0x2  }
0x144: {  	s20 =	sadd.s32 $0x8C00, s16;
	s23 =	sadd.s32 $0x2800, s18;
	s22 =	sadd.s32 s19, s7  }
0x145: {  	[hbm4b:s22+s2] =	stream.linear.scatter [tilespmem:s20], [sflag:$0x1], $0x180, $0x38;
	[tilespmem:$0xDC00] =	vst v63  }
0x146: {  	p0 =	sne.s32 s18, $0x11800;
	s19 =	sadd.s32 $0x8E00, s16;
	s20 =	sadd.s32 $0x80, s22  }
0x147: {  	[hbm4b:s20+s2] =	stream.linear.scatter [tilespmem:s19], [sflag:$0x1], $0x180, $0x38;
	[tilespmem:$0xDC00] =	vst v63  }
.Ltmp1:
0x148: {  	s19 =	sadd.s32 $0x9000, s16;
	s20 =	sadd.s32 $0x100, s22;
	(pc) =	sbr.rel @p0 .LBB2_4-.Ltmp1, $4  }
0x149: {  	[hbm4b:s20+s2] =	stream.linear.scatter [tilespmem:s19], [sflag:$0x1], $0x180, $0x38;
	[tilespmem:$0xDC00] =	vst v63  }
0x14a: {  	s18 =	sadd.s32 $0x9200, s16;
	s19 =	sadd.s32 $0x180, s22;
	s20 =	sadd.s32 $0x200, s22  }
0x14b: {  	[hbm4b:s19+s2] =	stream.linear.scatter [tilespmem:s18], [sflag:$0x1], $0x180, $0x38;
	[tilespmem:$0xDC00] =	vst v63  }
0x14c: {  	s19 =	sadd.s32 $0x9400, s16;
	s16 =	smov.u32 s21;
	s18 =	smov.u32 s23  }
0x14d: {  	[hbm4b:s20+s2] =	stream.linear.scatter [tilespmem:s19], [sflag:$0x1], $0x180, $0x38;
	[tilespmem:$0xDC00] =	vst v63  }
0x14e: {  	s18 =	sadd.s32 $0x8C00, s16;
	s17 =	sadd.s32 s17, s7  }
0x14f: {  	[hbm4b:s17+s2] =	stream.linear.scatter [tilespmem:s18], [sflag:$0x1], $0x180, $0x38;
	[tilespmem:$0xDC00] =	vst v63  }
0x150: {  	s24 =	sadd.s32 $0x8E00, s16;
	s25 =	sadd.s32 $0x80, s17  }
0x151: {  	[hbm4b:s25+s2] =	stream.linear.scatter [tilespmem:s24], [sflag:$0x1], $0x180, $0x38;
	[tilespmem:$0xDC00] =	vst v63  }
0x152: {  	s26 =	sadd.s32 $0x9000, s16;
	s15 =	sadd.s32 $0x1, s15;
	s28 =	sadd.s32 $0x100, s17  }
0x153: {  	[hbm4b:s28+s2] =	stream.linear.scatter [tilespmem:s26], [sflag:$0x1], $0x180, $0x38;
	[tilespmem:$0xDC00] =	vst v63  }
0x154: {  	s29 =	sadd.s32 $0x9200, s16;
	s30 =	sadd.s32 $0x180, s17;
	p0 =	sne.s32 s15, s8  }
0x155: {  	[hbm4b:s30+s2] =	stream.linear.scatter [tilespmem:s29], [sflag:$0x1], $0x180, $0x38;
	[tilespmem:$0xDC00] =	vst v63  }
.Ltmp2:
0x156: {  	s31 =	sadd.s32 $0x9400, s16;
	s17 =	sadd.s32 $0x200, s17;
	(pc) =	sbr.rel @p0 .LBB2_1-.Ltmp2, $4  }
0x157: {  	[hbm4b:s17+s2] =	stream.linear.scatter [tilespmem:s31], [sflag:$0x1], $0x180, $0x38;
	[tilespmem:$0xDC00] =	vst v63  }
0x158: {  	_ =	swait.ge [sflag:s11], $0x3C00  }
0x159: {  	[sflag:s11] =	ssyncset.done $0x0  }
0x15a: {  	[sflag:s11] =	ssyncadd.s32 $0xFFFFC400  }
0x15b: {  	_ =	sfence.sel $0x180000  }
0x15c: {  	[bflag:$0x0] =	sbarrier.arrive $0xFFFF  }
0x15d: {  	p0 =	sne.s32 s0, $0x0;
	_ =	strace $0x90000047  }
0x15e: {  	s0 =	sadd.s32 @!p0 $0x100000, s1;
	[bflag:$0x2] =	sbarrier.arrive $0xFFFF  }
0x15f: {  	[sflag:s0] =	ssyncadd.tile.s32 @!p0 $0x1;
	_ =	shalt  }
.Lfunc_end2:
_tile_overlayer_lowered:
.L_overlay_start_2:
0x160: {  	(tag) =	ssettag $0x2  }
0x161: {  	s0 =	rddreg [dreg:$0x0];
	s2 =	stileid.u32  }
0x162: {  	s1 =	rddreg [dreg:$0x1];
	p0 =	sne.s32 s2, $0x0  }
0x163: {  	s3 =	rddreg [dreg:$0x2];
	[bflag:$0x3] =	sbarrier.arrive $0xFFFF;
	s2 =	simm.s32 @!p0 $0x1C01  }
0x164: {  	[timem:s3], [sflag:s2] =	dma.local @!p0 [hbm:s0], s1  }
0x165: {  	s0 =	simm.s32 @!p0 $0x1  }
0x166: {  	_ =	swait.ge @!p0 [sflag:s0], s1  }
0x167: {  	s1 =	ssub.s32 @!p0 $0x0, s1;
	[sflag:s0] =	ssyncset.done @!p0 $0x0  }
0x168: {  	[sflag:s0] =	ssyncadd.s32 @!p0 s1  }
0x169: {  	[bflag:$0x3] =	sbarrier.arrive $0xFFFF  }
0x16a: {  	_ =	shalt  }

// kernel: kernel.19.cloned.1.call-start
scs
__scs_entry_jumppad:
0x0: {  	(pc) =	sbr.rel $0x88, $3  }
0x1: {  	(tag) =	ssettag $0x0;
	lr =	simm.s32 $0x1  }
0x2: {  	[smem:$0x3F9B] =	sst lr;
	_ =	strace $0xD0000000  }
0x3: {  	_ = 	snop  }
0x4: {  	_ = 	snop  }
0x5: {  	_ = 	snop  }
0x6: {  	_ = 	snop  }
0x7: {  	_ = 	snop  }
__scs_overlays_trampoline_lowered:
0x8: {  	[smem:$0x3FAA] =	sst s0  }
0x9: {  	[smem:$0x3FAB] =	sst s1  }
0xa: {  	[smem:$0x3FAC] =	sst s2  }
0xb: {  	[smem:$0x3FAD] =	sst s3  }
0xc: {  	[smem:$0x3FAE] =	sst s4  }
0xd: {  	[smem:$0x3FAF] =	sst s5  }
0xe: {  	[smem:$0x3FB0] =	sst s6  }
0xf: {  	[smem:$0x3FB1] =	sst s7  }
0x10: {  	[smem:$0x3FB2] =	sst s8  }
0x11: {  	[smem:$0x3FB3] =	sst s9;
	s0 =	simm.s32 @!p0 $0x0  }
0x12: {  	s1 =	sld [smem:$0x3F99];
	s0 =	simm.s32 @p0 $0x1  }
0x13: {  	[smem:$0x3FB4] =	sst s0;
	s0 =	simm.s32 @!p1 $0x0  }
0x14: {  	s2 =	sld [smem:$0x3F98];
	s0 =	simm.s32 @p1 $0x1  }
0x15: {  	[smem:$0x3FB5] =	sst s0;
	s0 =	simm.s32 @!p2 $0x0  }
0x16: {  	s3 =	sld [smem:$0x3FDB];
	s0 =	simm.s32 @p2 $0x1  }
0x17: {  	s4 =	simm.s32 $0x1BF5;
	[smem:$0x3FB7] =	sst s0  }
0x18: {  	s0 =	sld [smem:$0x3F9A];
	_ =	swait.ge [sflag:s4], $0x0  }
0x19: {  	s7 =	sld [smem:$0x3F9B]  }
0x1a: {  	s8 =	sadd.s32 $0xFFFFE003, lr  }
0x1b: {  	s9 =	sadd.s32 $0xFFFFFEF7, lr;
	s5 =	simm.s32 $0xFFFFFFFF;
	p2 =	slt.u32 s8, $0xFFFFF086  }
0x1c: {  	p1 =	slt.u32 s9, $0xF7A;
	s5 =	simm.s32 @!p2 $0x0  }
0x1d: {  	s5 =	simm.s32 @p1 $0x1;
	p0 =	seq.s32 s7, s2  }
0x1e: {  	s7 =	smul.u32 @!p0 $0xF7A, s2;
	p2 =	seq.s32 @!p0 s5, $0x0  }
0x1f: {  	s9 =	smul.u32 $0xF7A, s1;
	s8 =	simm.s32 @!p0 $0x1BF5;
	p2 =	por !p2, p0  }
0x20: {  	[sflag:s8] =	ssyncset.s32 @!p0 $0xFFFFF086;
	s6 =	sadd.s32 @!p0 s3, s7;
	s7 =	simm.s32 @!p0 $0x108  }
0x21: {  	s3 =	sadd.s32 s3, s9;
	s6 =	sadd.s32 @!p0 $0x88, s6;
	s7 =	simm.s32 @p2 $0x1082  }
0x22: {  	[simem:s7], [sflag:s8] =	dma.local @!p0 [hbm:s6], $0xF7A  }
0x23: {  	s9 =	sor.u32 $0xD0000000, s2;
	s6 =	simm.s32 $0x108;
	_ =	swait.ge @!p0 [sflag:s8], $0x0  }
0x24: {  	s3 =	sadd.s32 $0x88, s3;
	s6 =	simm.s32 @!p1 $0x1082;
	[sflag:s4] =	ssyncset.s32 $0xFFFFF086  }
0x25: {  	[simem:s6], [sflag:s4] =	dma.local [hbm:s3], $0xF7A  }
0x26: {  	[smem:$0x3F9B] =	sst s1;
	(tag) =	ssettag s2;
	_ =	strace s9  }
0x27: {  	s1 =	sld [smem:$0x3FAB]  }
0x28: {  	s2 =	sld [smem:$0x3FAC]  }
0x29: {  	s4 =	sld [smem:$0x3FAE]  }
0x2a: {  	p0 =	seq.s32 s5, $0x0;
	s5 =	sld [smem:$0x3FAF]  }
0x2b: {  	s6 =	sld [smem:$0x3FB0]  }
0x2c: {  	s7 =	sld [smem:$0x3FB1]  }
0x2d: {  	s3 =	simm.s32 $0x108;
	s8 =	sld [smem:$0x3FB2]  }
0x2e: {  	s3 =	simm.s32 @!p0 $0x1082;
	s9 =	sld [smem:$0x3FB3]  }
0x2f: {  	lr =	sadd.s32 s0, s3;
	s0 =	sld [smem:$0x3FAA]  }
0x30: {  	s3 =	sld [smem:$0x3FAD]  }
0x31: {  	[smem:$0x3FB6] =	sst s10  }
0x32: {  	s10 =	sld [smem:$0x3FB4];
	_ =	sdelay $0x3  }
0x33: {  	p0 =	seq.s32 s10, $0x1;
	s10 =	sld [smem:$0x3FB6];
	_ =	sdelay $0x3  }
0x34: {  	[smem:$0x3FB6] =	sst s10  }
0x35: {  	s10 =	sld [smem:$0x3FB5];
	_ =	sdelay $0x3  }
0x36: {  	p1 =	seq.s32 s10, $0x1;
	s10 =	sld [smem:$0x3FB6];
	_ =	sdelay $0x3  }
0x37: {  	[smem:$0x3FB6] =	sst s10  }
0x38: {  	s10 =	sld [smem:$0x3FB7]  }
0x39: {  	_ = 	snop;
	(pc) =	sbr.ind lr, $3  }
0x3a: {  	_ = 	snop  }
0x3b: {  	_ = 	snop  }
0x3c: {  	p2 =	seq.s32 s10, $0x1;
	s10 =	sld [smem:$0x3FB6]  }
0x3d: {  	_ =	shalt  }
0x3e: {  	_ =	shalt  }
0x3f: {  	_ =	shalt  }
0x40: {  	_ =	shalt  }
0x41: {  	_ =	shalt  }
0x42: {  	_ =	shalt  }
0x43: {  	_ =	shalt  }
0x44: {  	_ =	shalt  }
0x45: {  	_ =	shalt  }
0x46: {  	_ =	shalt  }
0x47: {  	_ =	shalt  }
0x48: {  	_ =	shalt  }
0x49: {  	_ =	shalt  }
0x4a: {  	_ =	shalt  }
0x4b: {  	_ =	shalt  }
0x4c: {  	_ =	shalt  }
0x4d: {  	_ =	shalt  }
0x4e: {  	_ =	shalt  }
0x4f: {  	_ =	shalt  }
0x50: {  	_ =	shalt  }
0x51: {  	_ =	shalt  }
0x52: {  	_ =	shalt  }
0x53: {  	_ =	shalt  }
0x54: {  	_ =	shalt  }
0x55: {  	_ =	shalt  }
0x56: {  	_ =	shalt  }
0x57: {  	_ =	shalt  }
0x58: {  	_ =	shalt  }
0x59: {  	_ =	shalt  }
0x5a: {  	_ =	shalt  }
0x5b: {  	_ =	shalt  }
0x5c: {  	_ =	shalt  }
0x5d: {  	_ =	shalt  }
0x5e: {  	_ =	shalt  }
0x5f: {  	_ =	shalt  }
0x60: {  	_ =	shalt  }
0x61: {  	_ =	shalt  }
0x62: {  	_ =	shalt  }
0x63: {  	_ =	shalt  }
0x64: {  	_ =	shalt  }
0x65: {  	_ =	shalt  }
0x66: {  	_ =	shalt  }
0x67: {  	_ =	shalt  }
0x68: {  	_ =	shalt  }
0x69: {  	_ =	shalt  }
0x6a: {  	_ =	shalt  }
0x6b: {  	_ =	shalt  }
0x6c: {  	_ =	shalt  }
0x6d: {  	_ =	shalt  }
0x6e: {  	_ =	shalt  }
0x6f: {  	_ =	shalt  }
0x70: {  	_ =	shalt  }
0x71: {  	_ =	shalt  }
0x72: {  	_ =	shalt  }
0x73: {  	_ =	shalt  }
0x74: {  	_ =	shalt  }
0x75: {  	_ =	shalt  }
0x76: {  	_ =	shalt  }
0x77: {  	_ =	shalt  }
0x78: {  	_ =	shalt  }
0x79: {  	_ =	shalt  }
0x7a: {  	_ =	shalt  }
0x7b: {  	_ =	shalt  }
0x7c: {  	_ =	shalt  }
0x7d: {  	_ =	shalt  }
0x7e: {  	_ =	shalt  }
0x7f: {  	_ =	shalt  }
0x80: {  	_ =	shalt  }
0x81: {  	_ =	shalt  }
0x82: {  	_ =	shalt  }
0x83: {  	_ =	shalt  }
0x84: {  	_ =	shalt  }
0x85: {  	_ =	shalt  }
0x86: {  	_ =	shalt  }
0x87: {  	_ =	shalt  }
.Lfunc_end0:
.L_simem_size_0:
called_computation.3_lowered:
.L_overlay_start_0:
0x88: {  	s2 =	sld [smem:$0x3FD9]  }
0x89: {  	s3 =	sld [smem:$0x3FFE];
	_ =	sdelay $0x1  }
0x8a: {  	s1 =	srdreg.scid  }
0x8b: {  	s0 =	sand.u32 $0x1, s1  }
0x8c: {  	s17 =	sshll.u32 s0, $0xA;
	s2 =	sadd.s32 s3, s2  }
0x8d: {  	s2 =	sadd.s32 s2, s17  }
0x8e: {  	[smem:$0x3FC2] =	sst s2  }
0x8f: {  	_ = 	snop  }
0x90: {  	s18 =	sld [smem:$0x3FD0];
	(tm) =	ssettm $0x1  }
0x91: {  	s19 =	sld [smem:$0x3FFB];
	_ =	sdelay $0x3  }
0x92: {  	_ =	strace s19  }
0x93: {  	s2 =	sld [smem:$0x3FFC];
	_ =	sdelay $0x3  }
0x94: {  	_ =	strace s2  }
0x95: {  	s2 =	sld [smem:$0x3FFD];
	_ =	sdelay $0x3  }
0x96: {  	_ =	strace s2  }
0x97: {  	_ =	strace $0x8FFFFFFF  }
0x98: {  	s20 =	sld [smem:$0x3FDB];
	_ =	sdelay $0x1  }
0x99: {  	s4 =	simm.s32 $_scs_section_size  }
0x9a: {  	s5 =	simm.s32 $_size__tile_overlayer_lowered;
	s6 =	simm.s32 $_tile_overlayer_lowered  }
0x9b: {  	s7 =	simm.s32 $0x1BFF;
	s21 =	sshll.u32 s6, $0x1;
	s4 =	sadd.s32 s4, s20  }
0x9c: {  	s22 =	simm.s32 $0x0;
	s5 =	sshll.u32 s5, $0x1;
	s6 =	sadd.s32 s21, s4  }
0x9d: {  	[timem:s22], [sflag:s7] =	dma.local [hbm:s6], s5  }
0x9e: {  	_ =	swait.ge [sflag:s7], s5  }
0x9f: {  	s5 =	ssub.s32 $0x0, s5;
	[sflag:s7] =	ssyncset.done $0x0  }
0xa0: {  	[sflag:s7] =	ssyncadd.s32 s5;
	_ =	sdelay $0x1  }
0xa1: {  	s23 =	simm.s32 $0x1B8B  }
0xa2: {  	_ =	swait.ge [sflag:s23], $0x1  }
0xa3: {  	[sflag:s23] =	ssyncset.done $0x0  }
0xa4: {  	[sflag:s23] =	ssyncadd.s32 $0xFFFFFFFF  }
0xa5: {  	s5 =	sld [smem:$0x0]  }
0xa6: {  	s6 =	sand.u32 $0xFFFFFFFE, s1  }
0xa7: {  	p0 =	sne.s32 s1, s6  }
0xa8: {  	s6 =	sshll.u32 @p0 s6, $0xE  }
0xa9: {  	s6 =	sadd.s32 @p0 $0x11B8D, s6;
	s7 =	sshll.u32 @p0 s5, $0x11  }
0xaa: {  	s6 =	sor.u32 @p0 s7, s6  }
0xab: {  	[sflag:s6] =	ssyncadd.remote.s32 @p0 $0x1;
	_ =	sdelay $0x1  }
0xac: {  	s6 =	simm.s32 @p0 $0x1B8D  }
0xad: {  	_ =	swait.eq @p0 [sflag:s6], $0x1  }
0xae: {  	[sflag:s6] =	ssyncadd.s32 @p0 $0xFFFFFFFF  }
0xaf: {  	s7 =	sshll.u32 @!p0 s1, $0xE  }
0xb0: {  	s7 =	sor.u32 @!p0 $0x4000, s7;
	s6 =	simm.s32 @!p0 $0x1B8D  }
0xb1: {  	s5 =	sshll.u32 @!p0 s5, $0x11;
	s7 =	sadd.s32 @!p0 $0x11B8D, s7;
	_ =	swait.eq @!p0 [sflag:s6], $0x1  }
0xb2: {  	s5 =	sor.u32 @!p0 s5, s7;
	[sflag:s6] =	ssyncadd.s32 @!p0 $0xFFFFFFFF  }
0xb3: {  	s25 =	simm.s32 $0x1B8E;
	s24 =	sld [smem:$0x3FFE];
	[sflag:s5] =	ssyncadd.remote.s32 @!p0 $0x1  }
0xb4: {  	s26 =	simm.s32 $execute0_lowered;
	[smem:$0x3FD2] =	sst s25  }
0xb5: {  	s6 =	sshll.u32 s26, $0x1;
	_ =	strace $0x8000004C;
	[dreg:$0x1] =	wrdreg $0xFFFFFFFF  }
0xb6: {  	s28 =	simm.s32 $_size_execute0_lowered;
	s4 =	sadd.s32 s4, s6;
	[dreg:$0x0] =	wrdreg $0x0  }
0xb7: {  	s6 =	sshll.u32 s28, $0x1;
	[dreg:$0x2] =	wrdreg s4  }
0xb8: {  	[dreg:$0x3] =	wrdreg s6  }
0xb9: {  	[dreg:$0x4] =	wrdreg $0xC0  }
0xba: {  	_ =	task [dreg:s22], $0x5FFFF  }
0xbb: {  	[dreg:$0x1] =	wrdreg $0xFFFFFFFF  }
0xbc: {  	[dreg:$0x0] =	wrdreg $0x60  }
0xbd: {  	[dreg:$0x2] =	wrdreg s24  }
0xbe: {  	[dreg:$0x3] =	wrdreg s18  }
0xbf: {  	[dreg:$0x4] =	wrdreg $0x94000  }
0xc0: {  	[dreg:$0x5] =	wrdreg $0xA  }
0xc1: {  	_ =	task.clear_ibuf [dreg:s22], $0x6FFFF;
	_ =	strace $0x9000004C  }
0xc2: {  	s29 =	simm.s32 $0xA;
	_ =	strace $0x8000004E  }
0xc3: {  	_ =	swait.ge [sflag:s29], $0x1  }
0xc4: {  	[sflag:s29] =	ssyncadd.s32 $0xFFFFFFFF  }
0xc5: {  	_ =	strace $0x9000004E  }
0xc6: {  	_ =	sfence  }
0xc7: {  	s30 =	sld [smem:$0x0];
	_ =	sdelay $0x2  }
0xc8: {  	s31 =	sshll.u32 s1, $0xD;
	s1 =	sshrl.u32 s1, $0x2  }
0xc9: {  	s4 =	sand.u32 $0x4000, s31;
	s1 =	sadd.s32 s1, s30  }
0xca: {  	s0 =	sor.u32 s4, s0;
	s1 =	sshll.u32 s1, $0x11  }
0xcb: {  	s0 =	sor.u32 s1, s0  }
0xcc: {  	s0 =	sadd.s32 $0x8F2B, s0  }
0xcd: {  	[sflag:s0] =	ssyncadd.remote.s32 $0x1  }
0xce: {  	_ =	sfence.sel $0xFFFF  }
0xcf: {  	[dreg:$0x0] =	wrdreg $0xFFFFFFFF;
	(pc) =	sbr.abs _section_cstart, $3  }
0xd0: {  	[dreg:$0x1] =	wrdreg $0xFFFFFFFF  }
0xd1: {  	_ =	task.clear_ibuf [dreg:s22], $0x2FFFF;
	_ =	strace $0x9FFFFFFF  }
0xd2: {  	(tm) =	ssettm $0x7FFFFFFF  }
0xd3: {  	_ =	shalt  }
tec
execute0_lowered:
.L_overlay_start_1:
0x0: {  	(tag) =	ssettag $0x1  }
0x1: {  	s6 =	rddreg [dreg:$0x0];
	s1 =	srdreg.scid  }
0x2: {  	s0 =	stileid.u32;
	s7 =	rddreg [dreg:$0x1]  }
0x3: {  	s2 =	rddreg [dreg:$0x2];
	s3 =	simm.s32 $0x0;
	s16 =	simm.s32 $0x1  }
0x4: {  	s17 =	simm.s32 $0x80;
	s18 =	simm.s32 $0x2;
	s9 =	smul.u32 $0x14000, s0  }
0x5: {  	s8 =	sand.u32 $0x1, s1;
	s1 =	rddreg [dreg:$0x3];
	s10 =	smul.u32 $0x5000, s0  }
0x6: {  	s19 =	simm.s32 $0x0;
	[smem:$0x7FF] =	sst s3;
	s13 =	smul.u32 $0x50000, s0  }
0x7: {  	s5 =	sadd.s32 $0x5000, s6;
	s31 =	sshll.u32 s0, $0x6;
	s4 =	smul.u32 $0x140000, s8  }
0x8: {  	_ =	strace $0x8000004D;
	s12 =	smul.u32 $0x1400, s8;
	s26 =	ssub.s32 $0x2, s8  }
0x9: {  	s8 =	smul.u32 $0xA00000, s8;
	s28 =	sshrl.u32 s26, $0x1;
	s30 =	sshrl.u32 s13, $0x2  }
0xa: {  	s13 =	sor.u32 $0x1C03, s31;
	s4 =	sadd.s32 s9, s4;
	s10 =	sadd.s32 s10, s12  }
0xb: {  	s12 =	ssub.s32 s26, s28;
	s14 =	sor.u32 s9, s8;
	s15 =	sadd.s32 s30, s2  }
0xc: {  	s11 =	sshrl.u32 s4, $0x3;
	s4 =	sadd.s32 $0xF5000, s6;
	s10 =	sshrl.u32 s10, $0x3  }
0xd: {  	s8 =	sshrl.u32 s14, $0x3;
	s9 =	smax.u32 s12, $0x1;
	s12 =	simm.s32 $0x3  }
0xe: {  	s11 =	sadd.s32 s11, s6;
	s29 =	sadd.s32 s7, s10;
	s7 =	sadd.s32 s4, s8  }
0xf: {  	s10 =	sadd.s32 $0x4000, s14;
	s6 =	sadd.s32 $0x500, s29;
	s8 =	sadd.s32 $0x375000, s11  }
0x10: {  	s11 =	sadd.s32 $0x8000, s14;
	s14 =	sshrl.u32 s15, $0x3;
	s15 =	simm.s32 $0x4000  }
.LBB2_1:
0x11: {  	s21 =	simm.s32 $0x8000  }
0x12: {  	[tilespmem:s21], [sflag:$0x3] =	stream.linear.gather [hbm4b:s6+s3], $0x1400, $0x38;
	[tilespmem:$0x1D400] =	vst v63  }
0x13: {  	s20 =	smulhi.u32 $0xCCCCCCCD, s16;
	_ =	swait.ge [sflag:s12], $0x1400  }
0x14: {  	[sflag:s12] =	ssyncset.done $0x0  }
0x15: {  	s20 =	sshrl.u32 s20, $0x2;
	[sflag:s12] =	ssyncadd.s32 $0xFFFFEC00  }
0x16: {  	[spmem:s14], [sflag:s13] =	dma.local [hbm:s5], $0x2800  }
0x17: {  	s20 =	smul.u32 $0x12C000, s20;
	_ =	swait.ge [sflag:s12], $0x2800  }
0x18: {  	[sflag:s12] =	ssyncset.done $0x0  }
0x19: {  	s20 =	sadd.s32 s20, s10;
	[sflag:s12] =	ssyncadd.s32 $0xFFFFD800  }
0x1a: {  	s20 =	sshrl.u32 s20, $0x3;
	[bflag:$0x0] =	sbarrier.arrive $0xFFFF  }
0x1b: {  	[tilespmem:s3], [sflag:$0x1] =	stream.linear.gather [hbm4b:s7+s3], $0x4000, $0x38;
	[tilespmem:$0x1D400] =	vst v63  }
0x1c: {  	s22 =	smulhi.u32 $0xCCCCCCCD, s18;
	s20 =	sadd.s32 s4, s20  }
0x1d: {  	[tilespmem:s15], [sflag:$0x2] =	stream.linear.gather [hbm4b:s20+s3], $0x4000, $0x38;
	[tilespmem:$0x1D400] =	vst v63  }
0x1e: {  	_ =	swait.ge [sflag:s16], $0x4000  }
0x1f: {  	s29 =	sshrl.u32 s22, $0x2;
	[sflag:s16] =	ssyncset.done $0x0  }
0x20: {  	p0 =	por $0x0, $0x0;
	s22 =	smul.u32 $0x12C000, s29;
	[sflag:s16] =	ssyncadd.s32 $0xFFFFC000  }
0x21: {  	[spmem:s2] =	stream.indirect.scatter.add.f32 [tilespmem:s3], [sflag:$0x3], $0x80, s21, s17, $0xb8;
	[tilespmem:$0x1D400] =	vst v63  }
0x22: {  	s20 =	simm.s32 $0x3;
	s21 =	sadd.s32 s22, s11;
	_ =	swait.ge [sflag:s12], $0x4000  }
0x23: {  	s23 =	smulhi.u32 $0xCCCCCCCD, s20;
	s21 =	sshrl.u32 @!p0 s21, $0x3;
	[sflag:s12] =	ssyncset.done $0x0  }
0x24: {  	s22 =	simm.s32 @!p0 $0x0;
	s21 =	sadd.s32 @!p0 s4, s21;
	[sflag:s12] =	ssyncadd.s32 $0xFFFFC000  }
0x25: {  	[tilespmem:s22], [sflag:$0x1] =	stream.linear.gather @!p0 [hbm4b:s21+s22], $0x4000, $0x38;
	[tilespmem:$0x1D400] =	vst v63  }
0x26: {  	s24 =	simm.s32 $0x6;
	s25 =	sadd.s32 $0x8000, s10;
	_ =	swait.ge [sflag:s18], $0x4000  }
0x27: {  	s31 =	simm.s32 $0x8080;
	s30 =	sshrl.u32 s23, $0x2;
	[sflag:s18] =	ssyncset.done $0x0  }
0x28: {  	s23 =	sadd.s32 $0x8000, s11;
	s21 =	smul.u32 $0x12C000, s30;
	[sflag:s18] =	ssyncadd.s32 $0xFFFFC000  }
0x29: {  	[spmem:s2] =	stream.indirect.scatter.add.f32 [tilespmem:s15], [sflag:$0x3], $0x80, s31, s17, $0xb8;
	[tilespmem:$0x1D400] =	vst v63  }
0x2a: {  	s22 =	simm.s32 $0x4;
	s21 =	sadd.s32 s21, s25;
	_ =	swait.ge [sflag:s12], $0x4000  }
0x2b: {  	s26 =	sshrl.u32 s21, $0x3;
	s21 =	simm.s32 $0x8100;
	[sflag:s12] =	ssyncset.done $0x0  }
.LBB2_2:
0x2c: {  	s28 =	smulhi.u32 $0xCCCCCCCD, s22  }
0x2d: {  	s26 =	sadd.s32 s4, s26;
	[sflag:s12] =	ssyncadd.s32 $0xFFFFC000;
	s29 =	smov.u32 s24  }
0x2e: {  	[tilespmem:s15], [sflag:$0x2] =	stream.linear.gather [hbm4b:s26+s3], $0x4000, $0x38;
	[tilespmem:$0x1D400] =	vst v63  }
0x2f: {  	s24 =	sadd.s32 $0x2, s24;
	s26 =	sshrl.u32 s28, $0x2;
	_ =	swait.ge [sflag:s16], $0x4000  }
0x30: {  	p0 =	sne.s32 s24, $0x2A;
	s26 =	smul.u32 $0x12C000, s26;
	[sflag:s16] =	ssyncset.done $0x0  }
0x31: {  	s20 =	sadd.s32 $0x2, s20;
	[sflag:s16] =	ssyncadd.s32 $0xFFFFC000  }
0x32: {  	[spmem:s2] =	stream.indirect.scatter.add.f32 [tilespmem:s3], [sflag:$0x3], $0x80, s21, s17, $0xb8;
	[tilespmem:$0x1D400] =	vst v63  }
0x33: {  	p1 =	seq.s32 s22, $0x28;
	s26 =	sadd.s32 s26, s23;
	_ =	swait.ge [sflag:s12], $0x4000  }
0x34: {  	s22 =	sshrl.u32 @!p1 s26, $0x3;
	s26 =	simm.s32 @!p1 $0x0;
	[sflag:s12] =	ssyncset.done $0x0  }
0x35: {  	s28 =	smulhi.u32 $0xCCCCCCCD, s20;
	s22 =	sadd.s32 @!p1 s4, s22;
	[sflag:s12] =	ssyncadd.s32 $0xFFFFC000  }
0x36: {  	[tilespmem:s26], [sflag:$0x1] =	stream.linear.gather @!p1 [hbm4b:s22+s26], $0x4000, $0x38;
	[tilespmem:$0x1D400] =	vst v63  }
0x37: {  	s25 =	sadd.s32 $0x8000, s25;
	s22 =	smov.u32 s29;
	_ =	swait.ge [sflag:s18], $0x4000  }
.Ltmp0:
0x38: {  	s26 =	sshrl.u32 s28, $0x2;
	[sflag:s18] =	ssyncset.done $0x0;
	(pc) =	sbr.rel @p0 .LBB2_2-.Ltmp0, $4  }
0x39: {  	s28 =	sadd.s32 $0x80, s21;
	s26 =	smul.u32 $0x12C000, s26;
	[sflag:s18] =	ssyncadd.s32 $0xFFFFC000  }
0x3a: {  	[spmem:s2] =	stream.indirect.scatter.add.f32 [tilespmem:s15], [sflag:$0x3], $0x80, s28, s17, $0xb8;
	[tilespmem:$0x1D400] =	vst v63  }
0x3b: {  	s23 =	sadd.s32 $0x8000, s23;
	s26 =	sadd.s32 s26, s25;
	_ =	swait.ge [sflag:s12], $0x4000  }
0x3c: {  	s21 =	sadd.s32 $0x100, s21;
	s26 =	sshrl.u32 s26, $0x3;
	[sflag:s12] =	ssyncset.done $0x0  }
0x3d: {  	s20 =	smulhi.u32 $0xCCCCCCCD, s22;
	s24 =	sadd.s32 s4, s26;
	[sflag:s12] =	ssyncadd.s32 $0xFFFFC000  }
0x3e: {  	[tilespmem:s15], [sflag:$0x2] =	stream.linear.gather [hbm4b:s24+s3], $0x4000, $0x38;
	[tilespmem:$0x1D400] =	vst v63  }
0x3f: {  	_ =	swait.ge [sflag:s16], $0x4000  }
0x40: {  	s20 =	sshrl.u32 s20, $0x2;
	[sflag:s16] =	ssyncset.done $0x0  }
0x41: {  	s20 =	smul.u32 $0x12C000, s20;
	[sflag:s16] =	ssyncadd.s32 $0xFFFFC000  }
0x42: {  	[spmem:s2] =	stream.indirect.scatter.add.f32 [tilespmem:s3], [sflag:$0x3], $0x80, s21, s17, $0xb8;
	[tilespmem:$0x1D400] =	vst v63  }
0x43: {  	p0 =	seq.s32 s22, $0x28;
	s20 =	sadd.s32 s20, s23;
	_ =	swait.ge [sflag:s12], $0x4000  }
0x44: {  	s20 =	sshrl.u32 @!p0 s20, $0x3;
	[sflag:s12] =	ssyncset.done $0x0  }
0x45: {  	s22 =	simm.s32 @!p0 $0x0;
	s20 =	sadd.s32 @!p0 s4, s20;
	[sflag:s12] =	ssyncadd.s32 $0xFFFFC000  }
0x46: {  	[tilespmem:s22], [sflag:$0x1] =	stream.linear.gather @!p0 [hbm4b:s20+s22], $0x4000, $0x38;
	[tilespmem:$0x1D400] =	vst v63  }
0x47: {  	_ =	swait.ge [sflag:s18], $0x4000  }
0x48: {  	[sflag:s18] =	ssyncset.done $0x0  }
0x49: {  	s31 =	sadd.s32 $0x80, s21;
	[sflag:s18] =	ssyncadd.s32 $0xFFFFC000  }
0x4a: {  	[spmem:s2] =	stream.indirect.scatter.add.f32 [tilespmem:s15], [sflag:$0x3], $0x80, s31, s17, $0xb8;
	[tilespmem:$0x1D400] =	vst v63  }
0x4b: {  	_ =	swait.ge [sflag:s12], $0x4000  }
0x4c: {  	s19 =	sadd.s32 $0x1, s19;
	[sflag:s12] =	ssyncset.done $0x0  }
0x4d: {  	p0 =	sne.s32 s19, s9;
	[sflag:s12] =	ssyncadd.s32 $0xFFFFC000  }
.Ltmp1:
0x4e: {  	[bflag:$0x0] =	sbarrier.arrive $0xFFFF;
	(pc) =	sbr.rel @p0 .LBB2_1-.Ltmp1, $4  }
0x4f: {  	[hbm:s8], [sflag:s13] =	dma.local [spmem:s14], $0x2800  }
0x50: {  	_ =	swait.ge [sflag:s12], $0x2800  }
0x51: {  	[sflag:s12] =	ssyncset.done $0x0  }
0x52: {  	[sflag:s12] =	ssyncadd.s32 $0xFFFFD800  }
0x53: {  	_ =	sfence.sel $0x180000  }
0x54: {  	[bflag:$0x0] =	sbarrier.arrive $0xFFFF  }
0x55: {  	p0 =	sne.s32 s0, $0x0;
	_ =	strace $0x9000004D  }
0x56: {  	s0 =	sadd.s32 @!p0 $0x100000, s1;
	[bflag:$0x2] =	sbarrier.arrive $0xFFFF  }
0x57: {  	[sflag:s0] =	ssyncadd.tile.s32 @!p0 $0x1;
	_ =	shalt  }
.Lfunc_end2:
_tile_overlayer_lowered:
.L_overlay_start_2:
0x58: {  	(tag) =	ssettag $0x2  }
0x59: {  	s0 =	rddreg [dreg:$0x0];
	s2 =	stileid.u32  }
0x5a: {  	s1 =	rddreg [dreg:$0x1];
	p0 =	sne.s32 s2, $0x0  }
0x5b: {  	s3 =	rddreg [dreg:$0x2];
	[bflag:$0x3] =	sbarrier.arrive $0xFFFF;
	s2 =	simm.s32 @!p0 $0x1C03  }
0x5c: {  	[timem:s3], [sflag:s2] =	dma.local @!p0 [hbm:s0], s1  }
0x5d: {  	s0 =	simm.s32 @!p0 $0x3  }
0x5e: {  	_ =	swait.ge @!p0 [sflag:s0], s1  }
0x5f: {  	s1 =	ssub.s32 @!p0 $0x0, s1;
	[sflag:s0] =	ssyncset.done @!p0 $0x0  }
0x60: {  	[sflag:s0] =	ssyncadd.s32 @!p0 s1  }
0x61: {  	[bflag:$0x3] =	sbarrier.arrive $0xFFFF  }
0x62: {  	_ =	shalt  }

</sc_bundles>
